<compile_context>
chip_gen: v7x
topology: tpu7x:2x2x1
jax: 0.10.2.dev20260603
libtpu: 0.0.44.dev20260713+nightly
codegen_flags: <defaults>
</compile_context>

<pallas_src>
import jax
import jax.numpy as jnp
from jax import lax
from jax.experimental import pallas as pl
from jax.experimental.pallas import tpu as pltpu
from jax.experimental.pallas import tpu_sc as plsc

B, S, D = 4, 4096, 1024
NC, NS = 2, 16
NW = NC * NS
SW = S // NW
R = 16
NSC = SW // R
STEPS = NSC * B
NBUF = 6
PF = 3


def _sc_body(x_hbm, pos_hbm, out_hbm,
             bx0, bx1, bx2, bx3, bx4, bx5, bp0, bp1,
             si0, si1, si2, si3, si4, si5,
             so0, so1, so2, so3, so4, so5, sp0, sp1):
    bx = (bx0, bx1, bx2, bx3, bx4, bx5)
    bp = (bp0, bp1)
    si = (si0, si1, si2, si3, si4, si5)
    so = (so0, so1, so2, so3, so4, so5)
    sp = (sp0, sp1)
    wid = lax.axis_index("s") * NC + lax.axis_index("c")
    s0 = wid * SW

    steps = [(sc_i, b) for sc_i in range(NSC) for b in range(B)]

    def x_rows(k):
        sc_i, b = steps[k]
        return pl.ds(b * S + s0 + sc_i * R, R)

    def pos_rows(sc_i):
        return pl.ds(s0 + sc_i * R, R)

    pltpu.async_copy(pos_hbm.at[pos_rows(0)], bp[0], sp[0])
    pltpu.async_copy(pos_hbm.at[pos_rows(1)], bp[1], sp[1])
    for k in range(PF):
        pltpu.async_copy(x_hbm.at[x_rows(k)], bx[k % NBUF], si[k % NBUF])

    for k in range(STEPS):
        sc_i, b = steps[k]
        pltpu.make_async_copy(
            x_hbm.at[x_rows(k)], bx[k % NBUF], si[k % NBUF]).wait()
        if b == 0:
            pltpu.make_async_copy(
                pos_hbm.at[pos_rows(sc_i)], bp[sc_i % 2], sp[sc_i % 2]).wait()

        xb = bx[k % NBUF]
        pb = bp[sc_i % 2]

        @plsc.parallel_loop(0, R * D, step=16, unroll=8)
        def _add(i):
            r = i >> 10
            c = pl.multiple_of(i & (D - 1), 16)
            plsc.addupdate(xb.at[r, pl.ds(c, 16)], pb[r, pl.ds(c, 16)])

        pltpu.async_copy(xb, out_hbm.at[x_rows(k)], so[k % NBUF])

        nk = k + PF
        if nk < STEPS:
            ko = nk - NBUF
            if ko >= 0:
                pltpu.make_async_copy(
                    bx[ko % NBUF], out_hbm.at[x_rows(ko)],
                    so[ko % NBUF]).wait()
            pltpu.async_copy(x_hbm.at[x_rows(nk)], bx[nk % NBUF], si[nk % NBUF])
            nsc, nb = steps[nk]
            if nb == 0 and nsc >= 2:
                pltpu.async_copy(
                    pos_hbm.at[pos_rows(nsc)], bp[nsc % 2], sp[nsc % 2])

    for k in range(STEPS - NBUF, STEPS):
        pltpu.make_async_copy(
            bx[k % NBUF], out_hbm.at[x_rows(k)], so[k % NBUF]).wait()


@jax.jit
def _sc_call(x2, pos_table):
    mesh = plsc.VectorSubcoreMesh(core_axis_name="c", subcore_axis_name="s")
    return pl.kernel(
        _sc_body,
        out_type=jax.ShapeDtypeStruct((B * S, D), jnp.float32),
        mesh=mesh,
        scratch_types=(
            [pltpu.VMEM((R, D), jnp.float32)] * (NBUF + 2)
            + [pltpu.SemaphoreType.DMA] * (2 * NBUF + 2)
        ),
        compiler_params=pltpu.CompilerParams(use_tc_tiling_on_sc=True),
    )(x2, pos_table)


def kernel(x, pos_table):
    out = _sc_call(x.reshape(B * S, D), pos_table)
    return out.reshape(B, S, D)

# --- scband reference (transcript-rebuilt; emitter-appended) ---
"""Pipeline reference for scband-learned-positional-encoding-72808285602013 (READ-ONLY COPY).

The authoritative reference and input builder live on the scoring server;
editing this copy changes nothing except your own understanding.
"""

import jax, jax.numpy as jnp
import numpy as np

B, S, D, MAX_LEN = 4, 4096, 1024, 8192

def setup_inputs(seed: int = 0) -> dict:
    key = jax.random.key(seed)
    k1, k2 = jax.random.split(key)
    x = jax.random.normal(k1, (B, S, D), dtype=jnp.float32)
    pos_table = jax.random.normal(k2, (MAX_LEN, D), dtype=jnp.float32) * 0.02
    return {"x": x, "pos_table": pos_table}

def reference(x, pos_table):
    # position_indices = arange(S) expanded to (B, S); embedding lookup; add; dropout(p=0.0) is identity
    seq_len = x.shape[1]
    position_indices = jnp.broadcast_to(jnp.arange(seq_len, dtype=jnp.int32)[None, :], (x.shape[0], seq_len))
    position_embeddings = jnp.take(pos_table, position_indices, axis=0)  # (B, S, D)
    return x + position_embeddings

if __name__ == "__main__":
    import jax
    _d = setup_inputs()
    print(jax.jit(kernel)(*tuple(_d.values())))

</pallas_src>

<mosaic_0001>
#map = affine_map<(d0, d1) -> (0, 0)>
module attributes {stable_mosaic.version = 14 : i64} {
  func.func @_sc_body(%arg0: i32, %arg1: i32, %arg2: memref<16384x1024xf32, #tpu.memory_space<hbm>>, %arg3: memref<8192x1024xf32, #tpu.memory_space<hbm>>, %arg4: memref<16384x1024xf32, #tpu.memory_space<hbm>>, %arg5: memref<16x1024xf32, #tpu.memory_space<vmem>>, %arg6: memref<16x1024xf32, #tpu.memory_space<vmem>>, %arg7: memref<16x1024xf32, #tpu.memory_space<vmem>>, %arg8: memref<16x1024xf32, #tpu.memory_space<vmem>>, %arg9: memref<16x1024xf32, #tpu.memory_space<vmem>>, %arg10: memref<16x1024xf32, #tpu.memory_space<vmem>>, %arg11: memref<16x1024xf32, #tpu.memory_space<vmem>>, %arg12: memref<16x1024xf32, #tpu.memory_space<vmem>>, %arg13: memref<!tpu.dma_semaphore, #tpu.memory_space<semaphore_mem>>, %arg14: memref<!tpu.dma_semaphore, #tpu.memory_space<semaphore_mem>>, %arg15: memref<!tpu.dma_semaphore, #tpu.memory_space<semaphore_mem>>, %arg16: memref<!tpu.dma_semaphore, #tpu.memory_space<semaphore_mem>>, %arg17: memref<!tpu.dma_semaphore, #tpu.memory_space<semaphore_mem>>, %arg18: memref<!tpu.dma_semaphore, #tpu.memory_space<semaphore_mem>>, %arg19: memref<!tpu.dma_semaphore, #tpu.memory_space<semaphore_mem>>, %arg20: memref<!tpu.dma_semaphore, #tpu.memory_space<semaphore_mem>>, %arg21: memref<!tpu.dma_semaphore, #tpu.memory_space<semaphore_mem>>, %arg22: memref<!tpu.dma_semaphore, #tpu.memory_space<semaphore_mem>>, %arg23: memref<!tpu.dma_semaphore, #tpu.memory_space<semaphore_mem>>, %arg24: memref<!tpu.dma_semaphore, #tpu.memory_space<semaphore_mem>>, %arg25: memref<!tpu.dma_semaphore, #tpu.memory_space<semaphore_mem>>, %arg26: memref<!tpu.dma_semaphore, #tpu.memory_space<semaphore_mem>>) attributes {dimension_semantics = [#tpu.dimension_semantics<core_parallel>, #tpu.dimension_semantics<subcore_parallel>], iteration_bounds = array<i64: 2, 16>, scalar_prefetch = 0 : i64, scratch_operands = 22 : i64, tpu.core_type = #tpu.core_type<sc_vector_subcore>, window_params = [{transform_indices = #map}, {transform_indices = #map}, {transform_indices = #map}]} {
    %mul3A = arith.constant 2 : i32
    %mul3A_0 = arith.muli %arg1, %mul3A : i32
    %add3A = arith.addi %mul3A_0, %arg0 : i32
    %mul3A_1 = arith.constant 128 : i32
    %mul3A_2 = arith.muli %add3A, %mul3A_1 : i32
    %add3A_3 = arith.constant 0 : i32
    %add3A_4 = arith.addi %mul3A_2, %add3A_3 : i32
    %dma_start3A = arith.constant 0 : i32
    %dma_start3A_5 = tpu.memref_slice %arg3[%add3A_4, %dma_start3A] : memref<8192x1024xf32, #tpu.memory_space<hbm>> -> memref<16x1024xf32, #tpu.memory_space<hbm>>
    %dma_start3A_6 = arith.constant 0 : i32
    %dma_start3A_7 = tpu.memref_slice %arg3[%add3A_4, %dma_start3A_6] : memref<8192x1024xf32, #tpu.memory_space<hbm>> -> memref<16x1024xf32, #tpu.memory_space<hbm>>
    tpu.enqueue_dma source(%dma_start3A_7 : memref<16x1024xf32, #tpu.memory_space<hbm>>) target(%arg11 : memref<16x1024xf32, #tpu.memory_space<vmem>>) target_semaphore(%arg25 : memref<!tpu.dma_semaphore, #tpu.memory_space<semaphore_mem>>)
    %add3A_8 = arith.constant 16 : i32
    %add3A_9 = arith.addi %mul3A_2, %add3A_8 : i32
    %dma_start3A_10 = arith.constant 0 : i32
    %dma_start3A_11 = tpu.memref_slice %arg3[%add3A_9, %dma_start3A_10] : memref<8192x1024xf32, #tpu.memory_space<hbm>> -> memref<16x1024xf32, #tpu.memory_space<hbm>>
    %dma_start3A_12 = arith.constant 0 : i32
    %dma_start3A_13 = tpu.memref_slice %arg3[%add3A_9, %dma_start3A_12] : memref<8192x1024xf32, #tpu.memory_space<hbm>> -> memref<16x1024xf32, #tpu.memory_space<hbm>>
    tpu.enqueue_dma source(%dma_start3A_13 : memref<16x1024xf32, #tpu.memory_space<hbm>>) target(%arg12 : memref<16x1024xf32, #tpu.memory_space<vmem>>) target_semaphore(%arg26 : memref<!tpu.dma_semaphore, #tpu.memory_space<semaphore_mem>>)
    %add3A_14 = arith.constant 0 : i32
    %add3A_15 = arith.addi %add3A_14, %mul3A_2 : i32
    %add3A_16 = arith.constant 0 : i32
    %add3A_17 = arith.addi %add3A_15, %add3A_16 : i32
    %dma_start3A_18 = arith.constant 0 : i32
    %dma_start3A_19 = tpu.memref_slice %arg2[%add3A_17, %dma_start3A_18] : memref<16384x1024xf32, #tpu.memory_space<hbm>> -> memref<16x1024xf32, #tpu.memory_space<hbm>>
    %dma_start3A_20 = arith.constant 0 : i32
    %dma_start3A_21 = tpu.memref_slice %arg2[%add3A_17, %dma_start3A_20] : memref<16384x1024xf32, #tpu.memory_space<hbm>> -> memref<16x1024xf32, #tpu.memory_space<hbm>>
    tpu.enqueue_dma source(%dma_start3A_21 : memref<16x1024xf32, #tpu.memory_space<hbm>>) target(%arg5 : memref<16x1024xf32, #tpu.memory_space<vmem>>) target_semaphore(%arg13 : memref<!tpu.dma_semaphore, #tpu.memory_space<semaphore_mem>>)
    %add3A_22 = arith.constant 4096 : i32
    %add3A_23 = arith.addi %add3A_22, %mul3A_2 : i32
    %add3A_24 = arith.constant 0 : i32
    %add3A_25 = arith.addi %add3A_23, %add3A_24 : i32
    %dma_start3A_26 = arith.constant 0 : i32
    %dma_start3A_27 = tpu.memref_slice %arg2[%add3A_25, %dma_start3A_26] : memref<16384x1024xf32, #tpu.memory_space<hbm>> -> memref<16x1024xf32, #tpu.memory_space<hbm>>
    %dma_start3A_28 = arith.constant 0 : i32
    %dma_start3A_29 = tpu.memref_slice %arg2[%add3A_25, %dma_start3A_28] : memref<16384x1024xf32, #tpu.memory_space<hbm>> -> memref<16x1024xf32, #tpu.memory_space<hbm>>
    tpu.enqueue_dma source(%dma_start3A_29 : memref<16x1024xf32, #tpu.memory_space<hbm>>) target(%arg6 : memref<16x1024xf32, #tpu.memory_space<vmem>>) target_semaphore(%arg14 : memref<!tpu.dma_semaphore, #tpu.memory_space<semaphore_mem>>)
    %add3A_30 = arith.constant 8192 : i32
    %add3A_31 = arith.addi %add3A_30, %mul3A_2 : i32
    %add3A_32 = arith.constant 0 : i32
    %add3A_33 = arith.addi %add3A_31, %add3A_32 : i32
    %dma_start3A_34 = arith.constant 0 : i32
    %dma_start3A_35 = tpu.memref_slice %arg2[%add3A_33, %dma_start3A_34] : memref<16384x1024xf32, #tpu.memory_space<hbm>> -> memref<16x1024xf32, #tpu.memory_space<hbm>>
    %dma_start3A_36 = arith.constant 0 : i32
    %dma_start3A_37 = tpu.memref_slice %arg2[%add3A_33, %dma_start3A_36] : memref<16384x1024xf32, #tpu.memory_space<hbm>> -> memref<16x1024xf32, #tpu.memory_space<hbm>>
    tpu.enqueue_dma source(%dma_start3A_37 : memref<16x1024xf32, #tpu.memory_space<hbm>>) target(%arg7 : memref<16x1024xf32, #tpu.memory_space<vmem>>) target_semaphore(%arg15 : memref<!tpu.dma_semaphore, #tpu.memory_space<semaphore_mem>>)
    %add3A_38 = arith.constant 0 : i32
    %add3A_39 = arith.addi %add3A_38, %mul3A_2 : i32
    %add3A_40 = arith.constant 0 : i32
    %add3A_41 = arith.addi %add3A_39, %add3A_40 : i32
    %dma_wait3A = arith.constant 0 : i32
    %dma_wait3A_42 = tpu.memref_slice %arg2[%add3A_41, %dma_wait3A] : memref<16384x1024xf32, #tpu.memory_space<hbm>> -> memref<16x1024xf32, #tpu.memory_space<hbm>>
    %dma_wait3A_43 = arith.constant 0 : i32
    %dma_wait3A_44 = tpu.memref_slice %arg2[%add3A_41, %dma_wait3A_43] : memref<16384x1024xf32, #tpu.memory_space<hbm>> -> memref<16x1024xf32, #tpu.memory_space<hbm>>
    tpu.wait_dma2 semaphore(%arg13 : memref<!tpu.dma_semaphore, #tpu.memory_space<semaphore_mem>>) src(%dma_wait3A_44 : memref<16x1024xf32, #tpu.memory_space<hbm>>) dst(%arg5 : memref<16x1024xf32, #tpu.memory_space<vmem>>)
    %add3A_45 = arith.constant 0 : i32
    %add3A_46 = arith.addi %mul3A_2, %add3A_45 : i32
    %dma_wait3A_47 = arith.constant 0 : i32
    %dma_wait3A_48 = tpu.memref_slice %arg3[%add3A_46, %dma_wait3A_47] : memref<8192x1024xf32, #tpu.memory_space<hbm>> -> memref<16x1024xf32, #tpu.memory_space<hbm>>
    %dma_wait3A_49 = arith.constant 0 : i32
    %dma_wait3A_50 = tpu.memref_slice %arg3[%add3A_46, %dma_wait3A_49] : memref<8192x1024xf32, #tpu.memory_space<hbm>> -> memref<16x1024xf32, #tpu.memory_space<hbm>>
    tpu.wait_dma2 semaphore(%arg25 : memref<!tpu.dma_semaphore, #tpu.memory_space<semaphore_mem>>) src(%dma_wait3A_50 : memref<16x1024xf32, #tpu.memory_space<hbm>>) dst(%arg11 : memref<16x1024xf32, #tpu.memory_space<vmem>>)
    %parallel_loop3A = arith.constant 0 : i32
    %parallel_loop3A_51 = arith.constant 16384 : i32
    %parallel_loop3A_52 = arith.constant 16 : i32
    scf.for %parallel_loop3A_1216 = %parallel_loop3A to %parallel_loop3A_51 step %parallel_loop3A_52  : i32 {
      %parallel_loop3A_1217 = arith.constant 10 : i32
      %parallel_loop3A_1218 = arith.shrsi %parallel_loop3A_1216, %parallel_loop3A_1217 : i32
      %parallel_loop3A_1219 = arith.constant 1023 : i32
      %parallel_loop3A_1220 = arith.andi %parallel_loop3A_1216, %parallel_loop3A_1219 : i32
      %parallel_loop3A_1221 = tpu.assume_multiple %parallel_loop3A_1220, 16 : i32
      %parallel_loop3A_1222 = arith.index_cast %parallel_loop3A_1218 : i32 to index
      %parallel_loop3A_1223 = arith.index_cast %parallel_loop3A_1221 : i32 to index
      %parallel_loop3A_1224 = tpu.vector_load %arg11[%parallel_loop3A_1222, %parallel_loop3A_1223] {strides = array<i32>} : memref<16x1024xf32, #tpu.memory_space<vmem>>, vector<1x16xf32>,
      %parallel_loop3A_1225 = vector.shape_cast %parallel_loop3A_1224 : vector<1x16xf32> to vector<16xf32>
      %parallel_loop3A_1226 = arith.index_cast %parallel_loop3A_1218 : i32 to index
      %parallel_loop3A_1227 = arith.index_cast %parallel_loop3A_1221 : i32 to index
      %parallel_loop3A_1228 = tpu.vector_load %arg5[%parallel_loop3A_1226, %parallel_loop3A_1227] {strides = array<i32>} : memref<16x1024xf32, #tpu.memory_space<vmem>>, vector<1x16xf32>,
      %parallel_loop3A_1229 = vector.shape_cast %parallel_loop3A_1228 : vector<1x16xf32> to vector<16xf32>
      %parallel_loop3A_1230 = vector.shape_cast %parallel_loop3A_1225 : vector<16xf32> to vector<1x16xf32>
      tpu.vector_store %arg5[%parallel_loop3A_1226, %parallel_loop3A_1227], %parallel_loop3A_1230 {add = true, strides = array<i32>} : memref<16x1024xf32, #tpu.memory_space<vmem>>, vector<1x16xf32>,
    } {sc.loop_unroll_factor = 8 : i64, sc.parallel_access}
    %add3A_53 = arith.constant 0 : i32
    %add3A_54 = arith.addi %add3A_53, %mul3A_2 : i32
    %add3A_55 = arith.constant 0 : i32
    %add3A_56 = arith.addi %add3A_54, %add3A_55 : i32
    %dma_start3A_57 = arith.constant 0 : i32
    %dma_start3A_58 = tpu.memref_slice %arg4[%add3A_56, %dma_start3A_57] : memref<16384x1024xf32, #tpu.memory_space<hbm>> -> memref<16x1024xf32, #tpu.memory_space<hbm>>
    %dma_start3A_59 = arith.constant 0 : i32
    %dma_start3A_60 = tpu.memref_slice %arg4[%add3A_56, %dma_start3A_59] : memref<16384x1024xf32, #tpu.memory_space<hbm>> -> memref<16x1024xf32, #tpu.memory_space<hbm>>
    tpu.enqueue_dma source(%arg5 : memref<16x1024xf32, #tpu.memory_space<vmem>>) target(%dma_start3A_60 : memref<16x1024xf32, #tpu.memory_space<hbm>>) target_semaphore(%arg19 : memref<!tpu.dma_semaphore, #tpu.memory_space<semaphore_mem>>)
    %add3A_61 = arith.constant 12288 : i32
    %add3A_62 = arith.addi %add3A_61, %mul3A_2 : i32
    %add3A_63 = arith.constant 0 : i32
    %add3A_64 = arith.addi %add3A_62, %add3A_63 : i32
    %dma_start3A_65 = arith.constant 0 : i32
    %dma_start3A_66 = tpu.memref_slice %arg2[%add3A_64, %dma_start3A_65] : memref<16384x1024xf32, #tpu.memory_space<hbm>> -> memref<16x1024xf32, #tpu.memory_space<hbm>>
    %dma_start3A_67 = arith.constant 0 : i32
    %dma_start3A_68 = tpu.memref_slice %arg2[%add3A_64, %dma_start3A_67] : memref<16384x1024xf32, #tpu.memory_space<hbm>> -> memref<16x1024xf32, #tpu.memory_space<hbm>>
    tpu.enqueue_dma source(%dma_start3A_68 : memref<16x1024xf32, #tpu.memory_space<hbm>>) target(%arg8 : memref<16x1024xf32, #tpu.memory_space<vmem>>) target_semaphore(%arg16 : memref<!tpu.dma_semaphore, #tpu.memory_space<semaphore_mem>>)
    %add3A_69 = arith.constant 4096 : i32
    %add3A_70 = arith.addi %add3A_69, %mul3A_2 : i32
    %add3A_71 = arith.constant 0 : i32
    %add3A_72 = arith.addi %add3A_70, %add3A_71 : i32
    %dma_wait3A_73 = arith.constant 0 : i32
    %dma_wait3A_74 = tpu.memref_slice %arg2[%add3A_72, %dma_wait3A_73] : memref<16384x1024xf32, #tpu.memory_space<hbm>> -> memref<16x1024xf32, #tpu.memory_space<hbm>>
    %dma_wait3A_75 = arith.constant 0 : i32
    %dma_wait3A_76 = tpu.memref_slice %arg2[%add3A_72, %dma_wait3A_75] : memref<16384x1024xf32, #tpu.memory_space<hbm>> -> memref<16x1024xf32, #tpu.memory_space<hbm>>
    tpu.wait_dma2 semaphore(%arg14 : memref<!tpu.dma_semaphore, #tpu.memory_space<semaphore_mem>>) src(%dma_wait3A_76 : memref<16x1024xf32, #tpu.memory_space<hbm>>) dst(%arg6 : memref<16x1024xf32, #tpu.memory_space<vmem>>)
    %parallel_loop3A_77 = arith.constant 0 : i32
    %parallel_loop3A_78 = arith.constant 16384 : i32
    %parallel_loop3A_79 = arith.constant 16 : i32
    scf.for %parallel_loop3A_1216 = %parallel_loop3A_77 to %parallel_loop3A_78 step %parallel_loop3A_79  : i32 {
      %parallel_loop3A_1217 = arith.constant 10 : i32
      %parallel_loop3A_1218 = arith.shrsi %parallel_loop3A_1216, %parallel_loop3A_1217 : i32
      %parallel_loop3A_1219 = arith.constant 1023 : i32
      %parallel_loop3A_1220 = arith.andi %parallel_loop3A_1216, %parallel_loop3A_1219 : i32
      %parallel_loop3A_1221 = tpu.assume_multiple %parallel_loop3A_1220, 16 : i32
      %parallel_loop3A_1222 = arith.index_cast %parallel_loop3A_1218 : i32 to index
      %parallel_loop3A_1223 = arith.index_cast %parallel_loop3A_1221 : i32 to index
      %parallel_loop3A_1224 = tpu.vector_load %arg11[%parallel_loop3A_1222, %parallel_loop3A_1223] {strides = array<i32>} : memref<16x1024xf32, #tpu.memory_space<vmem>>, vector<1x16xf32>,
      %parallel_loop3A_1225 = vector.shape_cast %parallel_loop3A_1224 : vector<1x16xf32> to vector<16xf32>
      %parallel_loop3A_1226 = arith.index_cast %parallel_loop3A_1218 : i32 to index
      %parallel_loop3A_1227 = arith.index_cast %parallel_loop3A_1221 : i32 to index
      %parallel_loop3A_1228 = tpu.vector_load %arg6[%parallel_loop3A_1226, %parallel_loop3A_1227] {strides = array<i32>} : memref<16x1024xf32, #tpu.memory_space<vmem>>, vector<1x16xf32>,
      %parallel_loop3A_1229 = vector.shape_cast %parallel_loop3A_1228 : vector<1x16xf32> to vector<16xf32>
      %parallel_loop3A_1230 = vector.shape_cast %parallel_loop3A_1225 : vector<16xf32> to vector<1x16xf32>
      tpu.vector_store %arg6[%parallel_loop3A_1226, %parallel_loop3A_1227], %parallel_loop3A_1230 {add = true, strides = array<i32>} : memref<16x1024xf32, #tpu.memory_space<vmem>>, vector<1x16xf32>,
    } {sc.loop_unroll_factor = 8 : i64, sc.parallel_access}
    %add3A_80 = arith.constant 4096 : i32
    %add3A_81 = arith.addi %add3A_80, %mul3A_2 : i32
    %add3A_82 = arith.constant 0 : i32
    %add3A_83 = arith.addi %add3A_81, %add3A_82 : i32
    %dma_start3A_84 = arith.constant 0 : i32
    %dma_start3A_85 = tpu.memref_slice %arg4[%add3A_83, %dma_start3A_84] : memref<16384x1024xf32, #tpu.memory_space<hbm>> -> memref<16x1024xf32, #tpu.memory_space<hbm>>
    %dma_start3A_86 = arith.constant 0 : i32
    %dma_start3A_87 = tpu.memref_slice %arg4[%add3A_83, %dma_start3A_86] : memref<16384x1024xf32, #tpu.memory_space<hbm>> -> memref<16x1024xf32, #tpu.memory_space<hbm>>
    tpu.enqueue_dma source(%arg6 : memref<16x1024xf32, #tpu.memory_space<vmem>>) target(%dma_start3A_87 : memref<16x1024xf32, #tpu.memory_space<hbm>>) target_semaphore(%arg20 : memref<!tpu.dma_semaphore, #tpu.memory_space<semaphore_mem>>)
    %add3A_88 = arith.constant 0 : i32
    %add3A_89 = arith.addi %add3A_88, %mul3A_2 : i32
    %add3A_90 = arith.constant 16 : i32
    %add3A_91 = arith.addi %add3A_89, %add3A_90 : i32
    %dma_start3A_92 = arith.constant 0 : i32
    %dma_start3A_93 = tpu.memref_slice %arg2[%add3A_91, %dma_start3A_92] : memref<16384x1024xf32, #tpu.memory_space<hbm>> -> memref<16x1024xf32, #tpu.memory_space<hbm>>
    %dma_start3A_94 = arith.constant 0 : i32
    %dma_start3A_95 = tpu.memref_slice %arg2[%add3A_91, %dma_start3A_94] : memref<16384x1024xf32, #tpu.memory_space<hbm>> -> memref<16x1024xf32, #tpu.memory_space<hbm>>
    tpu.enqueue_dma source(%dma_start3A_95 : memref<16x1024xf32, #tpu.memory_space<hbm>>) target(%arg9 : memref<16x1024xf32, #tpu.memory_space<vmem>>) target_semaphore(%arg17 : memref<!tpu.dma_semaphore, #tpu.memory_space<semaphore_mem>>)
    %add3A_96 = arith.constant 8192 : i32
    %add3A_97 = arith.addi %add3A_96, %mul3A_2 : i32
    %add3A_98 = arith.constant 0 : i32
    %add3A_99 = arith.addi %add3A_97, %add3A_98 : i32
    %dma_wait3A_100 = arith.constant 0 : i32
    %dma_wait3A_101 = tpu.memref_slice %arg2[%add3A_99, %dma_wait3A_100] : memref<16384x1024xf32, #tpu.memory_space<hbm>> -> memref<16x1024xf32, #tpu.memory_space<hbm>>
    %dma_wait3A_102 = arith.constant 0 : i32
    %dma_wait3A_103 = tpu.memref_slice %arg2[%add3A_99, %dma_wait3A_102] : memref<16384x1024xf32, #tpu.memory_space<hbm>> -> memref<16x1024xf32, #tpu.memory_space<hbm>>
    tpu.wait_dma2 semaphore(%arg15 : memref<!tpu.dma_semaphore, #tpu.memory_space<semaphore_mem>>) src(%dma_wait3A_103 : memref<16x1024xf32, #tpu.memory_space<hbm>>) dst(%arg7 : memref<16x1024xf32, #tpu.memory_space<vmem>>)
    %parallel_loop3A_104 = arith.constant 0 : i32
    %parallel_loop3A_105 = arith.constant 16384 : i32
    %parallel_loop3A_106 = arith.constant 16 : i32
    scf.for %parallel_loop3A_1216 = %parallel_loop3A_104 to %parallel_loop3A_105 step %parallel_loop3A_106  : i32 {
      %parallel_loop3A_1217 = arith.constant 10 : i32
      %parallel_loop3A_1218 = arith.shrsi %parallel_loop3A_1216, %parallel_loop3A_1217 : i32
      %parallel_loop3A_1219 = arith.constant 1023 : i32
      %parallel_loop3A_1220 = arith.andi %parallel_loop3A_1216, %parallel_loop3A_1219 : i32
      %parallel_loop3A_1221 = tpu.assume_multiple %parallel_loop3A_1220, 16 : i32
      %parallel_loop3A_1222 = arith.index_cast %parallel_loop3A_1218 : i32 to index
      %parallel_loop3A_1223 = arith.index_cast %parallel_loop3A_1221 : i32 to index
      %parallel_loop3A_1224 = tpu.vector_load %arg11[%parallel_loop3A_1222, %parallel_loop3A_1223] {strides = array<i32>} : memref<16x1024xf32, #tpu.memory_space<vmem>>, vector<1x16xf32>,
      %parallel_loop3A_1225 = vector.shape_cast %parallel_loop3A_1224 : vector<1x16xf32> to vector<16xf32>
      %parallel_loop3A_1226 = arith.index_cast %parallel_loop3A_1218 : i32 to index
      %parallel_loop3A_1227 = arith.index_cast %parallel_loop3A_1221 : i32 to index
      %parallel_loop3A_1228 = tpu.vector_load %arg7[%parallel_loop3A_1226, %parallel_loop3A_1227] {strides = array<i32>} : memref<16x1024xf32, #tpu.memory_space<vmem>>, vector<1x16xf32>,
      %parallel_loop3A_1229 = vector.shape_cast %parallel_loop3A_1228 : vector<1x16xf32> to vector<16xf32>
      %parallel_loop3A_1230 = vector.shape_cast %parallel_loop3A_1225 : vector<16xf32> to vector<1x16xf32>
      tpu.vector_store %arg7[%parallel_loop3A_1226, %parallel_loop3A_1227], %parallel_loop3A_1230 {add = true, strides = array<i32>} : memref<16x1024xf32, #tpu.memory_space<vmem>>, vector<1x16xf32>,
    } {sc.loop_unroll_factor = 8 : i64, sc.parallel_access}
    %add3A_107 = arith.constant 8192 : i32
    %add3A_108 = arith.addi %add3A_107, %mul3A_2 : i32
    %add3A_109 = arith.constant 0 : i32
    %add3A_110 = arith.addi %add3A_108, %add3A_109 : i32
    %dma_start3A_111 = arith.constant 0 : i32
    %dma_start3A_112 = tpu.memref_slice %arg4[%add3A_110, %dma_start3A_111] : memref<16384x1024xf32, #tpu.memory_space<hbm>> -> memref<16x1024xf32, #tpu.memory_space<hbm>>
    %dma_start3A_113 = arith.constant 0 : i32
    %dma_start3A_114 = tpu.memref_slice %arg4[%add3A_110, %dma_start3A_113] : memref<16384x1024xf32, #tpu.memory_space<hbm>> -> memref<16x1024xf32, #tpu.memory_space<hbm>>
    tpu.enqueue_dma source(%arg7 : memref<16x1024xf32, #tpu.memory_space<vmem>>) target(%dma_start3A_114 : memref<16x1024xf32, #tpu.memory_space<hbm>>) target_semaphore(%arg21 : memref<!tpu.dma_semaphore, #tpu.memory_space<semaphore_mem>>)
    %add3A_115 = arith.constant 4096 : i32
    %add3A_116 = arith.addi %add3A_115, %mul3A_2 : i32
    %add3A_117 = arith.constant 16 : i32
    %add3A_118 = arith.addi %add3A_116, %add3A_117 : i32
    %dma_start3A_119 = arith.constant 0 : i32
    %dma_start3A_120 = tpu.memref_slice %arg2[%add3A_118, %dma_start3A_119] : memref<16384x1024xf32, #tpu.memory_space<hbm>> -> memref<16x1024xf32, #tpu.memory_space<hbm>>
    %dma_start3A_121 = arith.constant 0 : i32
    %dma_start3A_122 = tpu.memref_slice %arg2[%add3A_118, %dma_start3A_121] : memref<16384x1024xf32, #tpu.memory_space<hbm>> -> memref<16x1024xf32, #tpu.memory_space<hbm>>
    tpu.enqueue_dma source(%dma_start3A_122 : memref<16x1024xf32, #tpu.memory_space<hbm>>) target(%arg10 : memref<16x1024xf32, #tpu.memory_space<vmem>>) target_semaphore(%arg18 : memref<!tpu.dma_semaphore, #tpu.memory_space<semaphore_mem>>)
    %add3A_123 = arith.constant 12288 : i32
    %add3A_124 = arith.addi %add3A_123, %mul3A_2 : i32
    %add3A_125 = arith.constant 0 : i32
    %add3A_126 = arith.addi %add3A_124, %add3A_125 : i32
    %dma_wait3A_127 = arith.constant 0 : i32
    %dma_wait3A_128 = tpu.memref_slice %arg2[%add3A_126, %dma_wait3A_127] : memref<16384x1024xf32, #tpu.memory_space<hbm>> -> memref<16x1024xf32, #tpu.memory_space<hbm>>
    %dma_wait3A_129 = arith.constant 0 : i32
    %dma_wait3A_130 = tpu.memref_slice %arg2[%add3A_126, %dma_wait3A_129] : memref<16384x1024xf32, #tpu.memory_space<hbm>> -> memref<16x1024xf32, #tpu.memory_space<hbm>>
    tpu.wait_dma2 semaphore(%arg16 : memref<!tpu.dma_semaphore, #tpu.memory_space<semaphore_mem>>) src(%dma_wait3A_130 : memref<16x1024xf32, #tpu.memory_space<hbm>>) dst(%arg8 : memref<16x1024xf32, #tpu.memory_space<vmem>>)
    %parallel_loop3A_131 = arith.constant 0 : i32
    %parallel_loop3A_132 = arith.constant 16384 : i32
    %parallel_loop3A_133 = arith.constant 16 : i32
    scf.for %parallel_loop3A_1216 = %parallel_loop3A_131 to %parallel_loop3A_132 step %parallel_loop3A_133  : i32 {
      %parallel_loop3A_1217 = arith.constant 10 : i32
      %parallel_loop3A_1218 = arith.shrsi %parallel_loop3A_1216, %parallel_loop3A_1217 : i32
      %parallel_loop3A_1219 = arith.constant 1023 : i32
      %parallel_loop3A_1220 = arith.andi %parallel_loop3A_1216, %parallel_loop3A_1219 : i32
      %parallel_loop3A_1221 = tpu.assume_multiple %parallel_loop3A_1220, 16 : i32
      %parallel_loop3A_1222 = arith.index_cast %parallel_loop3A_1218 : i32 to index
      %parallel_loop3A_1223 = arith.index_cast %parallel_loop3A_1221 : i32 to index
      %parallel_loop3A_1224 = tpu.vector_load %arg11[%parallel_loop3A_1222, %parallel_loop3A_1223] {strides = array<i32>} : memref<16x1024xf32, #tpu.memory_space<vmem>>, vector<1x16xf32>,
      %parallel_loop3A_1225 = vector.shape_cast %parallel_loop3A_1224 : vector<1x16xf32> to vector<16xf32>
      %parallel_loop3A_1226 = arith.index_cast %parallel_loop3A_1218 : i32 to index
      %parallel_loop3A_1227 = arith.index_cast %parallel_loop3A_1221 : i32 to index
      %parallel_loop3A_1228 = tpu.vector_load %arg8[%parallel_loop3A_1226, %parallel_loop3A_1227] {strides = array<i32>} : memref<16x1024xf32, #tpu.memory_space<vmem>>, vector<1x16xf32>,
      %parallel_loop3A_1229 = vector.shape_cast %parallel_loop3A_1228 : vector<1x16xf32> to vector<16xf32>
      %parallel_loop3A_1230 = vector.shape_cast %parallel_loop3A_1225 : vector<16xf32> to vector<1x16xf32>
      tpu.vector_store %arg8[%parallel_loop3A_1226, %parallel_loop3A_1227], %parallel_loop3A_1230 {add = true, strides = array<i32>} : memref<16x1024xf32, #tpu.memory_space<vmem>>, vector<1x16xf32>,
    } {sc.loop_unroll_factor = 8 : i64, sc.parallel_access}
    %add3A_134 = arith.constant 12288 : i32
    %add3A_135 = arith.addi %add3A_134, %mul3A_2 : i32
    %add3A_136 = arith.constant 0 : i32
    %add3A_137 = arith.addi %add3A_135, %add3A_136 : i32
    %dma_start3A_138 = arith.constant 0 : i32
    %dma_start3A_139 = tpu.memref_slice %arg4[%add3A_137, %dma_start3A_138] : memref<16384x1024xf32, #tpu.memory_space<hbm>> -> memref<16x1024xf32, #tpu.memory_space<hbm>>
    %dma_start3A_140 = arith.constant 0 : i32
    %dma_start3A_141 = tpu.memref_slice %arg4[%add3A_137, %dma_start3A_140] : memref<16384x1024xf32, #tpu.memory_space<hbm>> -> memref<16x1024xf32, #tpu.memory_space<hbm>>
    tpu.enqueue_dma source(%arg8 : memref<16x1024xf32, #tpu.memory_space<vmem>>) target(%dma_start3A_141 : memref<16x1024xf32, #tpu.memory_space<hbm>>) target_semaphore(%arg22 : memref<!tpu.dma_semaphore, #tpu.memory_space<semaphore_mem>>)
    %add3A_142 = arith.constant 0 : i32
    %add3A_143 = arith.addi %add3A_142, %mul3A_2 : i32
    %add3A_144 = arith.constant 0 : i32
    %add3A_145 = arith.addi %add3A_143, %add3A_144 : i32
    %dma_wait3A_146 = arith.constant 0 : i32
    %dma_wait3A_147 = tpu.memref_slice %arg4[%add3A_145, %dma_wait3A_146] : memref<16384x1024xf32, #tpu.memory_space<hbm>> -> memref<16x1024xf32, #tpu.memory_space<hbm>>
    %dma_wait3A_148 = arith.constant 0 : i32
    %dma_wait3A_149 = tpu.memref_slice %arg4[%add3A_145, %dma_wait3A_148] : memref<16384x1024xf32, #tpu.memory_space<hbm>> -> memref<16x1024xf32, #tpu.memory_space<hbm>>
    tpu.wait_dma2 semaphore(%arg19 : memref<!tpu.dma_semaphore, #tpu.memory_space<semaphore_mem>>) src(%arg5 : memref<16x1024xf32, #tpu.memory_space<vmem>>) dst(%dma_wait3A_149 : memref<16x1024xf32, #tpu.memory_space<hbm>>)
    %add3A_150 = arith.constant 8192 : i32
    %add3A_151 = arith.addi %add3A_150, %mul3A_2 : i32
    %add3A_152 = arith.constant 16 : i32
    %add3A_153 = arith.addi %add3A_151, %add3A_152 : i32
    %dma_start3A_154 = arith.constant 0 : i32
    %dma_start3A_155 = tpu.memref_slice %arg2[%add3A_153, %dma_start3A_154] : memref<16384x1024xf32, #tpu.memory_space<hbm>> -> memref<16x1024xf32, #tpu.memory_space<hbm>>
    %dma_start3A_156 = arith.constant 0 : i32
    %dma_start3A_157 = tpu.memref_slice %arg2[%add3A_153, %dma_start3A_156] : memref<16384x1024xf32, #tpu.memory_space<hbm>> -> memref<16x1024xf32, #tpu.memory_space<hbm>>
    tpu.enqueue_dma source(%dma_start3A_157 : memref<16x1024xf32, #tpu.memory_space<hbm>>) target(%arg5 : memref<16x1024xf32, #tpu.memory_space<vmem>>) target_semaphore(%arg13 : memref<!tpu.dma_semaphore, #tpu.memory_space<semaphore_mem>>)
    %add3A_158 = arith.constant 0 : i32
    %add3A_159 = arith.addi %add3A_158, %mul3A_2 : i32
    %add3A_160 = arith.constant 16 : i32
    %add3A_161 = arith.addi %add3A_159, %add3A_160 : i32
    %dma_wait3A_162 = arith.constant 0 : i32
    %dma_wait3A_163 = tpu.memref_slice %arg2[%add3A_161, %dma_wait3A_162] : memref<16384x1024xf32, #tpu.memory_space<hbm>> -> memref<16x1024xf32, #tpu.memory_space<hbm>>
    %dma_wait3A_164 = arith.constant 0 : i32
    %dma_wait3A_165 = tpu.memref_slice %arg2[%add3A_161, %dma_wait3A_164] : memref<16384x1024xf32, #tpu.memory_space<hbm>> -> memref<16x1024xf32, #tpu.memory_space<hbm>>
    tpu.wait_dma2 semaphore(%arg17 : memref<!tpu.dma_semaphore, #tpu.memory_space<semaphore_mem>>) src(%dma_wait3A_165 : memref<16x1024xf32, #tpu.memory_space<hbm>>) dst(%arg9 : memref<16x1024xf32, #tpu.memory_space<vmem>>)
    %add3A_166 = arith.constant 16 : i32
    %add3A_167 = arith.addi %mul3A_2, %add3A_166 : i32
    %dma_wait3A_168 = arith.constant 0 : i32
    %dma_wait3A_169 = tpu.memref_slice %arg3[%add3A_167, %dma_wait3A_168] : memref<8192x1024xf32, #tpu.memory_space<hbm>> -> memref<16x1024xf32, #tpu.memory_space<hbm>>
    %dma_wait3A_170 = arith.constant 0 : i32
    %dma_wait3A_171 = tpu.memref_slice %arg3[%add3A_167, %dma_wait3A_170] : memref<8192x1024xf32, #tpu.memory_space<hbm>> -> memref<16x1024xf32, #tpu.memory_space<hbm>>
    tpu.wait_dma2 semaphore(%arg26 : memref<!tpu.dma_semaphore, #tpu.memory_space<semaphore_mem>>) src(%dma_wait3A_171 : memref<16x1024xf32, #tpu.memory_space<hbm>>) dst(%arg12 : memref<16x1024xf32, #tpu.memory_space<vmem>>)
    %parallel_loop3A_172 = arith.constant 0 : i32
    %parallel_loop3A_173 = arith.constant 16384 : i32
    %parallel_loop3A_174 = arith.constant 16 : i32
    scf.for %parallel_loop3A_1216 = %parallel_loop3A_172 to %parallel_loop3A_173 step %parallel_loop3A_174  : i32 {
      %parallel_loop3A_1217 = arith.constant 10 : i32
      %parallel_loop3A_1218 = arith.shrsi %parallel_loop3A_1216, %parallel_loop3A_1217 : i32
      %parallel_loop3A_1219 = arith.constant 1023 : i32
      %parallel_loop3A_1220 = arith.andi %parallel_loop3A_1216, %parallel_loop3A_1219 : i32
      %parallel_loop3A_1221 = tpu.assume_multiple %parallel_loop3A_1220, 16 : i32
      %parallel_loop3A_1222 = arith.index_cast %parallel_loop3A_1218 : i32 to index
      %parallel_loop3A_1223 = arith.index_cast %parallel_loop3A_1221 : i32 to index
      %parallel_loop3A_1224 = tpu.vector_load %arg12[%parallel_loop3A_1222, %parallel_loop3A_1223] {strides = array<i32>} : memref<16x1024xf32, #tpu.memory_space<vmem>>, vector<1x16xf32>,
      %parallel_loop3A_1225 = vector.shape_cast %parallel_loop3A_1224 : vector<1x16xf32> to vector<16xf32>
      %parallel_loop3A_1226 = arith.index_cast %parallel_loop3A_1218 : i32 to index
      %parallel_loop3A_1227 = arith.index_cast %parallel_loop3A_1221 : i32 to index
      %parallel_loop3A_1228 = tpu.vector_load %arg9[%parallel_loop3A_1226, %parallel_loop3A_1227] {strides = array<i32>} : memref<16x1024xf32, #tpu.memory_space<vmem>>, vector<1x16xf32>,
      %parallel_loop3A_1229 = vector.shape_cast %parallel_loop3A_1228 : vector<1x16xf32> to vector<16xf32>
      %parallel_loop3A_1230 = vector.shape_cast %parallel_loop3A_1225 : vector<16xf32> to vector<1x16xf32>
      tpu.vector_store %arg9[%parallel_loop3A_1226, %parallel_loop3A_1227], %parallel_loop3A_1230 {add = true, strides = array<i32>} : memref<16x1024xf32, #tpu.memory_space<vmem>>, vector<1x16xf32>,
    } {sc.loop_unroll_factor = 8 : i64, sc.parallel_access}
    %add3A_175 = arith.constant 0 : i32
    %add3A_176 = arith.addi %add3A_175, %mul3A_2 : i32
    %add3A_177 = arith.constant 16 : i32
    %add3A_178 = arith.addi %add3A_176, %add3A_177 : i32
    %dma_start3A_179 = arith.constant 0 : i32
    %dma_start3A_180 = tpu.memref_slice %arg4[%add3A_178, %dma_start3A_179] : memref<16384x1024xf32, #tpu.memory_space<hbm>> -> memref<16x1024xf32, #tpu.memory_space<hbm>>
    %dma_start3A_181 = arith.constant 0 : i32
    %dma_start3A_182 = tpu.memref_slice %arg4[%add3A_178, %dma_start3A_181] : memref<16384x1024xf32, #tpu.memory_space<hbm>> -> memref<16x1024xf32, #tpu.memory_space<hbm>>
    tpu.enqueue_dma source(%arg9 : memref<16x1024xf32, #tpu.memory_space<vmem>>) target(%dma_start3A_182 : memref<16x1024xf32, #tpu.memory_space<hbm>>) target_semaphore(%arg23 : memref<!tpu.dma_semaphore, #tpu.memory_space<semaphore_mem>>)
    %add3A_183 = arith.constant 4096 : i32
    %add3A_184 = arith.addi %add3A_183, %mul3A_2 : i32
    %add3A_185 = arith.constant 0 : i32
    %add3A_186 = arith.addi %add3A_184, %add3A_185 : i32
    %dma_wait3A_187 = arith.constant 0 : i32
    %dma_wait3A_188 = tpu.memref_slice %arg4[%add3A_186, %dma_wait3A_187] : memref<16384x1024xf32, #tpu.memory_space<hbm>> -> memref<16x1024xf32, #tpu.memory_space<hbm>>
    %dma_wait3A_189 = arith.constant 0 : i32
    %dma_wait3A_190 = tpu.memref_slice %arg4[%add3A_186, %dma_wait3A_189] : memref<16384x1024xf32, #tpu.memory_space<hbm>> -> memref<16x1024xf32, #tpu.memory_space<hbm>>
    tpu.wait_dma2 semaphore(%arg20 : memref<!tpu.dma_semaphore, #tpu.memory_space<semaphore_mem>>) src(%arg6 : memref<16x1024xf32, #tpu.memory_space<vmem>>) dst(%dma_wait3A_190 : memref<16x1024xf32, #tpu.memory_space<hbm>>)
    %add3A_191 = arith.constant 12288 : i32
    %add3A_192 = arith.addi %add3A_191, %mul3A_2 : i32
    %add3A_193 = arith.constant 16 : i32
    %add3A_194 = arith.addi %add3A_192, %add3A_193 : i32
    %dma_start3A_195 = arith.constant 0 : i32
    %dma_start3A_196 = tpu.memref_slice %arg2[%add3A_194, %dma_start3A_195] : memref<16384x1024xf32, #tpu.memory_space<hbm>> -> memref<16x1024xf32, #tpu.memory_space<hbm>>
    %dma_start3A_197 = arith.constant 0 : i32
    %dma_start3A_198 = tpu.memref_slice %arg2[%add3A_194, %dma_start3A_197] : memref<16384x1024xf32, #tpu.memory_space<hbm>> -> memref<16x1024xf32, #tpu.memory_space<hbm>>
    tpu.enqueue_dma source(%dma_start3A_198 : memref<16x1024xf32, #tpu.memory_space<hbm>>) target(%arg6 : memref<16x1024xf32, #tpu.memory_space<vmem>>) target_semaphore(%arg14 : memref<!tpu.dma_semaphore, #tpu.memory_space<semaphore_mem>>)
    %add3A_199 = arith.constant 4096 : i32
    %add3A_200 = arith.addi %add3A_199, %mul3A_2 : i32
    %add3A_201 = arith.constant 16 : i32
    %add3A_202 = arith.addi %add3A_200, %add3A_201 : i32
    %dma_wait3A_203 = arith.constant 0 : i32
    %dma_wait3A_204 = tpu.memref_slice %arg2[%add3A_202, %dma_wait3A_203] : memref<16384x1024xf32, #tpu.memory_space<hbm>> -> memref<16x1024xf32, #tpu.memory_space<hbm>>
    %dma_wait3A_205 = arith.constant 0 : i32
    %dma_wait3A_206 = tpu.memref_slice %arg2[%add3A_202, %dma_wait3A_205] : memref<16384x1024xf32, #tpu.memory_space<hbm>> -> memref<16x1024xf32, #tpu.memory_space<hbm>>
    tpu.wait_dma2 semaphore(%arg18 : memref<!tpu.dma_semaphore, #tpu.memory_space<semaphore_mem>>) src(%dma_wait3A_206 : memref<16x1024xf32, #tpu.memory_space<hbm>>) dst(%arg10 : memref<16x1024xf32, #tpu.memory_space<vmem>>)
    %parallel_loop3A_207 = arith.constant 0 : i32
    %parallel_loop3A_208 = arith.constant 16384 : i32
    %parallel_loop3A_209 = arith.constant 16 : i32
    scf.for %parallel_loop3A_1216 = %parallel_loop3A_207 to %parallel_loop3A_208 step %parallel_loop3A_209  : i32 {
      %parallel_loop3A_1217 = arith.constant 10 : i32
      %parallel_loop3A_1218 = arith.shrsi %parallel_loop3A_1216, %parallel_loop3A_1217 : i32
      %parallel_loop3A_1219 = arith.constant 1023 : i32
      %parallel_loop3A_1220 = arith.andi %parallel_loop3A_1216, %parallel_loop3A_1219 : i32
      %parallel_loop3A_1221 = tpu.assume_multiple %parallel_loop3A_1220, 16 : i32
      %parallel_loop3A_1222 = arith.index_cast %parallel_loop3A_1218 : i32 to index
      %parallel_loop3A_1223 = arith.index_cast %parallel_loop3A_1221 : i32 to index
      %parallel_loop3A_1224 = tpu.vector_load %arg12[%parallel_loop3A_1222, %parallel_loop3A_1223] {strides = array<i32>} : memref<16x1024xf32, #tpu.memory_space<vmem>>, vector<1x16xf32>,
      %parallel_loop3A_1225 = vector.shape_cast %parallel_loop3A_1224 : vector<1x16xf32> to vector<16xf32>
      %parallel_loop3A_1226 = arith.index_cast %parallel_loop3A_1218 : i32 to index
      %parallel_loop3A_1227 = arith.index_cast %parallel_loop3A_1221 : i32 to index
      %parallel_loop3A_1228 = tpu.vector_load %arg10[%parallel_loop3A_1226, %parallel_loop3A_1227] {strides = array<i32>} : memref<16x1024xf32, #tpu.memory_space<vmem>>, vector<1x16xf32>,
      %parallel_loop3A_1229 = vector.shape_cast %parallel_loop3A_1228 : vector<1x16xf32> to vector<16xf32>
      %parallel_loop3A_1230 = vector.shape_cast %parallel_loop3A_1225 : vector<16xf32> to vector<1x16xf32>
      tpu.vector_store %arg10[%parallel_loop3A_1226, %parallel_loop3A_1227], %parallel_loop3A_1230 {add = true, strides = array<i32>} : memref<16x1024xf32, #tpu.memory_space<vmem>>, vector<1x16xf32>,
    } {sc.loop_unroll_factor = 8 : i64, sc.parallel_access}
    %add3A_210 = arith.constant 4096 : i32
    %add3A_211 = arith.addi %add3A_210, %mul3A_2 : i32
    %add3A_212 = arith.constant 16 : i32
    %add3A_213 = arith.addi %add3A_211, %add3A_212 : i32
    %dma_start3A_214 = arith.constant 0 : i32
    %dma_start3A_215 = tpu.memref_slice %arg4[%add3A_213, %dma_start3A_214] : memref<16384x1024xf32, #tpu.memory_space<hbm>> -> memref<16x1024xf32, #tpu.memory_space<hbm>>
    %dma_start3A_216 = arith.constant 0 : i32
    %dma_start3A_217 = tpu.memref_slice %arg4[%add3A_213, %dma_start3A_216] : memref<16384x1024xf32, #tpu.memory_space<hbm>> -> memref<16x1024xf32, #tpu.memory_space<hbm>>
    tpu.enqueue_dma source(%arg10 : memref<16x1024xf32, #tpu.memory_space<vmem>>) target(%dma_start3A_217 : memref<16x1024xf32, #tpu.memory_space<hbm>>) target_semaphore(%arg24 : memref<!tpu.dma_semaphore, #tpu.memory_space<semaphore_mem>>)
    %add3A_218 = arith.constant 8192 : i32
    %add3A_219 = arith.addi %add3A_218, %mul3A_2 : i32
    %add3A_220 = arith.constant 0 : i32
    %add3A_221 = arith.addi %add3A_219, %add3A_220 : i32
    %dma_wait3A_222 = arith.constant 0 : i32
    %dma_wait3A_223 = tpu.memref_slice %arg4[%add3A_221, %dma_wait3A_222] : memref<16384x1024xf32, #tpu.memory_space<hbm>> -> memref<16x1024xf32, #tpu.memory_space<hbm>>
    %dma_wait3A_224 = arith.constant 0 : i32
    %dma_wait3A_225 = tpu.memref_slice %arg4[%add3A_221, %dma_wait3A_224] : memref<16384x1024xf32, #tpu.memory_space<hbm>> -> memref<16x1024xf32, #tpu.memory_space<hbm>>
    tpu.wait_dma2 semaphore(%arg21 : memref<!tpu.dma_semaphore, #tpu.memory_space<semaphore_mem>>) src(%arg7 : memref<16x1024xf32, #tpu.memory_space<vmem>>) dst(%dma_wait3A_225 : memref<16x1024xf32, #tpu.memory_space<hbm>>)
    %add3A_226 = arith.constant 0 : i32
    %add3A_227 = arith.addi %add3A_226, %mul3A_2 : i32
    %add3A_228 = arith.constant 32 : i32
    %add3A_229 = arith.addi %add3A_227, %add3A_228 : i32
    %dma_start3A_230 = arith.constant 0 : i32
    %dma_start3A_231 = tpu.memref_slice %arg2[%add3A_229, %dma_start3A_230] : memref<16384x1024xf32, #tpu.memory_space<hbm>> -> memref<16x1024xf32, #tpu.memory_space<hbm>>
    %dma_start3A_232 = arith.constant 0 : i32
    %dma_start3A_233 = tpu.memref_slice %arg2[%add3A_229, %dma_start3A_232] : memref<16384x1024xf32, #tpu.memory_space<hbm>> -> memref<16x1024xf32, #tpu.memory_space<hbm>>
    tpu.enqueue_dma source(%dma_start3A_233 : memref<16x1024xf32, #tpu.memory_space<hbm>>) target(%arg7 : memref<16x1024xf32, #tpu.memory_space<vmem>>) target_semaphore(%arg15 : memref<!tpu.dma_semaphore, #tpu.memory_space<semaphore_mem>>)
    %add3A_234 = arith.constant 32 : i32
    %add3A_235 = arith.addi %mul3A_2, %add3A_234 : i32
    %dma_start3A_236 = arith.constant 0 : i32
    %dma_start3A_237 = tpu.memref_slice %arg3[%add3A_235, %dma_start3A_236] : memref<8192x1024xf32, #tpu.memory_space<hbm>> -> memref<16x1024xf32, #tpu.memory_space<hbm>>
    %dma_start3A_238 = arith.constant 0 : i32
    %dma_start3A_239 = tpu.memref_slice %arg3[%add3A_235, %dma_start3A_238] : memref<8192x1024xf32, #tpu.memory_space<hbm>> -> memref<16x1024xf32, #tpu.memory_space<hbm>>
    tpu.enqueue_dma source(%dma_start3A_239 : memref<16x1024xf32, #tpu.memory_space<hbm>>) target(%arg11 : memref<16x1024xf32, #tpu.memory_space<vmem>>) target_semaphore(%arg25 : memref<!tpu.dma_semaphore, #tpu.memory_space<semaphore_mem>>)
    %add3A_240 = arith.constant 8192 : i32
    %add3A_241 = arith.addi %add3A_240, %mul3A_2 : i32
    %add3A_242 = arith.constant 16 : i32
    %add3A_243 = arith.addi %add3A_241, %add3A_242 : i32
    %dma_wait3A_244 = arith.constant 0 : i32
    %dma_wait3A_245 = tpu.memref_slice %arg2[%add3A_243, %dma_wait3A_244] : memref<16384x1024xf32, #tpu.memory_space<hbm>> -> memref<16x1024xf32, #tpu.memory_space<hbm>>
    %dma_wait3A_246 = arith.constant 0 : i32
    %dma_wait3A_247 = tpu.memref_slice %arg2[%add3A_243, %dma_wait3A_246] : memref<16384x1024xf32, #tpu.memory_space<hbm>> -> memref<16x1024xf32, #tpu.memory_space<hbm>>
    tpu.wait_dma2 semaphore(%arg13 : memref<!tpu.dma_semaphore, #tpu.memory_space<semaphore_mem>>) src(%dma_wait3A_247 : memref<16x1024xf32, #tpu.memory_space<hbm>>) dst(%arg5 : memref<16x1024xf32, #tpu.memory_space<vmem>>)
    %parallel_loop3A_248 = arith.constant 0 : i32
    %parallel_loop3A_249 = arith.constant 16384 : i32
    %parallel_loop3A_250 = arith.constant 16 : i32
    scf.for %parallel_loop3A_1216 = %parallel_loop3A_248 to %parallel_loop3A_249 step %parallel_loop3A_250  : i32 {
      %parallel_loop3A_1217 = arith.constant 10 : i32
      %parallel_loop3A_1218 = arith.shrsi %parallel_loop3A_1216, %parallel_loop3A_1217 : i32
      %parallel_loop3A_1219 = arith.constant 1023 : i32
      %parallel_loop3A_1220 = arith.andi %parallel_loop3A_1216, %parallel_loop3A_1219 : i32
      %parallel_loop3A_1221 = tpu.assume_multiple %parallel_loop3A_1220, 16 : i32
      %parallel_loop3A_1222 = arith.index_cast %parallel_loop3A_1218 : i32 to index
      %parallel_loop3A_1223 = arith.index_cast %parallel_loop3A_1221 : i32 to index
      %parallel_loop3A_1224 = tpu.vector_load %arg12[%parallel_loop3A_1222, %parallel_loop3A_1223] {strides = array<i32>} : memref<16x1024xf32, #tpu.memory_space<vmem>>, vector<1x16xf32>,
      %parallel_loop3A_1225 = vector.shape_cast %parallel_loop3A_1224 : vector<1x16xf32> to vector<16xf32>
      %parallel_loop3A_1226 = arith.index_cast %parallel_loop3A_1218 : i32 to index
      %parallel_loop3A_1227 = arith.index_cast %parallel_loop3A_1221 : i32 to index
      %parallel_loop3A_1228 = tpu.vector_load %arg5[%parallel_loop3A_1226, %parallel_loop3A_1227] {strides = array<i32>} : memref<16x1024xf32, #tpu.memory_space<vmem>>, vector<1x16xf32>,
      %parallel_loop3A_1229 = vector.shape_cast %parallel_loop3A_1228 : vector<1x16xf32> to vector<16xf32>
      %parallel_loop3A_1230 = vector.shape_cast %parallel_loop3A_1225 : vector<16xf32> to vector<1x16xf32>
      tpu.vector_store %arg5[%parallel_loop3A_1226, %parallel_loop3A_1227], %parallel_loop3A_1230 {add = true, strides = array<i32>} : memref<16x1024xf32, #tpu.memory_space<vmem>>, vector<1x16xf32>,
    } {sc.loop_unroll_factor = 8 : i64, sc.parallel_access}
    %add3A_251 = arith.constant 8192 : i32
    %add3A_252 = arith.addi %add3A_251, %mul3A_2 : i32
    %add3A_253 = arith.constant 16 : i32
    %add3A_254 = arith.addi %add3A_252, %add3A_253 : i32
    %dma_start3A_255 = arith.constant 0 : i32
    %dma_start3A_256 = tpu.memref_slice %arg4[%add3A_254, %dma_start3A_255] : memref<16384x1024xf32, #tpu.memory_space<hbm>> -> memref<16x1024xf32, #tpu.memory_space<hbm>>
    %dma_start3A_257 = arith.constant 0 : i32
    %dma_start3A_258 = tpu.memref_slice %arg4[%add3A_254, %dma_start3A_257] : memref<16384x1024xf32, #tpu.memory_space<hbm>> -> memref<16x1024xf32, #tpu.memory_space<hbm>>
    tpu.enqueue_dma source(%arg5 : memref<16x1024xf32, #tpu.memory_space<vmem>>) target(%dma_start3A_258 : memref<16x1024xf32, #tpu.memory_space<hbm>>) target_semaphore(%arg19 : memref<!tpu.dma_semaphore, #tpu.memory_space<semaphore_mem>>)
    %add3A_259 = arith.constant 12288 : i32
    %add3A_260 = arith.addi %add3A_259, %mul3A_2 : i32
    %add3A_261 = arith.constant 0 : i32
    %add3A_262 = arith.addi %add3A_260, %add3A_261 : i32
    %dma_wait3A_263 = arith.constant 0 : i32
    %dma_wait3A_264 = tpu.memref_slice %arg4[%add3A_262, %dma_wait3A_263] : memref<16384x1024xf32, #tpu.memory_space<hbm>> -> memref<16x1024xf32, #tpu.memory_space<hbm>>
    %dma_wait3A_265 = arith.constant 0 : i32
    %dma_wait3A_266 = tpu.memref_slice %arg4[%add3A_262, %dma_wait3A_265] : memref<16384x1024xf32, #tpu.memory_space<hbm>> -> memref<16x1024xf32, #tpu.memory_space<hbm>>
    tpu.wait_dma2 semaphore(%arg22 : memref<!tpu.dma_semaphore, #tpu.memory_space<semaphore_mem>>) src(%arg8 : memref<16x1024xf32, #tpu.memory_space<vmem>>) dst(%dma_wait3A_266 : memref<16x1024xf32, #tpu.memory_space<hbm>>)
    %add3A_267 = arith.constant 4096 : i32
    %add3A_268 = arith.addi %add3A_267, %mul3A_2 : i32
    %add3A_269 = arith.constant 32 : i32
    %add3A_270 = arith.addi %add3A_268, %add3A_269 : i32
    %dma_start3A_271 = arith.constant 0 : i32
    %dma_start3A_272 = tpu.memref_slice %arg2[%add3A_270, %dma_start3A_271] : memref<16384x1024xf32, #tpu.memory_space<hbm>> -> memref<16x1024xf32, #tpu.memory_space<hbm>>
    %dma_start3A_273 = arith.constant 0 : i32
    %dma_start3A_274 = tpu.memref_slice %arg2[%add3A_270, %dma_start3A_273] : memref<16384x1024xf32, #tpu.memory_space<hbm>> -> memref<16x1024xf32, #tpu.memory_space<hbm>>
    tpu.enqueue_dma source(%dma_start3A_274 : memref<16x1024xf32, #tpu.memory_space<hbm>>) target(%arg8 : memref<16x1024xf32, #tpu.memory_space<vmem>>) target_semaphore(%arg16 : memref<!tpu.dma_semaphore, #tpu.memory_space<semaphore_mem>>)
    %add3A_275 = arith.constant 12288 : i32
    %add3A_276 = arith.addi %add3A_275, %mul3A_2 : i32
    %add3A_277 = arith.constant 16 : i32
    %add3A_278 = arith.addi %add3A_276, %add3A_277 : i32
    %dma_wait3A_279 = arith.constant 0 : i32
    %dma_wait3A_280 = tpu.memref_slice %arg2[%add3A_278, %dma_wait3A_279] : memref<16384x1024xf32, #tpu.memory_space<hbm>> -> memref<16x1024xf32, #tpu.memory_space<hbm>>
    %dma_wait3A_281 = arith.constant 0 : i32
    %dma_wait3A_282 = tpu.memref_slice %arg2[%add3A_278, %dma_wait3A_281] : memref<16384x1024xf32, #tpu.memory_space<hbm>> -> memref<16x1024xf32, #tpu.memory_space<hbm>>
    tpu.wait_dma2 semaphore(%arg14 : memref<!tpu.dma_semaphore, #tpu.memory_space<semaphore_mem>>) src(%dma_wait3A_282 : memref<16x1024xf32, #tpu.memory_space<hbm>>) dst(%arg6 : memref<16x1024xf32, #tpu.memory_space<vmem>>)
    %parallel_loop3A_283 = arith.constant 0 : i32
    %parallel_loop3A_284 = arith.constant 16384 : i32
    %parallel_loop3A_285 = arith.constant 16 : i32
    scf.for %parallel_loop3A_1216 = %parallel_loop3A_283 to %parallel_loop3A_284 step %parallel_loop3A_285  : i32 {
      %parallel_loop3A_1217 = arith.constant 10 : i32
      %parallel_loop3A_1218 = arith.shrsi %parallel_loop3A_1216, %parallel_loop3A_1217 : i32
      %parallel_loop3A_1219 = arith.constant 1023 : i32
      %parallel_loop3A_1220 = arith.andi %parallel_loop3A_1216, %parallel_loop3A_1219 : i32
      %parallel_loop3A_1221 = tpu.assume_multiple %parallel_loop3A_1220, 16 : i32
      %parallel_loop3A_1222 = arith.index_cast %parallel_loop3A_1218 : i32 to index
      %parallel_loop3A_1223 = arith.index_cast %parallel_loop3A_1221 : i32 to index
      %parallel_loop3A_1224 = tpu.vector_load %arg12[%parallel_loop3A_1222, %parallel_loop3A_1223] {strides = array<i32>} : memref<16x1024xf32, #tpu.memory_space<vmem>>, vector<1x16xf32>,
      %parallel_loop3A_1225 = vector.shape_cast %parallel_loop3A_1224 : vector<1x16xf32> to vector<16xf32>
      %parallel_loop3A_1226 = arith.index_cast %parallel_loop3A_1218 : i32 to index
      %parallel_loop3A_1227 = arith.index_cast %parallel_loop3A_1221 : i32 to index
      %parallel_loop3A_1228 = tpu.vector_load %arg6[%parallel_loop3A_1226, %parallel_loop3A_1227] {strides = array<i32>} : memref<16x1024xf32, #tpu.memory_space<vmem>>, vector<1x16xf32>,
      %parallel_loop3A_1229 = vector.shape_cast %parallel_loop3A_1228 : vector<1x16xf32> to vector<16xf32>
      %parallel_loop3A_1230 = vector.shape_cast %parallel_loop3A_1225 : vector<16xf32> to vector<1x16xf32>
      tpu.vector_store %arg6[%parallel_loop3A_1226, %parallel_loop3A_1227], %parallel_loop3A_1230 {add = true, strides = array<i32>} : memref<16x1024xf32, #tpu.memory_space<vmem>>, vector<1x16xf32>,
    } {sc.loop_unroll_factor = 8 : i64, sc.parallel_access}
    %add3A_286 = arith.constant 12288 : i32
    %add3A_287 = arith.addi %add3A_286, %mul3A_2 : i32
    %add3A_288 = arith.constant 16 : i32
    %add3A_289 = arith.addi %add3A_287, %add3A_288 : i32
    %dma_start3A_290 = arith.constant 0 : i32
    %dma_start3A_291 = tpu.memref_slice %arg4[%add3A_289, %dma_start3A_290] : memref<16384x1024xf32, #tpu.memory_space<hbm>> -> memref<16x1024xf32, #tpu.memory_space<hbm>>
    %dma_start3A_292 = arith.constant 0 : i32
    %dma_start3A_293 = tpu.memref_slice %arg4[%add3A_289, %dma_start3A_292] : memref<16384x1024xf32, #tpu.memory_space<hbm>> -> memref<16x1024xf32, #tpu.memory_space<hbm>>
    tpu.enqueue_dma source(%arg6 : memref<16x1024xf32, #tpu.memory_space<vmem>>) target(%dma_start3A_293 : memref<16x1024xf32, #tpu.memory_space<hbm>>) target_semaphore(%arg20 : memref<!tpu.dma_semaphore, #tpu.memory_space<semaphore_mem>>)
    %add3A_294 = arith.constant 0 : i32
    %add3A_295 = arith.addi %add3A_294, %mul3A_2 : i32
    %add3A_296 = arith.constant 16 : i32
    %add3A_297 = arith.addi %add3A_295, %add3A_296 : i32
    %dma_wait3A_298 = arith.constant 0 : i32
    %dma_wait3A_299 = tpu.memref_slice %arg4[%add3A_297, %dma_wait3A_298] : memref<16384x1024xf32, #tpu.memory_space<hbm>> -> memref<16x1024xf32, #tpu.memory_space<hbm>>
    %dma_wait3A_300 = arith.constant 0 : i32
    %dma_wait3A_301 = tpu.memref_slice %arg4[%add3A_297, %dma_wait3A_300] : memref<16384x1024xf32, #tpu.memory_space<hbm>> -> memref<16x1024xf32, #tpu.memory_space<hbm>>
    tpu.wait_dma2 semaphore(%arg23 : memref<!tpu.dma_semaphore, #tpu.memory_space<semaphore_mem>>) src(%arg9 : memref<16x1024xf32, #tpu.memory_space<vmem>>) dst(%dma_wait3A_301 : memref<16x1024xf32, #tpu.memory_space<hbm>>)
    %add3A_302 = arith.constant 8192 : i32
    %add3A_303 = arith.addi %add3A_302, %mul3A_2 : i32
    %add3A_304 = arith.constant 32 : i32
    %add3A_305 = arith.addi %add3A_303, %add3A_304 : i32
    %dma_start3A_306 = arith.constant 0 : i32
    %dma_start3A_307 = tpu.memref_slice %arg2[%add3A_305, %dma_start3A_306] : memref<16384x1024xf32, #tpu.memory_space<hbm>> -> memref<16x1024xf32, #tpu.memory_space<hbm>>
    %dma_start3A_308 = arith.constant 0 : i32
    %dma_start3A_309 = tpu.memref_slice %arg2[%add3A_305, %dma_start3A_308] : memref<16384x1024xf32, #tpu.memory_space<hbm>> -> memref<16x1024xf32, #tpu.memory_space<hbm>>
    tpu.enqueue_dma source(%dma_start3A_309 : memref<16x1024xf32, #tpu.memory_space<hbm>>) target(%arg9 : memref<16x1024xf32, #tpu.memory_space<vmem>>) target_semaphore(%arg17 : memref<!tpu.dma_semaphore, #tpu.memory_space<semaphore_mem>>)
    %add3A_310 = arith.constant 0 : i32
    %add3A_311 = arith.addi %add3A_310, %mul3A_2 : i32
    %add3A_312 = arith.constant 32 : i32
    %add3A_313 = arith.addi %add3A_311, %add3A_312 : i32
    %dma_wait3A_314 = arith.constant 0 : i32
    %dma_wait3A_315 = tpu.memref_slice %arg2[%add3A_313, %dma_wait3A_314] : memref<16384x1024xf32, #tpu.memory_space<hbm>> -> memref<16x1024xf32, #tpu.memory_space<hbm>>
    %dma_wait3A_316 = arith.constant 0 : i32
    %dma_wait3A_317 = tpu.memref_slice %arg2[%add3A_313, %dma_wait3A_316] : memref<16384x1024xf32, #tpu.memory_space<hbm>> -> memref<16x1024xf32, #tpu.memory_space<hbm>>
    tpu.wait_dma2 semaphore(%arg15 : memref<!tpu.dma_semaphore, #tpu.memory_space<semaphore_mem>>) src(%dma_wait3A_317 : memref<16x1024xf32, #tpu.memory_space<hbm>>) dst(%arg7 : memref<16x1024xf32, #tpu.memory_space<vmem>>)
    %add3A_318 = arith.constant 32 : i32
    %add3A_319 = arith.addi %mul3A_2, %add3A_318 : i32
    %dma_wait3A_320 = arith.constant 0 : i32
    %dma_wait3A_321 = tpu.memref_slice %arg3[%add3A_319, %dma_wait3A_320] : memref<8192x1024xf32, #tpu.memory_space<hbm>> -> memref<16x1024xf32, #tpu.memory_space<hbm>>
    %dma_wait3A_322 = arith.constant 0 : i32
    %dma_wait3A_323 = tpu.memref_slice %arg3[%add3A_319, %dma_wait3A_322] : memref<8192x1024xf32, #tpu.memory_space<hbm>> -> memref<16x1024xf32, #tpu.memory_space<hbm>>
    tpu.wait_dma2 semaphore(%arg25 : memref<!tpu.dma_semaphore, #tpu.memory_space<semaphore_mem>>) src(%dma_wait3A_323 : memref<16x1024xf32, #tpu.memory_space<hbm>>) dst(%arg11 : memref<16x1024xf32, #tpu.memory_space<vmem>>)
    %parallel_loop3A_324 = arith.constant 0 : i32
    %parallel_loop3A_325 = arith.constant 16384 : i32
    %parallel_loop3A_326 = arith.constant 16 : i32
    scf.for %parallel_loop3A_1216 = %parallel_loop3A_324 to %parallel_loop3A_325 step %parallel_loop3A_326  : i32 {
      %parallel_loop3A_1217 = arith.constant 10 : i32
      %parallel_loop3A_1218 = arith.shrsi %parallel_loop3A_1216, %parallel_loop3A_1217 : i32
      %parallel_loop3A_1219 = arith.constant 1023 : i32
      %parallel_loop3A_1220 = arith.andi %parallel_loop3A_1216, %parallel_loop3A_1219 : i32
      %parallel_loop3A_1221 = tpu.assume_multiple %parallel_loop3A_1220, 16 : i32
      %parallel_loop3A_1222 = arith.index_cast %parallel_loop3A_1218 : i32 to index
      %parallel_loop3A_1223 = arith.index_cast %parallel_loop3A_1221 : i32 to index
      %parallel_loop3A_1224 = tpu.vector_load %arg11[%parallel_loop3A_1222, %parallel_loop3A_1223] {strides = array<i32>} : memref<16x1024xf32, #tpu.memory_space<vmem>>, vector<1x16xf32>,
      %parallel_loop3A_1225 = vector.shape_cast %parallel_loop3A_1224 : vector<1x16xf32> to vector<16xf32>
      %parallel_loop3A_1226 = arith.index_cast %parallel_loop3A_1218 : i32 to index
      %parallel_loop3A_1227 = arith.index_cast %parallel_loop3A_1221 : i32 to index
      %parallel_loop3A_1228 = tpu.vector_load %arg7[%parallel_loop3A_1226, %parallel_loop3A_1227] {strides = array<i32>} : memref<16x1024xf32, #tpu.memory_space<vmem>>, vector<1x16xf32>,
      %parallel_loop3A_1229 = vector.shape_cast %parallel_loop3A_1228 : vector<1x16xf32> to vector<16xf32>
      %parallel_loop3A_1230 = vector.shape_cast %parallel_loop3A_1225 : vector<16xf32> to vector<1x16xf32>
      tpu.vector_store %arg7[%parallel_loop3A_1226, %parallel_loop3A_1227], %parallel_loop3A_1230 {add = true, strides = array<i32>} : memref<16x1024xf32, #tpu.memory_space<vmem>>, vector<1x16xf32>,
    } {sc.loop_unroll_factor = 8 : i64, sc.parallel_access}
    %add3A_327 = arith.constant 0 : i32
    %add3A_328 = arith.addi %add3A_327, %mul3A_2 : i32
    %add3A_329 = arith.constant 32 : i32
    %add3A_330 = arith.addi %add3A_328, %add3A_329 : i32
    %dma_start3A_331 = arith.constant 0 : i32
    %dma_start3A_332 = tpu.memref_slice %arg4[%add3A_330, %dma_start3A_331] : memref<16384x1024xf32, #tpu.memory_space<hbm>> -> memref<16x1024xf32, #tpu.memory_space<hbm>>
    %dma_start3A_333 = arith.constant 0 : i32
    %dma_start3A_334 = tpu.memref_slice %arg4[%add3A_330, %dma_start3A_333] : memref<16384x1024xf32, #tpu.memory_space<hbm>> -> memref<16x1024xf32, #tpu.memory_space<hbm>>
    tpu.enqueue_dma source(%arg7 : memref<16x1024xf32, #tpu.memory_space<vmem>>) target(%dma_start3A_334 : memref<16x1024xf32, #tpu.memory_space<hbm>>) target_semaphore(%arg21 : memref<!tpu.dma_semaphore, #tpu.memory_space<semaphore_mem>>)
    %add3A_335 = arith.constant 4096 : i32
    %add3A_336 = arith.addi %add3A_335, %mul3A_2 : i32
    %add3A_337 = arith.constant 16 : i32
    %add3A_338 = arith.addi %add3A_336, %add3A_337 : i32
    %dma_wait3A_339 = arith.constant 0 : i32
    %dma_wait3A_340 = tpu.memref_slice %arg4[%add3A_338, %dma_wait3A_339] : memref<16384x1024xf32, #tpu.memory_space<hbm>> -> memref<16x1024xf32, #tpu.memory_space<hbm>>
    %dma_wait3A_341 = arith.constant 0 : i32
    %dma_wait3A_342 = tpu.memref_slice %arg4[%add3A_338, %dma_wait3A_341] : memref<16384x1024xf32, #tpu.memory_space<hbm>> -> memref<16x1024xf32, #tpu.memory_space<hbm>>
    tpu.wait_dma2 semaphore(%arg24 : memref<!tpu.dma_semaphore, #tpu.memory_space<semaphore_mem>>) src(%arg10 : memref<16x1024xf32, #tpu.memory_space<vmem>>) dst(%dma_wait3A_342 : memref<16x1024xf32, #tpu.memory_space<hbm>>)
    %add3A_343 = arith.constant 12288 : i32
    %add3A_344 = arith.addi %add3A_343, %mul3A_2 : i32
    %add3A_345 = arith.constant 32 : i32
    %add3A_346 = arith.addi %add3A_344, %add3A_345 : i32
    %dma_start3A_347 = arith.constant 0 : i32
    %dma_start3A_348 = tpu.memref_slice %arg2[%add3A_346, %dma_start3A_347] : memref<16384x1024xf32, #tpu.memory_space<hbm>> -> memref<16x1024xf32, #tpu.memory_space<hbm>>
    %dma_start3A_349 = arith.constant 0 : i32
    %dma_start3A_350 = tpu.memref_slice %arg2[%add3A_346, %dma_start3A_349] : memref<16384x1024xf32, #tpu.memory_space<hbm>> -> memref<16x1024xf32, #tpu.memory_space<hbm>>
    tpu.enqueue_dma source(%dma_start3A_350 : memref<16x1024xf32, #tpu.memory_space<hbm>>) target(%arg10 : memref<16x1024xf32, #tpu.memory_space<vmem>>) target_semaphore(%arg18 : memref<!tpu.dma_semaphore, #tpu.memory_space<semaphore_mem>>)
    %add3A_351 = arith.constant 4096 : i32
    %add3A_352 = arith.addi %add3A_351, %mul3A_2 : i32
    %add3A_353 = arith.constant 32 : i32
    %add3A_354 = arith.addi %add3A_352, %add3A_353 : i32
    %dma_wait3A_355 = arith.constant 0 : i32
    %dma_wait3A_356 = tpu.memref_slice %arg2[%add3A_354, %dma_wait3A_355] : memref<16384x1024xf32, #tpu.memory_space<hbm>> -> memref<16x1024xf32, #tpu.memory_space<hbm>>
    %dma_wait3A_357 = arith.constant 0 : i32
    %dma_wait3A_358 = tpu.memref_slice %arg2[%add3A_354, %dma_wait3A_357] : memref<16384x1024xf32, #tpu.memory_space<hbm>> -> memref<16x1024xf32, #tpu.memory_space<hbm>>
    tpu.wait_dma2 semaphore(%arg16 : memref<!tpu.dma_semaphore, #tpu.memory_space<semaphore_mem>>) src(%dma_wait3A_358 : memref<16x1024xf32, #tpu.memory_space<hbm>>) dst(%arg8 : memref<16x1024xf32, #tpu.memory_space<vmem>>)
    %parallel_loop3A_359 = arith.constant 0 : i32
    %parallel_loop3A_360 = arith.constant 16384 : i32
    %parallel_loop3A_361 = arith.constant 16 : i32
    scf.for %parallel_loop3A_1216 = %parallel_loop3A_359 to %parallel_loop3A_360 step %parallel_loop3A_361  : i32 {
      %parallel_loop3A_1217 = arith.constant 10 : i32
      %parallel_loop3A_1218 = arith.shrsi %parallel_loop3A_1216, %parallel_loop3A_1217 : i32
      %parallel_loop3A_1219 = arith.constant 1023 : i32
      %parallel_loop3A_1220 = arith.andi %parallel_loop3A_1216, %parallel_loop3A_1219 : i32
      %parallel_loop3A_1221 = tpu.assume_multiple %parallel_loop3A_1220, 16 : i32
      %parallel_loop3A_1222 = arith.index_cast %parallel_loop3A_1218 : i32 to index
      %parallel_loop3A_1223 = arith.index_cast %parallel_loop3A_1221 : i32 to index
      %parallel_loop3A_1224 = tpu.vector_load %arg11[%parallel_loop3A_1222, %parallel_loop3A_1223] {strides = array<i32>} : memref<16x1024xf32, #tpu.memory_space<vmem>>, vector<1x16xf32>,
      %parallel_loop3A_1225 = vector.shape_cast %parallel_loop3A_1224 : vector<1x16xf32> to vector<16xf32>
      %parallel_loop3A_1226 = arith.index_cast %parallel_loop3A_1218 : i32 to index
      %parallel_loop3A_1227 = arith.index_cast %parallel_loop3A_1221 : i32 to index
      %parallel_loop3A_1228 = tpu.vector_load %arg8[%parallel_loop3A_1226, %parallel_loop3A_1227] {strides = array<i32>} : memref<16x1024xf32, #tpu.memory_space<vmem>>, vector<1x16xf32>,
      %parallel_loop3A_1229 = vector.shape_cast %parallel_loop3A_1228 : vector<1x16xf32> to vector<16xf32>
      %parallel_loop3A_1230 = vector.shape_cast %parallel_loop3A_1225 : vector<16xf32> to vector<1x16xf32>
      tpu.vector_store %arg8[%parallel_loop3A_1226, %parallel_loop3A_1227], %parallel_loop3A_1230 {add = true, strides = array<i32>} : memref<16x1024xf32, #tpu.memory_space<vmem>>, vector<1x16xf32>,
    } {sc.loop_unroll_factor = 8 : i64, sc.parallel_access}
    %add3A_362 = arith.constant 4096 : i32
    %add3A_363 = arith.addi %add3A_362, %mul3A_2 : i32
    %add3A_364 = arith.constant 32 : i32
    %add3A_365 = arith.addi %add3A_363, %add3A_364 : i32
    %dma_start3A_366 = arith.constant 0 : i32
    %dma_start3A_367 = tpu.memref_slice %arg4[%add3A_365, %dma_start3A_366] : memref<16384x1024xf32, #tpu.memory_space<hbm>> -> memref<16x1024xf32, #tpu.memory_space<hbm>>
    %dma_start3A_368 = arith.constant 0 : i32
    %dma_start3A_369 = tpu.memref_slice %arg4[%add3A_365, %dma_start3A_368] : memref<16384x1024xf32, #tpu.memory_space<hbm>> -> memref<16x1024xf32, #tpu.memory_space<hbm>>
    tpu.enqueue_dma source(%arg8 : memref<16x1024xf32, #tpu.memory_space<vmem>>) target(%dma_start3A_369 : memref<16x1024xf32, #tpu.memory_space<hbm>>) target_semaphore(%arg22 : memref<!tpu.dma_semaphore, #tpu.memory_space<semaphore_mem>>)
    %add3A_370 = arith.constant 8192 : i32
    %add3A_371 = arith.addi %add3A_370, %mul3A_2 : i32
    %add3A_372 = arith.constant 16 : i32
    %add3A_373 = arith.addi %add3A_371, %add3A_372 : i32
    %dma_wait3A_374 = arith.constant 0 : i32
    %dma_wait3A_375 = tpu.memref_slice %arg4[%add3A_373, %dma_wait3A_374] : memref<16384x1024xf32, #tpu.memory_space<hbm>> -> memref<16x1024xf32, #tpu.memory_space<hbm>>
    %dma_wait3A_376 = arith.constant 0 : i32
    %dma_wait3A_377 = tpu.memref_slice %arg4[%add3A_373, %dma_wait3A_376] : memref<16384x1024xf32, #tpu.memory_space<hbm>> -> memref<16x1024xf32, #tpu.memory_space<hbm>>
    tpu.wait_dma2 semaphore(%arg19 : memref<!tpu.dma_semaphore, #tpu.memory_space<semaphore_mem>>) src(%arg5 : memref<16x1024xf32, #tpu.memory_space<vmem>>) dst(%dma_wait3A_377 : memref<16x1024xf32, #tpu.memory_space<hbm>>)
    %add3A_378 = arith.constant 0 : i32
    %add3A_379 = arith.addi %add3A_378, %mul3A_2 : i32
    %add3A_380 = arith.constant 48 : i32
    %add3A_381 = arith.addi %add3A_379, %add3A_380 : i32
    %dma_start3A_382 = arith.constant 0 : i32
    %dma_start3A_383 = tpu.memref_slice %arg2[%add3A_381, %dma_start3A_382] : memref<16384x1024xf32, #tpu.memory_space<hbm>> -> memref<16x1024xf32, #tpu.memory_space<hbm>>
    %dma_start3A_384 = arith.constant 0 : i32
    %dma_start3A_385 = tpu.memref_slice %arg2[%add3A_381, %dma_start3A_384] : memref<16384x1024xf32, #tpu.memory_space<hbm>> -> memref<16x1024xf32, #tpu.memory_space<hbm>>
    tpu.enqueue_dma source(%dma_start3A_385 : memref<16x1024xf32, #tpu.memory_space<hbm>>) target(%arg5 : memref<16x1024xf32, #tpu.memory_space<vmem>>) target_semaphore(%arg13 : memref<!tpu.dma_semaphore, #tpu.memory_space<semaphore_mem>>)
    %add3A_386 = arith.constant 48 : i32
    %add3A_387 = arith.addi %mul3A_2, %add3A_386 : i32
    %dma_start3A_388 = arith.constant 0 : i32
    %dma_start3A_389 = tpu.memref_slice %arg3[%add3A_387, %dma_start3A_388] : memref<8192x1024xf32, #tpu.memory_space<hbm>> -> memref<16x1024xf32, #tpu.memory_space<hbm>>
    %dma_start3A_390 = arith.constant 0 : i32
    %dma_start3A_391 = tpu.memref_slice %arg3[%add3A_387, %dma_start3A_390] : memref<8192x1024xf32, #tpu.memory_space<hbm>> -> memref<16x1024xf32, #tpu.memory_space<hbm>>
    tpu.enqueue_dma source(%dma_start3A_391 : memref<16x1024xf32, #tpu.memory_space<hbm>>) target(%arg12 : memref<16x1024xf32, #tpu.memory_space<vmem>>) target_semaphore(%arg26 : memref<!tpu.dma_semaphore, #tpu.memory_space<semaphore_mem>>)
    %add3A_392 = arith.constant 8192 : i32
    %add3A_393 = arith.addi %add3A_392, %mul3A_2 : i32
    %add3A_394 = arith.constant 32 : i32
    %add3A_395 = arith.addi %add3A_393, %add3A_394 : i32
    %dma_wait3A_396 = arith.constant 0 : i32
    %dma_wait3A_397 = tpu.memref_slice %arg2[%add3A_395, %dma_wait3A_396] : memref<16384x1024xf32, #tpu.memory_space<hbm>> -> memref<16x1024xf32, #tpu.memory_space<hbm>>
    %dma_wait3A_398 = arith.constant 0 : i32
    %dma_wait3A_399 = tpu.memref_slice %arg2[%add3A_395, %dma_wait3A_398] : memref<16384x1024xf32, #tpu.memory_space<hbm>> -> memref<16x1024xf32, #tpu.memory_space<hbm>>
    tpu.wait_dma2 semaphore(%arg17 : memref<!tpu.dma_semaphore, #tpu.memory_space<semaphore_mem>>) src(%dma_wait3A_399 : memref<16x1024xf32, #tpu.memory_space<hbm>>) dst(%arg9 : memref<16x1024xf32, #tpu.memory_space<vmem>>)
    %parallel_loop3A_400 = arith.constant 0 : i32
    %parallel_loop3A_401 = arith.constant 16384 : i32
    %parallel_loop3A_402 = arith.constant 16 : i32
    scf.for %parallel_loop3A_1216 = %parallel_loop3A_400 to %parallel_loop3A_401 step %parallel_loop3A_402  : i32 {
      %parallel_loop3A_1217 = arith.constant 10 : i32
      %parallel_loop3A_1218 = arith.shrsi %parallel_loop3A_1216, %parallel_loop3A_1217 : i32
      %parallel_loop3A_1219 = arith.constant 1023 : i32
      %parallel_loop3A_1220 = arith.andi %parallel_loop3A_1216, %parallel_loop3A_1219 : i32
      %parallel_loop3A_1221 = tpu.assume_multiple %parallel_loop3A_1220, 16 : i32
      %parallel_loop3A_1222 = arith.index_cast %parallel_loop3A_1218 : i32 to index
      %parallel_loop3A_1223 = arith.index_cast %parallel_loop3A_1221 : i32 to index
      %parallel_loop3A_1224 = tpu.vector_load %arg11[%parallel_loop3A_1222, %parallel_loop3A_1223] {strides = array<i32>} : memref<16x1024xf32, #tpu.memory_space<vmem>>, vector<1x16xf32>,
      %parallel_loop3A_1225 = vector.shape_cast %parallel_loop3A_1224 : vector<1x16xf32> to vector<16xf32>
      %parallel_loop3A_1226 = arith.index_cast %parallel_loop3A_1218 : i32 to index
      %parallel_loop3A_1227 = arith.index_cast %parallel_loop3A_1221 : i32 to index
      %parallel_loop3A_1228 = tpu.vector_load %arg9[%parallel_loop3A_1226, %parallel_loop3A_1227] {strides = array<i32>} : memref<16x1024xf32, #tpu.memory_space<vmem>>, vector<1x16xf32>,
      %parallel_loop3A_1229 = vector.shape_cast %parallel_loop3A_1228 : vector<1x16xf32> to vector<16xf32>
      %parallel_loop3A_1230 = vector.shape_cast %parallel_loop3A_1225 : vector<16xf32> to vector<1x16xf32>
      tpu.vector_store %arg9[%parallel_loop3A_1226, %parallel_loop3A_1227], %parallel_loop3A_1230 {add = true, strides = array<i32>} : memref<16x1024xf32, #tpu.memory_space<vmem>>, vector<1x16xf32>,
    } {sc.loop_unroll_factor = 8 : i64, sc.parallel_access}
    %add3A_403 = arith.constant 8192 : i32
    %add3A_404 = arith.addi %add3A_403, %mul3A_2 : i32
    %add3A_405 = arith.constant 32 : i32
    %add3A_406 = arith.addi %add3A_404, %add3A_405 : i32
    %dma_start3A_407 = arith.constant 0 : i32
    %dma_start3A_408 = tpu.memref_slice %arg4[%add3A_406, %dma_start3A_407] : memref<16384x1024xf32, #tpu.memory_space<hbm>> -> memref<16x1024xf32, #tpu.memory_space<hbm>>
    %dma_start3A_409 = arith.constant 0 : i32
    %dma_start3A_410 = tpu.memref_slice %arg4[%add3A_406, %dma_start3A_409] : memref<16384x1024xf32, #tpu.memory_space<hbm>> -> memref<16x1024xf32, #tpu.memory_space<hbm>>
    tpu.enqueue_dma source(%arg9 : memref<16x1024xf32, #tpu.memory_space<vmem>>) target(%dma_start3A_410 : memref<16x1024xf32, #tpu.memory_space<hbm>>) target_semaphore(%arg23 : memref<!tpu.dma_semaphore, #tpu.memory_space<semaphore_mem>>)
    %add3A_411 = arith.constant 12288 : i32
    %add3A_412 = arith.addi %add3A_411, %mul3A_2 : i32
    %add3A_413 = arith.constant 16 : i32
    %add3A_414 = arith.addi %add3A_412, %add3A_413 : i32
    %dma_wait3A_415 = arith.constant 0 : i32
    %dma_wait3A_416 = tpu.memref_slice %arg4[%add3A_414, %dma_wait3A_415] : memref<16384x1024xf32, #tpu.memory_space<hbm>> -> memref<16x1024xf32, #tpu.memory_space<hbm>>
    %dma_wait3A_417 = arith.constant 0 : i32
    %dma_wait3A_418 = tpu.memref_slice %arg4[%add3A_414, %dma_wait3A_417] : memref<16384x1024xf32, #tpu.memory_space<hbm>> -> memref<16x1024xf32, #tpu.memory_space<hbm>>
    tpu.wait_dma2 semaphore(%arg20 : memref<!tpu.dma_semaphore, #tpu.memory_space<semaphore_mem>>) src(%arg6 : memref<16x1024xf32, #tpu.memory_space<vmem>>) dst(%dma_wait3A_418 : memref<16x1024xf32, #tpu.memory_space<hbm>>)
    %add3A_419 = arith.constant 4096 : i32
    %add3A_420 = arith.addi %add3A_419, %mul3A_2 : i32
    %add3A_421 = arith.constant 48 : i32
    %add3A_422 = arith.addi %add3A_420, %add3A_421 : i32
    %dma_start3A_423 = arith.constant 0 : i32
    %dma_start3A_424 = tpu.memref_slice %arg2[%add3A_422, %dma_start3A_423] : memref<16384x1024xf32, #tpu.memory_space<hbm>> -> memref<16x1024xf32, #tpu.memory_space<hbm>>
    %dma_start3A_425 = arith.constant 0 : i32
    %dma_start3A_426 = tpu.memref_slice %arg2[%add3A_422, %dma_start3A_425] : memref<16384x1024xf32, #tpu.memory_space<hbm>> -> memref<16x1024xf32, #tpu.memory_space<hbm>>
    tpu.enqueue_dma source(%dma_start3A_426 : memref<16x1024xf32, #tpu.memory_space<hbm>>) target(%arg6 : memref<16x1024xf32, #tpu.memory_space<vmem>>) target_semaphore(%arg14 : memref<!tpu.dma_semaphore, #tpu.memory_space<semaphore_mem>>)
    %add3A_427 = arith.constant 12288 : i32
    %add3A_428 = arith.addi %add3A_427, %mul3A_2 : i32
    %add3A_429 = arith.constant 32 : i32
    %add3A_430 = arith.addi %add3A_428, %add3A_429 : i32
    %dma_wait3A_431 = arith.constant 0 : i32
    %dma_wait3A_432 = tpu.memref_slice %arg2[%add3A_430, %dma_wait3A_431] : memref<16384x1024xf32, #tpu.memory_space<hbm>> -> memref<16x1024xf32, #tpu.memory_space<hbm>>
    %dma_wait3A_433 = arith.constant 0 : i32
    %dma_wait3A_434 = tpu.memref_slice %arg2[%add3A_430, %dma_wait3A_433] : memref<16384x1024xf32, #tpu.memory_space<hbm>> -> memref<16x1024xf32, #tpu.memory_space<hbm>>
    tpu.wait_dma2 semaphore(%arg18 : memref<!tpu.dma_semaphore, #tpu.memory_space<semaphore_mem>>) src(%dma_wait3A_434 : memref<16x1024xf32, #tpu.memory_space<hbm>>) dst(%arg10 : memref<16x1024xf32, #tpu.memory_space<vmem>>)
    %parallel_loop3A_435 = arith.constant 0 : i32
    %parallel_loop3A_436 = arith.constant 16384 : i32
    %parallel_loop3A_437 = arith.constant 16 : i32
    scf.for %parallel_loop3A_1216 = %parallel_loop3A_435 to %parallel_loop3A_436 step %parallel_loop3A_437  : i32 {
      %parallel_loop3A_1217 = arith.constant 10 : i32
      %parallel_loop3A_1218 = arith.shrsi %parallel_loop3A_1216, %parallel_loop3A_1217 : i32
      %parallel_loop3A_1219 = arith.constant 1023 : i32
      %parallel_loop3A_1220 = arith.andi %parallel_loop3A_1216, %parallel_loop3A_1219 : i32
      %parallel_loop3A_1221 = tpu.assume_multiple %parallel_loop3A_1220, 16 : i32
      %parallel_loop3A_1222 = arith.index_cast %parallel_loop3A_1218 : i32 to index
      %parallel_loop3A_1223 = arith.index_cast %parallel_loop3A_1221 : i32 to index
      %parallel_loop3A_1224 = tpu.vector_load %arg11[%parallel_loop3A_1222, %parallel_loop3A_1223] {strides = array<i32>} : memref<16x1024xf32, #tpu.memory_space<vmem>>, vector<1x16xf32>,
      %parallel_loop3A_1225 = vector.shape_cast %parallel_loop3A_1224 : vector<1x16xf32> to vector<16xf32>
      %parallel_loop3A_1226 = arith.index_cast %parallel_loop3A_1218 : i32 to index
      %parallel_loop3A_1227 = arith.index_cast %parallel_loop3A_1221 : i32 to index
      %parallel_loop3A_1228 = tpu.vector_load %arg10[%parallel_loop3A_1226, %parallel_loop3A_1227] {strides = array<i32>} : memref<16x1024xf32, #tpu.memory_space<vmem>>, vector<1x16xf32>,
      %parallel_loop3A_1229 = vector.shape_cast %parallel_loop3A_1228 : vector<1x16xf32> to vector<16xf32>
      %parallel_loop3A_1230 = vector.shape_cast %parallel_loop3A_1225 : vector<16xf32> to vector<1x16xf32>
      tpu.vector_store %arg10[%parallel_loop3A_1226, %parallel_loop3A_1227], %parallel_loop3A_1230 {add = true, strides = array<i32>} : memref<16x1024xf32, #tpu.memory_space<vmem>>, vector<1x16xf32>,
    } {sc.loop_unroll_factor = 8 : i64, sc.parallel_access}
    %add3A_438 = arith.constant 12288 : i32
    %add3A_439 = arith.addi %add3A_438, %mul3A_2 : i32
    %add3A_440 = arith.constant 32 : i32
    %add3A_441 = arith.addi %add3A_439, %add3A_440 : i32
    %dma_start3A_442 = arith.constant 0 : i32
    %dma_start3A_443 = tpu.memref_slice %arg4[%add3A_441, %dma_start3A_442] : memref<16384x1024xf32, #tpu.memory_space<hbm>> -> memref<16x1024xf32, #tpu.memory_space<hbm>>
    %dma_start3A_444 = arith.constant 0 : i32
    %dma_start3A_445 = tpu.memref_slice %arg4[%add3A_441, %dma_start3A_444] : memref<16384x1024xf32, #tpu.memory_space<hbm>> -> memref<16x1024xf32, #tpu.memory_space<hbm>>
    tpu.enqueue_dma source(%arg10 : memref<16x1024xf32, #tpu.memory_space<vmem>>) target(%dma_start3A_445 : memref<16x1024xf32, #tpu.memory_space<hbm>>) target_semaphore(%arg24 : memref<!tpu.dma_semaphore, #tpu.memory_space<semaphore_mem>>)
    %add3A_446 = arith.constant 0 : i32
    %add3A_447 = arith.addi %add3A_446, %mul3A_2 : i32
    %add3A_448 = arith.constant 32 : i32
    %add3A_449 = arith.addi %add3A_447, %add3A_448 : i32
    %dma_wait3A_450 = arith.constant 0 : i32
    %dma_wait3A_451 = tpu.memref_slice %arg4[%add3A_449, %dma_wait3A_450] : memref<16384x1024xf32, #tpu.memory_space<hbm>> -> memref<16x1024xf32, #tpu.memory_space<hbm>>
    %dma_wait3A_452 = arith.constant 0 : i32
    %dma_wait3A_453 = tpu.memref_slice %arg4[%add3A_449, %dma_wait3A_452] : memref<16384x1024xf32, #tpu.memory_space<hbm>> -> memref<16x1024xf32, #tpu.memory_space<hbm>>
    tpu.wait_dma2 semaphore(%arg21 : memref<!tpu.dma_semaphore, #tpu.memory_space<semaphore_mem>>) src(%arg7 : memref<16x1024xf32, #tpu.memory_space<vmem>>) dst(%dma_wait3A_453 : memref<16x1024xf32, #tpu.memory_space<hbm>>)
    %add3A_454 = arith.constant 8192 : i32
    %add3A_455 = arith.addi %add3A_454, %mul3A_2 : i32
    %add3A_456 = arith.constant 48 : i32
    %add3A_457 = arith.addi %add3A_455, %add3A_456 : i32
    %dma_start3A_458 = arith.constant 0 : i32
    %dma_start3A_459 = tpu.memref_slice %arg2[%add3A_457, %dma_start3A_458] : memref<16384x1024xf32, #tpu.memory_space<hbm>> -> memref<16x1024xf32, #tpu.memory_space<hbm>>
    %dma_start3A_460 = arith.constant 0 : i32
    %dma_start3A_461 = tpu.memref_slice %arg2[%add3A_457, %dma_start3A_460] : memref<16384x1024xf32, #tpu.memory_space<hbm>> -> memref<16x1024xf32, #tpu.memory_space<hbm>>
    tpu.enqueue_dma source(%dma_start3A_461 : memref<16x1024xf32, #tpu.memory_space<hbm>>) target(%arg7 : memref<16x1024xf32, #tpu.memory_space<vmem>>) target_semaphore(%arg15 : memref<!tpu.dma_semaphore, #tpu.memory_space<semaphore_mem>>)
    %add3A_462 = arith.constant 0 : i32
    %add3A_463 = arith.addi %add3A_462, %mul3A_2 : i32
    %add3A_464 = arith.constant 48 : i32
    %add3A_465 = arith.addi %add3A_463, %add3A_464 : i32
    %dma_wait3A_466 = arith.constant 0 : i32
    %dma_wait3A_467 = tpu.memref_slice %arg2[%add3A_465, %dma_wait3A_466] : memref<16384x1024xf32, #tpu.memory_space<hbm>> -> memref<16x1024xf32, #tpu.memory_space<hbm>>
    %dma_wait3A_468 = arith.constant 0 : i32
    %dma_wait3A_469 = tpu.memref_slice %arg2[%add3A_465, %dma_wait3A_468] : memref<16384x1024xf32, #tpu.memory_space<hbm>> -> memref<16x1024xf32, #tpu.memory_space<hbm>>
    tpu.wait_dma2 semaphore(%arg13 : memref<!tpu.dma_semaphore, #tpu.memory_space<semaphore_mem>>) src(%dma_wait3A_469 : memref<16x1024xf32, #tpu.memory_space<hbm>>) dst(%arg5 : memref<16x1024xf32, #tpu.memory_space<vmem>>)
    %add3A_470 = arith.constant 48 : i32
    %add3A_471 = arith.addi %mul3A_2, %add3A_470 : i32
    %dma_wait3A_472 = arith.constant 0 : i32
    %dma_wait3A_473 = tpu.memref_slice %arg3[%add3A_471, %dma_wait3A_472] : memref<8192x1024xf32, #tpu.memory_space<hbm>> -> memref<16x1024xf32, #tpu.memory_space<hbm>>
    %dma_wait3A_474 = arith.constant 0 : i32
    %dma_wait3A_475 = tpu.memref_slice %arg3[%add3A_471, %dma_wait3A_474] : memref<8192x1024xf32, #tpu.memory_space<hbm>> -> memref<16x1024xf32, #tpu.memory_space<hbm>>
    tpu.wait_dma2 semaphore(%arg26 : memref<!tpu.dma_semaphore, #tpu.memory_space<semaphore_mem>>) src(%dma_wait3A_475 : memref<16x1024xf32, #tpu.memory_space<hbm>>) dst(%arg12 : memref<16x1024xf32, #tpu.memory_space<vmem>>)
    %parallel_loop3A_476 = arith.constant 0 : i32
    %parallel_loop3A_477 = arith.constant 16384 : i32
    %parallel_loop3A_478 = arith.constant 16 : i32
    scf.for %parallel_loop3A_1216 = %parallel_loop3A_476 to %parallel_loop3A_477 step %parallel_loop3A_478  : i32 {
      %parallel_loop3A_1217 = arith.constant 10 : i32
      %parallel_loop3A_1218 = arith.shrsi %parallel_loop3A_1216, %parallel_loop3A_1217 : i32
      %parallel_loop3A_1219 = arith.constant 1023 : i32
      %parallel_loop3A_1220 = arith.andi %parallel_loop3A_1216, %parallel_loop3A_1219 : i32
      %parallel_loop3A_1221 = tpu.assume_multiple %parallel_loop3A_1220, 16 : i32
      %parallel_loop3A_1222 = arith.index_cast %parallel_loop3A_1218 : i32 to index
      %parallel_loop3A_1223 = arith.index_cast %parallel_loop3A_1221 : i32 to index
      %parallel_loop3A_1224 = tpu.vector_load %arg12[%parallel_loop3A_1222, %parallel_loop3A_1223] {strides = array<i32>} : memref<16x1024xf32, #tpu.memory_space<vmem>>, vector<1x16xf32>,
      %parallel_loop3A_1225 = vector.shape_cast %parallel_loop3A_1224 : vector<1x16xf32> to vector<16xf32>
      %parallel_loop3A_1226 = arith.index_cast %parallel_loop3A_1218 : i32 to index
      %parallel_loop3A_1227 = arith.index_cast %parallel_loop3A_1221 : i32 to index
      %parallel_loop3A_1228 = tpu.vector_load %arg5[%parallel_loop3A_1226, %parallel_loop3A_1227] {strides = array<i32>} : memref<16x1024xf32, #tpu.memory_space<vmem>>, vector<1x16xf32>,
      %parallel_loop3A_1229 = vector.shape_cast %parallel_loop3A_1228 : vector<1x16xf32> to vector<16xf32>
      %parallel_loop3A_1230 = vector.shape_cast %parallel_loop3A_1225 : vector<16xf32> to vector<1x16xf32>
      tpu.vector_store %arg5[%parallel_loop3A_1226, %parallel_loop3A_1227], %parallel_loop3A_1230 {add = true, strides = array<i32>} : memref<16x1024xf32, #tpu.memory_space<vmem>>, vector<1x16xf32>,
    } {sc.loop_unroll_factor = 8 : i64, sc.parallel_access}
    %add3A_479 = arith.constant 0 : i32
    %add3A_480 = arith.addi %add3A_479, %mul3A_2 : i32
    %add3A_481 = arith.constant 48 : i32
    %add3A_482 = arith.addi %add3A_480, %add3A_481 : i32
    %dma_start3A_483 = arith.constant 0 : i32
    %dma_start3A_484 = tpu.memref_slice %arg4[%add3A_482, %dma_start3A_483] : memref<16384x1024xf32, #tpu.memory_space<hbm>> -> memref<16x1024xf32, #tpu.memory_space<hbm>>
    %dma_start3A_485 = arith.constant 0 : i32
    %dma_start3A_486 = tpu.memref_slice %arg4[%add3A_482, %dma_start3A_485] : memref<16384x1024xf32, #tpu.memory_space<hbm>> -> memref<16x1024xf32, #tpu.memory_space<hbm>>
    tpu.enqueue_dma source(%arg5 : memref<16x1024xf32, #tpu.memory_space<vmem>>) target(%dma_start3A_486 : memref<16x1024xf32, #tpu.memory_space<hbm>>) target_semaphore(%arg19 : memref<!tpu.dma_semaphore, #tpu.memory_space<semaphore_mem>>)
    %add3A_487 = arith.constant 4096 : i32
    %add3A_488 = arith.addi %add3A_487, %mul3A_2 : i32
    %add3A_489 = arith.constant 32 : i32
    %add3A_490 = arith.addi %add3A_488, %add3A_489 : i32
    %dma_wait3A_491 = arith.constant 0 : i32
    %dma_wait3A_492 = tpu.memref_slice %arg4[%add3A_490, %dma_wait3A_491] : memref<16384x1024xf32, #tpu.memory_space<hbm>> -> memref<16x1024xf32, #tpu.memory_space<hbm>>
    %dma_wait3A_493 = arith.constant 0 : i32
    %dma_wait3A_494 = tpu.memref_slice %arg4[%add3A_490, %dma_wait3A_493] : memref<16384x1024xf32, #tpu.memory_space<hbm>> -> memref<16x1024xf32, #tpu.memory_space<hbm>>
    tpu.wait_dma2 semaphore(%arg22 : memref<!tpu.dma_semaphore, #tpu.memory_space<semaphore_mem>>) src(%arg8 : memref<16x1024xf32, #tpu.memory_space<vmem>>) dst(%dma_wait3A_494 : memref<16x1024xf32, #tpu.memory_space<hbm>>)
    %add3A_495 = arith.constant 12288 : i32
    %add3A_496 = arith.addi %add3A_495, %mul3A_2 : i32
    %add3A_497 = arith.constant 48 : i32
    %add3A_498 = arith.addi %add3A_496, %add3A_497 : i32
    %dma_start3A_499 = arith.constant 0 : i32
    %dma_start3A_500 = tpu.memref_slice %arg2[%add3A_498, %dma_start3A_499] : memref<16384x1024xf32, #tpu.memory_space<hbm>> -> memref<16x1024xf32, #tpu.memory_space<hbm>>
    %dma_start3A_501 = arith.constant 0 : i32
    %dma_start3A_502 = tpu.memref_slice %arg2[%add3A_498, %dma_start3A_501] : memref<16384x1024xf32, #tpu.memory_space<hbm>> -> memref<16x1024xf32, #tpu.memory_space<hbm>>
    tpu.enqueue_dma source(%dma_start3A_502 : memref<16x1024xf32, #tpu.memory_space<hbm>>) target(%arg8 : memref<16x1024xf32, #tpu.memory_space<vmem>>) target_semaphore(%arg16 : memref<!tpu.dma_semaphore, #tpu.memory_space<semaphore_mem>>)
    %add3A_503 = arith.constant 4096 : i32
    %add3A_504 = arith.addi %add3A_503, %mul3A_2 : i32
    %add3A_505 = arith.constant 48 : i32
    %add3A_506 = arith.addi %add3A_504, %add3A_505 : i32
    %dma_wait3A_507 = arith.constant 0 : i32
    %dma_wait3A_508 = tpu.memref_slice %arg2[%add3A_506, %dma_wait3A_507] : memref<16384x1024xf32, #tpu.memory_space<hbm>> -> memref<16x1024xf32, #tpu.memory_space<hbm>>
    %dma_wait3A_509 = arith.constant 0 : i32
    %dma_wait3A_510 = tpu.memref_slice %arg2[%add3A_506, %dma_wait3A_509] : memref<16384x1024xf32, #tpu.memory_space<hbm>> -> memref<16x1024xf32, #tpu.memory_space<hbm>>
    tpu.wait_dma2 semaphore(%arg14 : memref<!tpu.dma_semaphore, #tpu.memory_space<semaphore_mem>>) src(%dma_wait3A_510 : memref<16x1024xf32, #tpu.memory_space<hbm>>) dst(%arg6 : memref<16x1024xf32, #tpu.memory_space<vmem>>)
    %parallel_loop3A_511 = arith.constant 0 : i32
    %parallel_loop3A_512 = arith.constant 16384 : i32
    %parallel_loop3A_513 = arith.constant 16 : i32
    scf.for %parallel_loop3A_1216 = %parallel_loop3A_511 to %parallel_loop3A_512 step %parallel_loop3A_513  : i32 {
      %parallel_loop3A_1217 = arith.constant 10 : i32
      %parallel_loop3A_1218 = arith.shrsi %parallel_loop3A_1216, %parallel_loop3A_1217 : i32
      %parallel_loop3A_1219 = arith.constant 1023 : i32
      %parallel_loop3A_1220 = arith.andi %parallel_loop3A_1216, %parallel_loop3A_1219 : i32
      %parallel_loop3A_1221 = tpu.assume_multiple %parallel_loop3A_1220, 16 : i32
      %parallel_loop3A_1222 = arith.index_cast %parallel_loop3A_1218 : i32 to index
      %parallel_loop3A_1223 = arith.index_cast %parallel_loop3A_1221 : i32 to index
      %parallel_loop3A_1224 = tpu.vector_load %arg12[%parallel_loop3A_1222, %parallel_loop3A_1223] {strides = array<i32>} : memref<16x1024xf32, #tpu.memory_space<vmem>>, vector<1x16xf32>,
      %parallel_loop3A_1225 = vector.shape_cast %parallel_loop3A_1224 : vector<1x16xf32> to vector<16xf32>
      %parallel_loop3A_1226 = arith.index_cast %parallel_loop3A_1218 : i32 to index
      %parallel_loop3A_1227 = arith.index_cast %parallel_loop3A_1221 : i32 to index
      %parallel_loop3A_1228 = tpu.vector_load %arg6[%parallel_loop3A_1226, %parallel_loop3A_1227] {strides = array<i32>} : memref<16x1024xf32, #tpu.memory_space<vmem>>, vector<1x16xf32>,
      %parallel_loop3A_1229 = vector.shape_cast %parallel_loop3A_1228 : vector<1x16xf32> to vector<16xf32>
      %parallel_loop3A_1230 = vector.shape_cast %parallel_loop3A_1225 : vector<16xf32> to vector<1x16xf32>
      tpu.vector_store %arg6[%parallel_loop3A_1226, %parallel_loop3A_1227], %parallel_loop3A_1230 {add = true, strides = array<i32>} : memref<16x1024xf32, #tpu.memory_space<vmem>>, vector<1x16xf32>,
    } {sc.loop_unroll_factor = 8 : i64, sc.parallel_access}
    %add3A_514 = arith.constant 4096 : i32
    %add3A_515 = arith.addi %add3A_514, %mul3A_2 : i32
    %add3A_516 = arith.constant 48 : i32
    %add3A_517 = arith.addi %add3A_515, %add3A_516 : i32
    %dma_start3A_518 = arith.constant 0 : i32
    %dma_start3A_519 = tpu.memref_slice %arg4[%add3A_517, %dma_start3A_518] : memref<16384x1024xf32, #tpu.memory_space<hbm>> -> memref<16x1024xf32, #tpu.memory_space<hbm>>
    %dma_start3A_520 = arith.constant 0 : i32
    %dma_start3A_521 = tpu.memref_slice %arg4[%add3A_517, %dma_start3A_520] : memref<16384x1024xf32, #tpu.memory_space<hbm>> -> memref<16x1024xf32, #tpu.memory_space<hbm>>
    tpu.enqueue_dma source(%arg6 : memref<16x1024xf32, #tpu.memory_space<vmem>>) target(%dma_start3A_521 : memref<16x1024xf32, #tpu.memory_space<hbm>>) target_semaphore(%arg20 : memref<!tpu.dma_semaphore, #tpu.memory_space<semaphore_mem>>)
    %add3A_522 = arith.constant 8192 : i32
    %add3A_523 = arith.addi %add3A_522, %mul3A_2 : i32
    %add3A_524 = arith.constant 32 : i32
    %add3A_525 = arith.addi %add3A_523, %add3A_524 : i32
    %dma_wait3A_526 = arith.constant 0 : i32
    %dma_wait3A_527 = tpu.memref_slice %arg4[%add3A_525, %dma_wait3A_526] : memref<16384x1024xf32, #tpu.memory_space<hbm>> -> memref<16x1024xf32, #tpu.memory_space<hbm>>
    %dma_wait3A_528 = arith.constant 0 : i32
    %dma_wait3A_529 = tpu.memref_slice %arg4[%add3A_525, %dma_wait3A_528] : memref<16384x1024xf32, #tpu.memory_space<hbm>> -> memref<16x1024xf32, #tpu.memory_space<hbm>>
    tpu.wait_dma2 semaphore(%arg23 : memref<!tpu.dma_semaphore, #tpu.memory_space<semaphore_mem>>) src(%arg9 : memref<16x1024xf32, #tpu.memory_space<vmem>>) dst(%dma_wait3A_529 : memref<16x1024xf32, #tpu.memory_space<hbm>>)
    %add3A_530 = arith.constant 0 : i32
    %add3A_531 = arith.addi %add3A_530, %mul3A_2 : i32
    %add3A_532 = arith.constant 64 : i32
    %add3A_533 = arith.addi %add3A_531, %add3A_532 : i32
    %dma_start3A_534 = arith.constant 0 : i32
    %dma_start3A_535 = tpu.memref_slice %arg2[%add3A_533, %dma_start3A_534] : memref<16384x1024xf32, #tpu.memory_space<hbm>> -> memref<16x1024xf32, #tpu.memory_space<hbm>>
    %dma_start3A_536 = arith.constant 0 : i32
    %dma_start3A_537 = tpu.memref_slice %arg2[%add3A_533, %dma_start3A_536] : memref<16384x1024xf32, #tpu.memory_space<hbm>> -> memref<16x1024xf32, #tpu.memory_space<hbm>>
    tpu.enqueue_dma source(%dma_start3A_537 : memref<16x1024xf32, #tpu.memory_space<hbm>>) target(%arg9 : memref<16x1024xf32, #tpu.memory_space<vmem>>) target_semaphore(%arg17 : memref<!tpu.dma_semaphore, #tpu.memory_space<semaphore_mem>>)
    %add3A_538 = arith.constant 64 : i32
    %add3A_539 = arith.addi %mul3A_2, %add3A_538 : i32
    %dma_start3A_540 = arith.constant 0 : i32
    %dma_start3A_541 = tpu.memref_slice %arg3[%add3A_539, %dma_start3A_540] : memref<8192x1024xf32, #tpu.memory_space<hbm>> -> memref<16x1024xf32, #tpu.memory_space<hbm>>
    %dma_start3A_542 = arith.constant 0 : i32
    %dma_start3A_543 = tpu.memref_slice %arg3[%add3A_539, %dma_start3A_542] : memref<8192x1024xf32, #tpu.memory_space<hbm>> -> memref<16x1024xf32, #tpu.memory_space<hbm>>
    tpu.enqueue_dma source(%dma_start3A_543 : memref<16x1024xf32, #tpu.memory_space<hbm>>) target(%arg11 : memref<16x1024xf32, #tpu.memory_space<vmem>>) target_semaphore(%arg25 : memref<!tpu.dma_semaphore, #tpu.memory_space<semaphore_mem>>)
    %add3A_544 = arith.constant 8192 : i32
    %add3A_545 = arith.addi %add3A_544, %mul3A_2 : i32
    %add3A_546 = arith.constant 48 : i32
    %add3A_547 = arith.addi %add3A_545, %add3A_546 : i32
    %dma_wait3A_548 = arith.constant 0 : i32
    %dma_wait3A_549 = tpu.memref_slice %arg2[%add3A_547, %dma_wait3A_548] : memref<16384x1024xf32, #tpu.memory_space<hbm>> -> memref<16x1024xf32, #tpu.memory_space<hbm>>
    %dma_wait3A_550 = arith.constant 0 : i32
    %dma_wait3A_551 = tpu.memref_slice %arg2[%add3A_547, %dma_wait3A_550] : memref<16384x1024xf32, #tpu.memory_space<hbm>> -> memref<16x1024xf32, #tpu.memory_space<hbm>>
    tpu.wait_dma2 semaphore(%arg15 : memref<!tpu.dma_semaphore, #tpu.memory_space<semaphore_mem>>) src(%dma_wait3A_551 : memref<16x1024xf32, #tpu.memory_space<hbm>>) dst(%arg7 : memref<16x1024xf32, #tpu.memory_space<vmem>>)
    %parallel_loop3A_552 = arith.constant 0 : i32
    %parallel_loop3A_553 = arith.constant 16384 : i32
    %parallel_loop3A_554 = arith.constant 16 : i32
    scf.for %parallel_loop3A_1216 = %parallel_loop3A_552 to %parallel_loop3A_553 step %parallel_loop3A_554  : i32 {
      %parallel_loop3A_1217 = arith.constant 10 : i32
      %parallel_loop3A_1218 = arith.shrsi %parallel_loop3A_1216, %parallel_loop3A_1217 : i32
      %parallel_loop3A_1219 = arith.constant 1023 : i32
      %parallel_loop3A_1220 = arith.andi %parallel_loop3A_1216, %parallel_loop3A_1219 : i32
      %parallel_loop3A_1221 = tpu.assume_multiple %parallel_loop3A_1220, 16 : i32
      %parallel_loop3A_1222 = arith.index_cast %parallel_loop3A_1218 : i32 to index
      %parallel_loop3A_1223 = arith.index_cast %parallel_loop3A_1221 : i32 to index
      %parallel_loop3A_1224 = tpu.vector_load %arg12[%parallel_loop3A_1222, %parallel_loop3A_1223] {strides = array<i32>} : memref<16x1024xf32, #tpu.memory_space<vmem>>, vector<1x16xf32>,
      %parallel_loop3A_1225 = vector.shape_cast %parallel_loop3A_1224 : vector<1x16xf32> to vector<16xf32>
      %parallel_loop3A_1226 = arith.index_cast %parallel_loop3A_1218 : i32 to index
      %parallel_loop3A_1227 = arith.index_cast %parallel_loop3A_1221 : i32 to index
      %parallel_loop3A_1228 = tpu.vector_load %arg7[%parallel_loop3A_1226, %parallel_loop3A_1227] {strides = array<i32>} : memref<16x1024xf32, #tpu.memory_space<vmem>>, vector<1x16xf32>,
      %parallel_loop3A_1229 = vector.shape_cast %parallel_loop3A_1228 : vector<1x16xf32> to vector<16xf32>
      %parallel_loop3A_1230 = vector.shape_cast %parallel_loop3A_1225 : vector<16xf32> to vector<1x16xf32>
      tpu.vector_store %arg7[%parallel_loop3A_1226, %parallel_loop3A_1227], %parallel_loop3A_1230 {add = true, strides = array<i32>} : memref<16x1024xf32, #tpu.memory_space<vmem>>, vector<1x16xf32>,
    } {sc.loop_unroll_factor = 8 : i64, sc.parallel_access}
    %add3A_555 = arith.constant 8192 : i32
    %add3A_556 = arith.addi %add3A_555, %mul3A_2 : i32
    %add3A_557 = arith.constant 48 : i32
    %add3A_558 = arith.addi %add3A_556, %add3A_557 : i32
    %dma_start3A_559 = arith.constant 0 : i32
    %dma_start3A_560 = tpu.memref_slice %arg4[%add3A_558, %dma_start3A_559] : memref<16384x1024xf32, #tpu.memory_space<hbm>> -> memref<16x1024xf32, #tpu.memory_space<hbm>>
    %dma_start3A_561 = arith.constant 0 : i32
    %dma_start3A_562 = tpu.memref_slice %arg4[%add3A_558, %dma_start3A_561] : memref<16384x1024xf32, #tpu.memory_space<hbm>> -> memref<16x1024xf32, #tpu.memory_space<hbm>>
    tpu.enqueue_dma source(%arg7 : memref<16x1024xf32, #tpu.memory_space<vmem>>) target(%dma_start3A_562 : memref<16x1024xf32, #tpu.memory_space<hbm>>) target_semaphore(%arg21 : memref<!tpu.dma_semaphore, #tpu.memory_space<semaphore_mem>>)
    %add3A_563 = arith.constant 12288 : i32
    %add3A_564 = arith.addi %add3A_563, %mul3A_2 : i32
    %add3A_565 = arith.constant 32 : i32
    %add3A_566 = arith.addi %add3A_564, %add3A_565 : i32
    %dma_wait3A_567 = arith.constant 0 : i32
    %dma_wait3A_568 = tpu.memref_slice %arg4[%add3A_566, %dma_wait3A_567] : memref<16384x1024xf32, #tpu.memory_space<hbm>> -> memref<16x1024xf32, #tpu.memory_space<hbm>>
    %dma_wait3A_569 = arith.constant 0 : i32
    %dma_wait3A_570 = tpu.memref_slice %arg4[%add3A_566, %dma_wait3A_569] : memref<16384x1024xf32, #tpu.memory_space<hbm>> -> memref<16x1024xf32, #tpu.memory_space<hbm>>
    tpu.wait_dma2 semaphore(%arg24 : memref<!tpu.dma_semaphore, #tpu.memory_space<semaphore_mem>>) src(%arg10 : memref<16x1024xf32, #tpu.memory_space<vmem>>) dst(%dma_wait3A_570 : memref<16x1024xf32, #tpu.memory_space<hbm>>)
    %add3A_571 = arith.constant 4096 : i32
    %add3A_572 = arith.addi %add3A_571, %mul3A_2 : i32
    %add3A_573 = arith.constant 64 : i32
    %add3A_574 = arith.addi %add3A_572, %add3A_573 : i32
    %dma_start3A_575 = arith.constant 0 : i32
    %dma_start3A_576 = tpu.memref_slice %arg2[%add3A_574, %dma_start3A_575] : memref<16384x1024xf32, #tpu.memory_space<hbm>> -> memref<16x1024xf32, #tpu.memory_space<hbm>>
    %dma_start3A_577 = arith.constant 0 : i32
    %dma_start3A_578 = tpu.memref_slice %arg2[%add3A_574, %dma_start3A_577] : memref<16384x1024xf32, #tpu.memory_space<hbm>> -> memref<16x1024xf32, #tpu.memory_space<hbm>>
    tpu.enqueue_dma source(%dma_start3A_578 : memref<16x1024xf32, #tpu.memory_space<hbm>>) target(%arg10 : memref<16x1024xf32, #tpu.memory_space<vmem>>) target_semaphore(%arg18 : memref<!tpu.dma_semaphore, #tpu.memory_space<semaphore_mem>>)
    %add3A_579 = arith.constant 12288 : i32
    %add3A_580 = arith.addi %add3A_579, %mul3A_2 : i32
    %add3A_581 = arith.constant 48 : i32
    %add3A_582 = arith.addi %add3A_580, %add3A_581 : i32
    %dma_wait3A_583 = arith.constant 0 : i32
    %dma_wait3A_584 = tpu.memref_slice %arg2[%add3A_582, %dma_wait3A_583] : memref<16384x1024xf32, #tpu.memory_space<hbm>> -> memref<16x1024xf32, #tpu.memory_space<hbm>>
    %dma_wait3A_585 = arith.constant 0 : i32
    %dma_wait3A_586 = tpu.memref_slice %arg2[%add3A_582, %dma_wait3A_585] : memref<16384x1024xf32, #tpu.memory_space<hbm>> -> memref<16x1024xf32, #tpu.memory_space<hbm>>
    tpu.wait_dma2 semaphore(%arg16 : memref<!tpu.dma_semaphore, #tpu.memory_space<semaphore_mem>>) src(%dma_wait3A_586 : memref<16x1024xf32, #tpu.memory_space<hbm>>) dst(%arg8 : memref<16x1024xf32, #tpu.memory_space<vmem>>)
    %parallel_loop3A_587 = arith.constant 0 : i32
    %parallel_loop3A_588 = arith.constant 16384 : i32
    %parallel_loop3A_589 = arith.constant 16 : i32
    scf.for %parallel_loop3A_1216 = %parallel_loop3A_587 to %parallel_loop3A_588 step %parallel_loop3A_589  : i32 {
      %parallel_loop3A_1217 = arith.constant 10 : i32
      %parallel_loop3A_1218 = arith.shrsi %parallel_loop3A_1216, %parallel_loop3A_1217 : i32
      %parallel_loop3A_1219 = arith.constant 1023 : i32
      %parallel_loop3A_1220 = arith.andi %parallel_loop3A_1216, %parallel_loop3A_1219 : i32
      %parallel_loop3A_1221 = tpu.assume_multiple %parallel_loop3A_1220, 16 : i32
      %parallel_loop3A_1222 = arith.index_cast %parallel_loop3A_1218 : i32 to index
      %parallel_loop3A_1223 = arith.index_cast %parallel_loop3A_1221 : i32 to index
      %parallel_loop3A_1224 = tpu.vector_load %arg12[%parallel_loop3A_1222, %parallel_loop3A_1223] {strides = array<i32>} : memref<16x1024xf32, #tpu.memory_space<vmem>>, vector<1x16xf32>,
      %parallel_loop3A_1225 = vector.shape_cast %parallel_loop3A_1224 : vector<1x16xf32> to vector<16xf32>
      %parallel_loop3A_1226 = arith.index_cast %parallel_loop3A_1218 : i32 to index
      %parallel_loop3A_1227 = arith.index_cast %parallel_loop3A_1221 : i32 to index
      %parallel_loop3A_1228 = tpu.vector_load %arg8[%parallel_loop3A_1226, %parallel_loop3A_1227] {strides = array<i32>} : memref<16x1024xf32, #tpu.memory_space<vmem>>, vector<1x16xf32>,
      %parallel_loop3A_1229 = vector.shape_cast %parallel_loop3A_1228 : vector<1x16xf32> to vector<16xf32>
      %parallel_loop3A_1230 = vector.shape_cast %parallel_loop3A_1225 : vector<16xf32> to vector<1x16xf32>
      tpu.vector_store %arg8[%parallel_loop3A_1226, %parallel_loop3A_1227], %parallel_loop3A_1230 {add = true, strides = array<i32>} : memref<16x1024xf32, #tpu.memory_space<vmem>>, vector<1x16xf32>,
    } {sc.loop_unroll_factor = 8 : i64, sc.parallel_access}
    %add3A_590 = arith.constant 12288 : i32
    %add3A_591 = arith.addi %add3A_590, %mul3A_2 : i32
    %add3A_592 = arith.constant 48 : i32
    %add3A_593 = arith.addi %add3A_591, %add3A_592 : i32
    %dma_start3A_594 = arith.constant 0 : i32
    %dma_start3A_595 = tpu.memref_slice %arg4[%add3A_593, %dma_start3A_594] : memref<16384x1024xf32, #tpu.memory_space<hbm>> -> memref<16x1024xf32, #tpu.memory_space<hbm>>
    %dma_start3A_596 = arith.constant 0 : i32
    %dma_start3A_597 = tpu.memref_slice %arg4[%add3A_593, %dma_start3A_596] : memref<16384x1024xf32, #tpu.memory_space<hbm>> -> memref<16x1024xf32, #tpu.memory_space<hbm>>
    tpu.enqueue_dma source(%arg8 : memref<16x1024xf32, #tpu.memory_space<vmem>>) target(%dma_start3A_597 : memref<16x1024xf32, #tpu.memory_space<hbm>>) target_semaphore(%arg22 : memref<!tpu.dma_semaphore, #tpu.memory_space<semaphore_mem>>)
    %add3A_598 = arith.constant 0 : i32
    %add3A_599 = arith.addi %add3A_598, %mul3A_2 : i32
    %add3A_600 = arith.constant 48 : i32
    %add3A_601 = arith.addi %add3A_599, %add3A_600 : i32
    %dma_wait3A_602 = arith.constant 0 : i32
    %dma_wait3A_603 = tpu.memref_slice %arg4[%add3A_601, %dma_wait3A_602] : memref<16384x1024xf32, #tpu.memory_space<hbm>> -> memref<16x1024xf32, #tpu.memory_space<hbm>>
    %dma_wait3A_604 = arith.constant 0 : i32
    %dma_wait3A_605 = tpu.memref_slice %arg4[%add3A_601, %dma_wait3A_604] : memref<16384x1024xf32, #tpu.memory_space<hbm>> -> memref<16x1024xf32, #tpu.memory_space<hbm>>
    tpu.wait_dma2 semaphore(%arg19 : memref<!tpu.dma_semaphore, #tpu.memory_space<semaphore_mem>>) src(%arg5 : memref<16x1024xf32, #tpu.memory_space<vmem>>) dst(%dma_wait3A_605 : memref<16x1024xf32, #tpu.memory_space<hbm>>)
    %add3A_606 = arith.constant 8192 : i32
    %add3A_607 = arith.addi %add3A_606, %mul3A_2 : i32
    %add3A_608 = arith.constant 64 : i32
    %add3A_609 = arith.addi %add3A_607, %add3A_608 : i32
    %dma_start3A_610 = arith.constant 0 : i32
    %dma_start3A_611 = tpu.memref_slice %arg2[%add3A_609, %dma_start3A_610] : memref<16384x1024xf32, #tpu.memory_space<hbm>> -> memref<16x1024xf32, #tpu.memory_space<hbm>>
    %dma_start3A_612 = arith.constant 0 : i32
    %dma_start3A_613 = tpu.memref_slice %arg2[%add3A_609, %dma_start3A_612] : memref<16384x1024xf32, #tpu.memory_space<hbm>> -> memref<16x1024xf32, #tpu.memory_space<hbm>>
    tpu.enqueue_dma source(%dma_start3A_613 : memref<16x1024xf32, #tpu.memory_space<hbm>>) target(%arg5 : memref<16x1024xf32, #tpu.memory_space<vmem>>) target_semaphore(%arg13 : memref<!tpu.dma_semaphore, #tpu.memory_space<semaphore_mem>>)
    %add3A_614 = arith.constant 0 : i32
    %add3A_615 = arith.addi %add3A_614, %mul3A_2 : i32
    %add3A_616 = arith.constant 64 : i32
    %add3A_617 = arith.addi %add3A_615, %add3A_616 : i32
    %dma_wait3A_618 = arith.constant 0 : i32
    %dma_wait3A_619 = tpu.memref_slice %arg2[%add3A_617, %dma_wait3A_618] : memref<16384x1024xf32, #tpu.memory_space<hbm>> -> memref<16x1024xf32, #tpu.memory_space<hbm>>
    %dma_wait3A_620 = arith.constant 0 : i32
    %dma_wait3A_621 = tpu.memref_slice %arg2[%add3A_617, %dma_wait3A_620] : memref<16384x1024xf32, #tpu.memory_space<hbm>> -> memref<16x1024xf32, #tpu.memory_space<hbm>>
    tpu.wait_dma2 semaphore(%arg17 : memref<!tpu.dma_semaphore, #tpu.memory_space<semaphore_mem>>) src(%dma_wait3A_621 : memref<16x1024xf32, #tpu.memory_space<hbm>>) dst(%arg9 : memref<16x1024xf32, #tpu.memory_space<vmem>>)
    %add3A_622 = arith.constant 64 : i32
    %add3A_623 = arith.addi %mul3A_2, %add3A_622 : i32
    %dma_wait3A_624 = arith.constant 0 : i32
    %dma_wait3A_625 = tpu.memref_slice %arg3[%add3A_623, %dma_wait3A_624] : memref<8192x1024xf32, #tpu.memory_space<hbm>> -> memref<16x1024xf32, #tpu.memory_space<hbm>>
    %dma_wait3A_626 = arith.constant 0 : i32
    %dma_wait3A_627 = tpu.memref_slice %arg3[%add3A_623, %dma_wait3A_626] : memref<8192x1024xf32, #tpu.memory_space<hbm>> -> memref<16x1024xf32, #tpu.memory_space<hbm>>
    tpu.wait_dma2 semaphore(%arg25 : memref<!tpu.dma_semaphore, #tpu.memory_space<semaphore_mem>>) src(%dma_wait3A_627 : memref<16x1024xf32, #tpu.memory_space<hbm>>) dst(%arg11 : memref<16x1024xf32, #tpu.memory_space<vmem>>)
    %parallel_loop3A_628 = arith.constant 0 : i32
    %parallel_loop3A_629 = arith.constant 16384 : i32
    %parallel_loop3A_630 = arith.constant 16 : i32
    scf.for %parallel_loop3A_1216 = %parallel_loop3A_628 to %parallel_loop3A_629 step %parallel_loop3A_630  : i32 {
      %parallel_loop3A_1217 = arith.constant 10 : i32
      %parallel_loop3A_1218 = arith.shrsi %parallel_loop3A_1216, %parallel_loop3A_1217 : i32
      %parallel_loop3A_1219 = arith.constant 1023 : i32
      %parallel_loop3A_1220 = arith.andi %parallel_loop3A_1216, %parallel_loop3A_1219 : i32
      %parallel_loop3A_1221 = tpu.assume_multiple %parallel_loop3A_1220, 16 : i32
      %parallel_loop3A_1222 = arith.index_cast %parallel_loop3A_1218 : i32 to index
      %parallel_loop3A_1223 = arith.index_cast %parallel_loop3A_1221 : i32 to index
      %parallel_loop3A_1224 = tpu.vector_load %arg11[%parallel_loop3A_1222, %parallel_loop3A_1223] {strides = array<i32>} : memref<16x1024xf32, #tpu.memory_space<vmem>>, vector<1x16xf32>,
      %parallel_loop3A_1225 = vector.shape_cast %parallel_loop3A_1224 : vector<1x16xf32> to vector<16xf32>
      %parallel_loop3A_1226 = arith.index_cast %parallel_loop3A_1218 : i32 to index
      %parallel_loop3A_1227 = arith.index_cast %parallel_loop3A_1221 : i32 to index
      %parallel_loop3A_1228 = tpu.vector_load %arg9[%parallel_loop3A_1226, %parallel_loop3A_1227] {strides = array<i32>} : memref<16x1024xf32, #tpu.memory_space<vmem>>, vector<1x16xf32>,
      %parallel_loop3A_1229 = vector.shape_cast %parallel_loop3A_1228 : vector<1x16xf32> to vector<16xf32>
      %parallel_loop3A_1230 = vector.shape_cast %parallel_loop3A_1225 : vector<16xf32> to vector<1x16xf32>
      tpu.vector_store %arg9[%parallel_loop3A_1226, %parallel_loop3A_1227], %parallel_loop3A_1230 {add = true, strides = array<i32>} : memref<16x1024xf32, #tpu.memory_space<vmem>>, vector<1x16xf32>,
    } {sc.loop_unroll_factor = 8 : i64, sc.parallel_access}
    %add3A_631 = arith.constant 0 : i32
    %add3A_632 = arith.addi %add3A_631, %mul3A_2 : i32
    %add3A_633 = arith.constant 64 : i32
    %add3A_634 = arith.addi %add3A_632, %add3A_633 : i32
    %dma_start3A_635 = arith.constant 0 : i32
    %dma_start3A_636 = tpu.memref_slice %arg4[%add3A_634, %dma_start3A_635] : memref<16384x1024xf32, #tpu.memory_space<hbm>> -> memref<16x1024xf32, #tpu.memory_space<hbm>>
    %dma_start3A_637 = arith.constant 0 : i32
    %dma_start3A_638 = tpu.memref_slice %arg4[%add3A_634, %dma_start3A_637] : memref<16384x1024xf32, #tpu.memory_space<hbm>> -> memref<16x1024xf32, #tpu.memory_space<hbm>>
    tpu.enqueue_dma source(%arg9 : memref<16x1024xf32, #tpu.memory_space<vmem>>) target(%dma_start3A_638 : memref<16x1024xf32, #tpu.memory_space<hbm>>) target_semaphore(%arg23 : memref<!tpu.dma_semaphore, #tpu.memory_space<semaphore_mem>>)
    %add3A_639 = arith.constant 4096 : i32
    %add3A_640 = arith.addi %add3A_639, %mul3A_2 : i32
    %add3A_641 = arith.constant 48 : i32
    %add3A_642 = arith.addi %add3A_640, %add3A_641 : i32
    %dma_wait3A_643 = arith.constant 0 : i32
    %dma_wait3A_644 = tpu.memref_slice %arg4[%add3A_642, %dma_wait3A_643] : memref<16384x1024xf32, #tpu.memory_space<hbm>> -> memref<16x1024xf32, #tpu.memory_space<hbm>>
    %dma_wait3A_645 = arith.constant 0 : i32
    %dma_wait3A_646 = tpu.memref_slice %arg4[%add3A_642, %dma_wait3A_645] : memref<16384x1024xf32, #tpu.memory_space<hbm>> -> memref<16x1024xf32, #tpu.memory_space<hbm>>
    tpu.wait_dma2 semaphore(%arg20 : memref<!tpu.dma_semaphore, #tpu.memory_space<semaphore_mem>>) src(%arg6 : memref<16x1024xf32, #tpu.memory_space<vmem>>) dst(%dma_wait3A_646 : memref<16x1024xf32, #tpu.memory_space<hbm>>)
    %add3A_647 = arith.constant 12288 : i32
    %add3A_648 = arith.addi %add3A_647, %mul3A_2 : i32
    %add3A_649 = arith.constant 64 : i32
    %add3A_650 = arith.addi %add3A_648, %add3A_649 : i32
    %dma_start3A_651 = arith.constant 0 : i32
    %dma_start3A_652 = tpu.memref_slice %arg2[%add3A_650, %dma_start3A_651] : memref<16384x1024xf32, #tpu.memory_space<hbm>> -> memref<16x1024xf32, #tpu.memory_space<hbm>>
    %dma_start3A_653 = arith.constant 0 : i32
    %dma_start3A_654 = tpu.memref_slice %arg2[%add3A_650, %dma_start3A_653] : memref<16384x1024xf32, #tpu.memory_space<hbm>> -> memref<16x1024xf32, #tpu.memory_space<hbm>>
    tpu.enqueue_dma source(%dma_start3A_654 : memref<16x1024xf32, #tpu.memory_space<hbm>>) target(%arg6 : memref<16x1024xf32, #tpu.memory_space<vmem>>) target_semaphore(%arg14 : memref<!tpu.dma_semaphore, #tpu.memory_space<semaphore_mem>>)
    %add3A_655 = arith.constant 4096 : i32
    %add3A_656 = arith.addi %add3A_655, %mul3A_2 : i32
    %add3A_657 = arith.constant 64 : i32
    %add3A_658 = arith.addi %add3A_656, %add3A_657 : i32
    %dma_wait3A_659 = arith.constant 0 : i32
    %dma_wait3A_660 = tpu.memref_slice %arg2[%add3A_658, %dma_wait3A_659] : memref<16384x1024xf32, #tpu.memory_space<hbm>> -> memref<16x1024xf32, #tpu.memory_space<hbm>>
    %dma_wait3A_661 = arith.constant 0 : i32
    %dma_wait3A_662 = tpu.memref_slice %arg2[%add3A_658, %dma_wait3A_661] : memref<16384x1024xf32, #tpu.memory_space<hbm>> -> memref<16x1024xf32, #tpu.memory_space<hbm>>
    tpu.wait_dma2 semaphore(%arg18 : memref<!tpu.dma_semaphore, #tpu.memory_space<semaphore_mem>>) src(%dma_wait3A_662 : memref<16x1024xf32, #tpu.memory_space<hbm>>) dst(%arg10 : memref<16x1024xf32, #tpu.memory_space<vmem>>)
    %parallel_loop3A_663 = arith.constant 0 : i32
    %parallel_loop3A_664 = arith.constant 16384 : i32
    %parallel_loop3A_665 = arith.constant 16 : i32
    scf.for %parallel_loop3A_1216 = %parallel_loop3A_663 to %parallel_loop3A_664 step %parallel_loop3A_665  : i32 {
      %parallel_loop3A_1217 = arith.constant 10 : i32
      %parallel_loop3A_1218 = arith.shrsi %parallel_loop3A_1216, %parallel_loop3A_1217 : i32
      %parallel_loop3A_1219 = arith.constant 1023 : i32
      %parallel_loop3A_1220 = arith.andi %parallel_loop3A_1216, %parallel_loop3A_1219 : i32
      %parallel_loop3A_1221 = tpu.assume_multiple %parallel_loop3A_1220, 16 : i32
      %parallel_loop3A_1222 = arith.index_cast %parallel_loop3A_1218 : i32 to index
      %parallel_loop3A_1223 = arith.index_cast %parallel_loop3A_1221 : i32 to index
      %parallel_loop3A_1224 = tpu.vector_load %arg11[%parallel_loop3A_1222, %parallel_loop3A_1223] {strides = array<i32>} : memref<16x1024xf32, #tpu.memory_space<vmem>>, vector<1x16xf32>,
      %parallel_loop3A_1225 = vector.shape_cast %parallel_loop3A_1224 : vector<1x16xf32> to vector<16xf32>
      %parallel_loop3A_1226 = arith.index_cast %parallel_loop3A_1218 : i32 to index
      %parallel_loop3A_1227 = arith.index_cast %parallel_loop3A_1221 : i32 to index
      %parallel_loop3A_1228 = tpu.vector_load %arg10[%parallel_loop3A_1226, %parallel_loop3A_1227] {strides = array<i32>} : memref<16x1024xf32, #tpu.memory_space<vmem>>, vector<1x16xf32>,
      %parallel_loop3A_1229 = vector.shape_cast %parallel_loop3A_1228 : vector<1x16xf32> to vector<16xf32>
      %parallel_loop3A_1230 = vector.shape_cast %parallel_loop3A_1225 : vector<16xf32> to vector<1x16xf32>
      tpu.vector_store %arg10[%parallel_loop3A_1226, %parallel_loop3A_1227], %parallel_loop3A_1230 {add = true, strides = array<i32>} : memref<16x1024xf32, #tpu.memory_space<vmem>>, vector<1x16xf32>,
    } {sc.loop_unroll_factor = 8 : i64, sc.parallel_access}
    %add3A_666 = arith.constant 4096 : i32
    %add3A_667 = arith.addi %add3A_666, %mul3A_2 : i32
    %add3A_668 = arith.constant 64 : i32
    %add3A_669 = arith.addi %add3A_667, %add3A_668 : i32
    %dma_start3A_670 = arith.constant 0 : i32
    %dma_start3A_671 = tpu.memref_slice %arg4[%add3A_669, %dma_start3A_670] : memref<16384x1024xf32, #tpu.memory_space<hbm>> -> memref<16x1024xf32, #tpu.memory_space<hbm>>
    %dma_start3A_672 = arith.constant 0 : i32
    %dma_start3A_673 = tpu.memref_slice %arg4[%add3A_669, %dma_start3A_672] : memref<16384x1024xf32, #tpu.memory_space<hbm>> -> memref<16x1024xf32, #tpu.memory_space<hbm>>
    tpu.enqueue_dma source(%arg10 : memref<16x1024xf32, #tpu.memory_space<vmem>>) target(%dma_start3A_673 : memref<16x1024xf32, #tpu.memory_space<hbm>>) target_semaphore(%arg24 : memref<!tpu.dma_semaphore, #tpu.memory_space<semaphore_mem>>)
    %add3A_674 = arith.constant 8192 : i32
    %add3A_675 = arith.addi %add3A_674, %mul3A_2 : i32
    %add3A_676 = arith.constant 48 : i32
    %add3A_677 = arith.addi %add3A_675, %add3A_676 : i32
    %dma_wait3A_678 = arith.constant 0 : i32
    %dma_wait3A_679 = tpu.memref_slice %arg4[%add3A_677, %dma_wait3A_678] : memref<16384x1024xf32, #tpu.memory_space<hbm>> -> memref<16x1024xf32, #tpu.memory_space<hbm>>
    %dma_wait3A_680 = arith.constant 0 : i32
    %dma_wait3A_681 = tpu.memref_slice %arg4[%add3A_677, %dma_wait3A_680] : memref<16384x1024xf32, #tpu.memory_space<hbm>> -> memref<16x1024xf32, #tpu.memory_space<hbm>>
    tpu.wait_dma2 semaphore(%arg21 : memref<!tpu.dma_semaphore, #tpu.memory_space<semaphore_mem>>) src(%arg7 : memref<16x1024xf32, #tpu.memory_space<vmem>>) dst(%dma_wait3A_681 : memref<16x1024xf32, #tpu.memory_space<hbm>>)
    %add3A_682 = arith.constant 0 : i32
    %add3A_683 = arith.addi %add3A_682, %mul3A_2 : i32
    %add3A_684 = arith.constant 80 : i32
    %add3A_685 = arith.addi %add3A_683, %add3A_684 : i32
    %dma_start3A_686 = arith.constant 0 : i32
    %dma_start3A_687 = tpu.memref_slice %arg2[%add3A_685, %dma_start3A_686] : memref<16384x1024xf32, #tpu.memory_space<hbm>> -> memref<16x1024xf32, #tpu.memory_space<hbm>>
    %dma_start3A_688 = arith.constant 0 : i32
    %dma_start3A_689 = tpu.memref_slice %arg2[%add3A_685, %dma_start3A_688] : memref<16384x1024xf32, #tpu.memory_space<hbm>> -> memref<16x1024xf32, #tpu.memory_space<hbm>>
    tpu.enqueue_dma source(%dma_start3A_689 : memref<16x1024xf32, #tpu.memory_space<hbm>>) target(%arg7 : memref<16x1024xf32, #tpu.memory_space<vmem>>) target_semaphore(%arg15 : memref<!tpu.dma_semaphore, #tpu.memory_space<semaphore_mem>>)
    %add3A_690 = arith.constant 80 : i32
    %add3A_691 = arith.addi %mul3A_2, %add3A_690 : i32
    %dma_start3A_692 = arith.constant 0 : i32
    %dma_start3A_693 = tpu.memref_slice %arg3[%add3A_691, %dma_start3A_692] : memref<8192x1024xf32, #tpu.memory_space<hbm>> -> memref<16x1024xf32, #tpu.memory_space<hbm>>
    %dma_start3A_694 = arith.constant 0 : i32
    %dma_start3A_695 = tpu.memref_slice %arg3[%add3A_691, %dma_start3A_694] : memref<8192x1024xf32, #tpu.memory_space<hbm>> -> memref<16x1024xf32, #tpu.memory_space<hbm>>
    tpu.enqueue_dma source(%dma_start3A_695 : memref<16x1024xf32, #tpu.memory_space<hbm>>) target(%arg12 : memref<16x1024xf32, #tpu.memory_space<vmem>>) target_semaphore(%arg26 : memref<!tpu.dma_semaphore, #tpu.memory_space<semaphore_mem>>)
    %add3A_696 = arith.constant 8192 : i32
    %add3A_697 = arith.addi %add3A_696, %mul3A_2 : i32
    %add3A_698 = arith.constant 64 : i32
    %add3A_699 = arith.addi %add3A_697, %add3A_698 : i32
    %dma_wait3A_700 = arith.constant 0 : i32
    %dma_wait3A_701 = tpu.memref_slice %arg2[%add3A_699, %dma_wait3A_700] : memref<16384x1024xf32, #tpu.memory_space<hbm>> -> memref<16x1024xf32, #tpu.memory_space<hbm>>
    %dma_wait3A_702 = arith.constant 0 : i32
    %dma_wait3A_703 = tpu.memref_slice %arg2[%add3A_699, %dma_wait3A_702] : memref<16384x1024xf32, #tpu.memory_space<hbm>> -> memref<16x1024xf32, #tpu.memory_space<hbm>>
    tpu.wait_dma2 semaphore(%arg13 : memref<!tpu.dma_semaphore, #tpu.memory_space<semaphore_mem>>) src(%dma_wait3A_703 : memref<16x1024xf32, #tpu.memory_space<hbm>>) dst(%arg5 : memref<16x1024xf32, #tpu.memory_space<vmem>>)
    %parallel_loop3A_704 = arith.constant 0 : i32
    %parallel_loop3A_705 = arith.constant 16384 : i32
    %parallel_loop3A_706 = arith.constant 16 : i32
    scf.for %parallel_loop3A_1216 = %parallel_loop3A_704 to %parallel_loop3A_705 step %parallel_loop3A_706  : i32 {
      %parallel_loop3A_1217 = arith.constant 10 : i32
      %parallel_loop3A_1218 = arith.shrsi %parallel_loop3A_1216, %parallel_loop3A_1217 : i32
      %parallel_loop3A_1219 = arith.constant 1023 : i32
      %parallel_loop3A_1220 = arith.andi %parallel_loop3A_1216, %parallel_loop3A_1219 : i32
      %parallel_loop3A_1221 = tpu.assume_multiple %parallel_loop3A_1220, 16 : i32
      %parallel_loop3A_1222 = arith.index_cast %parallel_loop3A_1218 : i32 to index
      %parallel_loop3A_1223 = arith.index_cast %parallel_loop3A_1221 : i32 to index
      %parallel_loop3A_1224 = tpu.vector_load %arg11[%parallel_loop3A_1222, %parallel_loop3A_1223] {strides = array<i32>} : memref<16x1024xf32, #tpu.memory_space<vmem>>, vector<1x16xf32>,
      %parallel_loop3A_1225 = vector.shape_cast %parallel_loop3A_1224 : vector<1x16xf32> to vector<16xf32>
      %parallel_loop3A_1226 = arith.index_cast %parallel_loop3A_1218 : i32 to index
      %parallel_loop3A_1227 = arith.index_cast %parallel_loop3A_1221 : i32 to index
      %parallel_loop3A_1228 = tpu.vector_load %arg5[%parallel_loop3A_1226, %parallel_loop3A_1227] {strides = array<i32>} : memref<16x1024xf32, #tpu.memory_space<vmem>>, vector<1x16xf32>,
      %parallel_loop3A_1229 = vector.shape_cast %parallel_loop3A_1228 : vector<1x16xf32> to vector<16xf32>
      %parallel_loop3A_1230 = vector.shape_cast %parallel_loop3A_1225 : vector<16xf32> to vector<1x16xf32>
      tpu.vector_store %arg5[%parallel_loop3A_1226, %parallel_loop3A_1227], %parallel_loop3A_1230 {add = true, strides = array<i32>} : memref<16x1024xf32, #tpu.memory_space<vmem>>, vector<1x16xf32>,
    } {sc.loop_unroll_factor = 8 : i64, sc.parallel_access}
    %add3A_707 = arith.constant 8192 : i32
    %add3A_708 = arith.addi %add3A_707, %mul3A_2 : i32
    %add3A_709 = arith.constant 64 : i32
    %add3A_710 = arith.addi %add3A_708, %add3A_709 : i32
    %dma_start3A_711 = arith.constant 0 : i32
    %dma_start3A_712 = tpu.memref_slice %arg4[%add3A_710, %dma_start3A_711] : memref<16384x1024xf32, #tpu.memory_space<hbm>> -> memref<16x1024xf32, #tpu.memory_space<hbm>>
    %dma_start3A_713 = arith.constant 0 : i32
    %dma_start3A_714 = tpu.memref_slice %arg4[%add3A_710, %dma_start3A_713] : memref<16384x1024xf32, #tpu.memory_space<hbm>> -> memref<16x1024xf32, #tpu.memory_space<hbm>>
    tpu.enqueue_dma source(%arg5 : memref<16x1024xf32, #tpu.memory_space<vmem>>) target(%dma_start3A_714 : memref<16x1024xf32, #tpu.memory_space<hbm>>) target_semaphore(%arg19 : memref<!tpu.dma_semaphore, #tpu.memory_space<semaphore_mem>>)
    %add3A_715 = arith.constant 12288 : i32
    %add3A_716 = arith.addi %add3A_715, %mul3A_2 : i32
    %add3A_717 = arith.constant 48 : i32
    %add3A_718 = arith.addi %add3A_716, %add3A_717 : i32
    %dma_wait3A_719 = arith.constant 0 : i32
    %dma_wait3A_720 = tpu.memref_slice %arg4[%add3A_718, %dma_wait3A_719] : memref<16384x1024xf32, #tpu.memory_space<hbm>> -> memref<16x1024xf32, #tpu.memory_space<hbm>>
    %dma_wait3A_721 = arith.constant 0 : i32
    %dma_wait3A_722 = tpu.memref_slice %arg4[%add3A_718, %dma_wait3A_721] : memref<16384x1024xf32, #tpu.memory_space<hbm>> -> memref<16x1024xf32, #tpu.memory_space<hbm>>
    tpu.wait_dma2 semaphore(%arg22 : memref<!tpu.dma_semaphore, #tpu.memory_space<semaphore_mem>>) src(%arg8 : memref<16x1024xf32, #tpu.memory_space<vmem>>) dst(%dma_wait3A_722 : memref<16x1024xf32, #tpu.memory_space<hbm>>)
    %add3A_723 = arith.constant 4096 : i32
    %add3A_724 = arith.addi %add3A_723, %mul3A_2 : i32
    %add3A_725 = arith.constant 80 : i32
    %add3A_726 = arith.addi %add3A_724, %add3A_725 : i32
    %dma_start3A_727 = arith.constant 0 : i32
    %dma_start3A_728 = tpu.memref_slice %arg2[%add3A_726, %dma_start3A_727] : memref<16384x1024xf32, #tpu.memory_space<hbm>> -> memref<16x1024xf32, #tpu.memory_space<hbm>>
    %dma_start3A_729 = arith.constant 0 : i32
    %dma_start3A_730 = tpu.memref_slice %arg2[%add3A_726, %dma_start3A_729] : memref<16384x1024xf32, #tpu.memory_space<hbm>> -> memref<16x1024xf32, #tpu.memory_space<hbm>>
    tpu.enqueue_dma source(%dma_start3A_730 : memref<16x1024xf32, #tpu.memory_space<hbm>>) target(%arg8 : memref<16x1024xf32, #tpu.memory_space<vmem>>) target_semaphore(%arg16 : memref<!tpu.dma_semaphore, #tpu.memory_space<semaphore_mem>>)
    %add3A_731 = arith.constant 12288 : i32
    %add3A_732 = arith.addi %add3A_731, %mul3A_2 : i32
    %add3A_733 = arith.constant 64 : i32
    %add3A_734 = arith.addi %add3A_732, %add3A_733 : i32
    %dma_wait3A_735 = arith.constant 0 : i32
    %dma_wait3A_736 = tpu.memref_slice %arg2[%add3A_734, %dma_wait3A_735] : memref<16384x1024xf32, #tpu.memory_space<hbm>> -> memref<16x1024xf32, #tpu.memory_space<hbm>>
    %dma_wait3A_737 = arith.constant 0 : i32
    %dma_wait3A_738 = tpu.memref_slice %arg2[%add3A_734, %dma_wait3A_737] : memref<16384x1024xf32, #tpu.memory_space<hbm>> -> memref<16x1024xf32, #tpu.memory_space<hbm>>
    tpu.wait_dma2 semaphore(%arg14 : memref<!tpu.dma_semaphore, #tpu.memory_space<semaphore_mem>>) src(%dma_wait3A_738 : memref<16x1024xf32, #tpu.memory_space<hbm>>) dst(%arg6 : memref<16x1024xf32, #tpu.memory_space<vmem>>)
    %parallel_loop3A_739 = arith.constant 0 : i32
    %parallel_loop3A_740 = arith.constant 16384 : i32
    %parallel_loop3A_741 = arith.constant 16 : i32
    scf.for %parallel_loop3A_1216 = %parallel_loop3A_739 to %parallel_loop3A_740 step %parallel_loop3A_741  : i32 {
      %parallel_loop3A_1217 = arith.constant 10 : i32
      %parallel_loop3A_1218 = arith.shrsi %parallel_loop3A_1216, %parallel_loop3A_1217 : i32
      %parallel_loop3A_1219 = arith.constant 1023 : i32
      %parallel_loop3A_1220 = arith.andi %parallel_loop3A_1216, %parallel_loop3A_1219 : i32
      %parallel_loop3A_1221 = tpu.assume_multiple %parallel_loop3A_1220, 16 : i32
      %parallel_loop3A_1222 = arith.index_cast %parallel_loop3A_1218 : i32 to index
      %parallel_loop3A_1223 = arith.index_cast %parallel_loop3A_1221 : i32 to index
      %parallel_loop3A_1224 = tpu.vector_load %arg11[%parallel_loop3A_1222, %parallel_loop3A_1223] {strides = array<i32>} : memref<16x1024xf32, #tpu.memory_space<vmem>>, vector<1x16xf32>,
      %parallel_loop3A_1225 = vector.shape_cast %parallel_loop3A_1224 : vector<1x16xf32> to vector<16xf32>
      %parallel_loop3A_1226 = arith.index_cast %parallel_loop3A_1218 : i32 to index
      %parallel_loop3A_1227 = arith.index_cast %parallel_loop3A_1221 : i32 to index
      %parallel_loop3A_1228 = tpu.vector_load %arg6[%parallel_loop3A_1226, %parallel_loop3A_1227] {strides = array<i32>} : memref<16x1024xf32, #tpu.memory_space<vmem>>, vector<1x16xf32>,
      %parallel_loop3A_1229 = vector.shape_cast %parallel_loop3A_1228 : vector<1x16xf32> to vector<16xf32>
      %parallel_loop3A_1230 = vector.shape_cast %parallel_loop3A_1225 : vector<16xf32> to vector<1x16xf32>
      tpu.vector_store %arg6[%parallel_loop3A_1226, %parallel_loop3A_1227], %parallel_loop3A_1230 {add = true, strides = array<i32>} : memref<16x1024xf32, #tpu.memory_space<vmem>>, vector<1x16xf32>,
    } {sc.loop_unroll_factor = 8 : i64, sc.parallel_access}
    %add3A_742 = arith.constant 12288 : i32
    %add3A_743 = arith.addi %add3A_742, %mul3A_2 : i32
    %add3A_744 = arith.constant 64 : i32
    %add3A_745 = arith.addi %add3A_743, %add3A_744 : i32
    %dma_start3A_746 = arith.constant 0 : i32
    %dma_start3A_747 = tpu.memref_slice %arg4[%add3A_745, %dma_start3A_746] : memref<16384x1024xf32, #tpu.memory_space<hbm>> -> memref<16x1024xf32, #tpu.memory_space<hbm>>
    %dma_start3A_748 = arith.constant 0 : i32
    %dma_start3A_749 = tpu.memref_slice %arg4[%add3A_745, %dma_start3A_748] : memref<16384x1024xf32, #tpu.memory_space<hbm>> -> memref<16x1024xf32, #tpu.memory_space<hbm>>
    tpu.enqueue_dma source(%arg6 : memref<16x1024xf32, #tpu.memory_space<vmem>>) target(%dma_start3A_749 : memref<16x1024xf32, #tpu.memory_space<hbm>>) target_semaphore(%arg20 : memref<!tpu.dma_semaphore, #tpu.memory_space<semaphore_mem>>)
    %add3A_750 = arith.constant 0 : i32
    %add3A_751 = arith.addi %add3A_750, %mul3A_2 : i32
    %add3A_752 = arith.constant 64 : i32
    %add3A_753 = arith.addi %add3A_751, %add3A_752 : i32
    %dma_wait3A_754 = arith.constant 0 : i32
    %dma_wait3A_755 = tpu.memref_slice %arg4[%add3A_753, %dma_wait3A_754] : memref<16384x1024xf32, #tpu.memory_space<hbm>> -> memref<16x1024xf32, #tpu.memory_space<hbm>>
    %dma_wait3A_756 = arith.constant 0 : i32
    %dma_wait3A_757 = tpu.memref_slice %arg4[%add3A_753, %dma_wait3A_756] : memref<16384x1024xf32, #tpu.memory_space<hbm>> -> memref<16x1024xf32, #tpu.memory_space<hbm>>
    tpu.wait_dma2 semaphore(%arg23 : memref<!tpu.dma_semaphore, #tpu.memory_space<semaphore_mem>>) src(%arg9 : memref<16x1024xf32, #tpu.memory_space<vmem>>) dst(%dma_wait3A_757 : memref<16x1024xf32, #tpu.memory_space<hbm>>)
    %add3A_758 = arith.constant 8192 : i32
    %add3A_759 = arith.addi %add3A_758, %mul3A_2 : i32
    %add3A_760 = arith.constant 80 : i32
    %add3A_761 = arith.addi %add3A_759, %add3A_760 : i32
    %dma_start3A_762 = arith.constant 0 : i32
    %dma_start3A_763 = tpu.memref_slice %arg2[%add3A_761, %dma_start3A_762] : memref<16384x1024xf32, #tpu.memory_space<hbm>> -> memref<16x1024xf32, #tpu.memory_space<hbm>>
    %dma_start3A_764 = arith.constant 0 : i32
    %dma_start3A_765 = tpu.memref_slice %arg2[%add3A_761, %dma_start3A_764] : memref<16384x1024xf32, #tpu.memory_space<hbm>> -> memref<16x1024xf32, #tpu.memory_space<hbm>>
    tpu.enqueue_dma source(%dma_start3A_765 : memref<16x1024xf32, #tpu.memory_space<hbm>>) target(%arg9 : memref<16x1024xf32, #tpu.memory_space<vmem>>) target_semaphore(%arg17 : memref<!tpu.dma_semaphore, #tpu.memory_space<semaphore_mem>>)
    %add3A_766 = arith.constant 0 : i32
    %add3A_767 = arith.addi %add3A_766, %mul3A_2 : i32
    %add3A_768 = arith.constant 80 : i32
    %add3A_769 = arith.addi %add3A_767, %add3A_768 : i32
    %dma_wait3A_770 = arith.constant 0 : i32
    %dma_wait3A_771 = tpu.memref_slice %arg2[%add3A_769, %dma_wait3A_770] : memref<16384x1024xf32, #tpu.memory_space<hbm>> -> memref<16x1024xf32, #tpu.memory_space<hbm>>
    %dma_wait3A_772 = arith.constant 0 : i32
    %dma_wait3A_773 = tpu.memref_slice %arg2[%add3A_769, %dma_wait3A_772] : memref<16384x1024xf32, #tpu.memory_space<hbm>> -> memref<16x1024xf32, #tpu.memory_space<hbm>>
    tpu.wait_dma2 semaphore(%arg15 : memref<!tpu.dma_semaphore, #tpu.memory_space<semaphore_mem>>) src(%dma_wait3A_773 : memref<16x1024xf32, #tpu.memory_space<hbm>>) dst(%arg7 : memref<16x1024xf32, #tpu.memory_space<vmem>>)
    %add3A_774 = arith.constant 80 : i32
    %add3A_775 = arith.addi %mul3A_2, %add3A_774 : i32
    %dma_wait3A_776 = arith.constant 0 : i32
    %dma_wait3A_777 = tpu.memref_slice %arg3[%add3A_775, %dma_wait3A_776] : memref<8192x1024xf32, #tpu.memory_space<hbm>> -> memref<16x1024xf32, #tpu.memory_space<hbm>>
    %dma_wait3A_778 = arith.constant 0 : i32
    %dma_wait3A_779 = tpu.memref_slice %arg3[%add3A_775, %dma_wait3A_778] : memref<8192x1024xf32, #tpu.memory_space<hbm>> -> memref<16x1024xf32, #tpu.memory_space<hbm>>
    tpu.wait_dma2 semaphore(%arg26 : memref<!tpu.dma_semaphore, #tpu.memory_space<semaphore_mem>>) src(%dma_wait3A_779 : memref<16x1024xf32, #tpu.memory_space<hbm>>) dst(%arg12 : memref<16x1024xf32, #tpu.memory_space<vmem>>)
    %parallel_loop3A_780 = arith.constant 0 : i32
    %parallel_loop3A_781 = arith.constant 16384 : i32
    %parallel_loop3A_782 = arith.constant 16 : i32
    scf.for %parallel_loop3A_1216 = %parallel_loop3A_780 to %parallel_loop3A_781 step %parallel_loop3A_782  : i32 {
      %parallel_loop3A_1217 = arith.constant 10 : i32
      %parallel_loop3A_1218 = arith.shrsi %parallel_loop3A_1216, %parallel_loop3A_1217 : i32
      %parallel_loop3A_1219 = arith.constant 1023 : i32
      %parallel_loop3A_1220 = arith.andi %parallel_loop3A_1216, %parallel_loop3A_1219 : i32
      %parallel_loop3A_1221 = tpu.assume_multiple %parallel_loop3A_1220, 16 : i32
      %parallel_loop3A_1222 = arith.index_cast %parallel_loop3A_1218 : i32 to index
      %parallel_loop3A_1223 = arith.index_cast %parallel_loop3A_1221 : i32 to index
      %parallel_loop3A_1224 = tpu.vector_load %arg12[%parallel_loop3A_1222, %parallel_loop3A_1223] {strides = array<i32>} : memref<16x1024xf32, #tpu.memory_space<vmem>>, vector<1x16xf32>,
      %parallel_loop3A_1225 = vector.shape_cast %parallel_loop3A_1224 : vector<1x16xf32> to vector<16xf32>
      %parallel_loop3A_1226 = arith.index_cast %parallel_loop3A_1218 : i32 to index
      %parallel_loop3A_1227 = arith.index_cast %parallel_loop3A_1221 : i32 to index
      %parallel_loop3A_1228 = tpu.vector_load %arg7[%parallel_loop3A_1226, %parallel_loop3A_1227] {strides = array<i32>} : memref<16x1024xf32, #tpu.memory_space<vmem>>, vector<1x16xf32>,
      %parallel_loop3A_1229 = vector.shape_cast %parallel_loop3A_1228 : vector<1x16xf32> to vector<16xf32>
      %parallel_loop3A_1230 = vector.shape_cast %parallel_loop3A_1225 : vector<16xf32> to vector<1x16xf32>
      tpu.vector_store %arg7[%parallel_loop3A_1226, %parallel_loop3A_1227], %parallel_loop3A_1230 {add = true, strides = array<i32>} : memref<16x1024xf32, #tpu.memory_space<vmem>>, vector<1x16xf32>,
    } {sc.loop_unroll_factor = 8 : i64, sc.parallel_access}
    %add3A_783 = arith.constant 0 : i32
    %add3A_784 = arith.addi %add3A_783, %mul3A_2 : i32
    %add3A_785 = arith.constant 80 : i32
    %add3A_786 = arith.addi %add3A_784, %add3A_785 : i32
    %dma_start3A_787 = arith.constant 0 : i32
    %dma_start3A_788 = tpu.memref_slice %arg4[%add3A_786, %dma_start3A_787] : memref<16384x1024xf32, #tpu.memory_space<hbm>> -> memref<16x1024xf32, #tpu.memory_space<hbm>>
    %dma_start3A_789 = arith.constant 0 : i32
    %dma_start3A_790 = tpu.memref_slice %arg4[%add3A_786, %dma_start3A_789] : memref<16384x1024xf32, #tpu.memory_space<hbm>> -> memref<16x1024xf32, #tpu.memory_space<hbm>>
    tpu.enqueue_dma source(%arg7 : memref<16x1024xf32, #tpu.memory_space<vmem>>) target(%dma_start3A_790 : memref<16x1024xf32, #tpu.memory_space<hbm>>) target_semaphore(%arg21 : memref<!tpu.dma_semaphore, #tpu.memory_space<semaphore_mem>>)
    %add3A_791 = arith.constant 4096 : i32
    %add3A_792 = arith.addi %add3A_791, %mul3A_2 : i32
    %add3A_793 = arith.constant 64 : i32
    %add3A_794 = arith.addi %add3A_792, %add3A_793 : i32
    %dma_wait3A_795 = arith.constant 0 : i32
    %dma_wait3A_796 = tpu.memref_slice %arg4[%add3A_794, %dma_wait3A_795] : memref<16384x1024xf32, #tpu.memory_space<hbm>> -> memref<16x1024xf32, #tpu.memory_space<hbm>>
    %dma_wait3A_797 = arith.constant 0 : i32
    %dma_wait3A_798 = tpu.memref_slice %arg4[%add3A_794, %dma_wait3A_797] : memref<16384x1024xf32, #tpu.memory_space<hbm>> -> memref<16x1024xf32, #tpu.memory_space<hbm>>
    tpu.wait_dma2 semaphore(%arg24 : memref<!tpu.dma_semaphore, #tpu.memory_space<semaphore_mem>>) src(%arg10 : memref<16x1024xf32, #tpu.memory_space<vmem>>) dst(%dma_wait3A_798 : memref<16x1024xf32, #tpu.memory_space<hbm>>)
    %add3A_799 = arith.constant 12288 : i32
    %add3A_800 = arith.addi %add3A_799, %mul3A_2 : i32
    %add3A_801 = arith.constant 80 : i32
    %add3A_802 = arith.addi %add3A_800, %add3A_801 : i32
    %dma_start3A_803 = arith.constant 0 : i32
    %dma_start3A_804 = tpu.memref_slice %arg2[%add3A_802, %dma_start3A_803] : memref<16384x1024xf32, #tpu.memory_space<hbm>> -> memref<16x1024xf32, #tpu.memory_space<hbm>>
    %dma_start3A_805 = arith.constant 0 : i32
    %dma_start3A_806 = tpu.memref_slice %arg2[%add3A_802, %dma_start3A_805] : memref<16384x1024xf32, #tpu.memory_space<hbm>> -> memref<16x1024xf32, #tpu.memory_space<hbm>>
    tpu.enqueue_dma source(%dma_start3A_806 : memref<16x1024xf32, #tpu.memory_space<hbm>>) target(%arg10 : memref<16x1024xf32, #tpu.memory_space<vmem>>) target_semaphore(%arg18 : memref<!tpu.dma_semaphore, #tpu.memory_space<semaphore_mem>>)
    %add3A_807 = arith.constant 4096 : i32
    %add3A_808 = arith.addi %add3A_807, %mul3A_2 : i32
    %add3A_809 = arith.constant 80 : i32
    %add3A_810 = arith.addi %add3A_808, %add3A_809 : i32
    %dma_wait3A_811 = arith.constant 0 : i32
    %dma_wait3A_812 = tpu.memref_slice %arg2[%add3A_810, %dma_wait3A_811] : memref<16384x1024xf32, #tpu.memory_space<hbm>> -> memref<16x1024xf32, #tpu.memory_space<hbm>>
    %dma_wait3A_813 = arith.constant 0 : i32
    %dma_wait3A_814 = tpu.memref_slice %arg2[%add3A_810, %dma_wait3A_813] : memref<16384x1024xf32, #tpu.memory_space<hbm>> -> memref<16x1024xf32, #tpu.memory_space<hbm>>
    tpu.wait_dma2 semaphore(%arg16 : memref<!tpu.dma_semaphore, #tpu.memory_space<semaphore_mem>>) src(%dma_wait3A_814 : memref<16x1024xf32, #tpu.memory_space<hbm>>) dst(%arg8 : memref<16x1024xf32, #tpu.memory_space<vmem>>)
    %parallel_loop3A_815 = arith.constant 0 : i32
    %parallel_loop3A_816 = arith.constant 16384 : i32
    %parallel_loop3A_817 = arith.constant 16 : i32
    scf.for %parallel_loop3A_1216 = %parallel_loop3A_815 to %parallel_loop3A_816 step %parallel_loop3A_817  : i32 {
      %parallel_loop3A_1217 = arith.constant 10 : i32
      %parallel_loop3A_1218 = arith.shrsi %parallel_loop3A_1216, %parallel_loop3A_1217 : i32
      %parallel_loop3A_1219 = arith.constant 1023 : i32
      %parallel_loop3A_1220 = arith.andi %parallel_loop3A_1216, %parallel_loop3A_1219 : i32
      %parallel_loop3A_1221 = tpu.assume_multiple %parallel_loop3A_1220, 16 : i32
      %parallel_loop3A_1222 = arith.index_cast %parallel_loop3A_1218 : i32 to index
      %parallel_loop3A_1223 = arith.index_cast %parallel_loop3A_1221 : i32 to index
      %parallel_loop3A_1224 = tpu.vector_load %arg12[%parallel_loop3A_1222, %parallel_loop3A_1223] {strides = array<i32>} : memref<16x1024xf32, #tpu.memory_space<vmem>>, vector<1x16xf32>,
      %parallel_loop3A_1225 = vector.shape_cast %parallel_loop3A_1224 : vector<1x16xf32> to vector<16xf32>
      %parallel_loop3A_1226 = arith.index_cast %parallel_loop3A_1218 : i32 to index
      %parallel_loop3A_1227 = arith.index_cast %parallel_loop3A_1221 : i32 to index
      %parallel_loop3A_1228 = tpu.vector_load %arg8[%parallel_loop3A_1226, %parallel_loop3A_1227] {strides = array<i32>} : memref<16x1024xf32, #tpu.memory_space<vmem>>, vector<1x16xf32>,
      %parallel_loop3A_1229 = vector.shape_cast %parallel_loop3A_1228 : vector<1x16xf32> to vector<16xf32>
      %parallel_loop3A_1230 = vector.shape_cast %parallel_loop3A_1225 : vector<16xf32> to vector<1x16xf32>
      tpu.vector_store %arg8[%parallel_loop3A_1226, %parallel_loop3A_1227], %parallel_loop3A_1230 {add = true, strides = array<i32>} : memref<16x1024xf32, #tpu.memory_space<vmem>>, vector<1x16xf32>,
    } {sc.loop_unroll_factor = 8 : i64, sc.parallel_access}
    %add3A_818 = arith.constant 4096 : i32
    %add3A_819 = arith.addi %add3A_818, %mul3A_2 : i32
    %add3A_820 = arith.constant 80 : i32
    %add3A_821 = arith.addi %add3A_819, %add3A_820 : i32
    %dma_start3A_822 = arith.constant 0 : i32
    %dma_start3A_823 = tpu.memref_slice %arg4[%add3A_821, %dma_start3A_822] : memref<16384x1024xf32, #tpu.memory_space<hbm>> -> memref<16x1024xf32, #tpu.memory_space<hbm>>
    %dma_start3A_824 = arith.constant 0 : i32
    %dma_start3A_825 = tpu.memref_slice %arg4[%add3A_821, %dma_start3A_824] : memref<16384x1024xf32, #tpu.memory_space<hbm>> -> memref<16x1024xf32, #tpu.memory_space<hbm>>
    tpu.enqueue_dma source(%arg8 : memref<16x1024xf32, #tpu.memory_space<vmem>>) target(%dma_start3A_825 : memref<16x1024xf32, #tpu.memory_space<hbm>>) target_semaphore(%arg22 : memref<!tpu.dma_semaphore, #tpu.memory_space<semaphore_mem>>)
    %add3A_826 = arith.constant 8192 : i32
    %add3A_827 = arith.addi %add3A_826, %mul3A_2 : i32
    %add3A_828 = arith.constant 64 : i32
    %add3A_829 = arith.addi %add3A_827, %add3A_828 : i32
    %dma_wait3A_830 = arith.constant 0 : i32
    %dma_wait3A_831 = tpu.memref_slice %arg4[%add3A_829, %dma_wait3A_830] : memref<16384x1024xf32, #tpu.memory_space<hbm>> -> memref<16x1024xf32, #tpu.memory_space<hbm>>
    %dma_wait3A_832 = arith.constant 0 : i32
    %dma_wait3A_833 = tpu.memref_slice %arg4[%add3A_829, %dma_wait3A_832] : memref<16384x1024xf32, #tpu.memory_space<hbm>> -> memref<16x1024xf32, #tpu.memory_space<hbm>>
    tpu.wait_dma2 semaphore(%arg19 : memref<!tpu.dma_semaphore, #tpu.memory_space<semaphore_mem>>) src(%arg5 : memref<16x1024xf32, #tpu.memory_space<vmem>>) dst(%dma_wait3A_833 : memref<16x1024xf32, #tpu.memory_space<hbm>>)
    %add3A_834 = arith.constant 0 : i32
    %add3A_835 = arith.addi %add3A_834, %mul3A_2 : i32
    %add3A_836 = arith.constant 96 : i32
    %add3A_837 = arith.addi %add3A_835, %add3A_836 : i32
    %dma_start3A_838 = arith.constant 0 : i32
    %dma_start3A_839 = tpu.memref_slice %arg2[%add3A_837, %dma_start3A_838] : memref<16384x1024xf32, #tpu.memory_space<hbm>> -> memref<16x1024xf32, #tpu.memory_space<hbm>>
    %dma_start3A_840 = arith.constant 0 : i32
    %dma_start3A_841 = tpu.memref_slice %arg2[%add3A_837, %dma_start3A_840] : memref<16384x1024xf32, #tpu.memory_space<hbm>> -> memref<16x1024xf32, #tpu.memory_space<hbm>>
    tpu.enqueue_dma source(%dma_start3A_841 : memref<16x1024xf32, #tpu.memory_space<hbm>>) target(%arg5 : memref<16x1024xf32, #tpu.memory_space<vmem>>) target_semaphore(%arg13 : memref<!tpu.dma_semaphore, #tpu.memory_space<semaphore_mem>>)
    %add3A_842 = arith.constant 96 : i32
    %add3A_843 = arith.addi %mul3A_2, %add3A_842 : i32
    %dma_start3A_844 = arith.constant 0 : i32
    %dma_start3A_845 = tpu.memref_slice %arg3[%add3A_843, %dma_start3A_844] : memref<8192x1024xf32, #tpu.memory_space<hbm>> -> memref<16x1024xf32, #tpu.memory_space<hbm>>
    %dma_start3A_846 = arith.constant 0 : i32
    %dma_start3A_847 = tpu.memref_slice %arg3[%add3A_843, %dma_start3A_846] : memref<8192x1024xf32, #tpu.memory_space<hbm>> -> memref<16x1024xf32, #tpu.memory_space<hbm>>
    tpu.enqueue_dma source(%dma_start3A_847 : memref<16x1024xf32, #tpu.memory_space<hbm>>) target(%arg11 : memref<16x1024xf32, #tpu.memory_space<vmem>>) target_semaphore(%arg25 : memref<!tpu.dma_semaphore, #tpu.memory_space<semaphore_mem>>)
    %add3A_848 = arith.constant 8192 : i32
    %add3A_849 = arith.addi %add3A_848, %mul3A_2 : i32
    %add3A_850 = arith.constant 80 : i32
    %add3A_851 = arith.addi %add3A_849, %add3A_850 : i32
    %dma_wait3A_852 = arith.constant 0 : i32
    %dma_wait3A_853 = tpu.memref_slice %arg2[%add3A_851, %dma_wait3A_852] : memref<16384x1024xf32, #tpu.memory_space<hbm>> -> memref<16x1024xf32, #tpu.memory_space<hbm>>
    %dma_wait3A_854 = arith.constant 0 : i32
    %dma_wait3A_855 = tpu.memref_slice %arg2[%add3A_851, %dma_wait3A_854] : memref<16384x1024xf32, #tpu.memory_space<hbm>> -> memref<16x1024xf32, #tpu.memory_space<hbm>>
    tpu.wait_dma2 semaphore(%arg17 : memref<!tpu.dma_semaphore, #tpu.memory_space<semaphore_mem>>) src(%dma_wait3A_855 : memref<16x1024xf32, #tpu.memory_space<hbm>>) dst(%arg9 : memref<16x1024xf32, #tpu.memory_space<vmem>>)
    %parallel_loop3A_856 = arith.constant 0 : i32
    %parallel_loop3A_857 = arith.constant 16384 : i32
    %parallel_loop3A_858 = arith.constant 16 : i32
    scf.for %parallel_loop3A_1216 = %parallel_loop3A_856 to %parallel_loop3A_857 step %parallel_loop3A_858  : i32 {
      %parallel_loop3A_1217 = arith.constant 10 : i32
      %parallel_loop3A_1218 = arith.shrsi %parallel_loop3A_1216, %parallel_loop3A_1217 : i32
      %parallel_loop3A_1219 = arith.constant 1023 : i32
      %parallel_loop3A_1220 = arith.andi %parallel_loop3A_1216, %parallel_loop3A_1219 : i32
      %parallel_loop3A_1221 = tpu.assume_multiple %parallel_loop3A_1220, 16 : i32
      %parallel_loop3A_1222 = arith.index_cast %parallel_loop3A_1218 : i32 to index
      %parallel_loop3A_1223 = arith.index_cast %parallel_loop3A_1221 : i32 to index
      %parallel_loop3A_1224 = tpu.vector_load %arg12[%parallel_loop3A_1222, %parallel_loop3A_1223] {strides = array<i32>} : memref<16x1024xf32, #tpu.memory_space<vmem>>, vector<1x16xf32>,
      %parallel_loop3A_1225 = vector.shape_cast %parallel_loop3A_1224 : vector<1x16xf32> to vector<16xf32>
      %parallel_loop3A_1226 = arith.index_cast %parallel_loop3A_1218 : i32 to index
      %parallel_loop3A_1227 = arith.index_cast %parallel_loop3A_1221 : i32 to index
      %parallel_loop3A_1228 = tpu.vector_load %arg9[%parallel_loop3A_1226, %parallel_loop3A_1227] {strides = array<i32>} : memref<16x1024xf32, #tpu.memory_space<vmem>>, vector<1x16xf32>,
      %parallel_loop3A_1229 = vector.shape_cast %parallel_loop3A_1228 : vector<1x16xf32> to vector<16xf32>
      %parallel_loop3A_1230 = vector.shape_cast %parallel_loop3A_1225 : vector<16xf32> to vector<1x16xf32>
      tpu.vector_store %arg9[%parallel_loop3A_1226, %parallel_loop3A_1227], %parallel_loop3A_1230 {add = true, strides = array<i32>} : memref<16x1024xf32, #tpu.memory_space<vmem>>, vector<1x16xf32>,
    } {sc.loop_unroll_factor = 8 : i64, sc.parallel_access}
    %add3A_859 = arith.constant 8192 : i32
    %add3A_860 = arith.addi %add3A_859, %mul3A_2 : i32
    %add3A_861 = arith.constant 80 : i32
    %add3A_862 = arith.addi %add3A_860, %add3A_861 : i32
    %dma_start3A_863 = arith.constant 0 : i32
    %dma_start3A_864 = tpu.memref_slice %arg4[%add3A_862, %dma_start3A_863] : memref<16384x1024xf32, #tpu.memory_space<hbm>> -> memref<16x1024xf32, #tpu.memory_space<hbm>>
    %dma_start3A_865 = arith.constant 0 : i32
    %dma_start3A_866 = tpu.memref_slice %arg4[%add3A_862, %dma_start3A_865] : memref<16384x1024xf32, #tpu.memory_space<hbm>> -> memref<16x1024xf32, #tpu.memory_space<hbm>>
    tpu.enqueue_dma source(%arg9 : memref<16x1024xf32, #tpu.memory_space<vmem>>) target(%dma_start3A_866 : memref<16x1024xf32, #tpu.memory_space<hbm>>) target_semaphore(%arg23 : memref<!tpu.dma_semaphore, #tpu.memory_space<semaphore_mem>>)
    %add3A_867 = arith.constant 12288 : i32
    %add3A_868 = arith.addi %add3A_867, %mul3A_2 : i32
    %add3A_869 = arith.constant 64 : i32
    %add3A_870 = arith.addi %add3A_868, %add3A_869 : i32
    %dma_wait3A_871 = arith.constant 0 : i32
    %dma_wait3A_872 = tpu.memref_slice %arg4[%add3A_870, %dma_wait3A_871] : memref<16384x1024xf32, #tpu.memory_space<hbm>> -> memref<16x1024xf32, #tpu.memory_space<hbm>>
    %dma_wait3A_873 = arith.constant 0 : i32
    %dma_wait3A_874 = tpu.memref_slice %arg4[%add3A_870, %dma_wait3A_873] : memref<16384x1024xf32, #tpu.memory_space<hbm>> -> memref<16x1024xf32, #tpu.memory_space<hbm>>
    tpu.wait_dma2 semaphore(%arg20 : memref<!tpu.dma_semaphore, #tpu.memory_space<semaphore_mem>>) src(%arg6 : memref<16x1024xf32, #tpu.memory_space<vmem>>) dst(%dma_wait3A_874 : memref<16x1024xf32, #tpu.memory_space<hbm>>)
    %add3A_875 = arith.constant 4096 : i32
    %add3A_876 = arith.addi %add3A_875, %mul3A_2 : i32
    %add3A_877 = arith.constant 96 : i32
    %add3A_878 = arith.addi %add3A_876, %add3A_877 : i32
    %dma_start3A_879 = arith.constant 0 : i32
    %dma_start3A_880 = tpu.memref_slice %arg2[%add3A_878, %dma_start3A_879] : memref<16384x1024xf32, #tpu.memory_space<hbm>> -> memref<16x1024xf32, #tpu.memory_space<hbm>>
    %dma_start3A_881 = arith.constant 0 : i32
    %dma_start3A_882 = tpu.memref_slice %arg2[%add3A_878, %dma_start3A_881] : memref<16384x1024xf32, #tpu.memory_space<hbm>> -> memref<16x1024xf32, #tpu.memory_space<hbm>>
    tpu.enqueue_dma source(%dma_start3A_882 : memref<16x1024xf32, #tpu.memory_space<hbm>>) target(%arg6 : memref<16x1024xf32, #tpu.memory_space<vmem>>) target_semaphore(%arg14 : memref<!tpu.dma_semaphore, #tpu.memory_space<semaphore_mem>>)
    %add3A_883 = arith.constant 12288 : i32
    %add3A_884 = arith.addi %add3A_883, %mul3A_2 : i32
    %add3A_885 = arith.constant 80 : i32
    %add3A_886 = arith.addi %add3A_884, %add3A_885 : i32
    %dma_wait3A_887 = arith.constant 0 : i32
    %dma_wait3A_888 = tpu.memref_slice %arg2[%add3A_886, %dma_wait3A_887] : memref<16384x1024xf32, #tpu.memory_space<hbm>> -> memref<16x1024xf32, #tpu.memory_space<hbm>>
    %dma_wait3A_889 = arith.constant 0 : i32
    %dma_wait3A_890 = tpu.memref_slice %arg2[%add3A_886, %dma_wait3A_889] : memref<16384x1024xf32, #tpu.memory_space<hbm>> -> memref<16x1024xf32, #tpu.memory_space<hbm>>
    tpu.wait_dma2 semaphore(%arg18 : memref<!tpu.dma_semaphore, #tpu.memory_space<semaphore_mem>>) src(%dma_wait3A_890 : memref<16x1024xf32, #tpu.memory_space<hbm>>) dst(%arg10 : memref<16x1024xf32, #tpu.memory_space<vmem>>)
    %parallel_loop3A_891 = arith.constant 0 : i32
    %parallel_loop3A_892 = arith.constant 16384 : i32
    %parallel_loop3A_893 = arith.constant 16 : i32
    scf.for %parallel_loop3A_1216 = %parallel_loop3A_891 to %parallel_loop3A_892 step %parallel_loop3A_893  : i32 {
      %parallel_loop3A_1217 = arith.constant 10 : i32
      %parallel_loop3A_1218 = arith.shrsi %parallel_loop3A_1216, %parallel_loop3A_1217 : i32
      %parallel_loop3A_1219 = arith.constant 1023 : i32
      %parallel_loop3A_1220 = arith.andi %parallel_loop3A_1216, %parallel_loop3A_1219 : i32
      %parallel_loop3A_1221 = tpu.assume_multiple %parallel_loop3A_1220, 16 : i32
      %parallel_loop3A_1222 = arith.index_cast %parallel_loop3A_1218 : i32 to index
      %parallel_loop3A_1223 = arith.index_cast %parallel_loop3A_1221 : i32 to index
      %parallel_loop3A_1224 = tpu.vector_load %arg12[%parallel_loop3A_1222, %parallel_loop3A_1223] {strides = array<i32>} : memref<16x1024xf32, #tpu.memory_space<vmem>>, vector<1x16xf32>,
      %parallel_loop3A_1225 = vector.shape_cast %parallel_loop3A_1224 : vector<1x16xf32> to vector<16xf32>
      %parallel_loop3A_1226 = arith.index_cast %parallel_loop3A_1218 : i32 to index
      %parallel_loop3A_1227 = arith.index_cast %parallel_loop3A_1221 : i32 to index
      %parallel_loop3A_1228 = tpu.vector_load %arg10[%parallel_loop3A_1226, %parallel_loop3A_1227] {strides = array<i32>} : memref<16x1024xf32, #tpu.memory_space<vmem>>, vector<1x16xf32>,
      %parallel_loop3A_1229 = vector.shape_cast %parallel_loop3A_1228 : vector<1x16xf32> to vector<16xf32>
      %parallel_loop3A_1230 = vector.shape_cast %parallel_loop3A_1225 : vector<16xf32> to vector<1x16xf32>
      tpu.vector_store %arg10[%parallel_loop3A_1226, %parallel_loop3A_1227], %parallel_loop3A_1230 {add = true, strides = array<i32>} : memref<16x1024xf32, #tpu.memory_space<vmem>>, vector<1x16xf32>,
    } {sc.loop_unroll_factor = 8 : i64, sc.parallel_access}
    %add3A_894 = arith.constant 12288 : i32
    %add3A_895 = arith.addi %add3A_894, %mul3A_2 : i32
    %add3A_896 = arith.constant 80 : i32
    %add3A_897 = arith.addi %add3A_895, %add3A_896 : i32
    %dma_start3A_898 = arith.constant 0 : i32
    %dma_start3A_899 = tpu.memref_slice %arg4[%add3A_897, %dma_start3A_898] : memref<16384x1024xf32, #tpu.memory_space<hbm>> -> memref<16x1024xf32, #tpu.memory_space<hbm>>
    %dma_start3A_900 = arith.constant 0 : i32
    %dma_start3A_901 = tpu.memref_slice %arg4[%add3A_897, %dma_start3A_900] : memref<16384x1024xf32, #tpu.memory_space<hbm>> -> memref<16x1024xf32, #tpu.memory_space<hbm>>
    tpu.enqueue_dma source(%arg10 : memref<16x1024xf32, #tpu.memory_space<vmem>>) target(%dma_start3A_901 : memref<16x1024xf32, #tpu.memory_space<hbm>>) target_semaphore(%arg24 : memref<!tpu.dma_semaphore, #tpu.memory_space<semaphore_mem>>)
    %add3A_902 = arith.constant 0 : i32
    %add3A_903 = arith.addi %add3A_902, %mul3A_2 : i32
    %add3A_904 = arith.constant 80 : i32
    %add3A_905 = arith.addi %add3A_903, %add3A_904 : i32
    %dma_wait3A_906 = arith.constant 0 : i32
    %dma_wait3A_907 = tpu.memref_slice %arg4[%add3A_905, %dma_wait3A_906] : memref<16384x1024xf32, #tpu.memory_space<hbm>> -> memref<16x1024xf32, #tpu.memory_space<hbm>>
    %dma_wait3A_908 = arith.constant 0 : i32
    %dma_wait3A_909 = tpu.memref_slice %arg4[%add3A_905, %dma_wait3A_908] : memref<16384x1024xf32, #tpu.memory_space<hbm>> -> memref<16x1024xf32, #tpu.memory_space<hbm>>
    tpu.wait_dma2 semaphore(%arg21 : memref<!tpu.dma_semaphore, #tpu.memory_space<semaphore_mem>>) src(%arg7 : memref<16x1024xf32, #tpu.memory_space<vmem>>) dst(%dma_wait3A_909 : memref<16x1024xf32, #tpu.memory_space<hbm>>)
    %add3A_910 = arith.constant 8192 : i32
    %add3A_911 = arith.addi %add3A_910, %mul3A_2 : i32
    %add3A_912 = arith.constant 96 : i32
    %add3A_913 = arith.addi %add3A_911, %add3A_912 : i32
    %dma_start3A_914 = arith.constant 0 : i32
    %dma_start3A_915 = tpu.memref_slice %arg2[%add3A_913, %dma_start3A_914] : memref<16384x1024xf32, #tpu.memory_space<hbm>> -> memref<16x1024xf32, #tpu.memory_space<hbm>>
    %dma_start3A_916 = arith.constant 0 : i32
    %dma_start3A_917 = tpu.memref_slice %arg2[%add3A_913, %dma_start3A_916] : memref<16384x1024xf32, #tpu.memory_space<hbm>> -> memref<16x1024xf32, #tpu.memory_space<hbm>>
    tpu.enqueue_dma source(%dma_start3A_917 : memref<16x1024xf32, #tpu.memory_space<hbm>>) target(%arg7 : memref<16x1024xf32, #tpu.memory_space<vmem>>) target_semaphore(%arg15 : memref<!tpu.dma_semaphore, #tpu.memory_space<semaphore_mem>>)
    %add3A_918 = arith.constant 0 : i32
    %add3A_919 = arith.addi %add3A_918, %mul3A_2 : i32
    %add3A_920 = arith.constant 96 : i32
    %add3A_921 = arith.addi %add3A_919, %add3A_920 : i32
    %dma_wait3A_922 = arith.constant 0 : i32
    %dma_wait3A_923 = tpu.memref_slice %arg2[%add3A_921, %dma_wait3A_922] : memref<16384x1024xf32, #tpu.memory_space<hbm>> -> memref<16x1024xf32, #tpu.memory_space<hbm>>
    %dma_wait3A_924 = arith.constant 0 : i32
    %dma_wait3A_925 = tpu.memref_slice %arg2[%add3A_921, %dma_wait3A_924] : memref<16384x1024xf32, #tpu.memory_space<hbm>> -> memref<16x1024xf32, #tpu.memory_space<hbm>>
    tpu.wait_dma2 semaphore(%arg13 : memref<!tpu.dma_semaphore, #tpu.memory_space<semaphore_mem>>) src(%dma_wait3A_925 : memref<16x1024xf32, #tpu.memory_space<hbm>>) dst(%arg5 : memref<16x1024xf32, #tpu.memory_space<vmem>>)
    %add3A_926 = arith.constant 96 : i32
    %add3A_927 = arith.addi %mul3A_2, %add3A_926 : i32
    %dma_wait3A_928 = arith.constant 0 : i32
    %dma_wait3A_929 = tpu.memref_slice %arg3[%add3A_927, %dma_wait3A_928] : memref<8192x1024xf32, #tpu.memory_space<hbm>> -> memref<16x1024xf32, #tpu.memory_space<hbm>>
    %dma_wait3A_930 = arith.constant 0 : i32
    %dma_wait3A_931 = tpu.memref_slice %arg3[%add3A_927, %dma_wait3A_930] : memref<8192x1024xf32, #tpu.memory_space<hbm>> -> memref<16x1024xf32, #tpu.memory_space<hbm>>
    tpu.wait_dma2 semaphore(%arg25 : memref<!tpu.dma_semaphore, #tpu.memory_space<semaphore_mem>>) src(%dma_wait3A_931 : memref<16x1024xf32, #tpu.memory_space<hbm>>) dst(%arg11 : memref<16x1024xf32, #tpu.memory_space<vmem>>)
    %parallel_loop3A_932 = arith.constant 0 : i32
    %parallel_loop3A_933 = arith.constant 16384 : i32
    %parallel_loop3A_934 = arith.constant 16 : i32
    scf.for %parallel_loop3A_1216 = %parallel_loop3A_932 to %parallel_loop3A_933 step %parallel_loop3A_934  : i32 {
      %parallel_loop3A_1217 = arith.constant 10 : i32
      %parallel_loop3A_1218 = arith.shrsi %parallel_loop3A_1216, %parallel_loop3A_1217 : i32
      %parallel_loop3A_1219 = arith.constant 1023 : i32
      %parallel_loop3A_1220 = arith.andi %parallel_loop3A_1216, %parallel_loop3A_1219 : i32
      %parallel_loop3A_1221 = tpu.assume_multiple %parallel_loop3A_1220, 16 : i32
      %parallel_loop3A_1222 = arith.index_cast %parallel_loop3A_1218 : i32 to index
      %parallel_loop3A_1223 = arith.index_cast %parallel_loop3A_1221 : i32 to index
      %parallel_loop3A_1224 = tpu.vector_load %arg11[%parallel_loop3A_1222, %parallel_loop3A_1223] {strides = array<i32>} : memref<16x1024xf32, #tpu.memory_space<vmem>>, vector<1x16xf32>,
      %parallel_loop3A_1225 = vector.shape_cast %parallel_loop3A_1224 : vector<1x16xf32> to vector<16xf32>
      %parallel_loop3A_1226 = arith.index_cast %parallel_loop3A_1218 : i32 to index
      %parallel_loop3A_1227 = arith.index_cast %parallel_loop3A_1221 : i32 to index
      %parallel_loop3A_1228 = tpu.vector_load %arg5[%parallel_loop3A_1226, %parallel_loop3A_1227] {strides = array<i32>} : memref<16x1024xf32, #tpu.memory_space<vmem>>, vector<1x16xf32>,
      %parallel_loop3A_1229 = vector.shape_cast %parallel_loop3A_1228 : vector<1x16xf32> to vector<16xf32>
      %parallel_loop3A_1230 = vector.shape_cast %parallel_loop3A_1225 : vector<16xf32> to vector<1x16xf32>
      tpu.vector_store %arg5[%parallel_loop3A_1226, %parallel_loop3A_1227], %parallel_loop3A_1230 {add = true, strides = array<i32>} : memref<16x1024xf32, #tpu.memory_space<vmem>>, vector<1x16xf32>,
    } {sc.loop_unroll_factor = 8 : i64, sc.parallel_access}
    %add3A_935 = arith.constant 0 : i32
    %add3A_936 = arith.addi %add3A_935, %mul3A_2 : i32
    %add3A_937 = arith.constant 96 : i32
    %add3A_938 = arith.addi %add3A_936, %add3A_937 : i32
    %dma_start3A_939 = arith.constant 0 : i32
    %dma_start3A_940 = tpu.memref_slice %arg4[%add3A_938, %dma_start3A_939] : memref<16384x1024xf32, #tpu.memory_space<hbm>> -> memref<16x1024xf32, #tpu.memory_space<hbm>>
    %dma_start3A_941 = arith.constant 0 : i32
    %dma_start3A_942 = tpu.memref_slice %arg4[%add3A_938, %dma_start3A_941] : memref<16384x1024xf32, #tpu.memory_space<hbm>> -> memref<16x1024xf32, #tpu.memory_space<hbm>>
    tpu.enqueue_dma source(%arg5 : memref<16x1024xf32, #tpu.memory_space<vmem>>) target(%dma_start3A_942 : memref<16x1024xf32, #tpu.memory_space<hbm>>) target_semaphore(%arg19 : memref<!tpu.dma_semaphore, #tpu.memory_space<semaphore_mem>>)
    %add3A_943 = arith.constant 4096 : i32
    %add3A_944 = arith.addi %add3A_943, %mul3A_2 : i32
    %add3A_945 = arith.constant 80 : i32
    %add3A_946 = arith.addi %add3A_944, %add3A_945 : i32
    %dma_wait3A_947 = arith.constant 0 : i32
    %dma_wait3A_948 = tpu.memref_slice %arg4[%add3A_946, %dma_wait3A_947] : memref<16384x1024xf32, #tpu.memory_space<hbm>> -> memref<16x1024xf32, #tpu.memory_space<hbm>>
    %dma_wait3A_949 = arith.constant 0 : i32
    %dma_wait3A_950 = tpu.memref_slice %arg4[%add3A_946, %dma_wait3A_949] : memref<16384x1024xf32, #tpu.memory_space<hbm>> -> memref<16x1024xf32, #tpu.memory_space<hbm>>
    tpu.wait_dma2 semaphore(%arg22 : memref<!tpu.dma_semaphore, #tpu.memory_space<semaphore_mem>>) src(%arg8 : memref<16x1024xf32, #tpu.memory_space<vmem>>) dst(%dma_wait3A_950 : memref<16x1024xf32, #tpu.memory_space<hbm>>)
    %add3A_951 = arith.constant 12288 : i32
    %add3A_952 = arith.addi %add3A_951, %mul3A_2 : i32
    %add3A_953 = arith.constant 96 : i32
    %add3A_954 = arith.addi %add3A_952, %add3A_953 : i32
    %dma_start3A_955 = arith.constant 0 : i32
    %dma_start3A_956 = tpu.memref_slice %arg2[%add3A_954, %dma_start3A_955] : memref<16384x1024xf32, #tpu.memory_space<hbm>> -> memref<16x1024xf32, #tpu.memory_space<hbm>>
    %dma_start3A_957 = arith.constant 0 : i32
    %dma_start3A_958 = tpu.memref_slice %arg2[%add3A_954, %dma_start3A_957] : memref<16384x1024xf32, #tpu.memory_space<hbm>> -> memref<16x1024xf32, #tpu.memory_space<hbm>>
    tpu.enqueue_dma source(%dma_start3A_958 : memref<16x1024xf32, #tpu.memory_space<hbm>>) target(%arg8 : memref<16x1024xf32, #tpu.memory_space<vmem>>) target_semaphore(%arg16 : memref<!tpu.dma_semaphore, #tpu.memory_space<semaphore_mem>>)
    %add3A_959 = arith.constant 4096 : i32
    %add3A_960 = arith.addi %add3A_959, %mul3A_2 : i32
    %add3A_961 = arith.constant 96 : i32
    %add3A_962 = arith.addi %add3A_960, %add3A_961 : i32
    %dma_wait3A_963 = arith.constant 0 : i32
    %dma_wait3A_964 = tpu.memref_slice %arg2[%add3A_962, %dma_wait3A_963] : memref<16384x1024xf32, #tpu.memory_space<hbm>> -> memref<16x1024xf32, #tpu.memory_space<hbm>>
    %dma_wait3A_965 = arith.constant 0 : i32
    %dma_wait3A_966 = tpu.memref_slice %arg2[%add3A_962, %dma_wait3A_965] : memref<16384x1024xf32, #tpu.memory_space<hbm>> -> memref<16x1024xf32, #tpu.memory_space<hbm>>
    tpu.wait_dma2 semaphore(%arg14 : memref<!tpu.dma_semaphore, #tpu.memory_space<semaphore_mem>>) src(%dma_wait3A_966 : memref<16x1024xf32, #tpu.memory_space<hbm>>) dst(%arg6 : memref<16x1024xf32, #tpu.memory_space<vmem>>)
    %parallel_loop3A_967 = arith.constant 0 : i32
    %parallel_loop3A_968 = arith.constant 16384 : i32
    %parallel_loop3A_969 = arith.constant 16 : i32
    scf.for %parallel_loop3A_1216 = %parallel_loop3A_967 to %parallel_loop3A_968 step %parallel_loop3A_969  : i32 {
      %parallel_loop3A_1217 = arith.constant 10 : i32
      %parallel_loop3A_1218 = arith.shrsi %parallel_loop3A_1216, %parallel_loop3A_1217 : i32
      %parallel_loop3A_1219 = arith.constant 1023 : i32
      %parallel_loop3A_1220 = arith.andi %parallel_loop3A_1216, %parallel_loop3A_1219 : i32
      %parallel_loop3A_1221 = tpu.assume_multiple %parallel_loop3A_1220, 16 : i32
      %parallel_loop3A_1222 = arith.index_cast %parallel_loop3A_1218 : i32 to index
      %parallel_loop3A_1223 = arith.index_cast %parallel_loop3A_1221 : i32 to index
      %parallel_loop3A_1224 = tpu.vector_load %arg11[%parallel_loop3A_1222, %parallel_loop3A_1223] {strides = array<i32>} : memref<16x1024xf32, #tpu.memory_space<vmem>>, vector<1x16xf32>,
      %parallel_loop3A_1225 = vector.shape_cast %parallel_loop3A_1224 : vector<1x16xf32> to vector<16xf32>
      %parallel_loop3A_1226 = arith.index_cast %parallel_loop3A_1218 : i32 to index
      %parallel_loop3A_1227 = arith.index_cast %parallel_loop3A_1221 : i32 to index
      %parallel_loop3A_1228 = tpu.vector_load %arg6[%parallel_loop3A_1226, %parallel_loop3A_1227] {strides = array<i32>} : memref<16x1024xf32, #tpu.memory_space<vmem>>, vector<1x16xf32>,
      %parallel_loop3A_1229 = vector.shape_cast %parallel_loop3A_1228 : vector<1x16xf32> to vector<16xf32>
      %parallel_loop3A_1230 = vector.shape_cast %parallel_loop3A_1225 : vector<16xf32> to vector<1x16xf32>
      tpu.vector_store %arg6[%parallel_loop3A_1226, %parallel_loop3A_1227], %parallel_loop3A_1230 {add = true, strides = array<i32>} : memref<16x1024xf32, #tpu.memory_space<vmem>>, vector<1x16xf32>,
    } {sc.loop_unroll_factor = 8 : i64, sc.parallel_access}
    %add3A_970 = arith.constant 4096 : i32
    %add3A_971 = arith.addi %add3A_970, %mul3A_2 : i32
    %add3A_972 = arith.constant 96 : i32
    %add3A_973 = arith.addi %add3A_971, %add3A_972 : i32
    %dma_start3A_974 = arith.constant 0 : i32
    %dma_start3A_975 = tpu.memref_slice %arg4[%add3A_973, %dma_start3A_974] : memref<16384x1024xf32, #tpu.memory_space<hbm>> -> memref<16x1024xf32, #tpu.memory_space<hbm>>
    %dma_start3A_976 = arith.constant 0 : i32
    %dma_start3A_977 = tpu.memref_slice %arg4[%add3A_973, %dma_start3A_976] : memref<16384x1024xf32, #tpu.memory_space<hbm>> -> memref<16x1024xf32, #tpu.memory_space<hbm>>
    tpu.enqueue_dma source(%arg6 : memref<16x1024xf32, #tpu.memory_space<vmem>>) target(%dma_start3A_977 : memref<16x1024xf32, #tpu.memory_space<hbm>>) target_semaphore(%arg20 : memref<!tpu.dma_semaphore, #tpu.memory_space<semaphore_mem>>)
    %add3A_978 = arith.constant 8192 : i32
    %add3A_979 = arith.addi %add3A_978, %mul3A_2 : i32
    %add3A_980 = arith.constant 80 : i32
    %add3A_981 = arith.addi %add3A_979, %add3A_980 : i32
    %dma_wait3A_982 = arith.constant 0 : i32
    %dma_wait3A_983 = tpu.memref_slice %arg4[%add3A_981, %dma_wait3A_982] : memref<16384x1024xf32, #tpu.memory_space<hbm>> -> memref<16x1024xf32, #tpu.memory_space<hbm>>
    %dma_wait3A_984 = arith.constant 0 : i32
    %dma_wait3A_985 = tpu.memref_slice %arg4[%add3A_981, %dma_wait3A_984] : memref<16384x1024xf32, #tpu.memory_space<hbm>> -> memref<16x1024xf32, #tpu.memory_space<hbm>>
    tpu.wait_dma2 semaphore(%arg23 : memref<!tpu.dma_semaphore, #tpu.memory_space<semaphore_mem>>) src(%arg9 : memref<16x1024xf32, #tpu.memory_space<vmem>>) dst(%dma_wait3A_985 : memref<16x1024xf32, #tpu.memory_space<hbm>>)
    %add3A_986 = arith.constant 0 : i32
    %add3A_987 = arith.addi %add3A_986, %mul3A_2 : i32
    %add3A_988 = arith.constant 112 : i32
    %add3A_989 = arith.addi %add3A_987, %add3A_988 : i32
    %dma_start3A_990 = arith.constant 0 : i32
    %dma_start3A_991 = tpu.memref_slice %arg2[%add3A_989, %dma_start3A_990] : memref<16384x1024xf32, #tpu.memory_space<hbm>> -> memref<16x1024xf32, #tpu.memory_space<hbm>>
    %dma_start3A_992 = arith.constant 0 : i32
    %dma_start3A_993 = tpu.memref_slice %arg2[%add3A_989, %dma_start3A_992] : memref<16384x1024xf32, #tpu.memory_space<hbm>> -> memref<16x1024xf32, #tpu.memory_space<hbm>>
    tpu.enqueue_dma source(%dma_start3A_993 : memref<16x1024xf32, #tpu.memory_space<hbm>>) target(%arg9 : memref<16x1024xf32, #tpu.memory_space<vmem>>) target_semaphore(%arg17 : memref<!tpu.dma_semaphore, #tpu.memory_space<semaphore_mem>>)
    %add3A_994 = arith.constant 112 : i32
    %add3A_995 = arith.addi %mul3A_2, %add3A_994 : i32
    %dma_start3A_996 = arith.constant 0 : i32
    %dma_start3A_997 = tpu.memref_slice %arg3[%add3A_995, %dma_start3A_996] : memref<8192x1024xf32, #tpu.memory_space<hbm>> -> memref<16x1024xf32, #tpu.memory_space<hbm>>
    %dma_start3A_998 = arith.constant 0 : i32
    %dma_start3A_999 = tpu.memref_slice %arg3[%add3A_995, %dma_start3A_998] : memref<8192x1024xf32, #tpu.memory_space<hbm>> -> memref<16x1024xf32, #tpu.memory_space<hbm>>
    tpu.enqueue_dma source(%dma_start3A_999 : memref<16x1024xf32, #tpu.memory_space<hbm>>) target(%arg12 : memref<16x1024xf32, #tpu.memory_space<vmem>>) target_semaphore(%arg26 : memref<!tpu.dma_semaphore, #tpu.memory_space<semaphore_mem>>)
    %add3A_1000 = arith.constant 8192 : i32
    %add3A_1001 = arith.addi %add3A_1000, %mul3A_2 : i32
    %add3A_1002 = arith.constant 96 : i32
    %add3A_1003 = arith.addi %add3A_1001, %add3A_1002 : i32
    %dma_wait3A_1004 = arith.constant 0 : i32
    %dma_wait3A_1005 = tpu.memref_slice %arg2[%add3A_1003, %dma_wait3A_1004] : memref<16384x1024xf32, #tpu.memory_space<hbm>> -> memref<16x1024xf32, #tpu.memory_space<hbm>>
    %dma_wait3A_1006 = arith.constant 0 : i32
    %dma_wait3A_1007 = tpu.memref_slice %arg2[%add3A_1003, %dma_wait3A_1006] : memref<16384x1024xf32, #tpu.memory_space<hbm>> -> memref<16x1024xf32, #tpu.memory_space<hbm>>
    tpu.wait_dma2 semaphore(%arg15 : memref<!tpu.dma_semaphore, #tpu.memory_space<semaphore_mem>>) src(%dma_wait3A_1007 : memref<16x1024xf32, #tpu.memory_space<hbm>>) dst(%arg7 : memref<16x1024xf32, #tpu.memory_space<vmem>>)
    %parallel_loop3A_1008 = arith.constant 0 : i32
    %parallel_loop3A_1009 = arith.constant 16384 : i32
    %parallel_loop3A_1010 = arith.constant 16 : i32
    scf.for %parallel_loop3A_1216 = %parallel_loop3A_1008 to %parallel_loop3A_1009 step %parallel_loop3A_1010  : i32 {
      %parallel_loop3A_1217 = arith.constant 10 : i32
      %parallel_loop3A_1218 = arith.shrsi %parallel_loop3A_1216, %parallel_loop3A_1217 : i32
      %parallel_loop3A_1219 = arith.constant 1023 : i32
      %parallel_loop3A_1220 = arith.andi %parallel_loop3A_1216, %parallel_loop3A_1219 : i32
      %parallel_loop3A_1221 = tpu.assume_multiple %parallel_loop3A_1220, 16 : i32
      %parallel_loop3A_1222 = arith.index_cast %parallel_loop3A_1218 : i32 to index
      %parallel_loop3A_1223 = arith.index_cast %parallel_loop3A_1221 : i32 to index
      %parallel_loop3A_1224 = tpu.vector_load %arg11[%parallel_loop3A_1222, %parallel_loop3A_1223] {strides = array<i32>} : memref<16x1024xf32, #tpu.memory_space<vmem>>, vector<1x16xf32>,
      %parallel_loop3A_1225 = vector.shape_cast %parallel_loop3A_1224 : vector<1x16xf32> to vector<16xf32>
      %parallel_loop3A_1226 = arith.index_cast %parallel_loop3A_1218 : i32 to index
      %parallel_loop3A_1227 = arith.index_cast %parallel_loop3A_1221 : i32 to index
      %parallel_loop3A_1228 = tpu.vector_load %arg7[%parallel_loop3A_1226, %parallel_loop3A_1227] {strides = array<i32>} : memref<16x1024xf32, #tpu.memory_space<vmem>>, vector<1x16xf32>,
      %parallel_loop3A_1229 = vector.shape_cast %parallel_loop3A_1228 : vector<1x16xf32> to vector<16xf32>
      %parallel_loop3A_1230 = vector.shape_cast %parallel_loop3A_1225 : vector<16xf32> to vector<1x16xf32>
      tpu.vector_store %arg7[%parallel_loop3A_1226, %parallel_loop3A_1227], %parallel_loop3A_1230 {add = true, strides = array<i32>} : memref<16x1024xf32, #tpu.memory_space<vmem>>, vector<1x16xf32>,
    } {sc.loop_unroll_factor = 8 : i64, sc.parallel_access}
    %add3A_1011 = arith.constant 8192 : i32
    %add3A_1012 = arith.addi %add3A_1011, %mul3A_2 : i32
    %add3A_1013 = arith.constant 96 : i32
    %add3A_1014 = arith.addi %add3A_1012, %add3A_1013 : i32
    %dma_start3A_1015 = arith.constant 0 : i32
    %dma_start3A_1016 = tpu.memref_slice %arg4[%add3A_1014, %dma_start3A_1015] : memref<16384x1024xf32, #tpu.memory_space<hbm>> -> memref<16x1024xf32, #tpu.memory_space<hbm>>
    %dma_start3A_1017 = arith.constant 0 : i32
    %dma_start3A_1018 = tpu.memref_slice %arg4[%add3A_1014, %dma_start3A_1017] : memref<16384x1024xf32, #tpu.memory_space<hbm>> -> memref<16x1024xf32, #tpu.memory_space<hbm>>
    tpu.enqueue_dma source(%arg7 : memref<16x1024xf32, #tpu.memory_space<vmem>>) target(%dma_start3A_1018 : memref<16x1024xf32, #tpu.memory_space<hbm>>) target_semaphore(%arg21 : memref<!tpu.dma_semaphore, #tpu.memory_space<semaphore_mem>>)
    %add3A_1019 = arith.constant 12288 : i32
    %add3A_1020 = arith.addi %add3A_1019, %mul3A_2 : i32
    %add3A_1021 = arith.constant 80 : i32
    %add3A_1022 = arith.addi %add3A_1020, %add3A_1021 : i32
    %dma_wait3A_1023 = arith.constant 0 : i32
    %dma_wait3A_1024 = tpu.memref_slice %arg4[%add3A_1022, %dma_wait3A_1023] : memref<16384x1024xf32, #tpu.memory_space<hbm>> -> memref<16x1024xf32, #tpu.memory_space<hbm>>
    %dma_wait3A_1025 = arith.constant 0 : i32
    %dma_wait3A_1026 = tpu.memref_slice %arg4[%add3A_1022, %dma_wait3A_1025] : memref<16384x1024xf32, #tpu.memory_space<hbm>> -> memref<16x1024xf32, #tpu.memory_space<hbm>>
    tpu.wait_dma2 semaphore(%arg24 : memref<!tpu.dma_semaphore, #tpu.memory_space<semaphore_mem>>) src(%arg10 : memref<16x1024xf32, #tpu.memory_space<vmem>>) dst(%dma_wait3A_1026 : memref<16x1024xf32, #tpu.memory_space<hbm>>)
    %add3A_1027 = arith.constant 4096 : i32
    %add3A_1028 = arith.addi %add3A_1027, %mul3A_2 : i32
    %add3A_1029 = arith.constant 112 : i32
    %add3A_1030 = arith.addi %add3A_1028, %add3A_1029 : i32
    %dma_start3A_1031 = arith.constant 0 : i32
    %dma_start3A_1032 = tpu.memref_slice %arg2[%add3A_1030, %dma_start3A_1031] : memref<16384x1024xf32, #tpu.memory_space<hbm>> -> memref<16x1024xf32, #tpu.memory_space<hbm>>
    %dma_start3A_1033 = arith.constant 0 : i32
    %dma_start3A_1034 = tpu.memref_slice %arg2[%add3A_1030, %dma_start3A_1033] : memref<16384x1024xf32, #tpu.memory_space<hbm>> -> memref<16x1024xf32, #tpu.memory_space<hbm>>
    tpu.enqueue_dma source(%dma_start3A_1034 : memref<16x1024xf32, #tpu.memory_space<hbm>>) target(%arg10 : memref<16x1024xf32, #tpu.memory_space<vmem>>) target_semaphore(%arg18 : memref<!tpu.dma_semaphore, #tpu.memory_space<semaphore_mem>>)
    %add3A_1035 = arith.constant 12288 : i32
    %add3A_1036 = arith.addi %add3A_1035, %mul3A_2 : i32
    %add3A_1037 = arith.constant 96 : i32
    %add3A_1038 = arith.addi %add3A_1036, %add3A_1037 : i32
    %dma_wait3A_1039 = arith.constant 0 : i32
    %dma_wait3A_1040 = tpu.memref_slice %arg2[%add3A_1038, %dma_wait3A_1039] : memref<16384x1024xf32, #tpu.memory_space<hbm>> -> memref<16x1024xf32, #tpu.memory_space<hbm>>
    %dma_wait3A_1041 = arith.constant 0 : i32
    %dma_wait3A_1042 = tpu.memref_slice %arg2[%add3A_1038, %dma_wait3A_1041] : memref<16384x1024xf32, #tpu.memory_space<hbm>> -> memref<16x1024xf32, #tpu.memory_space<hbm>>
    tpu.wait_dma2 semaphore(%arg16 : memref<!tpu.dma_semaphore, #tpu.memory_space<semaphore_mem>>) src(%dma_wait3A_1042 : memref<16x1024xf32, #tpu.memory_space<hbm>>) dst(%arg8 : memref<16x1024xf32, #tpu.memory_space<vmem>>)
    %parallel_loop3A_1043 = arith.constant 0 : i32
    %parallel_loop3A_1044 = arith.constant 16384 : i32
    %parallel_loop3A_1045 = arith.constant 16 : i32
    scf.for %parallel_loop3A_1216 = %parallel_loop3A_1043 to %parallel_loop3A_1044 step %parallel_loop3A_1045  : i32 {
      %parallel_loop3A_1217 = arith.constant 10 : i32
      %parallel_loop3A_1218 = arith.shrsi %parallel_loop3A_1216, %parallel_loop3A_1217 : i32
      %parallel_loop3A_1219 = arith.constant 1023 : i32
      %parallel_loop3A_1220 = arith.andi %parallel_loop3A_1216, %parallel_loop3A_1219 : i32
      %parallel_loop3A_1221 = tpu.assume_multiple %parallel_loop3A_1220, 16 : i32
      %parallel_loop3A_1222 = arith.index_cast %parallel_loop3A_1218 : i32 to index
      %parallel_loop3A_1223 = arith.index_cast %parallel_loop3A_1221 : i32 to index
      %parallel_loop3A_1224 = tpu.vector_load %arg11[%parallel_loop3A_1222, %parallel_loop3A_1223] {strides = array<i32>} : memref<16x1024xf32, #tpu.memory_space<vmem>>, vector<1x16xf32>,
      %parallel_loop3A_1225 = vector.shape_cast %parallel_loop3A_1224 : vector<1x16xf32> to vector<16xf32>
      %parallel_loop3A_1226 = arith.index_cast %parallel_loop3A_1218 : i32 to index
      %parallel_loop3A_1227 = arith.index_cast %parallel_loop3A_1221 : i32 to index
      %parallel_loop3A_1228 = tpu.vector_load %arg8[%parallel_loop3A_1226, %parallel_loop3A_1227] {strides = array<i32>} : memref<16x1024xf32, #tpu.memory_space<vmem>>, vector<1x16xf32>,
      %parallel_loop3A_1229 = vector.shape_cast %parallel_loop3A_1228 : vector<1x16xf32> to vector<16xf32>
      %parallel_loop3A_1230 = vector.shape_cast %parallel_loop3A_1225 : vector<16xf32> to vector<1x16xf32>
      tpu.vector_store %arg8[%parallel_loop3A_1226, %parallel_loop3A_1227], %parallel_loop3A_1230 {add = true, strides = array<i32>} : memref<16x1024xf32, #tpu.memory_space<vmem>>, vector<1x16xf32>,
    } {sc.loop_unroll_factor = 8 : i64, sc.parallel_access}
    %add3A_1046 = arith.constant 12288 : i32
    %add3A_1047 = arith.addi %add3A_1046, %mul3A_2 : i32
    %add3A_1048 = arith.constant 96 : i32
    %add3A_1049 = arith.addi %add3A_1047, %add3A_1048 : i32
    %dma_start3A_1050 = arith.constant 0 : i32
    %dma_start3A_1051 = tpu.memref_slice %arg4[%add3A_1049, %dma_start3A_1050] : memref<16384x1024xf32, #tpu.memory_space<hbm>> -> memref<16x1024xf32, #tpu.memory_space<hbm>>
    %dma_start3A_1052 = arith.constant 0 : i32
    %dma_start3A_1053 = tpu.memref_slice %arg4[%add3A_1049, %dma_start3A_1052] : memref<16384x1024xf32, #tpu.memory_space<hbm>> -> memref<16x1024xf32, #tpu.memory_space<hbm>>
    tpu.enqueue_dma source(%arg8 : memref<16x1024xf32, #tpu.memory_space<vmem>>) target(%dma_start3A_1053 : memref<16x1024xf32, #tpu.memory_space<hbm>>) target_semaphore(%arg22 : memref<!tpu.dma_semaphore, #tpu.memory_space<semaphore_mem>>)
    %add3A_1054 = arith.constant 0 : i32
    %add3A_1055 = arith.addi %add3A_1054, %mul3A_2 : i32
    %add3A_1056 = arith.constant 96 : i32
    %add3A_1057 = arith.addi %add3A_1055, %add3A_1056 : i32
    %dma_wait3A_1058 = arith.constant 0 : i32
    %dma_wait3A_1059 = tpu.memref_slice %arg4[%add3A_1057, %dma_wait3A_1058] : memref<16384x1024xf32, #tpu.memory_space<hbm>> -> memref<16x1024xf32, #tpu.memory_space<hbm>>
    %dma_wait3A_1060 = arith.constant 0 : i32
    %dma_wait3A_1061 = tpu.memref_slice %arg4[%add3A_1057, %dma_wait3A_1060] : memref<16384x1024xf32, #tpu.memory_space<hbm>> -> memref<16x1024xf32, #tpu.memory_space<hbm>>
    tpu.wait_dma2 semaphore(%arg19 : memref<!tpu.dma_semaphore, #tpu.memory_space<semaphore_mem>>) src(%arg5 : memref<16x1024xf32, #tpu.memory_space<vmem>>) dst(%dma_wait3A_1061 : memref<16x1024xf32, #tpu.memory_space<hbm>>)
    %add3A_1062 = arith.constant 8192 : i32
    %add3A_1063 = arith.addi %add3A_1062, %mul3A_2 : i32
    %add3A_1064 = arith.constant 112 : i32
    %add3A_1065 = arith.addi %add3A_1063, %add3A_1064 : i32
    %dma_start3A_1066 = arith.constant 0 : i32
    %dma_start3A_1067 = tpu.memref_slice %arg2[%add3A_1065, %dma_start3A_1066] : memref<16384x1024xf32, #tpu.memory_space<hbm>> -> memref<16x1024xf32, #tpu.memory_space<hbm>>
    %dma_start3A_1068 = arith.constant 0 : i32
    %dma_start3A_1069 = tpu.memref_slice %arg2[%add3A_1065, %dma_start3A_1068] : memref<16384x1024xf32, #tpu.memory_space<hbm>> -> memref<16x1024xf32, #tpu.memory_space<hbm>>
    tpu.enqueue_dma source(%dma_start3A_1069 : memref<16x1024xf32, #tpu.memory_space<hbm>>) target(%arg5 : memref<16x1024xf32, #tpu.memory_space<vmem>>) target_semaphore(%arg13 : memref<!tpu.dma_semaphore, #tpu.memory_space<semaphore_mem>>)
    %add3A_1070 = arith.constant 0 : i32
    %add3A_1071 = arith.addi %add3A_1070, %mul3A_2 : i32
    %add3A_1072 = arith.constant 112 : i32
    %add3A_1073 = arith.addi %add3A_1071, %add3A_1072 : i32
    %dma_wait3A_1074 = arith.constant 0 : i32
    %dma_wait3A_1075 = tpu.memref_slice %arg2[%add3A_1073, %dma_wait3A_1074] : memref<16384x1024xf32, #tpu.memory_space<hbm>> -> memref<16x1024xf32, #tpu.memory_space<hbm>>
    %dma_wait3A_1076 = arith.constant 0 : i32
    %dma_wait3A_1077 = tpu.memref_slice %arg2[%add3A_1073, %dma_wait3A_1076] : memref<16384x1024xf32, #tpu.memory_space<hbm>> -> memref<16x1024xf32, #tpu.memory_space<hbm>>
    tpu.wait_dma2 semaphore(%arg17 : memref<!tpu.dma_semaphore, #tpu.memory_space<semaphore_mem>>) src(%dma_wait3A_1077 : memref<16x1024xf32, #tpu.memory_space<hbm>>) dst(%arg9 : memref<16x1024xf32, #tpu.memory_space<vmem>>)
    %add3A_1078 = arith.constant 112 : i32
    %add3A_1079 = arith.addi %mul3A_2, %add3A_1078 : i32
    %dma_wait3A_1080 = arith.constant 0 : i32
    %dma_wait3A_1081 = tpu.memref_slice %arg3[%add3A_1079, %dma_wait3A_1080] : memref<8192x1024xf32, #tpu.memory_space<hbm>> -> memref<16x1024xf32, #tpu.memory_space<hbm>>
    %dma_wait3A_1082 = arith.constant 0 : i32
    %dma_wait3A_1083 = tpu.memref_slice %arg3[%add3A_1079, %dma_wait3A_1082] : memref<8192x1024xf32, #tpu.memory_space<hbm>> -> memref<16x1024xf32, #tpu.memory_space<hbm>>
    tpu.wait_dma2 semaphore(%arg26 : memref<!tpu.dma_semaphore, #tpu.memory_space<semaphore_mem>>) src(%dma_wait3A_1083 : memref<16x1024xf32, #tpu.memory_space<hbm>>) dst(%arg12 : memref<16x1024xf32, #tpu.memory_space<vmem>>)
    %parallel_loop3A_1084 = arith.constant 0 : i32
    %parallel_loop3A_1085 = arith.constant 16384 : i32
    %parallel_loop3A_1086 = arith.constant 16 : i32
    scf.for %parallel_loop3A_1216 = %parallel_loop3A_1084 to %parallel_loop3A_1085 step %parallel_loop3A_1086  : i32 {
      %parallel_loop3A_1217 = arith.constant 10 : i32
      %parallel_loop3A_1218 = arith.shrsi %parallel_loop3A_1216, %parallel_loop3A_1217 : i32
      %parallel_loop3A_1219 = arith.constant 1023 : i32
      %parallel_loop3A_1220 = arith.andi %parallel_loop3A_1216, %parallel_loop3A_1219 : i32
      %parallel_loop3A_1221 = tpu.assume_multiple %parallel_loop3A_1220, 16 : i32
      %parallel_loop3A_1222 = arith.index_cast %parallel_loop3A_1218 : i32 to index
      %parallel_loop3A_1223 = arith.index_cast %parallel_loop3A_1221 : i32 to index
      %parallel_loop3A_1224 = tpu.vector_load %arg12[%parallel_loop3A_1222, %parallel_loop3A_1223] {strides = array<i32>} : memref<16x1024xf32, #tpu.memory_space<vmem>>, vector<1x16xf32>,
      %parallel_loop3A_1225 = vector.shape_cast %parallel_loop3A_1224 : vector<1x16xf32> to vector<16xf32>
      %parallel_loop3A_1226 = arith.index_cast %parallel_loop3A_1218 : i32 to index
      %parallel_loop3A_1227 = arith.index_cast %parallel_loop3A_1221 : i32 to index
      %parallel_loop3A_1228 = tpu.vector_load %arg9[%parallel_loop3A_1226, %parallel_loop3A_1227] {strides = array<i32>} : memref<16x1024xf32, #tpu.memory_space<vmem>>, vector<1x16xf32>,
      %parallel_loop3A_1229 = vector.shape_cast %parallel_loop3A_1228 : vector<1x16xf32> to vector<16xf32>
      %parallel_loop3A_1230 = vector.shape_cast %parallel_loop3A_1225 : vector<16xf32> to vector<1x16xf32>
      tpu.vector_store %arg9[%parallel_loop3A_1226, %parallel_loop3A_1227], %parallel_loop3A_1230 {add = true, strides = array<i32>} : memref<16x1024xf32, #tpu.memory_space<vmem>>, vector<1x16xf32>,
    } {sc.loop_unroll_factor = 8 : i64, sc.parallel_access}
    %add3A_1087 = arith.constant 0 : i32
    %add3A_1088 = arith.addi %add3A_1087, %mul3A_2 : i32
    %add3A_1089 = arith.constant 112 : i32
    %add3A_1090 = arith.addi %add3A_1088, %add3A_1089 : i32
    %dma_start3A_1091 = arith.constant 0 : i32
    %dma_start3A_1092 = tpu.memref_slice %arg4[%add3A_1090, %dma_start3A_1091] : memref<16384x1024xf32, #tpu.memory_space<hbm>> -> memref<16x1024xf32, #tpu.memory_space<hbm>>
    %dma_start3A_1093 = arith.constant 0 : i32
    %dma_start3A_1094 = tpu.memref_slice %arg4[%add3A_1090, %dma_start3A_1093] : memref<16384x1024xf32, #tpu.memory_space<hbm>> -> memref<16x1024xf32, #tpu.memory_space<hbm>>
    tpu.enqueue_dma source(%arg9 : memref<16x1024xf32, #tpu.memory_space<vmem>>) target(%dma_start3A_1094 : memref<16x1024xf32, #tpu.memory_space<hbm>>) target_semaphore(%arg23 : memref<!tpu.dma_semaphore, #tpu.memory_space<semaphore_mem>>)
    %add3A_1095 = arith.constant 4096 : i32
    %add3A_1096 = arith.addi %add3A_1095, %mul3A_2 : i32
    %add3A_1097 = arith.constant 96 : i32
    %add3A_1098 = arith.addi %add3A_1096, %add3A_1097 : i32
    %dma_wait3A_1099 = arith.constant 0 : i32
    %dma_wait3A_1100 = tpu.memref_slice %arg4[%add3A_1098, %dma_wait3A_1099] : memref<16384x1024xf32, #tpu.memory_space<hbm>> -> memref<16x1024xf32, #tpu.memory_space<hbm>>
    %dma_wait3A_1101 = arith.constant 0 : i32
    %dma_wait3A_1102 = tpu.memref_slice %arg4[%add3A_1098, %dma_wait3A_1101] : memref<16384x1024xf32, #tpu.memory_space<hbm>> -> memref<16x1024xf32, #tpu.memory_space<hbm>>
    tpu.wait_dma2 semaphore(%arg20 : memref<!tpu.dma_semaphore, #tpu.memory_space<semaphore_mem>>) src(%arg6 : memref<16x1024xf32, #tpu.memory_space<vmem>>) dst(%dma_wait3A_1102 : memref<16x1024xf32, #tpu.memory_space<hbm>>)
    %add3A_1103 = arith.constant 12288 : i32
    %add3A_1104 = arith.addi %add3A_1103, %mul3A_2 : i32
    %add3A_1105 = arith.constant 112 : i32
    %add3A_1106 = arith.addi %add3A_1104, %add3A_1105 : i32
    %dma_start3A_1107 = arith.constant 0 : i32
    %dma_start3A_1108 = tpu.memref_slice %arg2[%add3A_1106, %dma_start3A_1107] : memref<16384x1024xf32, #tpu.memory_space<hbm>> -> memref<16x1024xf32, #tpu.memory_space<hbm>>
    %dma_start3A_1109 = arith.constant 0 : i32
    %dma_start3A_1110 = tpu.memref_slice %arg2[%add3A_1106, %dma_start3A_1109] : memref<16384x1024xf32, #tpu.memory_space<hbm>> -> memref<16x1024xf32, #tpu.memory_space<hbm>>
    tpu.enqueue_dma source(%dma_start3A_1110 : memref<16x1024xf32, #tpu.memory_space<hbm>>) target(%arg6 : memref<16x1024xf32, #tpu.memory_space<vmem>>) target_semaphore(%arg14 : memref<!tpu.dma_semaphore, #tpu.memory_space<semaphore_mem>>)
    %add3A_1111 = arith.constant 4096 : i32
    %add3A_1112 = arith.addi %add3A_1111, %mul3A_2 : i32
    %add3A_1113 = arith.constant 112 : i32
    %add3A_1114 = arith.addi %add3A_1112, %add3A_1113 : i32
    %dma_wait3A_1115 = arith.constant 0 : i32
    %dma_wait3A_1116 = tpu.memref_slice %arg2[%add3A_1114, %dma_wait3A_1115] : memref<16384x1024xf32, #tpu.memory_space<hbm>> -> memref<16x1024xf32, #tpu.memory_space<hbm>>
    %dma_wait3A_1117 = arith.constant 0 : i32
    %dma_wait3A_1118 = tpu.memref_slice %arg2[%add3A_1114, %dma_wait3A_1117] : memref<16384x1024xf32, #tpu.memory_space<hbm>> -> memref<16x1024xf32, #tpu.memory_space<hbm>>
    tpu.wait_dma2 semaphore(%arg18 : memref<!tpu.dma_semaphore, #tpu.memory_space<semaphore_mem>>) src(%dma_wait3A_1118 : memref<16x1024xf32, #tpu.memory_space<hbm>>) dst(%arg10 : memref<16x1024xf32, #tpu.memory_space<vmem>>)
    %parallel_loop3A_1119 = arith.constant 0 : i32
    %parallel_loop3A_1120 = arith.constant 16384 : i32
    %parallel_loop3A_1121 = arith.constant 16 : i32
    scf.for %parallel_loop3A_1216 = %parallel_loop3A_1119 to %parallel_loop3A_1120 step %parallel_loop3A_1121  : i32 {
      %parallel_loop3A_1217 = arith.constant 10 : i32
      %parallel_loop3A_1218 = arith.shrsi %parallel_loop3A_1216, %parallel_loop3A_1217 : i32
      %parallel_loop3A_1219 = arith.constant 1023 : i32
      %parallel_loop3A_1220 = arith.andi %parallel_loop3A_1216, %parallel_loop3A_1219 : i32
      %parallel_loop3A_1221 = tpu.assume_multiple %parallel_loop3A_1220, 16 : i32
      %parallel_loop3A_1222 = arith.index_cast %parallel_loop3A_1218 : i32 to index
      %parallel_loop3A_1223 = arith.index_cast %parallel_loop3A_1221 : i32 to index
      %parallel_loop3A_1224 = tpu.vector_load %arg12[%parallel_loop3A_1222, %parallel_loop3A_1223] {strides = array<i32>} : memref<16x1024xf32, #tpu.memory_space<vmem>>, vector<1x16xf32>,
      %parallel_loop3A_1225 = vector.shape_cast %parallel_loop3A_1224 : vector<1x16xf32> to vector<16xf32>
      %parallel_loop3A_1226 = arith.index_cast %parallel_loop3A_1218 : i32 to index
      %parallel_loop3A_1227 = arith.index_cast %parallel_loop3A_1221 : i32 to index
      %parallel_loop3A_1228 = tpu.vector_load %arg10[%parallel_loop3A_1226, %parallel_loop3A_1227] {strides = array<i32>} : memref<16x1024xf32, #tpu.memory_space<vmem>>, vector<1x16xf32>,
      %parallel_loop3A_1229 = vector.shape_cast %parallel_loop3A_1228 : vector<1x16xf32> to vector<16xf32>
      %parallel_loop3A_1230 = vector.shape_cast %parallel_loop3A_1225 : vector<16xf32> to vector<1x16xf32>
      tpu.vector_store %arg10[%parallel_loop3A_1226, %parallel_loop3A_1227], %parallel_loop3A_1230 {add = true, strides = array<i32>} : memref<16x1024xf32, #tpu.memory_space<vmem>>, vector<1x16xf32>,
    } {sc.loop_unroll_factor = 8 : i64, sc.parallel_access}
    %add3A_1122 = arith.constant 4096 : i32
    %add3A_1123 = arith.addi %add3A_1122, %mul3A_2 : i32
    %add3A_1124 = arith.constant 112 : i32
    %add3A_1125 = arith.addi %add3A_1123, %add3A_1124 : i32
    %dma_start3A_1126 = arith.constant 0 : i32
    %dma_start3A_1127 = tpu.memref_slice %arg4[%add3A_1125, %dma_start3A_1126] : memref<16384x1024xf32, #tpu.memory_space<hbm>> -> memref<16x1024xf32, #tpu.memory_space<hbm>>
    %dma_start3A_1128 = arith.constant 0 : i32
    %dma_start3A_1129 = tpu.memref_slice %arg4[%add3A_1125, %dma_start3A_1128] : memref<16384x1024xf32, #tpu.memory_space<hbm>> -> memref<16x1024xf32, #tpu.memory_space<hbm>>
    tpu.enqueue_dma source(%arg10 : memref<16x1024xf32, #tpu.memory_space<vmem>>) target(%dma_start3A_1129 : memref<16x1024xf32, #tpu.memory_space<hbm>>) target_semaphore(%arg24 : memref<!tpu.dma_semaphore, #tpu.memory_space<semaphore_mem>>)
    %add3A_1130 = arith.constant 8192 : i32
    %add3A_1131 = arith.addi %add3A_1130, %mul3A_2 : i32
    %add3A_1132 = arith.constant 112 : i32
    %add3A_1133 = arith.addi %add3A_1131, %add3A_1132 : i32
    %dma_wait3A_1134 = arith.constant 0 : i32
    %dma_wait3A_1135 = tpu.memref_slice %arg2[%add3A_1133, %dma_wait3A_1134] : memref<16384x1024xf32, #tpu.memory_space<hbm>> -> memref<16x1024xf32, #tpu.memory_space<hbm>>
    %dma_wait3A_1136 = arith.constant 0 : i32
    %dma_wait3A_1137 = tpu.memref_slice %arg2[%add3A_1133, %dma_wait3A_1136] : memref<16384x1024xf32, #tpu.memory_space<hbm>> -> memref<16x1024xf32, #tpu.memory_space<hbm>>
    tpu.wait_dma2 semaphore(%arg13 : memref<!tpu.dma_semaphore, #tpu.memory_space<semaphore_mem>>) src(%dma_wait3A_1137 : memref<16x1024xf32, #tpu.memory_space<hbm>>) dst(%arg5 : memref<16x1024xf32, #tpu.memory_space<vmem>>)
    %parallel_loop3A_1138 = arith.constant 0 : i32
    %parallel_loop3A_1139 = arith.constant 16384 : i32
    %parallel_loop3A_1140 = arith.constant 16 : i32
    scf.for %parallel_loop3A_1216 = %parallel_loop3A_1138 to %parallel_loop3A_1139 step %parallel_loop3A_1140  : i32 {
      %parallel_loop3A_1217 = arith.constant 10 : i32
      %parallel_loop3A_1218 = arith.shrsi %parallel_loop3A_1216, %parallel_loop3A_1217 : i32
      %parallel_loop3A_1219 = arith.constant 1023 : i32
      %parallel_loop3A_1220 = arith.andi %parallel_loop3A_1216, %parallel_loop3A_1219 : i32
      %parallel_loop3A_1221 = tpu.assume_multiple %parallel_loop3A_1220, 16 : i32
      %parallel_loop3A_1222 = arith.index_cast %parallel_loop3A_1218 : i32 to index
      %parallel_loop3A_1223 = arith.index_cast %parallel_loop3A_1221 : i32 to index
      %parallel_loop3A_1224 = tpu.vector_load %arg12[%parallel_loop3A_1222, %parallel_loop3A_1223] {strides = array<i32>} : memref<16x1024xf32, #tpu.memory_space<vmem>>, vector<1x16xf32>,
      %parallel_loop3A_1225 = vector.shape_cast %parallel_loop3A_1224 : vector<1x16xf32> to vector<16xf32>
      %parallel_loop3A_1226 = arith.index_cast %parallel_loop3A_1218 : i32 to index
      %parallel_loop3A_1227 = arith.index_cast %parallel_loop3A_1221 : i32 to index
      %parallel_loop3A_1228 = tpu.vector_load %arg5[%parallel_loop3A_1226, %parallel_loop3A_1227] {strides = array<i32>} : memref<16x1024xf32, #tpu.memory_space<vmem>>, vector<1x16xf32>,
      %parallel_loop3A_1229 = vector.shape_cast %parallel_loop3A_1228 : vector<1x16xf32> to vector<16xf32>
      %parallel_loop3A_1230 = vector.shape_cast %parallel_loop3A_1225 : vector<16xf32> to vector<1x16xf32>
      tpu.vector_store %arg5[%parallel_loop3A_1226, %parallel_loop3A_1227], %parallel_loop3A_1230 {add = true, strides = array<i32>} : memref<16x1024xf32, #tpu.memory_space<vmem>>, vector<1x16xf32>,
    } {sc.loop_unroll_factor = 8 : i64, sc.parallel_access}
    %add3A_1141 = arith.constant 8192 : i32
    %add3A_1142 = arith.addi %add3A_1141, %mul3A_2 : i32
    %add3A_1143 = arith.constant 112 : i32
    %add3A_1144 = arith.addi %add3A_1142, %add3A_1143 : i32
    %dma_start3A_1145 = arith.constant 0 : i32
    %dma_start3A_1146 = tpu.memref_slice %arg4[%add3A_1144, %dma_start3A_1145] : memref<16384x1024xf32, #tpu.memory_space<hbm>> -> memref<16x1024xf32, #tpu.memory_space<hbm>>
    %dma_start3A_1147 = arith.constant 0 : i32
    %dma_start3A_1148 = tpu.memref_slice %arg4[%add3A_1144, %dma_start3A_1147] : memref<16384x1024xf32, #tpu.memory_space<hbm>> -> memref<16x1024xf32, #tpu.memory_space<hbm>>
    tpu.enqueue_dma source(%arg5 : memref<16x1024xf32, #tpu.memory_space<vmem>>) target(%dma_start3A_1148 : memref<16x1024xf32, #tpu.memory_space<hbm>>) target_semaphore(%arg19 : memref<!tpu.dma_semaphore, #tpu.memory_space<semaphore_mem>>)
    %add3A_1149 = arith.constant 12288 : i32
    %add3A_1150 = arith.addi %add3A_1149, %mul3A_2 : i32
    %add3A_1151 = arith.constant 112 : i32
    %add3A_1152 = arith.addi %add3A_1150, %add3A_1151 : i32
    %dma_wait3A_1153 = arith.constant 0 : i32
    %dma_wait3A_1154 = tpu.memref_slice %arg2[%add3A_1152, %dma_wait3A_1153] : memref<16384x1024xf32, #tpu.memory_space<hbm>> -> memref<16x1024xf32, #tpu.memory_space<hbm>>
    %dma_wait3A_1155 = arith.constant 0 : i32
    %dma_wait3A_1156 = tpu.memref_slice %arg2[%add3A_1152, %dma_wait3A_1155] : memref<16384x1024xf32, #tpu.memory_space<hbm>> -> memref<16x1024xf32, #tpu.memory_space<hbm>>
    tpu.wait_dma2 semaphore(%arg14 : memref<!tpu.dma_semaphore, #tpu.memory_space<semaphore_mem>>) src(%dma_wait3A_1156 : memref<16x1024xf32, #tpu.memory_space<hbm>>) dst(%arg6 : memref<16x1024xf32, #tpu.memory_space<vmem>>)
    %parallel_loop3A_1157 = arith.constant 0 : i32
    %parallel_loop3A_1158 = arith.constant 16384 : i32
    %parallel_loop3A_1159 = arith.constant 16 : i32
    scf.for %parallel_loop3A_1216 = %parallel_loop3A_1157 to %parallel_loop3A_1158 step %parallel_loop3A_1159  : i32 {
      %parallel_loop3A_1217 = arith.constant 10 : i32
      %parallel_loop3A_1218 = arith.shrsi %parallel_loop3A_1216, %parallel_loop3A_1217 : i32
      %parallel_loop3A_1219 = arith.constant 1023 : i32
      %parallel_loop3A_1220 = arith.andi %parallel_loop3A_1216, %parallel_loop3A_1219 : i32
      %parallel_loop3A_1221 = tpu.assume_multiple %parallel_loop3A_1220, 16 : i32
      %parallel_loop3A_1222 = arith.index_cast %parallel_loop3A_1218 : i32 to index
      %parallel_loop3A_1223 = arith.index_cast %parallel_loop3A_1221 : i32 to index
      %parallel_loop3A_1224 = tpu.vector_load %arg12[%parallel_loop3A_1222, %parallel_loop3A_1223] {strides = array<i32>} : memref<16x1024xf32, #tpu.memory_space<vmem>>, vector<1x16xf32>,
      %parallel_loop3A_1225 = vector.shape_cast %parallel_loop3A_1224 : vector<1x16xf32> to vector<16xf32>
      %parallel_loop3A_1226 = arith.index_cast %parallel_loop3A_1218 : i32 to index
      %parallel_loop3A_1227 = arith.index_cast %parallel_loop3A_1221 : i32 to index
      %parallel_loop3A_1228 = tpu.vector_load %arg6[%parallel_loop3A_1226, %parallel_loop3A_1227] {strides = array<i32>} : memref<16x1024xf32, #tpu.memory_space<vmem>>, vector<1x16xf32>,
      %parallel_loop3A_1229 = vector.shape_cast %parallel_loop3A_1228 : vector<1x16xf32> to vector<16xf32>
      %parallel_loop3A_1230 = vector.shape_cast %parallel_loop3A_1225 : vector<16xf32> to vector<1x16xf32>
      tpu.vector_store %arg6[%parallel_loop3A_1226, %parallel_loop3A_1227], %parallel_loop3A_1230 {add = true, strides = array<i32>} : memref<16x1024xf32, #tpu.memory_space<vmem>>, vector<1x16xf32>,
    } {sc.loop_unroll_factor = 8 : i64, sc.parallel_access}
    %add3A_1160 = arith.constant 12288 : i32
    %add3A_1161 = arith.addi %add3A_1160, %mul3A_2 : i32
    %add3A_1162 = arith.constant 112 : i32
    %add3A_1163 = arith.addi %add3A_1161, %add3A_1162 : i32
    %dma_start3A_1164 = arith.constant 0 : i32
    %dma_start3A_1165 = tpu.memref_slice %arg4[%add3A_1163, %dma_start3A_1164] : memref<16384x1024xf32, #tpu.memory_space<hbm>> -> memref<16x1024xf32, #tpu.memory_space<hbm>>
    %dma_start3A_1166 = arith.constant 0 : i32
    %dma_start3A_1167 = tpu.memref_slice %arg4[%add3A_1163, %dma_start3A_1166] : memref<16384x1024xf32, #tpu.memory_space<hbm>> -> memref<16x1024xf32, #tpu.memory_space<hbm>>
    tpu.enqueue_dma source(%arg6 : memref<16x1024xf32, #tpu.memory_space<vmem>>) target(%dma_start3A_1167 : memref<16x1024xf32, #tpu.memory_space<hbm>>) target_semaphore(%arg20 : memref<!tpu.dma_semaphore, #tpu.memory_space<semaphore_mem>>)
    %add3A_1168 = arith.constant 8192 : i32
    %add3A_1169 = arith.addi %add3A_1168, %mul3A_2 : i32
    %add3A_1170 = arith.constant 96 : i32
    %add3A_1171 = arith.addi %add3A_1169, %add3A_1170 : i32
    %dma_wait3A_1172 = arith.constant 0 : i32
    %dma_wait3A_1173 = tpu.memref_slice %arg4[%add3A_1171, %dma_wait3A_1172] : memref<16384x1024xf32, #tpu.memory_space<hbm>> -> memref<16x1024xf32, #tpu.memory_space<hbm>>
    %dma_wait3A_1174 = arith.constant 0 : i32
    %dma_wait3A_1175 = tpu.memref_slice %arg4[%add3A_1171, %dma_wait3A_1174] : memref<16384x1024xf32, #tpu.memory_space<hbm>> -> memref<16x1024xf32, #tpu.memory_space<hbm>>
    tpu.wait_dma2 semaphore(%arg21 : memref<!tpu.dma_semaphore, #tpu.memory_space<semaphore_mem>>) src(%arg7 : memref<16x1024xf32, #tpu.memory_space<vmem>>) dst(%dma_wait3A_1175 : memref<16x1024xf32, #tpu.memory_space<hbm>>)
    %add3A_1176 = arith.constant 12288 : i32
    %add3A_1177 = arith.addi %add3A_1176, %mul3A_2 : i32
    %add3A_1178 = arith.constant 96 : i32
    %add3A_1179 = arith.addi %add3A_1177, %add3A_1178 : i32
    %dma_wait3A_1180 = arith.constant 0 : i32
    %dma_wait3A_1181 = tpu.memref_slice %arg4[%add3A_1179, %dma_wait3A_1180] : memref<16384x1024xf32, #tpu.memory_space<hbm>> -> memref<16x1024xf32, #tpu.memory_space<hbm>>
    %dma_wait3A_1182 = arith.constant 0 : i32
    %dma_wait3A_1183 = tpu.memref_slice %arg4[%add3A_1179, %dma_wait3A_1182] : memref<16384x1024xf32, #tpu.memory_space<hbm>> -> memref<16x1024xf32, #tpu.memory_space<hbm>>
    tpu.wait_dma2 semaphore(%arg22 : memref<!tpu.dma_semaphore, #tpu.memory_space<semaphore_mem>>) src(%arg8 : memref<16x1024xf32, #tpu.memory_space<vmem>>) dst(%dma_wait3A_1183 : memref<16x1024xf32, #tpu.memory_space<hbm>>)
    %add3A_1184 = arith.constant 0 : i32
    %add3A_1185 = arith.addi %add3A_1184, %mul3A_2 : i32
    %add3A_1186 = arith.constant 112 : i32
    %add3A_1187 = arith.addi %add3A_1185, %add3A_1186 : i32
    %dma_wait3A_1188 = arith.constant 0 : i32
    %dma_wait3A_1189 = tpu.memref_slice %arg4[%add3A_1187, %dma_wait3A_1188] : memref<16384x1024xf32, #tpu.memory_space<hbm>> -> memref<16x1024xf32, #tpu.memory_space<hbm>>
    %dma_wait3A_1190 = arith.constant 0 : i32
    %dma_wait3A_1191 = tpu.memref_slice %arg4[%add3A_1187, %dma_wait3A_1190] : memref<16384x1024xf32, #tpu.memory_space<hbm>> -> memref<16x1024xf32, #tpu.memory_space<hbm>>
    tpu.wait_dma2 semaphore(%arg23 : memref<!tpu.dma_semaphore, #tpu.memory_space<semaphore_mem>>) src(%arg9 : memref<16x1024xf32, #tpu.memory_space<vmem>>) dst(%dma_wait3A_1191 : memref<16x1024xf32, #tpu.memory_space<hbm>>)
    %add3A_1192 = arith.constant 4096 : i32
    %add3A_1193 = arith.addi %add3A_1192, %mul3A_2 : i32
    %add3A_1194 = arith.constant 112 : i32
    %add3A_1195 = arith.addi %add3A_1193, %add3A_1194 : i32
    %dma_wait3A_1196 = arith.constant 0 : i32
    %dma_wait3A_1197 = tpu.memref_slice %arg4[%add3A_1195, %dma_wait3A_1196] : memref<16384x1024xf32, #tpu.memory_space<hbm>> -> memref<16x1024xf32, #tpu.memory_space<hbm>>
    %dma_wait3A_1198 = arith.constant 0 : i32
    %dma_wait3A_1199 = tpu.memref_slice %arg4[%add3A_1195, %dma_wait3A_1198] : memref<16384x1024xf32, #tpu.memory_space<hbm>> -> memref<16x1024xf32, #tpu.memory_space<hbm>>
    tpu.wait_dma2 semaphore(%arg24 : memref<!tpu.dma_semaphore, #tpu.memory_space<semaphore_mem>>) src(%arg10 : memref<16x1024xf32, #tpu.memory_space<vmem>>) dst(%dma_wait3A_1199 : memref<16x1024xf32, #tpu.memory_space<hbm>>)
    %add3A_1200 = arith.constant 8192 : i32
    %add3A_1201 = arith.addi %add3A_1200, %mul3A_2 : i32
    %add3A_1202 = arith.constant 112 : i32
    %add3A_1203 = arith.addi %add3A_1201, %add3A_1202 : i32
    %dma_wait3A_1204 = arith.constant 0 : i32
    %dma_wait3A_1205 = tpu.memref_slice %arg4[%add3A_1203, %dma_wait3A_1204] : memref<16384x1024xf32, #tpu.memory_space<hbm>> -> memref<16x1024xf32, #tpu.memory_space<hbm>>
    %dma_wait3A_1206 = arith.constant 0 : i32
    %dma_wait3A_1207 = tpu.memref_slice %arg4[%add3A_1203, %dma_wait3A_1206] : memref<16384x1024xf32, #tpu.memory_space<hbm>> -> memref<16x1024xf32, #tpu.memory_space<hbm>>
    tpu.wait_dma2 semaphore(%arg19 : memref<!tpu.dma_semaphore, #tpu.memory_space<semaphore_mem>>) src(%arg5 : memref<16x1024xf32, #tpu.memory_space<vmem>>) dst(%dma_wait3A_1207 : memref<16x1024xf32, #tpu.memory_space<hbm>>)
    %add3A_1208 = arith.constant 12288 : i32
    %add3A_1209 = arith.addi %add3A_1208, %mul3A_2 : i32
    %add3A_1210 = arith.constant 112 : i32
    %add3A_1211 = arith.addi %add3A_1209, %add3A_1210 : i32
    %dma_wait3A_1212 = arith.constant 0 : i32
    %dma_wait3A_1213 = tpu.memref_slice %arg4[%add3A_1211, %dma_wait3A_1212] : memref<16384x1024xf32, #tpu.memory_space<hbm>> -> memref<16x1024xf32, #tpu.memory_space<hbm>>
    %dma_wait3A_1214 = arith.constant 0 : i32
    %dma_wait3A_1215 = tpu.memref_slice %arg4[%add3A_1211, %dma_wait3A_1214] : memref<16384x1024xf32, #tpu.memory_space<hbm>> -> memref<16x1024xf32, #tpu.memory_space<hbm>>
    tpu.wait_dma2 semaphore(%arg20 : memref<!tpu.dma_semaphore, #tpu.memory_space<semaphore_mem>>) src(%arg6 : memref<16x1024xf32, #tpu.memory_space<vmem>>) dst(%dma_wait3A_1215 : memref<16x1024xf32, #tpu.memory_space<hbm>>)
    return
  }
}

</mosaic_0001>

<sc_bundles>
// kernel: _sc_call.3.cloned.1.call-start
scs
__scs_entry_jumppad:
0x0: {  	(pc) =	sbr.rel $0x88, $3  }
0x1: {  	(tag) =	ssettag $0x0;
	lr =	simm.s32 $0x1  }
0x2: {  	[smem:$0x3F9F] =	sst lr;
	_ =	strace $0xD0000000  }
0x3: {  	_ = 	snop  }
0x4: {  	_ = 	snop  }
0x5: {  	_ = 	snop  }
0x6: {  	_ = 	snop  }
0x7: {  	_ = 	snop  }
__scs_overlays_trampoline_lowered:
0x8: {  	[smem:$0x3FAE] =	sst s0  }
0x9: {  	[smem:$0x3FAF] =	sst s1  }
0xa: {  	[smem:$0x3FB0] =	sst s2  }
0xb: {  	[smem:$0x3FB1] =	sst s3  }
0xc: {  	[smem:$0x3FB2] =	sst s4  }
0xd: {  	[smem:$0x3FB3] =	sst s5  }
0xe: {  	[smem:$0x3FB4] =	sst s6  }
0xf: {  	[smem:$0x3FB5] =	sst s7  }
0x10: {  	[smem:$0x3FB6] =	sst s8  }
0x11: {  	[smem:$0x3FB7] =	sst s9;
	s0 =	simm.s32 @!p0 $0x0  }
0x12: {  	s1 =	sld [smem:$0x3F9D];
	s0 =	simm.s32 @p0 $0x1  }
0x13: {  	[smem:$0x3FB8] =	sst s0;
	s0 =	simm.s32 @!p1 $0x0  }
0x14: {  	s2 =	sld [smem:$0x3F9C];
	s0 =	simm.s32 @p1 $0x1  }
0x15: {  	[smem:$0x3FB9] =	sst s0;
	s0 =	simm.s32 @!p2 $0x0  }
0x16: {  	s3 =	sld [smem:$0x3FDB];
	s0 =	simm.s32 @p2 $0x1  }
0x17: {  	s4 =	simm.s32 $0x1BF5;
	[smem:$0x3FBB] =	sst s0  }
0x18: {  	s0 =	sld [smem:$0x3F9E];
	_ =	swait.ge [sflag:s4], $0x0  }
0x19: {  	s7 =	sld [smem:$0x3F9F]  }
0x1a: {  	s8 =	sadd.s32 $0xFFFFE003, lr  }
0x1b: {  	s9 =	sadd.s32 $0xFFFFFEF7, lr;
	s5 =	simm.s32 $0xFFFFFFFF;
	p2 =	slt.u32 s8, $0xFFFFF086  }
0x1c: {  	p1 =	slt.u32 s9, $0xF7A;
	s5 =	simm.s32 @!p2 $0x0  }
0x1d: {  	s5 =	simm.s32 @p1 $0x1;
	p0 =	seq.s32 s7, s2  }
0x1e: {  	s7 =	smul.u32 @!p0 $0xF7A, s2;
	p2 =	seq.s32 @!p0 s5, $0x0  }
0x1f: {  	s9 =	smul.u32 $0xF7A, s1;
	s8 =	simm.s32 @!p0 $0x1BF5;
	p2 =	por !p2, p0  }
0x20: {  	[sflag:s8] =	ssyncset.s32 @!p0 $0xFFFFF086;
	s6 =	sadd.s32 @!p0 s3, s7;
	s7 =	simm.s32 @!p0 $0x108  }
0x21: {  	s3 =	sadd.s32 s3, s9;
	s6 =	sadd.s32 @!p0 $0x88, s6;
	s7 =	simm.s32 @p2 $0x1082  }
0x22: {  	[simem:s7], [sflag:s8] =	dma.local @!p0 [hbm:s6], $0xF7A  }
0x23: {  	s9 =	sor.u32 $0xD0000000, s2;
	s6 =	simm.s32 $0x108;
	_ =	swait.ge @!p0 [sflag:s8], $0x0  }
0x24: {  	s3 =	sadd.s32 $0x88, s3;
	s6 =	simm.s32 @!p1 $0x1082;
	[sflag:s4] =	ssyncset.s32 $0xFFFFF086  }
0x25: {  	[simem:s6], [sflag:s4] =	dma.local [hbm:s3], $0xF7A  }
0x26: {  	[smem:$0x3F9F] =	sst s1;
	(tag) =	ssettag s2;
	_ =	strace s9  }
0x27: {  	s1 =	sld [smem:$0x3FAF]  }
0x28: {  	s2 =	sld [smem:$0x3FB0]  }
0x29: {  	s4 =	sld [smem:$0x3FB2]  }
0x2a: {  	p0 =	seq.s32 s5, $0x0;
	s5 =	sld [smem:$0x3FB3]  }
0x2b: {  	s6 =	sld [smem:$0x3FB4]  }
0x2c: {  	s7 =	sld [smem:$0x3FB5]  }
0x2d: {  	s3 =	simm.s32 $0x108;
	s8 =	sld [smem:$0x3FB6]  }
0x2e: {  	s3 =	simm.s32 @!p0 $0x1082;
	s9 =	sld [smem:$0x3FB7]  }
0x2f: {  	lr =	sadd.s32 s0, s3;
	s0 =	sld [smem:$0x3FAE]  }
0x30: {  	s3 =	sld [smem:$0x3FB1]  }
0x31: {  	[smem:$0x3FBA] =	sst s10  }
0x32: {  	s10 =	sld [smem:$0x3FB8];
	_ =	sdelay $0x3  }
0x33: {  	p0 =	seq.s32 s10, $0x1;
	s10 =	sld [smem:$0x3FBA];
	_ =	sdelay $0x3  }
0x34: {  	[smem:$0x3FBA] =	sst s10  }
0x35: {  	s10 =	sld [smem:$0x3FB9];
	_ =	sdelay $0x3  }
0x36: {  	p1 =	seq.s32 s10, $0x1;
	s10 =	sld [smem:$0x3FBA];
	_ =	sdelay $0x3  }
0x37: {  	[smem:$0x3FBA] =	sst s10  }
0x38: {  	s10 =	sld [smem:$0x3FBB]  }
0x39: {  	_ = 	snop;
	(pc) =	sbr.ind lr, $3  }
0x3a: {  	_ = 	snop  }
0x3b: {  	_ = 	snop  }
0x3c: {  	p2 =	seq.s32 s10, $0x1;
	s10 =	sld [smem:$0x3FBA]  }
0x3d: {  	_ =	shalt  }
0x3e: {  	_ =	shalt  }
0x3f: {  	_ =	shalt  }
0x40: {  	_ =	shalt  }
0x41: {  	_ =	shalt  }
0x42: {  	_ =	shalt  }
0x43: {  	_ =	shalt  }
0x44: {  	_ =	shalt  }
0x45: {  	_ =	shalt  }
0x46: {  	_ =	shalt  }
0x47: {  	_ =	shalt  }
0x48: {  	_ =	shalt  }
0x49: {  	_ =	shalt  }
0x4a: {  	_ =	shalt  }
0x4b: {  	_ =	shalt  }
0x4c: {  	_ =	shalt  }
0x4d: {  	_ =	shalt  }
0x4e: {  	_ =	shalt  }
0x4f: {  	_ =	shalt  }
0x50: {  	_ =	shalt  }
0x51: {  	_ =	shalt  }
0x52: {  	_ =	shalt  }
0x53: {  	_ =	shalt  }
0x54: {  	_ =	shalt  }
0x55: {  	_ =	shalt  }
0x56: {  	_ =	shalt  }
0x57: {  	_ =	shalt  }
0x58: {  	_ =	shalt  }
0x59: {  	_ =	shalt  }
0x5a: {  	_ =	shalt  }
0x5b: {  	_ =	shalt  }
0x5c: {  	_ =	shalt  }
0x5d: {  	_ =	shalt  }
0x5e: {  	_ =	shalt  }
0x5f: {  	_ =	shalt  }
0x60: {  	_ =	shalt  }
0x61: {  	_ =	shalt  }
0x62: {  	_ =	shalt  }
0x63: {  	_ =	shalt  }
0x64: {  	_ =	shalt  }
0x65: {  	_ =	shalt  }
0x66: {  	_ =	shalt  }
0x67: {  	_ =	shalt  }
0x68: {  	_ =	shalt  }
0x69: {  	_ =	shalt  }
0x6a: {  	_ =	shalt  }
0x6b: {  	_ =	shalt  }
0x6c: {  	_ =	shalt  }
0x6d: {  	_ =	shalt  }
0x6e: {  	_ =	shalt  }
0x6f: {  	_ =	shalt  }
0x70: {  	_ =	shalt  }
0x71: {  	_ =	shalt  }
0x72: {  	_ =	shalt  }
0x73: {  	_ =	shalt  }
0x74: {  	_ =	shalt  }
0x75: {  	_ =	shalt  }
0x76: {  	_ =	shalt  }
0x77: {  	_ =	shalt  }
0x78: {  	_ =	shalt  }
0x79: {  	_ =	shalt  }
0x7a: {  	_ =	shalt  }
0x7b: {  	_ =	shalt  }
0x7c: {  	_ =	shalt  }
0x7d: {  	_ =	shalt  }
0x7e: {  	_ =	shalt  }
0x7f: {  	_ =	shalt  }
0x80: {  	_ =	shalt  }
0x81: {  	_ =	shalt  }
0x82: {  	_ =	shalt  }
0x83: {  	_ =	shalt  }
0x84: {  	_ =	shalt  }
0x85: {  	_ =	shalt  }
0x86: {  	_ =	shalt  }
0x87: {  	_ =	shalt  }
.Lfunc_end0:
.L_simem_size_0:
called_computation_lowered:
.L_overlay_start_0:
0x88: {  	s2 =	sld [smem:$0x3FD9]  }
0x89: {  	s3 =	sld [smem:$0x3FFE];
	_ =	sdelay $0x1  }
0x8a: {  	s1 =	srdreg.scid  }
0x8b: {  	s0 =	sand.u32 $0x1, s1  }
0x8c: {  	s18 =	sshll.u32 s0, $0xA;
	s2 =	sadd.s32 s3, s2  }
0x8d: {  	s2 =	sadd.s32 s2, s18  }
0x8e: {  	[smem:$0x3FC6] =	sst s2  }
0x8f: {  	_ = 	snop  }
0x90: {  	s2 =	sld [smem:$0x3FC9]  }
0x91: {  	s19 =	sld [smem:$0x3FC8]  }
0x92: {  	s4 =	sld [smem:$0x3FD0];
	(tm) =	ssettm $0x1  }
0x93: {  	s5 =	sld [smem:$0x3FFB];
	_ =	sdelay $0x3  }
0x94: {  	_ =	strace s5  }
0x95: {  	s5 =	sld [smem:$0x3FFC];
	_ =	sdelay $0x3  }
0x96: {  	_ =	strace s5  }
0x97: {  	s5 =	sld [smem:$0x3FFD];
	_ =	sdelay $0x3  }
0x98: {  	_ =	strace s5  }
0x99: {  	_ =	strace $0x8FFFFFFF  }
0x9a: {  	s20 =	sld [smem:$0x3FDB];
	_ =	sdelay $0x1  }
0x9b: {  	s6 =	simm.s32 $_scs_section_size  }
0x9c: {  	s7 =	simm.s32 $_size__tile_overlayer_lowered;
	s8 =	simm.s32 $_tile_overlayer_lowered  }
0x9d: {  	s23 =	simm.s32 $0x1BFF;
	s22 =	sshll.u32 s8, $0x1;
	s5 =	sadd.s32 s6, s20  }
0x9e: {  	s9 =	simm.s32 $0x0;
	s21 =	sshll.u32 s7, $0x1;
	s7 =	sadd.s32 s22, s5  }
0x9f: {  	[timem:s9], [sflag:s23] =	dma.local [hbm:s7], s21  }
0xa0: {  	_ =	swait.ge [sflag:s23], s21  }
0xa1: {  	s6 =	ssub.s32 $0x0, s21;
	[sflag:s23] =	ssyncset.done $0x0  }
0xa2: {  	[sflag:s23] =	ssyncadd.s32 s6;
	_ =	sdelay $0x1  }
0xa3: {  	s24 =	simm.s32 $0x1B8B  }
0xa4: {  	_ =	swait.ge [sflag:s24], $0x1  }
0xa5: {  	[sflag:s24] =	ssyncset.done $0x0  }
0xa6: {  	s25 =	simm.s32 $0x1B8E;
	[sflag:s24] =	ssyncadd.s32 $0xFFFFFFFF  }
0xa7: {  	s26 =	simm.s32 $execute0_lowered;
	[smem:$0x3FD2] =	sst s25  }
0xa8: {  	s6 =	sshll.u32 s26, $0x1;
	_ =	strace $0x80000046;
	[dreg:$0x1] =	wrdreg $0xFFFFFFFF  }
0xa9: {  	s28 =	simm.s32 $_size_execute0_lowered;
	s5 =	sadd.s32 s5, s6;
	[dreg:$0x0] =	wrdreg $0x0  }
0xaa: {  	s6 =	sshll.u32 s28, $0x1;
	[dreg:$0x2] =	wrdreg s5  }
0xab: {  	[dreg:$0x3] =	wrdreg s6  }
0xac: {  	[dreg:$0x4] =	wrdreg $0xC0  }
0xad: {  	_ =	task [dreg:s9], $0x5FFFF  }
0xae: {  	[dreg:$0x1] =	wrdreg $0xFFFFFFFF  }
0xaf: {  	[dreg:$0x0] =	wrdreg $0x60  }
0xb0: {  	[dreg:$0x2] =	wrdreg s2  }
0xb1: {  	[dreg:$0x3] =	wrdreg s19  }
0xb2: {  	[dreg:$0x4] =	wrdreg s4  }
0xb3: {  	[dreg:$0x5] =	wrdreg $0x9  }
0xb4: {  	_ =	task.clear_ibuf [dreg:s9], $0x6FFFF;
	_ =	strace $0x90000046  }
0xb5: {  	s29 =	simm.s32 $0x9;
	_ =	strace $0x80000048  }
0xb6: {  	_ =	swait.ge [sflag:s29], $0x1  }
0xb7: {  	[sflag:s29] =	ssyncadd.s32 $0xFFFFFFFF  }
0xb8: {  	_ =	strace $0x90000048  }
0xb9: {  	_ =	sfence  }
0xba: {  	s30 =	sld [smem:$0x0];
	_ =	sdelay $0x2  }
0xbb: {  	s31 =	sshll.u32 s1, $0xD;
	s1 =	sshrl.u32 s1, $0x2  }
0xbc: {  	s3 =	sand.u32 $0x4000, s31;
	s1 =	sadd.s32 s1, s30  }
0xbd: {  	s0 =	sor.u32 s3, s0;
	s1 =	sshll.u32 s1, $0x11  }
0xbe: {  	s0 =	sor.u32 s1, s0  }
0xbf: {  	s0 =	sadd.s32 $0x8F2B, s0  }
0xc0: {  	[sflag:s0] =	ssyncadd.remote.s32 $0x1  }
0xc1: {  	_ =	sfence.sel $0xFFFF  }
0xc2: {  	[dreg:$0x0] =	wrdreg $0xFFFFFFFF;
	(pc) =	sbr.abs _section_cstart, $3  }
0xc3: {  	[dreg:$0x1] =	wrdreg $0xFFFFFFFF  }
0xc4: {  	_ =	task.clear_ibuf [dreg:s9], $0x2FFFF;
	_ =	strace $0x9FFFFFFF  }
0xc5: {  	(tm) =	ssettm $0x7FFFFFFF  }
tec
execute0_lowered:
.L_overlay_start_1:
0x0: {  	(tag) =	ssettag $0x1  }
0x1: {  	s1 =	srdreg.scid  }
0x2: {  	s0 =	rddreg [dreg:$0x0];
	s2 =	stileid.u32;
	s1 =	sand.u32 $0x1, s1  }
0x3: {  	s5 =	rddreg [dreg:$0x1];
	s3 =	sshll.u32 s2, $0xF;
	s4 =	sshll.u32 s1, $0xE  }
0x4: {  	s2 =	rddreg [dreg:$0x2];
	s4 =	sor.u32 s4, s3  }
0x5: {  	s6 =	ssub.s32 $0x2, s1;
	s1 =	simm.s32 $0x0;
	s7 =	sor.u32 $0x800, s4  }
0x6: {  	[smem:$0x7FF] =	sst s1;
	s25 =	sor.u32 $0x80000, s4;
	s24 =	sadd.s32 s5, s7  }
0x7: {  	s8 =	sor.u32 $0x100000, s4;
	s10 =	sadd.s32 s0, s25;
	[dreg:$0x4] =	wrdreg s24  }
0x8: {  	s9 =	sor.u32 $0x180000, s4;
	s26 =	sadd.s32 s0, s8;
	[dreg:$0x5] =	wrdreg s10  }
0x9: {  	s23 =	sshrl.u32 s6, $0x1;
	s11 =	sadd.s32 s0, s9;
	[dreg:$0x6] =	wrdreg s26  }
0xa: {  	s3 =	ssub.s32 s6, s23;
	s6 =	sadd.s32 s2, s25;
	[dreg:$0x7] =	wrdreg s11  }
0xb: {  	s12 =	sadd.s32 s0, s7;
	[dreg:$0x8] =	wrdreg s6  }
0xc: {  	s13 =	sor.u32 $0x80800, s4;
	s8 =	sadd.s32 s2, s8;
	[dreg:$0x9] =	wrdreg s12  }
0xd: {  	s14 =	sadd.s32 s0, s13;
	[dreg:$0xa] =	wrdreg s8  }
0xe: {  	s15 =	sor.u32 $0x100800, s4;
	s9 =	sadd.s32 s2, s9;
	[dreg:$0xb] =	wrdreg s14  }
0xf: {  	s16 =	sadd.s32 s0, s15;
	[dreg:$0xc] =	wrdreg s9  }
0x10: {  	s17 =	sor.u32 $0x180800, s4;
	s7 =	sadd.s32 s2, s7;
	[dreg:$0xd] =	wrdreg s16  }
0x11: {  	s19 =	sor.u32 $0x1000, s4;
	s18 =	sadd.s32 s0, s17;
	[dreg:$0xe] =	wrdreg s7  }
0x12: {  	s20 =	sadd.s32 s0, s19;
	[dreg:$0xf] =	wrdreg s18  }
0x13: {  	s21 =	sadd.s32 s5, s19;
	[dreg:$0x11] =	wrdreg s20  }
0x14: {  	s23 =	sor.u32 $0x81000, s4;
	s22 =	sadd.s32 s2, s15;
	[dreg:$0x12] =	wrdreg s21  }
0x15: {  	s25 =	sadd.s32 s0, s23;
	[dreg:$0x13] =	wrdreg s22  }
0x16: {  	s6 =	sadd.s32 s2, s13;
	[dreg:$0x16] =	wrdreg s25  }
0x17: {  	s24 =	sadd.s32 s2, s17;
	[dreg:$0x10] =	wrdreg s6  }
0x18: {  	s15 =	sor.u32 $0x81800, s4;
	s7 =	sadd.s32 s2, s19;
	[dreg:$0x14] =	wrdreg s24  }
0x19: {  	s17 =	sadd.s32 s0, s15;
	[dreg:$0x15] =	wrdreg s7  }
0x1a: {  	s26 =	sor.u32 $0x101000, s4;
	s6 =	sadd.s32 s2, s23;
	[dreg:$0x1f] =	wrdreg s17  }
0x1b: {  	s8 =	sadd.s32 s0, s26;
	[dreg:$0x17] =	wrdreg s6  }
0x1c: {  	s9 =	sor.u32 $0x181000, s4;
	s7 =	sadd.s32 s2, s26;
	[dreg:$0x18] =	wrdreg s8  }
0x1d: {  	s11 =	sor.u32 $0x1800, s4;
	s10 =	sadd.s32 s0, s9;
	[dreg:$0x19] =	wrdreg s7  }
0x1e: {  	s12 =	sadd.s32 s0, s11;
	[dreg:$0x1a] =	wrdreg s10  }
0x1f: {  	s13 =	sadd.s32 s5, s11;
	[dreg:$0x1c] =	wrdreg s12  }
0x20: {  	s16 =	sor.u32 $0x101800, s4;
	s14 =	sadd.s32 s2, s11;
	[dreg:$0x1d] =	wrdreg s13  }
0x21: {  	s18 =	sadd.s32 s0, s16;
	[dreg:$0x1e] =	wrdreg s14  }
0x22: {  	s20 =	sor.u32 $0x181800, s4;
	s19 =	sadd.s32 s2, s16;
	[smem:$0x7D2] =	sst s18  }
0x23: {  	s21 =	sor.u32 $0x2000, s4;
	s22 =	sadd.s32 s0, s20;
	[smem:$0x7D3] =	sst s19  }
0x24: {  	s23 =	sadd.s32 s0, s21;
	[smem:$0x7D4] =	sst s22  }
0x25: {  	s24 =	sadd.s32 s5, s21;
	[smem:$0x7D6] =	sst s23  }
0x26: {  	s25 =	sadd.s32 s2, s21;
	[smem:$0x7D7] =	sst s24  }
0x27: {  	s26 =	sor.u32 $0x82000, s4;
	s6 =	sadd.s32 s2, s9;
	[smem:$0x7D8] =	sst s25  }
0x28: {  	s11 =	sor.u32 $0x182000, s4;
	s8 =	sadd.s32 s0, s26;
	[dreg:$0x1b] =	wrdreg s6  }
0x29: {  	s16 =	sor.u32 $0x82800, s4;
	s12 =	sadd.s32 s0, s11;
	[smem:$0x7D9] =	sst s8  }
0x2a: {  	s17 =	sadd.s32 s0, s16;
	[smem:$0x7DD] =	sst s12  }
0x2b: {  	s7 =	sadd.s32 s2, s16;
	[smem:$0x7E2] =	sst s17  }
0x2c: {  	s9 =	sor.u32 $0x102000, s4;
	s6 =	sadd.s32 s2, s15;
	[smem:$0x7E3] =	sst s7  }
0x2d: {  	s13 =	sor.u32 $0x2800, s4;
	s10 =	sadd.s32 s0, s9;
	[smem:$0x7D1] =	sst s6  }
0x2e: {  	s14 =	sadd.s32 s0, s13;
	[smem:$0x7DB] =	sst s10  }
0x2f: {  	s18 =	sor.u32 $0x102800, s4;
	s15 =	sadd.s32 s5, s13;
	[smem:$0x7DF] =	sst s14  }
0x30: {  	s22 =	sor.u32 $0x3000, s4;
	s19 =	sadd.s32 s0, s18;
	[smem:$0x7E0] =	sst s15  }
0x31: {  	s23 =	sadd.s32 s0, s22;
	[smem:$0x7E4] =	sst s19  }
0x32: {  	s25 =	sadd.s32 s5, s22;
	[smem:$0x7E8] =	sst s23  }
0x33: {  	s8 =	sadd.s32 s5, s4;
	[smem:$0x7E9] =	sst s25  }
0x34: {  	s17 =	sadd.s32 s0, s4;
	[smem:$0x7ED] =	sst s8  }
0x35: {  	s6 =	sadd.s32 s2, s20;
	[smem:$0x7F5] =	sst s17  }
0x36: {  	s20 =	sor.u32 $0x182800, s4;
	[smem:$0x7D5] =	sst s6;
	s6 =	sadd.s32 s2, s26  }
0x37: {  	s21 =	sadd.s32 s0, s20;
	[smem:$0x7DA] =	sst s6  }
0x38: {  	s24 =	sor.u32 $0x83000, s4;
	s7 =	sadd.s32 s2, s20;
	[smem:$0x7E6] =	sst s21  }
0x39: {  	s10 =	sor.u32 $0x103000, s4;
	s26 =	sadd.s32 s0, s24;
	[smem:$0x7E7] =	sst s7  }
0x3a: {  	s19 =	sor.u32 $0x83800, s4;
	s12 =	sadd.s32 s0, s10;
	[smem:$0x7EB] =	sst s26  }
0x3b: {  	s23 =	sadd.s32 s2, s19;
	[smem:$0x7EF] =	sst s12  }
0x3c: {  	s28 =	simm.s32 $0x7;
	s6 =	sadd.s32 s2, s9;
	[smem:$0x7FA] =	sst s23  }
0x3d: {  	s29 =	simm.s32 $0x5;
	s7 =	sadd.s32 s2, s24;
	[smem:$0x7DC] =	sst s6  }
0x3e: {  	s20 =	sor.u32 $0x103800, s4;
	s21 =	sadd.s32 s0, s19;
	[smem:$0x7EC] =	sst s7  }
0x3f: {  	s30 =	simm.s32 $0xE;
	s24 =	sadd.s32 s2, s20;
	[smem:$0x7F7] =	sst s21  }
0x40: {  	s9 =	sor.u32 $0x3800, s4;
	s6 =	sadd.s32 s2, s11;
	[smem:$0x7FB] =	sst s24  }
0x41: {  	s31 =	simm.s32 $0x8;
	s5 =	sadd.s32 s5, s9;
	[smem:$0x7DE] =	sst s6  }
0x42: {  	s17 =	simm.s32 $0x4000;
	s15 =	sadd.s32 s0, s9;
	[smem:$0x7EE] =	sst s5  }
0x43: {  	s26 =	smax.u32 s3, $0x1;
	s16 =	sadd.s32 s2, s9;
	[smem:$0x7F3] =	sst s15  }
0x44: {  	s19 =	simm.s32 $0x1;
	s6 =	sadd.s32 s2, s13;
	[smem:$0x7F4] =	sst s16  }
0x45: {  	s11 =	sor.u32 $0x183000, s4;
	s5 =	sadd.s32 s2, s10;
	[smem:$0x7E1] =	sst s6  }
0x46: {  	s23 =	simm.s32 $0x10000;
	s13 =	sadd.s32 s0, s11;
	[smem:$0x7F0] =	sst s5  }
0x47: {  	s3 =	simm.s32 $0xA;
	s14 =	sadd.s32 s2, s11;
	[smem:$0x7F1] =	sst s13  }
0x48: {  	s21 =	simm.s32 $0xC000;
	s6 =	sadd.s32 s2, s18;
	[smem:$0x7F2] =	sst s14  }
0x49: {  	s24 =	simm.s32 $0x3;
	s18 =	sadd.s32 s2, s4;
	[smem:$0x7E5] =	sst s6  }
0x4a: {  	s4 =	sor.u32 $0x183800, s4;
	s6 =	sadd.s32 s2, s22;
	[smem:$0x7F6] =	sst s18  }
0x4b: {  	s5 =	simm.s32 $0xC;
	s22 =	sadd.s32 s0, s20;
	[smem:$0x7EA] =	sst s6  }
0x4c: {  	s0 =	sadd.s32 s0, s4;
	s25 =	sadd.s32 s2, s4;
	[smem:$0x7F8] =	sst s22  }
0x4d: {  	s20 =	simm.s32 $0xD;
	s2 =	simm.s32 $0x9;
	[smem:$0x7F9] =	sst s0  }
0x4e: {  	s4 =	simm.s32 $0xB;
	[smem:$0x7FC] =	sst s25;
	s22 =	simm.s32 $0x2  }
0x4f: {  	s25 =	simm.s32 $0x14000;
	s0 =	simm.s32 $0x6;
	s6 =	simm.s32 $0x0  }
0x50: {  	_ =	strace $0x80000047;
	[smem:$0x7FD] =	sst s26;
	s26 =	simm.s32 $0x4  }
.LBB2_1:
0x51: {  	s7 =	sld [smem:$0x7ED];
	_ =	sdelay $0x1  }
0x52: {  	s8 =	simm.s32 $0x18000;
	s9 =	rddreg [dreg:$0x4]  }
0x53: {  	[tilespmem:s8], [sflag:$0xD] =	stream.linear.gather [hbm4b:s7+s1], $0x4000, $0x38;
	v63 =	vld [tilespmem:$0x0]  }
0x54: {  	s10 =	simm.s32 $0x1C000;
	s11 =	sld [smem:$0x7F5]  }
0x55: {  	[tilespmem:s10], [sflag:$0xE] =	stream.linear.gather [hbm4b:s9+s1], $0x4000, $0x38;
	v63 =	vld [tilespmem:$0x0]  }
0x56: {  	_ = 	snop  }
0x57: {  	[tilespmem:s1], [sflag:$0x1] =	stream.linear.gather [hbm4b:s11+s1], $0x4000, $0x38;
	v63 =	vld [tilespmem:$0x0]  }
0x58: {  	s12 =	rddreg [dreg:$0x5]  }
0x59: {  	[tilespmem:s17], [sflag:$0x2] =	stream.linear.gather [hbm4b:s12+s1], $0x4000, $0x38;
	v63 =	vld [tilespmem:$0x0]  }
0x5a: {  	s13 =	rddreg [dreg:$0x6];
	s14 =	simm.s32 $0x8000  }
0x5b: {  	[tilespmem:s14], [sflag:$0x3] =	stream.linear.gather [hbm4b:s13+s1], $0x4000, $0x38;
	v63 =	vld [tilespmem:$0x0]  }
0x5c: {  	_ =	swait.ge [sflag:s19], $0x4000  }
0x5d: {  	[sflag:s19] =	ssyncset.done $0x0  }
0x5e: {  	s7 =	simm.s32 $0x0;
	[sflag:s19] =	ssyncadd.s32 $0xFFFFC000  }
0x5f: {  	s15 =	sand.u32 $0x2000, s7;
	s9 =	sand.u32 $0x1C00, s1;
	_ =	swait.ge [sflag:s20], $0x4000  }
0x60: {  	s16 =	sand.u32 $0x380, s1;
	s8 =	sor.u32 s15, s9;
	[sflag:s20] =	ssyncset.done $0x0  }
0x61: {  	s8 =	sor.u32 s16, s8;
	[sflag:s20] =	ssyncadd.s32 $0xFFFFC000  }
0x62: {  	v0 =	vld [tilespmem:s8+$0x18070]  }
0x63: {  	v4 =	vld [tilespmem:s8+$0x18000]  }
0x64: {  	v5 =	vld [tilespmem:s8+$0x18010]  }
0x65: {  	v6 =	vld [tilespmem:s8+$0x18020]  }
0x66: {  	v2 =	vld [tilespmem:s8+$0x18030]  }
0x67: {  	v3 =	vld [tilespmem:s8+$0x18040]  }
0x68: {  	s9 =	sor.u32 $0x70, s8;
	v1 =	vld [tilespmem:s8+$0x18050]  }
0x69: {  	[tilespmem:s9+$0x0] =	vst.add.f32.msk $0xffff, v0  }
0x6a: {  	v0 =	vld [tilespmem:s8+$0x18060]  }
0x6b: {  	s18 =	sor.u32 $0x10, s8;
	s11 =	sor.u32 $0x50, s8;
	[tilespmem:s8+$0x0] =	vst.add.f32.msk $0xffff, v4  }
0x6c: {  	s10 =	sor.u32 $0x60, s8;
	s12 =	sor.u32 $0x40, s8;
	s14 =	sor.u32 $0x20, s8;
	[tilespmem:s18+$0x0] =	vst.add.f32.msk $0xffff, v5  }
0x6d: {  	s13 =	sor.u32 $0x30, s8;
	[tilespmem:s14+$0x0] =	vst.add.f32.msk $0xffff, v6;
	s8 =	simm.s32 $0x0;
	s9 =	simm.s32 $0x0  }
.LBB2_2:
0x6e: {  	s7 =	sadd.s32 $0x80, s7;
	[tilespmem:s13+$0x0] =	vst.add.f32.msk $0xffff, v2;
	s8 =	sadd.s32 $0x400, s8  }
0x6f: {  	s9 =	sadd.s32 $0x10, s9;
	s13 =	sand.u32 $0x2000, s7;
	s14 =	sand.u32 $0x1C00, s8;
	[tilespmem:s12+$0x0] =	vst.add.f32.msk $0xffff, v3  }
0x70: {  	p0 =	slt.u32 s7, $0x3F80;
	s12 =	sor.u32 s13, s14;
	s13 =	sand.u32 $0x380, s9;
	[tilespmem:s11+$0x0] =	vst.add.f32.msk $0xffff, v1  }
0x71: {  	s14 =	sor.u32 s13, s12;
	[tilespmem:s10+$0x0] =	vst.add.f32.msk $0xffff, v0  }
0x72: {  	s15 =	sor.u32 $0x10, s14;
	s16 =	sor.u32 $0x20, s14;
	s13 =	sor.u32 $0x30, s14;
	v0 =	vld [tilespmem:s14+$0x18070]  }
0x73: {  	s12 =	sor.u32 $0x40, s14;
	s11 =	sor.u32 $0x50, s14;
	s10 =	sor.u32 $0x60, s14;
	v4 =	vld [tilespmem:s14+$0x18000]  }
0x74: {  	v5 =	vld [tilespmem:s14+$0x18010]  }
0x75: {  	v6 =	vld [tilespmem:s14+$0x18020]  }
0x76: {  	s1 =	sor.u32 $0x70, s14;
	v2 =	vld [tilespmem:s14+$0x18030]  }
0x77: {  	[tilespmem:s1+$0x0] =	vst.add.f32.msk $0xffff, v0  }
0x78: {  	v3 =	vld [tilespmem:s14+$0x18040]  }
.Ltmp0:
0x79: {  	v1 =	vld [tilespmem:s14+$0x18050];
	(pc) =	sbr.rel @p0 .LBB2_2-.Ltmp0, $4  }
0x7a: {  	v0 =	vld [tilespmem:s14+$0x18060]  }
0x7b: {  	[tilespmem:s14+$0x0] =	vst.add.f32.msk $0xffff, v4  }
0x7c: {  	[tilespmem:s15+$0x0] =	vst.add.f32.msk $0xffff, v5  }
0x7d: {  	[tilespmem:s16+$0x0] =	vst.add.f32.msk $0xffff, v6  }
0x7e: {  	[tilespmem:s13+$0x0] =	vst.add.f32.msk $0xffff, v2  }
0x7f: {  	[tilespmem:s12+$0x0] =	vst.add.f32.msk $0xffff, v3  }
0x80: {  	[tilespmem:s11+$0x0] =	vst.add.f32.msk $0xffff, v1  }
0x81: {  	[tilespmem:s10+$0x0] =	vst.add.f32.msk $0xffff, v0  }
0x82: {  	s1 =	sld [smem:$0x7F6];
	_ =	sdelay $0x1  }
0x83: {  	s7 =	simm.s32 $0x0  }
0x84: {  	[hbm4b:s1+s7] =	stream.linear.scatter [tilespmem:s7], [sflag:$0x7], $0x4000, $0x38;
	v63 =	vld [tilespmem:$0x0]  }
0x85: {  	s8 =	simm.s32 $0x0;
	s12 =	rddreg [dreg:$0x7]  }
0x86: {  	[tilespmem:s21], [sflag:$0x4] =	stream.linear.gather [hbm4b:s12+s7], $0x4000, $0x38;
	v63 =	vld [tilespmem:$0x0]  }
0x87: {  	s13 =	sand.u32 $0x2000, s8;
	s9 =	sand.u32 $0x1C00, s7;
	_ =	swait.ge [sflag:s22], $0x4000  }
0x88: {  	s14 =	sand.u32 $0x380, s7;
	s1 =	sor.u32 s13, s9;
	[sflag:s22] =	ssyncset.done $0x0  }
0x89: {  	s1 =	sor.u32 s14, s1;
	[sflag:s22] =	ssyncadd.s32 $0xFFFFC000  }
0x8a: {  	v0 =	vld [tilespmem:s1+$0x18070]  }
0x8b: {  	v4 =	vld [tilespmem:s1+$0x18000]  }
0x8c: {  	v5 =	vld [tilespmem:s1+$0x18010]  }
0x8d: {  	v6 =	vld [tilespmem:s1+$0x18020]  }
0x8e: {  	v2 =	vld [tilespmem:s1+$0x18030]  }
0x8f: {  	v3 =	vld [tilespmem:s1+$0x18040]  }
0x90: {  	s9 =	sor.u32 $0x4070, s1;
	v1 =	vld [tilespmem:s1+$0x18060]  }
0x91: {  	[tilespmem:s9+$0x0] =	vst.add.f32.msk $0xffff, v0  }
0x92: {  	s15 =	sor.u32 $0x4000, s1;
	v0 =	vld [tilespmem:s1+$0x18050]  }
0x93: {  	s16 =	sor.u32 $0x4010, s1;
	[tilespmem:s15+$0x0] =	vst.add.f32.msk $0xffff, v4  }
0x94: {  	s18 =	sor.u32 $0x4020, s1;
	s13 =	sor.u32 $0x4030, s1;
	s12 =	sor.u32 $0x4040, s1;
	[tilespmem:s16+$0x0] =	vst.add.f32.msk $0xffff, v5  }
0x95: {  	s10 =	sor.u32 $0x4050, s1;
	s11 =	sor.u32 $0x4060, s1;
	[tilespmem:s18+$0x0] =	vst.add.f32.msk $0xffff, v6;
	s9 =	simm.s32 $0x0  }
.LBB2_4:
0x96: {  	s8 =	sadd.s32 $0x80, s8;
	[tilespmem:s13+$0x0] =	vst.add.f32.msk $0xffff, v2;
	s7 =	sadd.s32 $0x400, s7  }
0x97: {  	s9 =	sadd.s32 $0x10, s9;
	s1 =	sand.u32 $0x2000, s8;
	s13 =	sand.u32 $0x1C00, s7;
	[tilespmem:s12+$0x0] =	vst.add.f32.msk $0xffff, v3  }
0x98: {  	s12 =	sand.u32 $0x380, s9;
	p0 =	slt.u32 s8, $0x3F80;
	s1 =	sor.u32 s1, s13;
	[tilespmem:s10+$0x0] =	vst.add.f32.msk $0xffff, v0  }
0x99: {  	s1 =	sor.u32 s12, s1;
	[tilespmem:s11+$0x0] =	vst.add.f32.msk $0xffff, v1  }
0x9a: {  	s14 =	sor.u32 $0x4000, s1;
	s15 =	sor.u32 $0x4010, s1;
	s16 =	sor.u32 $0x4020, s1;
	v0 =	vld [tilespmem:s1+$0x18070]  }
0x9b: {  	s13 =	sor.u32 $0x4030, s1;
	s12 =	sor.u32 $0x4040, s1;
	s10 =	sor.u32 $0x4050, s1;
	v4 =	vld [tilespmem:s1+$0x18000]  }
0x9c: {  	s11 =	sor.u32 $0x4060, s1;
	v5 =	vld [tilespmem:s1+$0x18010]  }
0x9d: {  	v6 =	vld [tilespmem:s1+$0x18020]  }
0x9e: {  	s18 =	sor.u32 $0x4070, s1;
	v2 =	vld [tilespmem:s1+$0x18030]  }
0x9f: {  	[tilespmem:s18+$0x0] =	vst.add.f32.msk $0xffff, v0  }
0xa0: {  	v3 =	vld [tilespmem:s1+$0x18040]  }
.Ltmp1:
0xa1: {  	v0 =	vld [tilespmem:s1+$0x18050];
	(pc) =	sbr.rel @p0 .LBB2_4-.Ltmp1, $4  }
0xa2: {  	v1 =	vld [tilespmem:s1+$0x18060]  }
0xa3: {  	[tilespmem:s14+$0x0] =	vst.add.f32.msk $0xffff, v4  }
0xa4: {  	[tilespmem:s15+$0x0] =	vst.add.f32.msk $0xffff, v5  }
0xa5: {  	[tilespmem:s16+$0x0] =	vst.add.f32.msk $0xffff, v6  }
0xa6: {  	[tilespmem:s13+$0x0] =	vst.add.f32.msk $0xffff, v2  }
0xa7: {  	[tilespmem:s12+$0x0] =	vst.add.f32.msk $0xffff, v3  }
0xa8: {  	[tilespmem:s10+$0x0] =	vst.add.f32.msk $0xffff, v0  }
0xa9: {  	[tilespmem:s11+$0x0] =	vst.add.f32.msk $0xffff, v1  }
0xaa: {  	s7 =	simm.s32 $0x0;
	s1 =	rddreg [dreg:$0x8]  }
0xab: {  	[hbm4b:s1+s7] =	stream.linear.scatter [tilespmem:s17], [sflag:$0x8], $0x4000, $0x38;
	v63 =	vld [tilespmem:$0x0]  }
0xac: {  	s8 =	simm.s32 $0x0;
	s12 =	rddreg [dreg:$0x9]  }
0xad: {  	[tilespmem:s23], [sflag:$0x5] =	stream.linear.gather [hbm4b:s12+s7], $0x4000, $0x38;
	v63 =	vld [tilespmem:$0x0]  }
0xae: {  	s13 =	sand.u32 $0x2000, s8;
	s9 =	sand.u32 $0x1C00, s7;
	_ =	swait.ge [sflag:s24], $0x4000  }
0xaf: {  	s14 =	sand.u32 $0x380, s7;
	s1 =	sor.u32 s13, s9;
	[sflag:s24] =	ssyncset.done $0x0  }
0xb0: {  	s1 =	sor.u32 s14, s1;
	[sflag:s24] =	ssyncadd.s32 $0xFFFFC000  }
0xb1: {  	v0 =	vld [tilespmem:s1+$0x18070]  }
0xb2: {  	v4 =	vld [tilespmem:s1+$0x18000]  }
0xb3: {  	v5 =	vld [tilespmem:s1+$0x18010]  }
0xb4: {  	v6 =	vld [tilespmem:s1+$0x18020]  }
0xb5: {  	v2 =	vld [tilespmem:s1+$0x18030]  }
0xb6: {  	v3 =	vld [tilespmem:s1+$0x18040]  }
0xb7: {  	s9 =	sor.u32 $0x8070, s1;
	v1 =	vld [tilespmem:s1+$0x18060]  }
0xb8: {  	[tilespmem:s9+$0x0] =	vst.add.f32.msk $0xffff, v0  }
0xb9: {  	s15 =	sor.u32 $0x8000, s1;
	v0 =	vld [tilespmem:s1+$0x18050]  }
0xba: {  	s16 =	sor.u32 $0x8010, s1;
	[tilespmem:s15+$0x0] =	vst.add.f32.msk $0xffff, v4  }
0xbb: {  	s18 =	sor.u32 $0x8020, s1;
	s13 =	sor.u32 $0x8030, s1;
	s12 =	sor.u32 $0x8040, s1;
	[tilespmem:s16+$0x0] =	vst.add.f32.msk $0xffff, v5  }
0xbc: {  	s10 =	sor.u32 $0x8050, s1;
	s11 =	sor.u32 $0x8060, s1;
	[tilespmem:s18+$0x0] =	vst.add.f32.msk $0xffff, v6;
	s9 =	simm.s32 $0x0  }
.LBB2_6:
0xbd: {  	s8 =	sadd.s32 $0x80, s8;
	[tilespmem:s13+$0x0] =	vst.add.f32.msk $0xffff, v2;
	s7 =	sadd.s32 $0x400, s7  }
0xbe: {  	s9 =	sadd.s32 $0x10, s9;
	s1 =	sand.u32 $0x2000, s8;
	s13 =	sand.u32 $0x1C00, s7;
	[tilespmem:s12+$0x0] =	vst.add.f32.msk $0xffff, v3  }
0xbf: {  	s12 =	sand.u32 $0x380, s9;
	p0 =	slt.u32 s8, $0x3F80;
	s1 =	sor.u32 s1, s13;
	[tilespmem:s10+$0x0] =	vst.add.f32.msk $0xffff, v0  }
0xc0: {  	s1 =	sor.u32 s12, s1;
	[tilespmem:s11+$0x0] =	vst.add.f32.msk $0xffff, v1  }
0xc1: {  	s14 =	sor.u32 $0x8000, s1;
	s15 =	sor.u32 $0x8010, s1;
	s16 =	sor.u32 $0x8020, s1;
	v0 =	vld [tilespmem:s1+$0x18070]  }
0xc2: {  	s13 =	sor.u32 $0x8030, s1;
	s12 =	sor.u32 $0x8040, s1;
	s10 =	sor.u32 $0x8050, s1;
	v4 =	vld [tilespmem:s1+$0x18000]  }
0xc3: {  	s11 =	sor.u32 $0x8060, s1;
	v5 =	vld [tilespmem:s1+$0x18010]  }
0xc4: {  	v6 =	vld [tilespmem:s1+$0x18020]  }
0xc5: {  	s18 =	sor.u32 $0x8070, s1;
	v2 =	vld [tilespmem:s1+$0x18030]  }
0xc6: {  	[tilespmem:s18+$0x0] =	vst.add.f32.msk $0xffff, v0  }
0xc7: {  	v3 =	vld [tilespmem:s1+$0x18040]  }
.Ltmp2:
0xc8: {  	v0 =	vld [tilespmem:s1+$0x18050];
	(pc) =	sbr.rel @p0 .LBB2_6-.Ltmp2, $4  }
0xc9: {  	v1 =	vld [tilespmem:s1+$0x18060]  }
0xca: {  	[tilespmem:s14+$0x0] =	vst.add.f32.msk $0xffff, v4  }
0xcb: {  	[tilespmem:s15+$0x0] =	vst.add.f32.msk $0xffff, v5  }
0xcc: {  	[tilespmem:s16+$0x0] =	vst.add.f32.msk $0xffff, v6  }
0xcd: {  	[tilespmem:s13+$0x0] =	vst.add.f32.msk $0xffff, v2  }
0xce: {  	[tilespmem:s12+$0x0] =	vst.add.f32.msk $0xffff, v3  }
0xcf: {  	[tilespmem:s10+$0x0] =	vst.add.f32.msk $0xffff, v0  }
0xd0: {  	[tilespmem:s11+$0x0] =	vst.add.f32.msk $0xffff, v1  }
0xd1: {  	s7 =	simm.s32 $0x0;
	s8 =	simm.s32 $0x8000;
	s1 =	rddreg [dreg:$0xa]  }
0xd2: {  	[hbm4b:s1+s7] =	stream.linear.scatter [tilespmem:s8], [sflag:$0x9], $0x4000, $0x38;
	v63 =	vld [tilespmem:$0x0]  }
0xd3: {  	s12 =	rddreg [dreg:$0xb];
	s8 =	simm.s32 $0x0  }
0xd4: {  	[tilespmem:s25], [sflag:$0x6] =	stream.linear.gather [hbm4b:s12+s7], $0x4000, $0x38;
	v63 =	vld [tilespmem:$0x0]  }
0xd5: {  	s9 =	sand.u32 $0x1C00, s7;
	s13 =	sand.u32 $0x2000, s8;
	_ =	swait.ge [sflag:s26], $0x4000  }
0xd6: {  	s14 =	sand.u32 $0x380, s7;
	s1 =	sor.u32 s13, s9;
	[sflag:s26] =	ssyncset.done $0x0  }
0xd7: {  	s1 =	sor.u32 s14, s1;
	[sflag:s26] =	ssyncadd.s32 $0xFFFFC000  }
0xd8: {  	v0 =	vld [tilespmem:s1+$0x18070]  }
0xd9: {  	v4 =	vld [tilespmem:s1+$0x18000]  }
0xda: {  	v5 =	vld [tilespmem:s1+$0x18010]  }
0xdb: {  	v6 =	vld [tilespmem:s1+$0x18020]  }
0xdc: {  	v2 =	vld [tilespmem:s1+$0x18030]  }
0xdd: {  	v3 =	vld [tilespmem:s1+$0x18040]  }
0xde: {  	s9 =	sor.u32 $0xC070, s1;
	v1 =	vld [tilespmem:s1+$0x18060]  }
0xdf: {  	[tilespmem:s9+$0x0] =	vst.add.f32.msk $0xffff, v0  }
0xe0: {  	s15 =	sor.u32 $0xC000, s1;
	v0 =	vld [tilespmem:s1+$0x18050]  }
0xe1: {  	s16 =	sor.u32 $0xC010, s1;
	[tilespmem:s15+$0x0] =	vst.add.f32.msk $0xffff, v4  }
0xe2: {  	s18 =	sor.u32 $0xC020, s1;
	s13 =	sor.u32 $0xC030, s1;
	s12 =	sor.u32 $0xC040, s1;
	[tilespmem:s16+$0x0] =	vst.add.f32.msk $0xffff, v5  }
0xe3: {  	s10 =	sor.u32 $0xC050, s1;
	s11 =	sor.u32 $0xC060, s1;
	[tilespmem:s18+$0x0] =	vst.add.f32.msk $0xffff, v6;
	s9 =	simm.s32 $0x0  }
.LBB2_8:
0xe4: {  	s8 =	sadd.s32 $0x80, s8;
	[tilespmem:s13+$0x0] =	vst.add.f32.msk $0xffff, v2;
	s7 =	sadd.s32 $0x400, s7  }
0xe5: {  	s9 =	sadd.s32 $0x10, s9;
	s1 =	sand.u32 $0x2000, s8;
	s13 =	sand.u32 $0x1C00, s7;
	[tilespmem:s12+$0x0] =	vst.add.f32.msk $0xffff, v3  }
0xe6: {  	s12 =	sand.u32 $0x380, s9;
	p0 =	slt.u32 s8, $0x3F80;
	s1 =	sor.u32 s1, s13;
	[tilespmem:s10+$0x0] =	vst.add.f32.msk $0xffff, v0  }
0xe7: {  	s1 =	sor.u32 s12, s1;
	[tilespmem:s11+$0x0] =	vst.add.f32.msk $0xffff, v1  }
0xe8: {  	s14 =	sor.u32 $0xC000, s1;
	s15 =	sor.u32 $0xC010, s1;
	s16 =	sor.u32 $0xC020, s1;
	v0 =	vld [tilespmem:s1+$0x18070]  }
0xe9: {  	s13 =	sor.u32 $0xC030, s1;
	s12 =	sor.u32 $0xC040, s1;
	s10 =	sor.u32 $0xC050, s1;
	v4 =	vld [tilespmem:s1+$0x18000]  }
0xea: {  	s11 =	sor.u32 $0xC060, s1;
	v5 =	vld [tilespmem:s1+$0x18010]  }
0xeb: {  	v6 =	vld [tilespmem:s1+$0x18020]  }
0xec: {  	s18 =	sor.u32 $0xC070, s1;
	v2 =	vld [tilespmem:s1+$0x18030]  }
0xed: {  	[tilespmem:s18+$0x0] =	vst.add.f32.msk $0xffff, v0  }
0xee: {  	v3 =	vld [tilespmem:s1+$0x18040]  }
.Ltmp3:
0xef: {  	v0 =	vld [tilespmem:s1+$0x18050];
	(pc) =	sbr.rel @p0 .LBB2_8-.Ltmp3, $4  }
0xf0: {  	v1 =	vld [tilespmem:s1+$0x18060]  }
0xf1: {  	[tilespmem:s14+$0x0] =	vst.add.f32.msk $0xffff, v4  }
0xf2: {  	[tilespmem:s15+$0x0] =	vst.add.f32.msk $0xffff, v5  }
0xf3: {  	[tilespmem:s16+$0x0] =	vst.add.f32.msk $0xffff, v6  }
0xf4: {  	[tilespmem:s13+$0x0] =	vst.add.f32.msk $0xffff, v2  }
0xf5: {  	[tilespmem:s12+$0x0] =	vst.add.f32.msk $0xffff, v3  }
0xf6: {  	[tilespmem:s10+$0x0] =	vst.add.f32.msk $0xffff, v0  }
0xf7: {  	[tilespmem:s11+$0x0] =	vst.add.f32.msk $0xffff, v1  }
0xf8: {  	s7 =	simm.s32 $0x0;
	s1 =	rddreg [dreg:$0xc]  }
0xf9: {  	[hbm4b:s1+s7] =	stream.linear.scatter [tilespmem:s21], [sflag:$0xA], $0x4000, $0x38;
	v63 =	vld [tilespmem:$0x0]  }
0xfa: {  	_ =	swait.ge [sflag:s28], $0x4000  }
0xfb: {  	[sflag:s28] =	ssyncset.done $0x0  }
0xfc: {  	s12 =	rddreg [dreg:$0xd];
	[sflag:s28] =	ssyncadd.s32 $0xFFFFC000  }
0xfd: {  	[tilespmem:s7], [sflag:$0x1] =	stream.linear.gather [hbm4b:s12+s7], $0x4000, $0x38;
	v63 =	vld [tilespmem:$0x0]  }
0xfe: {  	_ =	swait.ge [sflag:s29], $0x4000  }
0xff: {  	[sflag:s29] =	ssyncset.done $0x0  }
0x100: {  	s8 =	simm.s32 $0x0;
	[sflag:s29] =	ssyncadd.s32 $0xFFFFC000  }
0x101: {  	s13 =	sand.u32 $0x2000, s8;
	s9 =	sand.u32 $0x1C00, s7;
	_ =	swait.ge [sflag:s30], $0x4000  }
0x102: {  	s14 =	sand.u32 $0x380, s7;
	s1 =	sor.u32 s13, s9;
	[sflag:s30] =	ssyncset.done $0x0  }
0x103: {  	s1 =	sor.u32 s14, s1;
	[sflag:s30] =	ssyncadd.s32 $0xFFFFC000  }
0x104: {  	v0 =	vld [tilespmem:s1+$0x1C070]  }
0x105: {  	v4 =	vld [tilespmem:s1+$0x1C000]  }
0x106: {  	v5 =	vld [tilespmem:s1+$0x1C010]  }
0x107: {  	v6 =	vld [tilespmem:s1+$0x1C020]  }
0x108: {  	v2 =	vld [tilespmem:s1+$0x1C030]  }
0x109: {  	v3 =	vld [tilespmem:s1+$0x1C040]  }
0x10a: {  	s9 =	sor.u32 $0x10070, s1;
	v1 =	vld [tilespmem:s1+$0x1C060]  }
0x10b: {  	[tilespmem:s9+$0x0] =	vst.add.f32.msk $0xffff, v0  }
0x10c: {  	s15 =	sor.u32 $0x10000, s1;
	v0 =	vld [tilespmem:s1+$0x1C050]  }
0x10d: {  	s16 =	sor.u32 $0x10010, s1;
	[tilespmem:s15+$0x0] =	vst.add.f32.msk $0xffff, v4  }
0x10e: {  	s18 =	sor.u32 $0x10020, s1;
	s13 =	sor.u32 $0x10030, s1;
	s10 =	sor.u32 $0x10050, s1;
	[tilespmem:s16+$0x0] =	vst.add.f32.msk $0xffff, v5  }
0x10f: {  	s11 =	sor.u32 $0x10060, s1;
	s12 =	sor.u32 $0x10040, s1;
	[tilespmem:s18+$0x0] =	vst.add.f32.msk $0xffff, v6;
	s9 =	simm.s32 $0x0  }
.LBB2_10:
0x110: {  	s8 =	sadd.s32 $0x80, s8;
	[tilespmem:s13+$0x0] =	vst.add.f32.msk $0xffff, v2;
	s7 =	sadd.s32 $0x400, s7  }
0x111: {  	s9 =	sadd.s32 $0x10, s9;
	s1 =	sand.u32 $0x2000, s8;
	s13 =	sand.u32 $0x1C00, s7;
	[tilespmem:s12+$0x0] =	vst.add.f32.msk $0xffff, v3  }
0x112: {  	s12 =	sand.u32 $0x380, s9;
	p0 =	slt.u32 s8, $0x3F80;
	s1 =	sor.u32 s1, s13;
	[tilespmem:s10+$0x0] =	vst.add.f32.msk $0xffff, v0  }
0x113: {  	s1 =	sor.u32 s12, s1;
	[tilespmem:s11+$0x0] =	vst.add.f32.msk $0xffff, v1  }
0x114: {  	s14 =	sor.u32 $0x10000, s1;
	s15 =	sor.u32 $0x10010, s1;
	s16 =	sor.u32 $0x10020, s1;
	v0 =	vld [tilespmem:s1+$0x1C070]  }
0x115: {  	s13 =	sor.u32 $0x10030, s1;
	s12 =	sor.u32 $0x10040, s1;
	s10 =	sor.u32 $0x10050, s1;
	v4 =	vld [tilespmem:s1+$0x1C000]  }
0x116: {  	s11 =	sor.u32 $0x10060, s1;
	v5 =	vld [tilespmem:s1+$0x1C010]  }
0x117: {  	v6 =	vld [tilespmem:s1+$0x1C020]  }
0x118: {  	s18 =	sor.u32 $0x10070, s1;
	v2 =	vld [tilespmem:s1+$0x1C030]  }
0x119: {  	[tilespmem:s18+$0x0] =	vst.add.f32.msk $0xffff, v0  }
0x11a: {  	v3 =	vld [tilespmem:s1+$0x1C040]  }
.Ltmp4:
0x11b: {  	v0 =	vld [tilespmem:s1+$0x1C050];
	(pc) =	sbr.rel @p0 .LBB2_10-.Ltmp4, $4  }
0x11c: {  	v1 =	vld [tilespmem:s1+$0x1C060]  }
0x11d: {  	[tilespmem:s14+$0x0] =	vst.add.f32.msk $0xffff, v4  }
0x11e: {  	[tilespmem:s15+$0x0] =	vst.add.f32.msk $0xffff, v5  }
0x11f: {  	[tilespmem:s16+$0x0] =	vst.add.f32.msk $0xffff, v6  }
0x120: {  	[tilespmem:s13+$0x0] =	vst.add.f32.msk $0xffff, v2  }
0x121: {  	[tilespmem:s12+$0x0] =	vst.add.f32.msk $0xffff, v3  }
0x122: {  	[tilespmem:s10+$0x0] =	vst.add.f32.msk $0xffff, v0  }
0x123: {  	[tilespmem:s11+$0x0] =	vst.add.f32.msk $0xffff, v1  }
0x124: {  	s7 =	simm.s32 $0x0;
	s1 =	rddreg [dreg:$0xe]  }
0x125: {  	[hbm4b:s1+s7] =	stream.linear.scatter [tilespmem:s23], [sflag:$0xB], $0x4000, $0x38;
	v63 =	vld [tilespmem:$0x0]  }
0x126: {  	_ =	swait.ge [sflag:s31], $0x4000  }
0x127: {  	[sflag:s31] =	ssyncset.done $0x0  }
0x128: {  	s8 =	simm.s32 $0x0;
	s12 =	rddreg [dreg:$0xf];
	[sflag:s31] =	ssyncadd.s32 $0xFFFFC000  }
0x129: {  	[tilespmem:s17], [sflag:$0x2] =	stream.linear.gather [hbm4b:s12+s7], $0x4000, $0x38;
	v63 =	vld [tilespmem:$0x0]  }
0x12a: {  	s13 =	sand.u32 $0x2000, s8;
	s9 =	sand.u32 $0x1C00, s7;
	_ =	swait.ge [sflag:s0], $0x4000  }
0x12b: {  	s14 =	sand.u32 $0x380, s7;
	s1 =	sor.u32 s13, s9;
	[sflag:s0] =	ssyncset.done $0x0  }
0x12c: {  	s1 =	sor.u32 s14, s1;
	[sflag:s0] =	ssyncadd.s32 $0xFFFFC000  }
0x12d: {  	v0 =	vld [tilespmem:s1+$0x1C070]  }
0x12e: {  	v4 =	vld [tilespmem:s1+$0x1C000]  }
0x12f: {  	v5 =	vld [tilespmem:s1+$0x1C010]  }
0x130: {  	v6 =	vld [tilespmem:s1+$0x1C020]  }
0x131: {  	v2 =	vld [tilespmem:s1+$0x1C030]  }
0x132: {  	v3 =	vld [tilespmem:s1+$0x1C040]  }
0x133: {  	s9 =	sor.u32 $0x14070, s1;
	v1 =	vld [tilespmem:s1+$0x1C060]  }
0x134: {  	[tilespmem:s9+$0x0] =	vst.add.f32.msk $0xffff, v0  }
0x135: {  	s15 =	sor.u32 $0x14000, s1;
	v0 =	vld [tilespmem:s1+$0x1C050]  }
0x136: {  	s16 =	sor.u32 $0x14010, s1;
	[tilespmem:s15+$0x0] =	vst.add.f32.msk $0xffff, v4  }
0x137: {  	s18 =	sor.u32 $0x14020, s1;
	s13 =	sor.u32 $0x14030, s1;
	s10 =	sor.u32 $0x14050, s1;
	[tilespmem:s16+$0x0] =	vst.add.f32.msk $0xffff, v5  }
0x138: {  	s11 =	sor.u32 $0x14060, s1;
	s12 =	sor.u32 $0x14040, s1;
	[tilespmem:s18+$0x0] =	vst.add.f32.msk $0xffff, v6;
	s9 =	simm.s32 $0x0  }
.LBB2_12:
0x139: {  	s8 =	sadd.s32 $0x80, s8;
	[tilespmem:s13+$0x0] =	vst.add.f32.msk $0xffff, v2;
	s7 =	sadd.s32 $0x400, s7  }
0x13a: {  	s9 =	sadd.s32 $0x10, s9;
	s1 =	sand.u32 $0x2000, s8;
	s13 =	sand.u32 $0x1C00, s7;
	[tilespmem:s12+$0x0] =	vst.add.f32.msk $0xffff, v3  }
0x13b: {  	s12 =	sand.u32 $0x380, s9;
	p0 =	slt.u32 s8, $0x3F80;
	s1 =	sor.u32 s1, s13;
	[tilespmem:s10+$0x0] =	vst.add.f32.msk $0xffff, v0  }
0x13c: {  	s1 =	sor.u32 s12, s1;
	[tilespmem:s11+$0x0] =	vst.add.f32.msk $0xffff, v1  }
0x13d: {  	s14 =	sor.u32 $0x14000, s1;
	s15 =	sor.u32 $0x14010, s1;
	s16 =	sor.u32 $0x14020, s1;
	v0 =	vld [tilespmem:s1+$0x1C070]  }
0x13e: {  	s13 =	sor.u32 $0x14030, s1;
	s12 =	sor.u32 $0x14040, s1;
	s10 =	sor.u32 $0x14050, s1;
	v4 =	vld [tilespmem:s1+$0x1C000]  }
0x13f: {  	s11 =	sor.u32 $0x14060, s1;
	v5 =	vld [tilespmem:s1+$0x1C010]  }
0x140: {  	v6 =	vld [tilespmem:s1+$0x1C020]  }
0x141: {  	s18 =	sor.u32 $0x14070, s1;
	v2 =	vld [tilespmem:s1+$0x1C030]  }
0x142: {  	[tilespmem:s18+$0x0] =	vst.add.f32.msk $0xffff, v0  }
0x143: {  	v3 =	vld [tilespmem:s1+$0x1C040]  }
.Ltmp5:
0x144: {  	v0 =	vld [tilespmem:s1+$0x1C050];
	(pc) =	sbr.rel @p0 .LBB2_12-.Ltmp5, $4  }
0x145: {  	v1 =	vld [tilespmem:s1+$0x1C060]  }
0x146: {  	[tilespmem:s14+$0x0] =	vst.add.f32.msk $0xffff, v4  }
0x147: {  	[tilespmem:s15+$0x0] =	vst.add.f32.msk $0xffff, v5  }
0x148: {  	[tilespmem:s16+$0x0] =	vst.add.f32.msk $0xffff, v6  }
0x149: {  	[tilespmem:s13+$0x0] =	vst.add.f32.msk $0xffff, v2  }
0x14a: {  	[tilespmem:s12+$0x0] =	vst.add.f32.msk $0xffff, v3  }
0x14b: {  	[tilespmem:s10+$0x0] =	vst.add.f32.msk $0xffff, v0  }
0x14c: {  	[tilespmem:s11+$0x0] =	vst.add.f32.msk $0xffff, v1  }
0x14d: {  	s7 =	simm.s32 $0x0;
	s1 =	rddreg [dreg:$0x10]  }
0x14e: {  	[hbm4b:s1+s7] =	stream.linear.scatter [tilespmem:s25], [sflag:$0xC], $0x4000, $0x38;
	v63 =	vld [tilespmem:$0x0]  }
0x14f: {  	_ =	swait.ge [sflag:s2], $0x4000  }
0x150: {  	[sflag:s2] =	ssyncset.done $0x0  }
0x151: {  	s8 =	simm.s32 $0x8000;
	s12 =	rddreg [dreg:$0x11];
	[sflag:s2] =	ssyncadd.s32 $0xFFFFC000  }
0x152: {  	[tilespmem:s8], [sflag:$0x3] =	stream.linear.gather [hbm4b:s12+s7], $0x4000, $0x38;
	v63 =	vld [tilespmem:$0x0]  }
0x153: {  	s14 =	simm.s32 $0x18000;
	s13 =	rddreg [dreg:$0x12];
	s8 =	simm.s32 $0x0  }
0x154: {  	[tilespmem:s14], [sflag:$0xD] =	stream.linear.gather [hbm4b:s13+s7], $0x4000, $0x38;
	v63 =	vld [tilespmem:$0x0]  }
0x155: {  	s9 =	sand.u32 $0x1C00, s7;
	s15 =	sand.u32 $0x2000, s8;
	_ =	swait.ge [sflag:s19], $0x4000  }
0x156: {  	s16 =	sand.u32 $0x380, s7;
	s1 =	sor.u32 s15, s9;
	[sflag:s19] =	ssyncset.done $0x0  }
0x157: {  	s1 =	sor.u32 s16, s1;
	[sflag:s19] =	ssyncadd.s32 $0xFFFFC000  }
0x158: {  	v0 =	vld [tilespmem:s1+$0x1C070]  }
0x159: {  	v4 =	vld [tilespmem:s1+$0x1C000]  }
0x15a: {  	v5 =	vld [tilespmem:s1+$0x1C010]  }
0x15b: {  	v6 =	vld [tilespmem:s1+$0x1C020]  }
0x15c: {  	v2 =	vld [tilespmem:s1+$0x1C030]  }
0x15d: {  	v3 =	vld [tilespmem:s1+$0x1C040]  }
0x15e: {  	s9 =	sor.u32 $0x70, s1;
	v1 =	vld [tilespmem:s1+$0x1C050]  }
0x15f: {  	[tilespmem:s9+$0x0] =	vst.add.f32.msk $0xffff, v0  }
0x160: {  	v0 =	vld [tilespmem:s1+$0x1C060]  }
0x161: {  	s18 =	sor.u32 $0x10, s1;
	[tilespmem:s1+$0x0] =	vst.add.f32.msk $0xffff, v4  }
0x162: {  	s14 =	sor.u32 $0x20, s1;
	s13 =	sor.u32 $0x30, s1;
	s12 =	sor.u32 $0x40, s1;
	[tilespmem:s18+$0x0] =	vst.add.f32.msk $0xffff, v5  }
0x163: {  	s11 =	sor.u32 $0x50, s1;
	s10 =	sor.u32 $0x60, s1;
	[tilespmem:s14+$0x0] =	vst.add.f32.msk $0xffff, v6;
	s9 =	simm.s32 $0x0  }
.LBB2_14:
0x164: {  	s8 =	sadd.s32 $0x80, s8;
	[tilespmem:s13+$0x0] =	vst.add.f32.msk $0xffff, v2;
	s7 =	sadd.s32 $0x400, s7  }
0x165: {  	s9 =	sadd.s32 $0x10, s9;
	s1 =	sand.u32 $0x2000, s8;
	s13 =	sand.u32 $0x1C00, s7;
	[tilespmem:s12+$0x0] =	vst.add.f32.msk $0xffff, v3  }
0x166: {  	s12 =	sand.u32 $0x380, s9;
	p0 =	slt.u32 s8, $0x3F80;
	s1 =	sor.u32 s1, s13;
	[tilespmem:s11+$0x0] =	vst.add.f32.msk $0xffff, v1  }
0x167: {  	s1 =	sor.u32 s12, s1;
	[tilespmem:s10+$0x0] =	vst.add.f32.msk $0xffff, v0  }
0x168: {  	s14 =	sor.u32 $0x10, s1;
	s15 =	sor.u32 $0x20, s1;
	s13 =	sor.u32 $0x30, s1;
	v0 =	vld [tilespmem:s1+$0x1C070]  }
0x169: {  	s12 =	sor.u32 $0x40, s1;
	s11 =	sor.u32 $0x50, s1;
	s10 =	sor.u32 $0x60, s1;
	v4 =	vld [tilespmem:s1+$0x1C000]  }
0x16a: {  	v5 =	vld [tilespmem:s1+$0x1C010]  }
0x16b: {  	v6 =	vld [tilespmem:s1+$0x1C020]  }
0x16c: {  	s16 =	sor.u32 $0x70, s1;
	v2 =	vld [tilespmem:s1+$0x1C030]  }
0x16d: {  	[tilespmem:s16+$0x0] =	vst.add.f32.msk $0xffff, v0  }
0x16e: {  	v3 =	vld [tilespmem:s1+$0x1C040]  }
.Ltmp6:
0x16f: {  	v1 =	vld [tilespmem:s1+$0x1C050];
	(pc) =	sbr.rel @p0 .LBB2_14-.Ltmp6, $4  }
0x170: {  	v0 =	vld [tilespmem:s1+$0x1C060]  }
0x171: {  	[tilespmem:s1+$0x0] =	vst.add.f32.msk $0xffff, v4  }
0x172: {  	[tilespmem:s14+$0x0] =	vst.add.f32.msk $0xffff, v5  }
0x173: {  	[tilespmem:s15+$0x0] =	vst.add.f32.msk $0xffff, v6  }
0x174: {  	[tilespmem:s13+$0x0] =	vst.add.f32.msk $0xffff, v2  }
0x175: {  	[tilespmem:s12+$0x0] =	vst.add.f32.msk $0xffff, v3  }
0x176: {  	[tilespmem:s11+$0x0] =	vst.add.f32.msk $0xffff, v1  }
0x177: {  	[tilespmem:s10+$0x0] =	vst.add.f32.msk $0xffff, v0  }
0x178: {  	s7 =	simm.s32 $0x0;
	s1 =	rddreg [dreg:$0x13]  }
0x179: {  	[hbm4b:s1+s7] =	stream.linear.scatter [tilespmem:s7], [sflag:$0x7], $0x4000, $0x38;
	v63 =	vld [tilespmem:$0x0]  }
0x17a: {  	_ =	swait.ge [sflag:s3], $0x4000  }
0x17b: {  	[sflag:s3] =	ssyncset.done $0x0  }
0x17c: {  	s8 =	simm.s32 $0x0;
	s12 =	rddreg [dreg:$0x16];
	[sflag:s3] =	ssyncadd.s32 $0xFFFFC000  }
0x17d: {  	[tilespmem:s21], [sflag:$0x4] =	stream.linear.gather [hbm4b:s12+s7], $0x4000, $0x38;
	v63 =	vld [tilespmem:$0x0]  }
0x17e: {  	s13 =	sand.u32 $0x2000, s8;
	s9 =	sand.u32 $0x1C00, s7;
	_ =	swait.ge [sflag:s22], $0x4000  }
0x17f: {  	s14 =	sand.u32 $0x380, s7;
	s1 =	sor.u32 s13, s9;
	[sflag:s22] =	ssyncset.done $0x0  }
0x180: {  	s1 =	sor.u32 s14, s1;
	[sflag:s22] =	ssyncadd.s32 $0xFFFFC000  }
0x181: {  	v0 =	vld [tilespmem:s1+$0x1C070]  }
0x182: {  	v4 =	vld [tilespmem:s1+$0x1C000]  }
0x183: {  	v5 =	vld [tilespmem:s1+$0x1C010]  }
0x184: {  	v6 =	vld [tilespmem:s1+$0x1C020]  }
0x185: {  	v2 =	vld [tilespmem:s1+$0x1C030]  }
0x186: {  	v3 =	vld [tilespmem:s1+$0x1C040]  }
0x187: {  	s9 =	sor.u32 $0x4070, s1;
	v1 =	vld [tilespmem:s1+$0x1C060]  }
0x188: {  	[tilespmem:s9+$0x0] =	vst.add.f32.msk $0xffff, v0  }
0x189: {  	s15 =	sor.u32 $0x4000, s1;
	v0 =	vld [tilespmem:s1+$0x1C050]  }
0x18a: {  	s16 =	sor.u32 $0x4010, s1;
	[tilespmem:s15+$0x0] =	vst.add.f32.msk $0xffff, v4  }
0x18b: {  	s18 =	sor.u32 $0x4020, s1;
	s13 =	sor.u32 $0x4030, s1;
	s10 =	sor.u32 $0x4050, s1;
	[tilespmem:s16+$0x0] =	vst.add.f32.msk $0xffff, v5  }
0x18c: {  	s11 =	sor.u32 $0x4060, s1;
	s12 =	sor.u32 $0x4040, s1;
	[tilespmem:s18+$0x0] =	vst.add.f32.msk $0xffff, v6;
	s9 =	simm.s32 $0x0  }
.LBB2_16:
0x18d: {  	s8 =	sadd.s32 $0x80, s8;
	[tilespmem:s13+$0x0] =	vst.add.f32.msk $0xffff, v2;
	s7 =	sadd.s32 $0x400, s7  }
0x18e: {  	s9 =	sadd.s32 $0x10, s9;
	s1 =	sand.u32 $0x2000, s8;
	s13 =	sand.u32 $0x1C00, s7;
	[tilespmem:s12+$0x0] =	vst.add.f32.msk $0xffff, v3  }
0x18f: {  	s12 =	sand.u32 $0x380, s9;
	p0 =	slt.u32 s8, $0x3F80;
	s1 =	sor.u32 s1, s13;
	[tilespmem:s10+$0x0] =	vst.add.f32.msk $0xffff, v0  }
0x190: {  	s1 =	sor.u32 s12, s1;
	[tilespmem:s11+$0x0] =	vst.add.f32.msk $0xffff, v1  }
0x191: {  	s14 =	sor.u32 $0x4000, s1;
	s15 =	sor.u32 $0x4010, s1;
	s16 =	sor.u32 $0x4020, s1;
	v0 =	vld [tilespmem:s1+$0x1C070]  }
0x192: {  	s13 =	sor.u32 $0x4030, s1;
	s12 =	sor.u32 $0x4040, s1;
	s10 =	sor.u32 $0x4050, s1;
	v4 =	vld [tilespmem:s1+$0x1C000]  }
0x193: {  	s11 =	sor.u32 $0x4060, s1;
	v5 =	vld [tilespmem:s1+$0x1C010]  }
0x194: {  	v6 =	vld [tilespmem:s1+$0x1C020]  }
0x195: {  	s18 =	sor.u32 $0x4070, s1;
	v2 =	vld [tilespmem:s1+$0x1C030]  }
0x196: {  	[tilespmem:s18+$0x0] =	vst.add.f32.msk $0xffff, v0  }
0x197: {  	v3 =	vld [tilespmem:s1+$0x1C040]  }
.Ltmp7:
0x198: {  	v0 =	vld [tilespmem:s1+$0x1C050];
	(pc) =	sbr.rel @p0 .LBB2_16-.Ltmp7, $4  }
0x199: {  	v1 =	vld [tilespmem:s1+$0x1C060]  }
0x19a: {  	[tilespmem:s14+$0x0] =	vst.add.f32.msk $0xffff, v4  }
0x19b: {  	[tilespmem:s15+$0x0] =	vst.add.f32.msk $0xffff, v5  }
0x19c: {  	[tilespmem:s16+$0x0] =	vst.add.f32.msk $0xffff, v6  }
0x19d: {  	[tilespmem:s13+$0x0] =	vst.add.f32.msk $0xffff, v2  }
0x19e: {  	[tilespmem:s12+$0x0] =	vst.add.f32.msk $0xffff, v3  }
0x19f: {  	[tilespmem:s10+$0x0] =	vst.add.f32.msk $0xffff, v0  }
0x1a0: {  	[tilespmem:s11+$0x0] =	vst.add.f32.msk $0xffff, v1  }
0x1a1: {  	s7 =	simm.s32 $0x0;
	s1 =	rddreg [dreg:$0x14]  }
0x1a2: {  	[hbm4b:s1+s7] =	stream.linear.scatter [tilespmem:s17], [sflag:$0x8], $0x4000, $0x38;
	v63 =	vld [tilespmem:$0x0]  }
0x1a3: {  	_ =	swait.ge [sflag:s4], $0x4000  }
0x1a4: {  	[sflag:s4] =	ssyncset.done $0x0  }
0x1a5: {  	s12 =	rddreg [dreg:$0x18];
	[sflag:s4] =	ssyncadd.s32 $0xFFFFC000  }
0x1a6: {  	[tilespmem:s23], [sflag:$0x5] =	stream.linear.gather [hbm4b:s12+s7], $0x4000, $0x38;
	v63 =	vld [tilespmem:$0x0]  }
0x1a7: {  	_ =	swait.ge [sflag:s24], $0x4000  }
0x1a8: {  	[sflag:s24] =	ssyncset.done $0x0  }
0x1a9: {  	s8 =	simm.s32 $0x0;
	[sflag:s24] =	ssyncadd.s32 $0xFFFFC000  }
0x1aa: {  	s13 =	sand.u32 $0x2000, s8;
	s9 =	sand.u32 $0x1C00, s7;
	_ =	swait.ge [sflag:s20], $0x4000  }
0x1ab: {  	s14 =	sand.u32 $0x380, s7;
	s1 =	sor.u32 s13, s9;
	[sflag:s20] =	ssyncset.done $0x0  }
0x1ac: {  	s1 =	sor.u32 s14, s1;
	[sflag:s20] =	ssyncadd.s32 $0xFFFFC000  }
0x1ad: {  	v0 =	vld [tilespmem:s1+$0x18070]  }
0x1ae: {  	v4 =	vld [tilespmem:s1+$0x18000]  }
0x1af: {  	v5 =	vld [tilespmem:s1+$0x18010]  }
0x1b0: {  	v6 =	vld [tilespmem:s1+$0x18020]  }
0x1b1: {  	v2 =	vld [tilespmem:s1+$0x18030]  }
0x1b2: {  	v3 =	vld [tilespmem:s1+$0x18040]  }
0x1b3: {  	s9 =	sor.u32 $0x8070, s1;
	v1 =	vld [tilespmem:s1+$0x18060]  }
0x1b4: {  	[tilespmem:s9+$0x0] =	vst.add.f32.msk $0xffff, v0  }
0x1b5: {  	s15 =	sor.u32 $0x8000, s1;
	v0 =	vld [tilespmem:s1+$0x18050]  }
0x1b6: {  	s16 =	sor.u32 $0x8010, s1;
	[tilespmem:s15+$0x0] =	vst.add.f32.msk $0xffff, v4  }
0x1b7: {  	s18 =	sor.u32 $0x8020, s1;
	s13 =	sor.u32 $0x8030, s1;
	s10 =	sor.u32 $0x8050, s1;
	[tilespmem:s16+$0x0] =	vst.add.f32.msk $0xffff, v5  }
0x1b8: {  	s11 =	sor.u32 $0x8060, s1;
	s12 =	sor.u32 $0x8040, s1;
	[tilespmem:s18+$0x0] =	vst.add.f32.msk $0xffff, v6;
	s9 =	simm.s32 $0x0  }
.LBB2_18:
0x1b9: {  	s8 =	sadd.s32 $0x80, s8;
	[tilespmem:s13+$0x0] =	vst.add.f32.msk $0xffff, v2;
	s7 =	sadd.s32 $0x400, s7  }
0x1ba: {  	s9 =	sadd.s32 $0x10, s9;
	s1 =	sand.u32 $0x2000, s8;
	s13 =	sand.u32 $0x1C00, s7;
	[tilespmem:s12+$0x0] =	vst.add.f32.msk $0xffff, v3  }
0x1bb: {  	s12 =	sand.u32 $0x380, s9;
	p0 =	slt.u32 s8, $0x3F80;
	s1 =	sor.u32 s1, s13;
	[tilespmem:s10+$0x0] =	vst.add.f32.msk $0xffff, v0  }
0x1bc: {  	s1 =	sor.u32 s12, s1;
	[tilespmem:s11+$0x0] =	vst.add.f32.msk $0xffff, v1  }
0x1bd: {  	s14 =	sor.u32 $0x8000, s1;
	s15 =	sor.u32 $0x8010, s1;
	s16 =	sor.u32 $0x8020, s1;
	v0 =	vld [tilespmem:s1+$0x18070]  }
0x1be: {  	s13 =	sor.u32 $0x8030, s1;
	s12 =	sor.u32 $0x8040, s1;
	s10 =	sor.u32 $0x8050, s1;
	v4 =	vld [tilespmem:s1+$0x18000]  }
0x1bf: {  	s11 =	sor.u32 $0x8060, s1;
	v5 =	vld [tilespmem:s1+$0x18010]  }
0x1c0: {  	v6 =	vld [tilespmem:s1+$0x18020]  }
0x1c1: {  	s18 =	sor.u32 $0x8070, s1;
	v2 =	vld [tilespmem:s1+$0x18030]  }
0x1c2: {  	[tilespmem:s18+$0x0] =	vst.add.f32.msk $0xffff, v0  }
0x1c3: {  	v3 =	vld [tilespmem:s1+$0x18040]  }
.Ltmp8:
0x1c4: {  	v0 =	vld [tilespmem:s1+$0x18050];
	(pc) =	sbr.rel @p0 .LBB2_18-.Ltmp8, $4  }
0x1c5: {  	v1 =	vld [tilespmem:s1+$0x18060]  }
0x1c6: {  	[tilespmem:s14+$0x0] =	vst.add.f32.msk $0xffff, v4  }
0x1c7: {  	[tilespmem:s15+$0x0] =	vst.add.f32.msk $0xffff, v5  }
0x1c8: {  	[tilespmem:s16+$0x0] =	vst.add.f32.msk $0xffff, v6  }
0x1c9: {  	[tilespmem:s13+$0x0] =	vst.add.f32.msk $0xffff, v2  }
0x1ca: {  	[tilespmem:s12+$0x0] =	vst.add.f32.msk $0xffff, v3  }
0x1cb: {  	[tilespmem:s10+$0x0] =	vst.add.f32.msk $0xffff, v0  }
0x1cc: {  	[tilespmem:s11+$0x0] =	vst.add.f32.msk $0xffff, v1  }
0x1cd: {  	s7 =	simm.s32 $0x0;
	s8 =	simm.s32 $0x8000;
	s1 =	rddreg [dreg:$0x15]  }
0x1ce: {  	[hbm4b:s1+s7] =	stream.linear.scatter [tilespmem:s8], [sflag:$0x9], $0x4000, $0x38;
	v63 =	vld [tilespmem:$0x0]  }
0x1cf: {  	_ =	swait.ge [sflag:s5], $0x4000  }
0x1d0: {  	[sflag:s5] =	ssyncset.done $0x0  }
0x1d1: {  	s8 =	simm.s32 $0x0;
	s12 =	rddreg [dreg:$0x1a];
	[sflag:s5] =	ssyncadd.s32 $0xFFFFC000  }
0x1d2: {  	[tilespmem:s25], [sflag:$0x6] =	stream.linear.gather [hbm4b:s12+s7], $0x4000, $0x38;
	v63 =	vld [tilespmem:$0x0]  }
0x1d3: {  	s9 =	sand.u32 $0x1C00, s7;
	s13 =	sand.u32 $0x2000, s8;
	_ =	swait.ge [sflag:s26], $0x4000  }
0x1d4: {  	s14 =	sand.u32 $0x380, s7;
	s1 =	sor.u32 s13, s9;
	[sflag:s26] =	ssyncset.done $0x0  }
0x1d5: {  	s1 =	sor.u32 s14, s1;
	[sflag:s26] =	ssyncadd.s32 $0xFFFFC000  }
0x1d6: {  	v0 =	vld [tilespmem:s1+$0x18070]  }
0x1d7: {  	v4 =	vld [tilespmem:s1+$0x18000]  }
0x1d8: {  	v5 =	vld [tilespmem:s1+$0x18010]  }
0x1d9: {  	v6 =	vld [tilespmem:s1+$0x18020]  }
0x1da: {  	v2 =	vld [tilespmem:s1+$0x18030]  }
0x1db: {  	v3 =	vld [tilespmem:s1+$0x18040]  }
0x1dc: {  	s9 =	sor.u32 $0xC070, s1;
	v1 =	vld [tilespmem:s1+$0x18060]  }
0x1dd: {  	[tilespmem:s9+$0x0] =	vst.add.f32.msk $0xffff, v0  }
0x1de: {  	s15 =	sor.u32 $0xC000, s1;
	v0 =	vld [tilespmem:s1+$0x18050]  }
0x1df: {  	s16 =	sor.u32 $0xC010, s1;
	[tilespmem:s15+$0x0] =	vst.add.f32.msk $0xffff, v4  }
0x1e0: {  	s18 =	sor.u32 $0xC020, s1;
	s13 =	sor.u32 $0xC030, s1;
	s12 =	sor.u32 $0xC040, s1;
	[tilespmem:s16+$0x0] =	vst.add.f32.msk $0xffff, v5  }
0x1e1: {  	s10 =	sor.u32 $0xC050, s1;
	s11 =	sor.u32 $0xC060, s1;
	[tilespmem:s18+$0x0] =	vst.add.f32.msk $0xffff, v6;
	s9 =	simm.s32 $0x0  }
.LBB2_20:
0x1e2: {  	s8 =	sadd.s32 $0x80, s8;
	[tilespmem:s13+$0x0] =	vst.add.f32.msk $0xffff, v2;
	s7 =	sadd.s32 $0x400, s7  }
0x1e3: {  	s9 =	sadd.s32 $0x10, s9;
	s1 =	sand.u32 $0x2000, s8;
	s13 =	sand.u32 $0x1C00, s7;
	[tilespmem:s12+$0x0] =	vst.add.f32.msk $0xffff, v3  }
0x1e4: {  	s12 =	sand.u32 $0x380, s9;
	p0 =	slt.u32 s8, $0x3F80;
	s1 =	sor.u32 s1, s13;
	[tilespmem:s10+$0x0] =	vst.add.f32.msk $0xffff, v0  }
0x1e5: {  	s1 =	sor.u32 s12, s1;
	[tilespmem:s11+$0x0] =	vst.add.f32.msk $0xffff, v1  }
0x1e6: {  	s14 =	sor.u32 $0xC000, s1;
	s15 =	sor.u32 $0xC010, s1;
	s16 =	sor.u32 $0xC020, s1;
	v0 =	vld [tilespmem:s1+$0x18070]  }
0x1e7: {  	s13 =	sor.u32 $0xC030, s1;
	s12 =	sor.u32 $0xC040, s1;
	s10 =	sor.u32 $0xC050, s1;
	v4 =	vld [tilespmem:s1+$0x18000]  }
0x1e8: {  	s11 =	sor.u32 $0xC060, s1;
	v5 =	vld [tilespmem:s1+$0x18010]  }
0x1e9: {  	v6 =	vld [tilespmem:s1+$0x18020]  }
0x1ea: {  	s18 =	sor.u32 $0xC070, s1;
	v2 =	vld [tilespmem:s1+$0x18030]  }
0x1eb: {  	[tilespmem:s18+$0x0] =	vst.add.f32.msk $0xffff, v0  }
0x1ec: {  	v3 =	vld [tilespmem:s1+$0x18040]  }
.Ltmp9:
0x1ed: {  	v0 =	vld [tilespmem:s1+$0x18050];
	(pc) =	sbr.rel @p0 .LBB2_20-.Ltmp9, $4  }
0x1ee: {  	v1 =	vld [tilespmem:s1+$0x18060]  }
0x1ef: {  	[tilespmem:s14+$0x0] =	vst.add.f32.msk $0xffff, v4  }
0x1f0: {  	[tilespmem:s15+$0x0] =	vst.add.f32.msk $0xffff, v5  }
0x1f1: {  	[tilespmem:s16+$0x0] =	vst.add.f32.msk $0xffff, v6  }
0x1f2: {  	[tilespmem:s13+$0x0] =	vst.add.f32.msk $0xffff, v2  }
0x1f3: {  	[tilespmem:s12+$0x0] =	vst.add.f32.msk $0xffff, v3  }
0x1f4: {  	[tilespmem:s10+$0x0] =	vst.add.f32.msk $0xffff, v0  }
0x1f5: {  	[tilespmem:s11+$0x0] =	vst.add.f32.msk $0xffff, v1  }
0x1f6: {  	s7 =	simm.s32 $0x0;
	s1 =	rddreg [dreg:$0x17]  }
0x1f7: {  	[hbm4b:s1+s7] =	stream.linear.scatter [tilespmem:s21], [sflag:$0xA], $0x4000, $0x38;
	v63 =	vld [tilespmem:$0x0]  }
0x1f8: {  	_ =	swait.ge [sflag:s28], $0x4000  }
0x1f9: {  	[sflag:s28] =	ssyncset.done $0x0  }
0x1fa: {  	s11 =	rddreg [dreg:$0x1c];
	[sflag:s28] =	ssyncadd.s32 $0xFFFFC000  }
0x1fb: {  	[tilespmem:s7], [sflag:$0x1] =	stream.linear.gather [hbm4b:s11+s7], $0x4000, $0x38;
	v63 =	vld [tilespmem:$0x0]  }
0x1fc: {  	s8 =	simm.s32 $0x1C000;
	s12 =	rddreg [dreg:$0x1d]  }
0x1fd: {  	[tilespmem:s8], [sflag:$0xE] =	stream.linear.gather [hbm4b:s12+s7], $0x4000, $0x38;
	v63 =	vld [tilespmem:$0x0]  }
0x1fe: {  	s8 =	simm.s32 $0x0  }
0x1ff: {  	s9 =	sand.u32 $0x1C00, s7;
	_ =	swait.ge [sflag:s29], $0x4000;
	s13 =	sand.u32 $0x2000, s8  }
0x200: {  	s14 =	sand.u32 $0x380, s7;
	[sflag:s29] =	ssyncset.done $0x0;
	s1 =	sor.u32 s13, s9  }
0x201: {  	[sflag:s29] =	ssyncadd.s32 $0xFFFFC000;
	s1 =	sor.u32 s14, s1  }
0x202: {  	v0 =	vld [tilespmem:s1+$0x18070]  }
0x203: {  	v4 =	vld [tilespmem:s1+$0x18000]  }
0x204: {  	v5 =	vld [tilespmem:s1+$0x18010]  }
0x205: {  	v6 =	vld [tilespmem:s1+$0x18020]  }
0x206: {  	v2 =	vld [tilespmem:s1+$0x18030]  }
0x207: {  	v3 =	vld [tilespmem:s1+$0x18040]  }
0x208: {  	s9 =	sor.u32 $0x10070, s1;
	v1 =	vld [tilespmem:s1+$0x18060]  }
0x209: {  	[tilespmem:s9+$0x0] =	vst.add.f32.msk $0xffff, v0  }
0x20a: {  	s15 =	sor.u32 $0x10000, s1;
	v0 =	vld [tilespmem:s1+$0x18050]  }
0x20b: {  	s16 =	sor.u32 $0x10010, s1;
	[tilespmem:s15+$0x0] =	vst.add.f32.msk $0xffff, v4  }
0x20c: {  	s18 =	sor.u32 $0x10020, s1;
	s13 =	sor.u32 $0x10030, s1;
	s12 =	sor.u32 $0x10040, s1;
	[tilespmem:s16+$0x0] =	vst.add.f32.msk $0xffff, v5  }
0x20d: {  	s10 =	sor.u32 $0x10050, s1;
	s11 =	sor.u32 $0x10060, s1;
	[tilespmem:s18+$0x0] =	vst.add.f32.msk $0xffff, v6;
	s9 =	simm.s32 $0x0  }
.LBB2_22:
0x20e: {  	s8 =	sadd.s32 $0x80, s8;
	[tilespmem:s13+$0x0] =	vst.add.f32.msk $0xffff, v2;
	s7 =	sadd.s32 $0x400, s7  }
0x20f: {  	s9 =	sadd.s32 $0x10, s9;
	s1 =	sand.u32 $0x2000, s8;
	s13 =	sand.u32 $0x1C00, s7;
	[tilespmem:s12+$0x0] =	vst.add.f32.msk $0xffff, v3  }
0x210: {  	s12 =	sand.u32 $0x380, s9;
	p0 =	slt.u32 s8, $0x3F80;
	s1 =	sor.u32 s1, s13;
	[tilespmem:s10+$0x0] =	vst.add.f32.msk $0xffff, v0  }
0x211: {  	s1 =	sor.u32 s12, s1;
	[tilespmem:s11+$0x0] =	vst.add.f32.msk $0xffff, v1  }
0x212: {  	s14 =	sor.u32 $0x10000, s1;
	s15 =	sor.u32 $0x10010, s1;
	s16 =	sor.u32 $0x10020, s1;
	v0 =	vld [tilespmem:s1+$0x18070]  }
0x213: {  	s13 =	sor.u32 $0x10030, s1;
	s12 =	sor.u32 $0x10040, s1;
	s10 =	sor.u32 $0x10050, s1;
	v4 =	vld [tilespmem:s1+$0x18000]  }
0x214: {  	s11 =	sor.u32 $0x10060, s1;
	v5 =	vld [tilespmem:s1+$0x18010]  }
0x215: {  	v6 =	vld [tilespmem:s1+$0x18020]  }
0x216: {  	s18 =	sor.u32 $0x10070, s1;
	v2 =	vld [tilespmem:s1+$0x18030]  }
0x217: {  	[tilespmem:s18+$0x0] =	vst.add.f32.msk $0xffff, v0  }
0x218: {  	v3 =	vld [tilespmem:s1+$0x18040]  }
.Ltmp10:
0x219: {  	v0 =	vld [tilespmem:s1+$0x18050];
	(pc) =	sbr.rel @p0 .LBB2_22-.Ltmp10, $4  }
0x21a: {  	v1 =	vld [tilespmem:s1+$0x18060]  }
0x21b: {  	[tilespmem:s14+$0x0] =	vst.add.f32.msk $0xffff, v4  }
0x21c: {  	[tilespmem:s15+$0x0] =	vst.add.f32.msk $0xffff, v5  }
0x21d: {  	[tilespmem:s16+$0x0] =	vst.add.f32.msk $0xffff, v6  }
0x21e: {  	[tilespmem:s13+$0x0] =	vst.add.f32.msk $0xffff, v2  }
0x21f: {  	[tilespmem:s12+$0x0] =	vst.add.f32.msk $0xffff, v3  }
0x220: {  	[tilespmem:s10+$0x0] =	vst.add.f32.msk $0xffff, v0  }
0x221: {  	[tilespmem:s11+$0x0] =	vst.add.f32.msk $0xffff, v1  }
0x222: {  	s7 =	simm.s32 $0x0;
	s1 =	rddreg [dreg:$0x19]  }
0x223: {  	[hbm4b:s1+s7] =	stream.linear.scatter [tilespmem:s23], [sflag:$0xB], $0x4000, $0x38;
	v63 =	vld [tilespmem:$0x0]  }
0x224: {  	_ =	swait.ge [sflag:s31], $0x4000  }
0x225: {  	[sflag:s31] =	ssyncset.done $0x0  }
0x226: {  	s8 =	simm.s32 $0x0;
	s12 =	rddreg [dreg:$0x1f];
	[sflag:s31] =	ssyncadd.s32 $0xFFFFC000  }
0x227: {  	[tilespmem:s17], [sflag:$0x2] =	stream.linear.gather [hbm4b:s12+s7], $0x4000, $0x38;
	v63 =	vld [tilespmem:$0x0]  }
0x228: {  	s13 =	sand.u32 $0x2000, s8;
	s9 =	sand.u32 $0x1C00, s7;
	_ =	swait.ge [sflag:s0], $0x4000  }
0x229: {  	s14 =	sand.u32 $0x380, s7;
	s1 =	sor.u32 s13, s9;
	[sflag:s0] =	ssyncset.done $0x0  }
0x22a: {  	s1 =	sor.u32 s14, s1;
	[sflag:s0] =	ssyncadd.s32 $0xFFFFC000  }
0x22b: {  	v0 =	vld [tilespmem:s1+$0x18070]  }
0x22c: {  	v4 =	vld [tilespmem:s1+$0x18000]  }
0x22d: {  	v5 =	vld [tilespmem:s1+$0x18010]  }
0x22e: {  	v6 =	vld [tilespmem:s1+$0x18020]  }
0x22f: {  	v2 =	vld [tilespmem:s1+$0x18030]  }
0x230: {  	v3 =	vld [tilespmem:s1+$0x18040]  }
0x231: {  	s9 =	sor.u32 $0x14070, s1;
	v1 =	vld [tilespmem:s1+$0x18060]  }
0x232: {  	[tilespmem:s9+$0x0] =	vst.add.f32.msk $0xffff, v0  }
0x233: {  	s15 =	sor.u32 $0x14000, s1;
	v0 =	vld [tilespmem:s1+$0x18050]  }
0x234: {  	s16 =	sor.u32 $0x14010, s1;
	[tilespmem:s15+$0x0] =	vst.add.f32.msk $0xffff, v4  }
0x235: {  	s18 =	sor.u32 $0x14020, s1;
	s13 =	sor.u32 $0x14030, s1;
	s10 =	sor.u32 $0x14050, s1;
	[tilespmem:s16+$0x0] =	vst.add.f32.msk $0xffff, v5  }
0x236: {  	s11 =	sor.u32 $0x14060, s1;
	s12 =	sor.u32 $0x14040, s1;
	[tilespmem:s18+$0x0] =	vst.add.f32.msk $0xffff, v6;
	s9 =	simm.s32 $0x0  }
.LBB2_24:
0x237: {  	s8 =	sadd.s32 $0x80, s8;
	[tilespmem:s13+$0x0] =	vst.add.f32.msk $0xffff, v2;
	s7 =	sadd.s32 $0x400, s7  }
0x238: {  	s9 =	sadd.s32 $0x10, s9;
	s1 =	sand.u32 $0x2000, s8;
	s13 =	sand.u32 $0x1C00, s7;
	[tilespmem:s12+$0x0] =	vst.add.f32.msk $0xffff, v3  }
0x239: {  	s12 =	sand.u32 $0x380, s9;
	p0 =	slt.u32 s8, $0x3F80;
	s1 =	sor.u32 s1, s13;
	[tilespmem:s10+$0x0] =	vst.add.f32.msk $0xffff, v0  }
0x23a: {  	s1 =	sor.u32 s12, s1;
	[tilespmem:s11+$0x0] =	vst.add.f32.msk $0xffff, v1  }
0x23b: {  	s14 =	sor.u32 $0x14000, s1;
	s15 =	sor.u32 $0x14010, s1;
	s16 =	sor.u32 $0x14020, s1;
	v0 =	vld [tilespmem:s1+$0x18070]  }
0x23c: {  	s13 =	sor.u32 $0x14030, s1;
	s12 =	sor.u32 $0x14040, s1;
	s10 =	sor.u32 $0x14050, s1;
	v4 =	vld [tilespmem:s1+$0x18000]  }
0x23d: {  	s11 =	sor.u32 $0x14060, s1;
	v5 =	vld [tilespmem:s1+$0x18010]  }
0x23e: {  	v6 =	vld [tilespmem:s1+$0x18020]  }
0x23f: {  	s18 =	sor.u32 $0x14070, s1;
	v2 =	vld [tilespmem:s1+$0x18030]  }
0x240: {  	[tilespmem:s18+$0x0] =	vst.add.f32.msk $0xffff, v0  }
0x241: {  	v3 =	vld [tilespmem:s1+$0x18040]  }
.Ltmp11:
0x242: {  	v0 =	vld [tilespmem:s1+$0x18050];
	(pc) =	sbr.rel @p0 .LBB2_24-.Ltmp11, $4  }
0x243: {  	v1 =	vld [tilespmem:s1+$0x18060]  }
0x244: {  	[tilespmem:s14+$0x0] =	vst.add.f32.msk $0xffff, v4  }
0x245: {  	[tilespmem:s15+$0x0] =	vst.add.f32.msk $0xffff, v5  }
0x246: {  	[tilespmem:s16+$0x0] =	vst.add.f32.msk $0xffff, v6  }
0x247: {  	[tilespmem:s13+$0x0] =	vst.add.f32.msk $0xffff, v2  }
0x248: {  	[tilespmem:s12+$0x0] =	vst.add.f32.msk $0xffff, v3  }
0x249: {  	[tilespmem:s10+$0x0] =	vst.add.f32.msk $0xffff, v0  }
0x24a: {  	[tilespmem:s11+$0x0] =	vst.add.f32.msk $0xffff, v1  }
0x24b: {  	s7 =	simm.s32 $0x0;
	s1 =	rddreg [dreg:$0x1b]  }
0x24c: {  	[hbm4b:s1+s7] =	stream.linear.scatter [tilespmem:s25], [sflag:$0xC], $0x4000, $0x38;
	v63 =	vld [tilespmem:$0x0]  }
0x24d: {  	_ =	swait.ge [sflag:s2], $0x4000  }
0x24e: {  	s14 =	sld [smem:$0x7D2]  }
0x24f: {  	[sflag:s2] =	ssyncset.done $0x0  }
0x250: {  	s8 =	simm.s32 $0x8000;
	[sflag:s2] =	ssyncadd.s32 $0xFFFFC000  }
0x251: {  	[tilespmem:s8], [sflag:$0x3] =	stream.linear.gather [hbm4b:s14+s7], $0x4000, $0x38;
	v63 =	vld [tilespmem:$0x0]  }
0x252: {  	_ =	swait.ge [sflag:s19], $0x4000  }
0x253: {  	[sflag:s19] =	ssyncset.done $0x0  }
0x254: {  	s8 =	simm.s32 $0x0;
	[sflag:s19] =	ssyncadd.s32 $0xFFFFC000  }
0x255: {  	s9 =	sand.u32 $0x1C00, s7;
	s15 =	sand.u32 $0x2000, s8;
	_ =	swait.ge [sflag:s30], $0x4000  }
0x256: {  	s16 =	sand.u32 $0x380, s7;
	s1 =	sor.u32 s15, s9;
	[sflag:s30] =	ssyncset.done $0x0  }
0x257: {  	s1 =	sor.u32 s16, s1;
	[sflag:s30] =	ssyncadd.s32 $0xFFFFC000  }
0x258: {  	v0 =	vld [tilespmem:s1+$0x1C070]  }
0x259: {  	v4 =	vld [tilespmem:s1+$0x1C000]  }
0x25a: {  	v5 =	vld [tilespmem:s1+$0x1C010]  }
0x25b: {  	v6 =	vld [tilespmem:s1+$0x1C020]  }
0x25c: {  	v2 =	vld [tilespmem:s1+$0x1C030]  }
0x25d: {  	v3 =	vld [tilespmem:s1+$0x1C040]  }
0x25e: {  	s9 =	sor.u32 $0x70, s1;
	v1 =	vld [tilespmem:s1+$0x1C050]  }
0x25f: {  	[tilespmem:s9+$0x0] =	vst.add.f32.msk $0xffff, v0  }
0x260: {  	v0 =	vld [tilespmem:s1+$0x1C060]  }
0x261: {  	s18 =	sor.u32 $0x10, s1;
	[tilespmem:s1+$0x0] =	vst.add.f32.msk $0xffff, v4  }
0x262: {  	s14 =	sor.u32 $0x20, s1;
	s13 =	sor.u32 $0x30, s1;
	s12 =	sor.u32 $0x40, s1;
	[tilespmem:s18+$0x0] =	vst.add.f32.msk $0xffff, v5  }
0x263: {  	s11 =	sor.u32 $0x50, s1;
	s10 =	sor.u32 $0x60, s1;
	[tilespmem:s14+$0x0] =	vst.add.f32.msk $0xffff, v6;
	s9 =	simm.s32 $0x0  }
.LBB2_26:
0x264: {  	s8 =	sadd.s32 $0x80, s8;
	[tilespmem:s13+$0x0] =	vst.add.f32.msk $0xffff, v2;
	s7 =	sadd.s32 $0x400, s7  }
0x265: {  	s9 =	sadd.s32 $0x10, s9;
	s1 =	sand.u32 $0x2000, s8;
	s13 =	sand.u32 $0x1C00, s7;
	[tilespmem:s12+$0x0] =	vst.add.f32.msk $0xffff, v3  }
0x266: {  	s12 =	sand.u32 $0x380, s9;
	p0 =	slt.u32 s8, $0x3F80;
	s1 =	sor.u32 s1, s13;
	[tilespmem:s11+$0x0] =	vst.add.f32.msk $0xffff, v1  }
0x267: {  	s1 =	sor.u32 s12, s1;
	[tilespmem:s10+$0x0] =	vst.add.f32.msk $0xffff, v0  }
0x268: {  	s14 =	sor.u32 $0x10, s1;
	s15 =	sor.u32 $0x20, s1;
	s13 =	sor.u32 $0x30, s1;
	v0 =	vld [tilespmem:s1+$0x1C070]  }
0x269: {  	s12 =	sor.u32 $0x40, s1;
	s11 =	sor.u32 $0x50, s1;
	s10 =	sor.u32 $0x60, s1;
	v4 =	vld [tilespmem:s1+$0x1C000]  }
0x26a: {  	v5 =	vld [tilespmem:s1+$0x1C010]  }
0x26b: {  	v6 =	vld [tilespmem:s1+$0x1C020]  }
0x26c: {  	s16 =	sor.u32 $0x70, s1;
	v2 =	vld [tilespmem:s1+$0x1C030]  }
0x26d: {  	[tilespmem:s16+$0x0] =	vst.add.f32.msk $0xffff, v0  }
0x26e: {  	v3 =	vld [tilespmem:s1+$0x1C040]  }
.Ltmp12:
0x26f: {  	v1 =	vld [tilespmem:s1+$0x1C050];
	(pc) =	sbr.rel @p0 .LBB2_26-.Ltmp12, $4  }
0x270: {  	v0 =	vld [tilespmem:s1+$0x1C060]  }
0x271: {  	[tilespmem:s1+$0x0] =	vst.add.f32.msk $0xffff, v4  }
0x272: {  	[tilespmem:s14+$0x0] =	vst.add.f32.msk $0xffff, v5  }
0x273: {  	[tilespmem:s15+$0x0] =	vst.add.f32.msk $0xffff, v6  }
0x274: {  	[tilespmem:s13+$0x0] =	vst.add.f32.msk $0xffff, v2  }
0x275: {  	[tilespmem:s12+$0x0] =	vst.add.f32.msk $0xffff, v3  }
0x276: {  	[tilespmem:s11+$0x0] =	vst.add.f32.msk $0xffff, v1  }
0x277: {  	[tilespmem:s10+$0x0] =	vst.add.f32.msk $0xffff, v0  }
0x278: {  	s7 =	simm.s32 $0x0;
	s1 =	rddreg [dreg:$0x1e]  }
0x279: {  	[hbm4b:s1+s7] =	stream.linear.scatter [tilespmem:s7], [sflag:$0x7], $0x4000, $0x38;
	v63 =	vld [tilespmem:$0x0]  }
0x27a: {  	_ =	swait.ge [sflag:s3], $0x4000  }
0x27b: {  	s12 =	sld [smem:$0x7D4]  }
0x27c: {  	[sflag:s3] =	ssyncset.done $0x0  }
0x27d: {  	s8 =	simm.s32 $0x0;
	[sflag:s3] =	ssyncadd.s32 $0xFFFFC000  }
0x27e: {  	[tilespmem:s21], [sflag:$0x4] =	stream.linear.gather [hbm4b:s12+s7], $0x4000, $0x38;
	v63 =	vld [tilespmem:$0x0]  }
0x27f: {  	s13 =	sand.u32 $0x2000, s8;
	s9 =	sand.u32 $0x1C00, s7;
	_ =	swait.ge [sflag:s22], $0x4000  }
0x280: {  	s14 =	sand.u32 $0x380, s7;
	s1 =	sor.u32 s13, s9;
	[sflag:s22] =	ssyncset.done $0x0  }
0x281: {  	s1 =	sor.u32 s14, s1;
	[sflag:s22] =	ssyncadd.s32 $0xFFFFC000  }
0x282: {  	v0 =	vld [tilespmem:s1+$0x1C070]  }
0x283: {  	v4 =	vld [tilespmem:s1+$0x1C000]  }
0x284: {  	v5 =	vld [tilespmem:s1+$0x1C010]  }
0x285: {  	v6 =	vld [tilespmem:s1+$0x1C020]  }
0x286: {  	v2 =	vld [tilespmem:s1+$0x1C030]  }
0x287: {  	v3 =	vld [tilespmem:s1+$0x1C040]  }
0x288: {  	s9 =	sor.u32 $0x4070, s1;
	v1 =	vld [tilespmem:s1+$0x1C060]  }
0x289: {  	[tilespmem:s9+$0x0] =	vst.add.f32.msk $0xffff, v0  }
0x28a: {  	s15 =	sor.u32 $0x4000, s1;
	v0 =	vld [tilespmem:s1+$0x1C050]  }
0x28b: {  	s16 =	sor.u32 $0x4010, s1;
	[tilespmem:s15+$0x0] =	vst.add.f32.msk $0xffff, v4  }
0x28c: {  	s18 =	sor.u32 $0x4020, s1;
	s13 =	sor.u32 $0x4030, s1;
	s10 =	sor.u32 $0x4050, s1;
	[tilespmem:s16+$0x0] =	vst.add.f32.msk $0xffff, v5  }
0x28d: {  	s11 =	sor.u32 $0x4060, s1;
	s12 =	sor.u32 $0x4040, s1;
	[tilespmem:s18+$0x0] =	vst.add.f32.msk $0xffff, v6;
	s9 =	simm.s32 $0x0  }
.LBB2_28:
0x28e: {  	s8 =	sadd.s32 $0x80, s8;
	[tilespmem:s13+$0x0] =	vst.add.f32.msk $0xffff, v2;
	s7 =	sadd.s32 $0x400, s7  }
0x28f: {  	s9 =	sadd.s32 $0x10, s9;
	s1 =	sand.u32 $0x2000, s8;
	s13 =	sand.u32 $0x1C00, s7;
	[tilespmem:s12+$0x0] =	vst.add.f32.msk $0xffff, v3  }
0x290: {  	s12 =	sand.u32 $0x380, s9;
	p0 =	slt.u32 s8, $0x3F80;
	s1 =	sor.u32 s1, s13;
	[tilespmem:s10+$0x0] =	vst.add.f32.msk $0xffff, v0  }
0x291: {  	s1 =	sor.u32 s12, s1;
	[tilespmem:s11+$0x0] =	vst.add.f32.msk $0xffff, v1  }
0x292: {  	s14 =	sor.u32 $0x4000, s1;
	s15 =	sor.u32 $0x4010, s1;
	s16 =	sor.u32 $0x4020, s1;
	v0 =	vld [tilespmem:s1+$0x1C070]  }
0x293: {  	s13 =	sor.u32 $0x4030, s1;
	s12 =	sor.u32 $0x4040, s1;
	s10 =	sor.u32 $0x4050, s1;
	v4 =	vld [tilespmem:s1+$0x1C000]  }
0x294: {  	s11 =	sor.u32 $0x4060, s1;
	v5 =	vld [tilespmem:s1+$0x1C010]  }
0x295: {  	v6 =	vld [tilespmem:s1+$0x1C020]  }
0x296: {  	s18 =	sor.u32 $0x4070, s1;
	v2 =	vld [tilespmem:s1+$0x1C030]  }
0x297: {  	[tilespmem:s18+$0x0] =	vst.add.f32.msk $0xffff, v0  }
0x298: {  	v3 =	vld [tilespmem:s1+$0x1C040]  }
.Ltmp13:
0x299: {  	v0 =	vld [tilespmem:s1+$0x1C050];
	(pc) =	sbr.rel @p0 .LBB2_28-.Ltmp13, $4  }
0x29a: {  	v1 =	vld [tilespmem:s1+$0x1C060]  }
0x29b: {  	[tilespmem:s14+$0x0] =	vst.add.f32.msk $0xffff, v4  }
0x29c: {  	[tilespmem:s15+$0x0] =	vst.add.f32.msk $0xffff, v5  }
0x29d: {  	[tilespmem:s16+$0x0] =	vst.add.f32.msk $0xffff, v6  }
0x29e: {  	[tilespmem:s13+$0x0] =	vst.add.f32.msk $0xffff, v2  }
0x29f: {  	[tilespmem:s12+$0x0] =	vst.add.f32.msk $0xffff, v3  }
0x2a0: {  	[tilespmem:s10+$0x0] =	vst.add.f32.msk $0xffff, v0  }
0x2a1: {  	[tilespmem:s11+$0x0] =	vst.add.f32.msk $0xffff, v1  }
0x2a2: {  	s1 =	sld [smem:$0x7D1];
	_ =	sdelay $0x1  }
0x2a3: {  	s7 =	simm.s32 $0x0  }
0x2a4: {  	[hbm4b:s1+s7] =	stream.linear.scatter [tilespmem:s17], [sflag:$0x8], $0x4000, $0x38;
	v63 =	vld [tilespmem:$0x0]  }
0x2a5: {  	_ =	swait.ge [sflag:s4], $0x4000  }
0x2a6: {  	s11 =	sld [smem:$0x7D6]  }
0x2a7: {  	[sflag:s4] =	ssyncset.done $0x0  }
0x2a8: {  	s12 =	sld [smem:$0x7D7];
	[sflag:s4] =	ssyncadd.s32 $0xFFFFC000  }
0x2a9: {  	[tilespmem:s23], [sflag:$0x5] =	stream.linear.gather [hbm4b:s11+s7], $0x4000, $0x38;
	v63 =	vld [tilespmem:$0x0]  }
0x2aa: {  	s8 =	simm.s32 $0x18000  }
0x2ab: {  	[tilespmem:s8], [sflag:$0xD] =	stream.linear.gather [hbm4b:s12+s7], $0x4000, $0x38;
	v63 =	vld [tilespmem:$0x0]  }
0x2ac: {  	s8 =	simm.s32 $0x0  }
0x2ad: {  	s9 =	sand.u32 $0x1C00, s7;
	_ =	swait.ge [sflag:s24], $0x4000;
	s13 =	sand.u32 $0x2000, s8  }
0x2ae: {  	s14 =	sand.u32 $0x380, s7;
	[sflag:s24] =	ssyncset.done $0x0;
	s1 =	sor.u32 s13, s9  }
0x2af: {  	[sflag:s24] =	ssyncadd.s32 $0xFFFFC000;
	s1 =	sor.u32 s14, s1  }
0x2b0: {  	v0 =	vld [tilespmem:s1+$0x1C070]  }
0x2b1: {  	v4 =	vld [tilespmem:s1+$0x1C000]  }
0x2b2: {  	v5 =	vld [tilespmem:s1+$0x1C010]  }
0x2b3: {  	v6 =	vld [tilespmem:s1+$0x1C020]  }
0x2b4: {  	v2 =	vld [tilespmem:s1+$0x1C030]  }
0x2b5: {  	v3 =	vld [tilespmem:s1+$0x1C040]  }
0x2b6: {  	s9 =	sor.u32 $0x8070, s1;
	v1 =	vld [tilespmem:s1+$0x1C060]  }
0x2b7: {  	[tilespmem:s9+$0x0] =	vst.add.f32.msk $0xffff, v0  }
0x2b8: {  	s15 =	sor.u32 $0x8000, s1;
	v0 =	vld [tilespmem:s1+$0x1C050]  }
0x2b9: {  	s16 =	sor.u32 $0x8010, s1;
	[tilespmem:s15+$0x0] =	vst.add.f32.msk $0xffff, v4  }
0x2ba: {  	s18 =	sor.u32 $0x8020, s1;
	s13 =	sor.u32 $0x8030, s1;
	s12 =	sor.u32 $0x8040, s1;
	[tilespmem:s16+$0x0] =	vst.add.f32.msk $0xffff, v5  }
0x2bb: {  	s10 =	sor.u32 $0x8050, s1;
	s11 =	sor.u32 $0x8060, s1;
	[tilespmem:s18+$0x0] =	vst.add.f32.msk $0xffff, v6;
	s9 =	simm.s32 $0x0  }
.LBB2_30:
0x2bc: {  	s8 =	sadd.s32 $0x80, s8;
	[tilespmem:s13+$0x0] =	vst.add.f32.msk $0xffff, v2;
	s7 =	sadd.s32 $0x400, s7  }
0x2bd: {  	s9 =	sadd.s32 $0x10, s9;
	s1 =	sand.u32 $0x2000, s8;
	s13 =	sand.u32 $0x1C00, s7;
	[tilespmem:s12+$0x0] =	vst.add.f32.msk $0xffff, v3  }
0x2be: {  	s12 =	sand.u32 $0x380, s9;
	p0 =	slt.u32 s8, $0x3F80;
	s1 =	sor.u32 s1, s13;
	[tilespmem:s10+$0x0] =	vst.add.f32.msk $0xffff, v0  }
0x2bf: {  	s1 =	sor.u32 s12, s1;
	[tilespmem:s11+$0x0] =	vst.add.f32.msk $0xffff, v1  }
0x2c0: {  	s14 =	sor.u32 $0x8000, s1;
	s15 =	sor.u32 $0x8010, s1;
	s16 =	sor.u32 $0x8020, s1;
	v0 =	vld [tilespmem:s1+$0x1C070]  }
0x2c1: {  	s13 =	sor.u32 $0x8030, s1;
	s12 =	sor.u32 $0x8040, s1;
	s10 =	sor.u32 $0x8050, s1;
	v4 =	vld [tilespmem:s1+$0x1C000]  }
0x2c2: {  	s11 =	sor.u32 $0x8060, s1;
	v5 =	vld [tilespmem:s1+$0x1C010]  }
0x2c3: {  	v6 =	vld [tilespmem:s1+$0x1C020]  }
0x2c4: {  	s18 =	sor.u32 $0x8070, s1;
	v2 =	vld [tilespmem:s1+$0x1C030]  }
0x2c5: {  	[tilespmem:s18+$0x0] =	vst.add.f32.msk $0xffff, v0  }
0x2c6: {  	v3 =	vld [tilespmem:s1+$0x1C040]  }
.Ltmp14:
0x2c7: {  	v0 =	vld [tilespmem:s1+$0x1C050];
	(pc) =	sbr.rel @p0 .LBB2_30-.Ltmp14, $4  }
0x2c8: {  	v1 =	vld [tilespmem:s1+$0x1C060]  }
0x2c9: {  	[tilespmem:s14+$0x0] =	vst.add.f32.msk $0xffff, v4  }
0x2ca: {  	[tilespmem:s15+$0x0] =	vst.add.f32.msk $0xffff, v5  }
0x2cb: {  	[tilespmem:s16+$0x0] =	vst.add.f32.msk $0xffff, v6  }
0x2cc: {  	[tilespmem:s13+$0x0] =	vst.add.f32.msk $0xffff, v2  }
0x2cd: {  	[tilespmem:s12+$0x0] =	vst.add.f32.msk $0xffff, v3  }
0x2ce: {  	[tilespmem:s10+$0x0] =	vst.add.f32.msk $0xffff, v0  }
0x2cf: {  	[tilespmem:s11+$0x0] =	vst.add.f32.msk $0xffff, v1  }
0x2d0: {  	s1 =	sld [smem:$0x7D3];
	_ =	sdelay $0x1  }
0x2d1: {  	s7 =	simm.s32 $0x0;
	s8 =	simm.s32 $0x8000  }
0x2d2: {  	[hbm4b:s1+s7] =	stream.linear.scatter [tilespmem:s8], [sflag:$0x9], $0x4000, $0x38;
	v63 =	vld [tilespmem:$0x0]  }
0x2d3: {  	_ =	swait.ge [sflag:s5], $0x4000  }
0x2d4: {  	s12 =	sld [smem:$0x7D9]  }
0x2d5: {  	[sflag:s5] =	ssyncset.done $0x0  }
0x2d6: {  	s8 =	simm.s32 $0x0;
	[sflag:s5] =	ssyncadd.s32 $0xFFFFC000  }
0x2d7: {  	[tilespmem:s25], [sflag:$0x6] =	stream.linear.gather [hbm4b:s12+s7], $0x4000, $0x38;
	v63 =	vld [tilespmem:$0x0]  }
0x2d8: {  	s9 =	sand.u32 $0x1C00, s7;
	s13 =	sand.u32 $0x2000, s8;
	_ =	swait.ge [sflag:s26], $0x4000  }
0x2d9: {  	s14 =	sand.u32 $0x380, s7;
	s1 =	sor.u32 s13, s9;
	[sflag:s26] =	ssyncset.done $0x0  }
0x2da: {  	s1 =	sor.u32 s14, s1;
	[sflag:s26] =	ssyncadd.s32 $0xFFFFC000  }
0x2db: {  	v0 =	vld [tilespmem:s1+$0x1C070]  }
0x2dc: {  	v4 =	vld [tilespmem:s1+$0x1C000]  }
0x2dd: {  	v5 =	vld [tilespmem:s1+$0x1C010]  }
0x2de: {  	v6 =	vld [tilespmem:s1+$0x1C020]  }
0x2df: {  	v2 =	vld [tilespmem:s1+$0x1C030]  }
0x2e0: {  	v3 =	vld [tilespmem:s1+$0x1C040]  }
0x2e1: {  	s9 =	sor.u32 $0xC070, s1;
	v1 =	vld [tilespmem:s1+$0x1C060]  }
0x2e2: {  	[tilespmem:s9+$0x0] =	vst.add.f32.msk $0xffff, v0  }
0x2e3: {  	s15 =	sor.u32 $0xC000, s1;
	v0 =	vld [tilespmem:s1+$0x1C050]  }
0x2e4: {  	s16 =	sor.u32 $0xC010, s1;
	[tilespmem:s15+$0x0] =	vst.add.f32.msk $0xffff, v4  }
0x2e5: {  	s18 =	sor.u32 $0xC020, s1;
	s13 =	sor.u32 $0xC030, s1;
	s10 =	sor.u32 $0xC050, s1;
	[tilespmem:s16+$0x0] =	vst.add.f32.msk $0xffff, v5  }
0x2e6: {  	s11 =	sor.u32 $0xC060, s1;
	s12 =	sor.u32 $0xC040, s1;
	[tilespmem:s18+$0x0] =	vst.add.f32.msk $0xffff, v6;
	s9 =	simm.s32 $0x0  }
.LBB2_32:
0x2e7: {  	s8 =	sadd.s32 $0x80, s8;
	[tilespmem:s13+$0x0] =	vst.add.f32.msk $0xffff, v2;
	s7 =	sadd.s32 $0x400, s7  }
0x2e8: {  	s9 =	sadd.s32 $0x10, s9;
	s1 =	sand.u32 $0x2000, s8;
	s13 =	sand.u32 $0x1C00, s7;
	[tilespmem:s12+$0x0] =	vst.add.f32.msk $0xffff, v3  }
0x2e9: {  	s12 =	sand.u32 $0x380, s9;
	p0 =	slt.u32 s8, $0x3F80;
	s1 =	sor.u32 s1, s13;
	[tilespmem:s10+$0x0] =	vst.add.f32.msk $0xffff, v0  }
0x2ea: {  	s1 =	sor.u32 s12, s1;
	[tilespmem:s11+$0x0] =	vst.add.f32.msk $0xffff, v1  }
0x2eb: {  	s14 =	sor.u32 $0xC000, s1;
	s15 =	sor.u32 $0xC010, s1;
	s16 =	sor.u32 $0xC020, s1;
	v0 =	vld [tilespmem:s1+$0x1C070]  }
0x2ec: {  	s13 =	sor.u32 $0xC030, s1;
	s12 =	sor.u32 $0xC040, s1;
	s10 =	sor.u32 $0xC050, s1;
	v4 =	vld [tilespmem:s1+$0x1C000]  }
0x2ed: {  	s11 =	sor.u32 $0xC060, s1;
	v5 =	vld [tilespmem:s1+$0x1C010]  }
0x2ee: {  	v6 =	vld [tilespmem:s1+$0x1C020]  }
0x2ef: {  	s18 =	sor.u32 $0xC070, s1;
	v2 =	vld [tilespmem:s1+$0x1C030]  }
0x2f0: {  	[tilespmem:s18+$0x0] =	vst.add.f32.msk $0xffff, v0  }
0x2f1: {  	v3 =	vld [tilespmem:s1+$0x1C040]  }
.Ltmp15:
0x2f2: {  	v0 =	vld [tilespmem:s1+$0x1C050];
	(pc) =	sbr.rel @p0 .LBB2_32-.Ltmp15, $4  }
0x2f3: {  	v1 =	vld [tilespmem:s1+$0x1C060]  }
0x2f4: {  	[tilespmem:s14+$0x0] =	vst.add.f32.msk $0xffff, v4  }
0x2f5: {  	[tilespmem:s15+$0x0] =	vst.add.f32.msk $0xffff, v5  }
0x2f6: {  	[tilespmem:s16+$0x0] =	vst.add.f32.msk $0xffff, v6  }
0x2f7: {  	[tilespmem:s13+$0x0] =	vst.add.f32.msk $0xffff, v2  }
0x2f8: {  	[tilespmem:s12+$0x0] =	vst.add.f32.msk $0xffff, v3  }
0x2f9: {  	[tilespmem:s10+$0x0] =	vst.add.f32.msk $0xffff, v0  }
0x2fa: {  	[tilespmem:s11+$0x0] =	vst.add.f32.msk $0xffff, v1  }
0x2fb: {  	s1 =	sld [smem:$0x7D5];
	_ =	sdelay $0x1  }
0x2fc: {  	s7 =	simm.s32 $0x0  }
0x2fd: {  	[hbm4b:s1+s7] =	stream.linear.scatter [tilespmem:s21], [sflag:$0xA], $0x4000, $0x38;
	v63 =	vld [tilespmem:$0x0]  }
0x2fe: {  	_ =	swait.ge [sflag:s28], $0x4000  }
0x2ff: {  	s12 =	sld [smem:$0x7DB]  }
0x300: {  	[sflag:s28] =	ssyncset.done $0x0  }
0x301: {  	[sflag:s28] =	ssyncadd.s32 $0xFFFFC000  }
0x302: {  	[tilespmem:s7], [sflag:$0x1] =	stream.linear.gather [hbm4b:s12+s7], $0x4000, $0x38;
	v63 =	vld [tilespmem:$0x0]  }
0x303: {  	_ =	swait.ge [sflag:s29], $0x4000  }
0x304: {  	[sflag:s29] =	ssyncset.done $0x0  }
0x305: {  	s8 =	simm.s32 $0x0;
	[sflag:s29] =	ssyncadd.s32 $0xFFFFC000  }
0x306: {  	s13 =	sand.u32 $0x2000, s8;
	s9 =	sand.u32 $0x1C00, s7;
	_ =	swait.ge [sflag:s20], $0x4000  }
0x307: {  	s14 =	sand.u32 $0x380, s7;
	s1 =	sor.u32 s13, s9;
	[sflag:s20] =	ssyncset.done $0x0  }
0x308: {  	s1 =	sor.u32 s14, s1;
	[sflag:s20] =	ssyncadd.s32 $0xFFFFC000  }
0x309: {  	v0 =	vld [tilespmem:s1+$0x18070]  }
0x30a: {  	v4 =	vld [tilespmem:s1+$0x18000]  }
0x30b: {  	v5 =	vld [tilespmem:s1+$0x18010]  }
0x30c: {  	v6 =	vld [tilespmem:s1+$0x18020]  }
0x30d: {  	v2 =	vld [tilespmem:s1+$0x18030]  }
0x30e: {  	v3 =	vld [tilespmem:s1+$0x18040]  }
0x30f: {  	s9 =	sor.u32 $0x10070, s1;
	v1 =	vld [tilespmem:s1+$0x18060]  }
0x310: {  	[tilespmem:s9+$0x0] =	vst.add.f32.msk $0xffff, v0  }
0x311: {  	s15 =	sor.u32 $0x10000, s1;
	v0 =	vld [tilespmem:s1+$0x18050]  }
0x312: {  	s16 =	sor.u32 $0x10010, s1;
	[tilespmem:s15+$0x0] =	vst.add.f32.msk $0xffff, v4  }
0x313: {  	s18 =	sor.u32 $0x10020, s1;
	s13 =	sor.u32 $0x10030, s1;
	s10 =	sor.u32 $0x10050, s1;
	[tilespmem:s16+$0x0] =	vst.add.f32.msk $0xffff, v5  }
0x314: {  	s11 =	sor.u32 $0x10060, s1;
	s12 =	sor.u32 $0x10040, s1;
	[tilespmem:s18+$0x0] =	vst.add.f32.msk $0xffff, v6;
	s9 =	simm.s32 $0x0  }
.LBB2_34:
0x315: {  	s8 =	sadd.s32 $0x80, s8;
	[tilespmem:s13+$0x0] =	vst.add.f32.msk $0xffff, v2;
	s7 =	sadd.s32 $0x400, s7  }
0x316: {  	s9 =	sadd.s32 $0x10, s9;
	s1 =	sand.u32 $0x2000, s8;
	s13 =	sand.u32 $0x1C00, s7;
	[tilespmem:s12+$0x0] =	vst.add.f32.msk $0xffff, v3  }
0x317: {  	s12 =	sand.u32 $0x380, s9;
	p0 =	slt.u32 s8, $0x3F80;
	s1 =	sor.u32 s1, s13;
	[tilespmem:s10+$0x0] =	vst.add.f32.msk $0xffff, v0  }
0x318: {  	s1 =	sor.u32 s12, s1;
	[tilespmem:s11+$0x0] =	vst.add.f32.msk $0xffff, v1  }
0x319: {  	s14 =	sor.u32 $0x10000, s1;
	s15 =	sor.u32 $0x10010, s1;
	s16 =	sor.u32 $0x10020, s1;
	v0 =	vld [tilespmem:s1+$0x18070]  }
0x31a: {  	s13 =	sor.u32 $0x10030, s1;
	s12 =	sor.u32 $0x10040, s1;
	s10 =	sor.u32 $0x10050, s1;
	v4 =	vld [tilespmem:s1+$0x18000]  }
0x31b: {  	s11 =	sor.u32 $0x10060, s1;
	v5 =	vld [tilespmem:s1+$0x18010]  }
0x31c: {  	v6 =	vld [tilespmem:s1+$0x18020]  }
0x31d: {  	s18 =	sor.u32 $0x10070, s1;
	v2 =	vld [tilespmem:s1+$0x18030]  }
0x31e: {  	[tilespmem:s18+$0x0] =	vst.add.f32.msk $0xffff, v0  }
0x31f: {  	v3 =	vld [tilespmem:s1+$0x18040]  }
.Ltmp16:
0x320: {  	v0 =	vld [tilespmem:s1+$0x18050];
	(pc) =	sbr.rel @p0 .LBB2_34-.Ltmp16, $4  }
0x321: {  	v1 =	vld [tilespmem:s1+$0x18060]  }
0x322: {  	[tilespmem:s14+$0x0] =	vst.add.f32.msk $0xffff, v4  }
0x323: {  	[tilespmem:s15+$0x0] =	vst.add.f32.msk $0xffff, v5  }
0x324: {  	[tilespmem:s16+$0x0] =	vst.add.f32.msk $0xffff, v6  }
0x325: {  	[tilespmem:s13+$0x0] =	vst.add.f32.msk $0xffff, v2  }
0x326: {  	[tilespmem:s12+$0x0] =	vst.add.f32.msk $0xffff, v3  }
0x327: {  	[tilespmem:s10+$0x0] =	vst.add.f32.msk $0xffff, v0  }
0x328: {  	[tilespmem:s11+$0x0] =	vst.add.f32.msk $0xffff, v1  }
0x329: {  	s1 =	sld [smem:$0x7D8];
	_ =	sdelay $0x1  }
0x32a: {  	s7 =	simm.s32 $0x0  }
0x32b: {  	[hbm4b:s1+s7] =	stream.linear.scatter [tilespmem:s23], [sflag:$0xB], $0x4000, $0x38;
	v63 =	vld [tilespmem:$0x0]  }
0x32c: {  	_ =	swait.ge [sflag:s31], $0x4000  }
0x32d: {  	s12 =	sld [smem:$0x7DD]  }
0x32e: {  	[sflag:s31] =	ssyncset.done $0x0  }
0x32f: {  	s8 =	simm.s32 $0x0;
	[sflag:s31] =	ssyncadd.s32 $0xFFFFC000  }
0x330: {  	[tilespmem:s17], [sflag:$0x2] =	stream.linear.gather [hbm4b:s12+s7], $0x4000, $0x38;
	v63 =	vld [tilespmem:$0x0]  }
0x331: {  	s13 =	sand.u32 $0x2000, s8;
	s9 =	sand.u32 $0x1C00, s7;
	_ =	swait.ge [sflag:s0], $0x4000  }
0x332: {  	s14 =	sand.u32 $0x380, s7;
	s1 =	sor.u32 s13, s9;
	[sflag:s0] =	ssyncset.done $0x0  }
0x333: {  	s1 =	sor.u32 s14, s1;
	[sflag:s0] =	ssyncadd.s32 $0xFFFFC000  }
0x334: {  	v0 =	vld [tilespmem:s1+$0x18070]  }
0x335: {  	v4 =	vld [tilespmem:s1+$0x18000]  }
0x336: {  	v5 =	vld [tilespmem:s1+$0x18010]  }
0x337: {  	v6 =	vld [tilespmem:s1+$0x18020]  }
0x338: {  	v2 =	vld [tilespmem:s1+$0x18030]  }
0x339: {  	v3 =	vld [tilespmem:s1+$0x18040]  }
0x33a: {  	s9 =	sor.u32 $0x14070, s1;
	v1 =	vld [tilespmem:s1+$0x18060]  }
0x33b: {  	[tilespmem:s9+$0x0] =	vst.add.f32.msk $0xffff, v0  }
0x33c: {  	s15 =	sor.u32 $0x14000, s1;
	v0 =	vld [tilespmem:s1+$0x18050]  }
0x33d: {  	s16 =	sor.u32 $0x14010, s1;
	[tilespmem:s15+$0x0] =	vst.add.f32.msk $0xffff, v4  }
0x33e: {  	s18 =	sor.u32 $0x14020, s1;
	s13 =	sor.u32 $0x14030, s1;
	s10 =	sor.u32 $0x14050, s1;
	[tilespmem:s16+$0x0] =	vst.add.f32.msk $0xffff, v5  }
0x33f: {  	s11 =	sor.u32 $0x14060, s1;
	s12 =	sor.u32 $0x14040, s1;
	[tilespmem:s18+$0x0] =	vst.add.f32.msk $0xffff, v6;
	s9 =	simm.s32 $0x0  }
.LBB2_36:
0x340: {  	s8 =	sadd.s32 $0x80, s8;
	[tilespmem:s13+$0x0] =	vst.add.f32.msk $0xffff, v2;
	s7 =	sadd.s32 $0x400, s7  }
0x341: {  	s9 =	sadd.s32 $0x10, s9;
	s1 =	sand.u32 $0x2000, s8;
	s13 =	sand.u32 $0x1C00, s7;
	[tilespmem:s12+$0x0] =	vst.add.f32.msk $0xffff, v3  }
0x342: {  	s12 =	sand.u32 $0x380, s9;
	p0 =	slt.u32 s8, $0x3F80;
	s1 =	sor.u32 s1, s13;
	[tilespmem:s10+$0x0] =	vst.add.f32.msk $0xffff, v0  }
0x343: {  	s1 =	sor.u32 s12, s1;
	[tilespmem:s11+$0x0] =	vst.add.f32.msk $0xffff, v1  }
0x344: {  	s14 =	sor.u32 $0x14000, s1;
	s15 =	sor.u32 $0x14010, s1;
	s16 =	sor.u32 $0x14020, s1;
	v0 =	vld [tilespmem:s1+$0x18070]  }
0x345: {  	s13 =	sor.u32 $0x14030, s1;
	s12 =	sor.u32 $0x14040, s1;
	s10 =	sor.u32 $0x14050, s1;
	v4 =	vld [tilespmem:s1+$0x18000]  }
0x346: {  	s11 =	sor.u32 $0x14060, s1;
	v5 =	vld [tilespmem:s1+$0x18010]  }
0x347: {  	v6 =	vld [tilespmem:s1+$0x18020]  }
0x348: {  	s18 =	sor.u32 $0x14070, s1;
	v2 =	vld [tilespmem:s1+$0x18030]  }
0x349: {  	[tilespmem:s18+$0x0] =	vst.add.f32.msk $0xffff, v0  }
0x34a: {  	v3 =	vld [tilespmem:s1+$0x18040]  }
.Ltmp17:
0x34b: {  	v0 =	vld [tilespmem:s1+$0x18050];
	(pc) =	sbr.rel @p0 .LBB2_36-.Ltmp17, $4  }
0x34c: {  	v1 =	vld [tilespmem:s1+$0x18060]  }
0x34d: {  	[tilespmem:s14+$0x0] =	vst.add.f32.msk $0xffff, v4  }
0x34e: {  	[tilespmem:s15+$0x0] =	vst.add.f32.msk $0xffff, v5  }
0x34f: {  	[tilespmem:s16+$0x0] =	vst.add.f32.msk $0xffff, v6  }
0x350: {  	[tilespmem:s13+$0x0] =	vst.add.f32.msk $0xffff, v2  }
0x351: {  	[tilespmem:s12+$0x0] =	vst.add.f32.msk $0xffff, v3  }
0x352: {  	[tilespmem:s10+$0x0] =	vst.add.f32.msk $0xffff, v0  }
0x353: {  	[tilespmem:s11+$0x0] =	vst.add.f32.msk $0xffff, v1  }
0x354: {  	s1 =	sld [smem:$0x7DA];
	_ =	sdelay $0x1  }
0x355: {  	s7 =	simm.s32 $0x0  }
0x356: {  	[hbm4b:s1+s7] =	stream.linear.scatter [tilespmem:s25], [sflag:$0xC], $0x4000, $0x38;
	v63 =	vld [tilespmem:$0x0]  }
0x357: {  	_ =	swait.ge [sflag:s2], $0x4000  }
0x358: {  	s12 =	sld [smem:$0x7DF]  }
0x359: {  	[sflag:s2] =	ssyncset.done $0x0  }
0x35a: {  	s8 =	simm.s32 $0x8000;
	s13 =	sld [smem:$0x7E0];
	[sflag:s2] =	ssyncadd.s32 $0xFFFFC000  }
0x35b: {  	[tilespmem:s8], [sflag:$0x3] =	stream.linear.gather [hbm4b:s12+s7], $0x4000, $0x38;
	v63 =	vld [tilespmem:$0x0]  }
0x35c: {  	s14 =	simm.s32 $0x1C000;
	s8 =	simm.s32 $0x0  }
0x35d: {  	[tilespmem:s14], [sflag:$0xE] =	stream.linear.gather [hbm4b:s13+s7], $0x4000, $0x38;
	v63 =	vld [tilespmem:$0x0]  }
0x35e: {  	s9 =	sand.u32 $0x1C00, s7;
	s15 =	sand.u32 $0x2000, s8;
	_ =	swait.ge [sflag:s19], $0x4000  }
0x35f: {  	s16 =	sand.u32 $0x380, s7;
	s1 =	sor.u32 s15, s9;
	[sflag:s19] =	ssyncset.done $0x0  }
0x360: {  	s1 =	sor.u32 s16, s1;
	[sflag:s19] =	ssyncadd.s32 $0xFFFFC000  }
0x361: {  	v0 =	vld [tilespmem:s1+$0x18070]  }
0x362: {  	v4 =	vld [tilespmem:s1+$0x18000]  }
0x363: {  	v5 =	vld [tilespmem:s1+$0x18010]  }
0x364: {  	v6 =	vld [tilespmem:s1+$0x18020]  }
0x365: {  	v2 =	vld [tilespmem:s1+$0x18030]  }
0x366: {  	v3 =	vld [tilespmem:s1+$0x18040]  }
0x367: {  	s9 =	sor.u32 $0x70, s1;
	v1 =	vld [tilespmem:s1+$0x18050]  }
0x368: {  	[tilespmem:s9+$0x0] =	vst.add.f32.msk $0xffff, v0  }
0x369: {  	v0 =	vld [tilespmem:s1+$0x18060]  }
0x36a: {  	s18 =	sor.u32 $0x10, s1;
	[tilespmem:s1+$0x0] =	vst.add.f32.msk $0xffff, v4  }
0x36b: {  	s14 =	sor.u32 $0x20, s1;
	s13 =	sor.u32 $0x30, s1;
	s12 =	sor.u32 $0x40, s1;
	[tilespmem:s18+$0x0] =	vst.add.f32.msk $0xffff, v5  }
0x36c: {  	s11 =	sor.u32 $0x50, s1;
	s10 =	sor.u32 $0x60, s1;
	[tilespmem:s14+$0x0] =	vst.add.f32.msk $0xffff, v6;
	s9 =	simm.s32 $0x0  }
.LBB2_38:
0x36d: {  	s8 =	sadd.s32 $0x80, s8;
	[tilespmem:s13+$0x0] =	vst.add.f32.msk $0xffff, v2;
	s7 =	sadd.s32 $0x400, s7  }
0x36e: {  	s9 =	sadd.s32 $0x10, s9;
	s1 =	sand.u32 $0x2000, s8;
	s13 =	sand.u32 $0x1C00, s7;
	[tilespmem:s12+$0x0] =	vst.add.f32.msk $0xffff, v3  }
0x36f: {  	s12 =	sand.u32 $0x380, s9;
	p0 =	slt.u32 s8, $0x3F80;
	s1 =	sor.u32 s1, s13;
	[tilespmem:s11+$0x0] =	vst.add.f32.msk $0xffff, v1  }
0x370: {  	s1 =	sor.u32 s12, s1;
	[tilespmem:s10+$0x0] =	vst.add.f32.msk $0xffff, v0  }
0x371: {  	s14 =	sor.u32 $0x10, s1;
	s15 =	sor.u32 $0x20, s1;
	s13 =	sor.u32 $0x30, s1;
	v0 =	vld [tilespmem:s1+$0x18070]  }
0x372: {  	s12 =	sor.u32 $0x40, s1;
	s11 =	sor.u32 $0x50, s1;
	s10 =	sor.u32 $0x60, s1;
	v4 =	vld [tilespmem:s1+$0x18000]  }
0x373: {  	v5 =	vld [tilespmem:s1+$0x18010]  }
0x374: {  	v6 =	vld [tilespmem:s1+$0x18020]  }
0x375: {  	s16 =	sor.u32 $0x70, s1;
	v2 =	vld [tilespmem:s1+$0x18030]  }
0x376: {  	[tilespmem:s16+$0x0] =	vst.add.f32.msk $0xffff, v0  }
0x377: {  	v3 =	vld [tilespmem:s1+$0x18040]  }
.Ltmp18:
0x378: {  	v1 =	vld [tilespmem:s1+$0x18050];
	(pc) =	sbr.rel @p0 .LBB2_38-.Ltmp18, $4  }
0x379: {  	v0 =	vld [tilespmem:s1+$0x18060]  }
0x37a: {  	[tilespmem:s1+$0x0] =	vst.add.f32.msk $0xffff, v4  }
0x37b: {  	[tilespmem:s14+$0x0] =	vst.add.f32.msk $0xffff, v5  }
0x37c: {  	[tilespmem:s15+$0x0] =	vst.add.f32.msk $0xffff, v6  }
0x37d: {  	[tilespmem:s13+$0x0] =	vst.add.f32.msk $0xffff, v2  }
0x37e: {  	[tilespmem:s12+$0x0] =	vst.add.f32.msk $0xffff, v3  }
0x37f: {  	[tilespmem:s11+$0x0] =	vst.add.f32.msk $0xffff, v1  }
0x380: {  	[tilespmem:s10+$0x0] =	vst.add.f32.msk $0xffff, v0  }
0x381: {  	s1 =	sld [smem:$0x7DC];
	_ =	sdelay $0x1  }
0x382: {  	s7 =	simm.s32 $0x0  }
0x383: {  	[hbm4b:s1+s7] =	stream.linear.scatter [tilespmem:s7], [sflag:$0x7], $0x4000, $0x38;
	v63 =	vld [tilespmem:$0x0]  }
0x384: {  	_ =	swait.ge [sflag:s3], $0x4000  }
0x385: {  	s12 =	sld [smem:$0x7E2]  }
0x386: {  	[sflag:s3] =	ssyncset.done $0x0  }
0x387: {  	s8 =	simm.s32 $0x0;
	[sflag:s3] =	ssyncadd.s32 $0xFFFFC000  }
0x388: {  	[tilespmem:s21], [sflag:$0x4] =	stream.linear.gather [hbm4b:s12+s7], $0x4000, $0x38;
	v63 =	vld [tilespmem:$0x0]  }
0x389: {  	s13 =	sand.u32 $0x2000, s8;
	s9 =	sand.u32 $0x1C00, s7;
	_ =	swait.ge [sflag:s22], $0x4000  }
0x38a: {  	s14 =	sand.u32 $0x380, s7;
	s1 =	sor.u32 s13, s9;
	[sflag:s22] =	ssyncset.done $0x0  }
0x38b: {  	s1 =	sor.u32 s14, s1;
	[sflag:s22] =	ssyncadd.s32 $0xFFFFC000  }
0x38c: {  	v0 =	vld [tilespmem:s1+$0x18070]  }
0x38d: {  	v4 =	vld [tilespmem:s1+$0x18000]  }
0x38e: {  	v5 =	vld [tilespmem:s1+$0x18010]  }
0x38f: {  	v6 =	vld [tilespmem:s1+$0x18020]  }
0x390: {  	v2 =	vld [tilespmem:s1+$0x18030]  }
0x391: {  	v3 =	vld [tilespmem:s1+$0x18040]  }
0x392: {  	s9 =	sor.u32 $0x4070, s1;
	v1 =	vld [tilespmem:s1+$0x18060]  }
0x393: {  	[tilespmem:s9+$0x0] =	vst.add.f32.msk $0xffff, v0  }
0x394: {  	s15 =	sor.u32 $0x4000, s1;
	v0 =	vld [tilespmem:s1+$0x18050]  }
0x395: {  	s16 =	sor.u32 $0x4010, s1;
	[tilespmem:s15+$0x0] =	vst.add.f32.msk $0xffff, v4  }
0x396: {  	s18 =	sor.u32 $0x4020, s1;
	s13 =	sor.u32 $0x4030, s1;
	s10 =	sor.u32 $0x4050, s1;
	[tilespmem:s16+$0x0] =	vst.add.f32.msk $0xffff, v5  }
0x397: {  	s11 =	sor.u32 $0x4060, s1;
	s12 =	sor.u32 $0x4040, s1;
	[tilespmem:s18+$0x0] =	vst.add.f32.msk $0xffff, v6;
	s9 =	simm.s32 $0x0  }
.LBB2_40:
0x398: {  	s8 =	sadd.s32 $0x80, s8;
	[tilespmem:s13+$0x0] =	vst.add.f32.msk $0xffff, v2;
	s7 =	sadd.s32 $0x400, s7  }
0x399: {  	s9 =	sadd.s32 $0x10, s9;
	s1 =	sand.u32 $0x2000, s8;
	s13 =	sand.u32 $0x1C00, s7;
	[tilespmem:s12+$0x0] =	vst.add.f32.msk $0xffff, v3  }
0x39a: {  	s12 =	sand.u32 $0x380, s9;
	p0 =	slt.u32 s8, $0x3F80;
	s1 =	sor.u32 s1, s13;
	[tilespmem:s10+$0x0] =	vst.add.f32.msk $0xffff, v0  }
0x39b: {  	s1 =	sor.u32 s12, s1;
	[tilespmem:s11+$0x0] =	vst.add.f32.msk $0xffff, v1  }
0x39c: {  	s14 =	sor.u32 $0x4000, s1;
	s15 =	sor.u32 $0x4010, s1;
	s16 =	sor.u32 $0x4020, s1;
	v0 =	vld [tilespmem:s1+$0x18070]  }
0x39d: {  	s13 =	sor.u32 $0x4030, s1;
	s12 =	sor.u32 $0x4040, s1;
	s10 =	sor.u32 $0x4050, s1;
	v4 =	vld [tilespmem:s1+$0x18000]  }
0x39e: {  	s11 =	sor.u32 $0x4060, s1;
	v5 =	vld [tilespmem:s1+$0x18010]  }
0x39f: {  	v6 =	vld [tilespmem:s1+$0x18020]  }
0x3a0: {  	s18 =	sor.u32 $0x4070, s1;
	v2 =	vld [tilespmem:s1+$0x18030]  }
0x3a1: {  	[tilespmem:s18+$0x0] =	vst.add.f32.msk $0xffff, v0  }
0x3a2: {  	v3 =	vld [tilespmem:s1+$0x18040]  }
.Ltmp19:
0x3a3: {  	v0 =	vld [tilespmem:s1+$0x18050];
	(pc) =	sbr.rel @p0 .LBB2_40-.Ltmp19, $4  }
0x3a4: {  	v1 =	vld [tilespmem:s1+$0x18060]  }
0x3a5: {  	[tilespmem:s14+$0x0] =	vst.add.f32.msk $0xffff, v4  }
0x3a6: {  	[tilespmem:s15+$0x0] =	vst.add.f32.msk $0xffff, v5  }
0x3a7: {  	[tilespmem:s16+$0x0] =	vst.add.f32.msk $0xffff, v6  }
0x3a8: {  	[tilespmem:s13+$0x0] =	vst.add.f32.msk $0xffff, v2  }
0x3a9: {  	[tilespmem:s12+$0x0] =	vst.add.f32.msk $0xffff, v3  }
0x3aa: {  	[tilespmem:s10+$0x0] =	vst.add.f32.msk $0xffff, v0  }
0x3ab: {  	[tilespmem:s11+$0x0] =	vst.add.f32.msk $0xffff, v1  }
0x3ac: {  	s1 =	sld [smem:$0x7DE];
	_ =	sdelay $0x1  }
0x3ad: {  	s7 =	simm.s32 $0x0  }
0x3ae: {  	[hbm4b:s1+s7] =	stream.linear.scatter [tilespmem:s17], [sflag:$0x8], $0x4000, $0x38;
	v63 =	vld [tilespmem:$0x0]  }
0x3af: {  	_ =	swait.ge [sflag:s4], $0x4000  }
0x3b0: {  	s12 =	sld [smem:$0x7E4]  }
0x3b1: {  	[sflag:s4] =	ssyncset.done $0x0  }
0x3b2: {  	[sflag:s4] =	ssyncadd.s32 $0xFFFFC000  }
0x3b3: {  	[tilespmem:s23], [sflag:$0x5] =	stream.linear.gather [hbm4b:s12+s7], $0x4000, $0x38;
	v63 =	vld [tilespmem:$0x0]  }
0x3b4: {  	_ =	swait.ge [sflag:s24], $0x4000  }
0x3b5: {  	[sflag:s24] =	ssyncset.done $0x0  }
0x3b6: {  	s8 =	simm.s32 $0x0;
	[sflag:s24] =	ssyncadd.s32 $0xFFFFC000  }
0x3b7: {  	s13 =	sand.u32 $0x2000, s8;
	s9 =	sand.u32 $0x1C00, s7;
	_ =	swait.ge [sflag:s30], $0x4000  }
0x3b8: {  	s14 =	sand.u32 $0x380, s7;
	s1 =	sor.u32 s13, s9;
	[sflag:s30] =	ssyncset.done $0x0  }
0x3b9: {  	s1 =	sor.u32 s14, s1;
	[sflag:s30] =	ssyncadd.s32 $0xFFFFC000  }
0x3ba: {  	v0 =	vld [tilespmem:s1+$0x1C070]  }
0x3bb: {  	v4 =	vld [tilespmem:s1+$0x1C000]  }
0x3bc: {  	v5 =	vld [tilespmem:s1+$0x1C010]  }
0x3bd: {  	v6 =	vld [tilespmem:s1+$0x1C020]  }
0x3be: {  	v2 =	vld [tilespmem:s1+$0x1C030]  }
0x3bf: {  	v3 =	vld [tilespmem:s1+$0x1C040]  }
0x3c0: {  	s9 =	sor.u32 $0x8070, s1;
	v1 =	vld [tilespmem:s1+$0x1C060]  }
0x3c1: {  	[tilespmem:s9+$0x0] =	vst.add.f32.msk $0xffff, v0  }
0x3c2: {  	s15 =	sor.u32 $0x8000, s1;
	v0 =	vld [tilespmem:s1+$0x1C050]  }
0x3c3: {  	s16 =	sor.u32 $0x8010, s1;
	[tilespmem:s15+$0x0] =	vst.add.f32.msk $0xffff, v4  }
0x3c4: {  	s18 =	sor.u32 $0x8020, s1;
	s13 =	sor.u32 $0x8030, s1;
	s10 =	sor.u32 $0x8050, s1;
	[tilespmem:s16+$0x0] =	vst.add.f32.msk $0xffff, v5  }
0x3c5: {  	s11 =	sor.u32 $0x8060, s1;
	s12 =	sor.u32 $0x8040, s1;
	[tilespmem:s18+$0x0] =	vst.add.f32.msk $0xffff, v6;
	s9 =	simm.s32 $0x0  }
.LBB2_42:
0x3c6: {  	s8 =	sadd.s32 $0x80, s8;
	[tilespmem:s13+$0x0] =	vst.add.f32.msk $0xffff, v2;
	s7 =	sadd.s32 $0x400, s7  }
0x3c7: {  	s9 =	sadd.s32 $0x10, s9;
	s1 =	sand.u32 $0x2000, s8;
	s13 =	sand.u32 $0x1C00, s7;
	[tilespmem:s12+$0x0] =	vst.add.f32.msk $0xffff, v3  }
0x3c8: {  	s12 =	sand.u32 $0x380, s9;
	p0 =	slt.u32 s8, $0x3F80;
	s1 =	sor.u32 s1, s13;
	[tilespmem:s10+$0x0] =	vst.add.f32.msk $0xffff, v0  }
0x3c9: {  	s1 =	sor.u32 s12, s1;
	[tilespmem:s11+$0x0] =	vst.add.f32.msk $0xffff, v1  }
0x3ca: {  	s14 =	sor.u32 $0x8000, s1;
	s15 =	sor.u32 $0x8010, s1;
	s16 =	sor.u32 $0x8020, s1;
	v0 =	vld [tilespmem:s1+$0x1C070]  }
0x3cb: {  	s13 =	sor.u32 $0x8030, s1;
	s12 =	sor.u32 $0x8040, s1;
	s10 =	sor.u32 $0x8050, s1;
	v4 =	vld [tilespmem:s1+$0x1C000]  }
0x3cc: {  	s11 =	sor.u32 $0x8060, s1;
	v5 =	vld [tilespmem:s1+$0x1C010]  }
0x3cd: {  	v6 =	vld [tilespmem:s1+$0x1C020]  }
0x3ce: {  	s18 =	sor.u32 $0x8070, s1;
	v2 =	vld [tilespmem:s1+$0x1C030]  }
0x3cf: {  	[tilespmem:s18+$0x0] =	vst.add.f32.msk $0xffff, v0  }
0x3d0: {  	v3 =	vld [tilespmem:s1+$0x1C040]  }
.Ltmp20:
0x3d1: {  	v0 =	vld [tilespmem:s1+$0x1C050];
	(pc) =	sbr.rel @p0 .LBB2_42-.Ltmp20, $4  }
0x3d2: {  	v1 =	vld [tilespmem:s1+$0x1C060]  }
0x3d3: {  	[tilespmem:s14+$0x0] =	vst.add.f32.msk $0xffff, v4  }
0x3d4: {  	[tilespmem:s15+$0x0] =	vst.add.f32.msk $0xffff, v5  }
0x3d5: {  	[tilespmem:s16+$0x0] =	vst.add.f32.msk $0xffff, v6  }
0x3d6: {  	[tilespmem:s13+$0x0] =	vst.add.f32.msk $0xffff, v2  }
0x3d7: {  	[tilespmem:s12+$0x0] =	vst.add.f32.msk $0xffff, v3  }
0x3d8: {  	[tilespmem:s10+$0x0] =	vst.add.f32.msk $0xffff, v0  }
0x3d9: {  	[tilespmem:s11+$0x0] =	vst.add.f32.msk $0xffff, v1  }
0x3da: {  	s1 =	sld [smem:$0x7E1];
	_ =	sdelay $0x1  }
0x3db: {  	s7 =	simm.s32 $0x0;
	s8 =	simm.s32 $0x8000  }
0x3dc: {  	[hbm4b:s1+s7] =	stream.linear.scatter [tilespmem:s8], [sflag:$0x9], $0x4000, $0x38;
	v63 =	vld [tilespmem:$0x0]  }
0x3dd: {  	_ =	swait.ge [sflag:s5], $0x4000  }
0x3de: {  	s12 =	sld [smem:$0x7E6]  }
0x3df: {  	[sflag:s5] =	ssyncset.done $0x0  }
0x3e0: {  	s8 =	simm.s32 $0x0;
	[sflag:s5] =	ssyncadd.s32 $0xFFFFC000  }
0x3e1: {  	[tilespmem:s25], [sflag:$0x6] =	stream.linear.gather [hbm4b:s12+s7], $0x4000, $0x38;
	v63 =	vld [tilespmem:$0x0]  }
0x3e2: {  	s9 =	sand.u32 $0x1C00, s7;
	s13 =	sand.u32 $0x2000, s8;
	_ =	swait.ge [sflag:s26], $0x4000  }
0x3e3: {  	s14 =	sand.u32 $0x380, s7;
	s1 =	sor.u32 s13, s9;
	[sflag:s26] =	ssyncset.done $0x0  }
0x3e4: {  	s1 =	sor.u32 s14, s1;
	[sflag:s26] =	ssyncadd.s32 $0xFFFFC000  }
0x3e5: {  	v0 =	vld [tilespmem:s1+$0x1C070]  }
0x3e6: {  	v4 =	vld [tilespmem:s1+$0x1C000]  }
0x3e7: {  	v5 =	vld [tilespmem:s1+$0x1C010]  }
0x3e8: {  	v6 =	vld [tilespmem:s1+$0x1C020]  }
0x3e9: {  	v2 =	vld [tilespmem:s1+$0x1C030]  }
0x3ea: {  	v3 =	vld [tilespmem:s1+$0x1C040]  }
0x3eb: {  	s9 =	sor.u32 $0xC070, s1;
	v1 =	vld [tilespmem:s1+$0x1C060]  }
0x3ec: {  	[tilespmem:s9+$0x0] =	vst.add.f32.msk $0xffff, v0  }
0x3ed: {  	s15 =	sor.u32 $0xC000, s1;
	v0 =	vld [tilespmem:s1+$0x1C050]  }
0x3ee: {  	s16 =	sor.u32 $0xC010, s1;
	[tilespmem:s15+$0x0] =	vst.add.f32.msk $0xffff, v4  }
0x3ef: {  	s18 =	sor.u32 $0xC020, s1;
	s13 =	sor.u32 $0xC030, s1;
	s10 =	sor.u32 $0xC050, s1;
	[tilespmem:s16+$0x0] =	vst.add.f32.msk $0xffff, v5  }
0x3f0: {  	s11 =	sor.u32 $0xC060, s1;
	s12 =	sor.u32 $0xC040, s1;
	[tilespmem:s18+$0x0] =	vst.add.f32.msk $0xffff, v6;
	s9 =	simm.s32 $0x0  }
.LBB2_44:
0x3f1: {  	s8 =	sadd.s32 $0x80, s8;
	[tilespmem:s13+$0x0] =	vst.add.f32.msk $0xffff, v2;
	s7 =	sadd.s32 $0x400, s7  }
0x3f2: {  	s9 =	sadd.s32 $0x10, s9;
	s1 =	sand.u32 $0x2000, s8;
	s13 =	sand.u32 $0x1C00, s7;
	[tilespmem:s12+$0x0] =	vst.add.f32.msk $0xffff, v3  }
0x3f3: {  	s12 =	sand.u32 $0x380, s9;
	p0 =	slt.u32 s8, $0x3F80;
	s1 =	sor.u32 s1, s13;
	[tilespmem:s10+$0x0] =	vst.add.f32.msk $0xffff, v0  }
0x3f4: {  	s1 =	sor.u32 s12, s1;
	[tilespmem:s11+$0x0] =	vst.add.f32.msk $0xffff, v1  }
0x3f5: {  	s14 =	sor.u32 $0xC000, s1;
	s15 =	sor.u32 $0xC010, s1;
	s16 =	sor.u32 $0xC020, s1;
	v0 =	vld [tilespmem:s1+$0x1C070]  }
0x3f6: {  	s13 =	sor.u32 $0xC030, s1;
	s12 =	sor.u32 $0xC040, s1;
	s10 =	sor.u32 $0xC050, s1;
	v4 =	vld [tilespmem:s1+$0x1C000]  }
0x3f7: {  	s11 =	sor.u32 $0xC060, s1;
	v5 =	vld [tilespmem:s1+$0x1C010]  }
0x3f8: {  	v6 =	vld [tilespmem:s1+$0x1C020]  }
0x3f9: {  	s18 =	sor.u32 $0xC070, s1;
	v2 =	vld [tilespmem:s1+$0x1C030]  }
0x3fa: {  	[tilespmem:s18+$0x0] =	vst.add.f32.msk $0xffff, v0  }
0x3fb: {  	v3 =	vld [tilespmem:s1+$0x1C040]  }
.Ltmp21:
0x3fc: {  	v0 =	vld [tilespmem:s1+$0x1C050];
	(pc) =	sbr.rel @p0 .LBB2_44-.Ltmp21, $4  }
0x3fd: {  	v1 =	vld [tilespmem:s1+$0x1C060]  }
0x3fe: {  	[tilespmem:s14+$0x0] =	vst.add.f32.msk $0xffff, v4  }
0x3ff: {  	[tilespmem:s15+$0x0] =	vst.add.f32.msk $0xffff, v5  }
0x400: {  	[tilespmem:s16+$0x0] =	vst.add.f32.msk $0xffff, v6  }
0x401: {  	[tilespmem:s13+$0x0] =	vst.add.f32.msk $0xffff, v2  }
0x402: {  	[tilespmem:s12+$0x0] =	vst.add.f32.msk $0xffff, v3  }
0x403: {  	[tilespmem:s10+$0x0] =	vst.add.f32.msk $0xffff, v0  }
0x404: {  	[tilespmem:s11+$0x0] =	vst.add.f32.msk $0xffff, v1  }
0x405: {  	s1 =	sld [smem:$0x7E3];
	_ =	sdelay $0x1  }
0x406: {  	s7 =	simm.s32 $0x0  }
0x407: {  	[hbm4b:s1+s7] =	stream.linear.scatter [tilespmem:s21], [sflag:$0xA], $0x4000, $0x38;
	v63 =	vld [tilespmem:$0x0]  }
0x408: {  	_ =	swait.ge [sflag:s28], $0x4000  }
0x409: {  	s11 =	sld [smem:$0x7E8]  }
0x40a: {  	[sflag:s28] =	ssyncset.done $0x0  }
0x40b: {  	s12 =	sld [smem:$0x7E9];
	[sflag:s28] =	ssyncadd.s32 $0xFFFFC000  }
0x40c: {  	[tilespmem:s7], [sflag:$0x1] =	stream.linear.gather [hbm4b:s11+s7], $0x4000, $0x38;
	v63 =	vld [tilespmem:$0x0]  }
0x40d: {  	s8 =	simm.s32 $0x18000  }
0x40e: {  	[tilespmem:s8], [sflag:$0xD] =	stream.linear.gather [hbm4b:s12+s7], $0x4000, $0x38;
	v63 =	vld [tilespmem:$0x0]  }
0x40f: {  	s8 =	simm.s32 $0x0  }
0x410: {  	s9 =	sand.u32 $0x1C00, s7;
	_ =	swait.ge [sflag:s29], $0x4000;
	s13 =	sand.u32 $0x2000, s8  }
0x411: {  	s14 =	sand.u32 $0x380, s7;
	[sflag:s29] =	ssyncset.done $0x0;
	s1 =	sor.u32 s13, s9  }
0x412: {  	[sflag:s29] =	ssyncadd.s32 $0xFFFFC000;
	s1 =	sor.u32 s14, s1  }
0x413: {  	v0 =	vld [tilespmem:s1+$0x1C070]  }
0x414: {  	v4 =	vld [tilespmem:s1+$0x1C000]  }
0x415: {  	v5 =	vld [tilespmem:s1+$0x1C010]  }
0x416: {  	v6 =	vld [tilespmem:s1+$0x1C020]  }
0x417: {  	v2 =	vld [tilespmem:s1+$0x1C030]  }
0x418: {  	v3 =	vld [tilespmem:s1+$0x1C040]  }
0x419: {  	s9 =	sor.u32 $0x10070, s1;
	v1 =	vld [tilespmem:s1+$0x1C060]  }
0x41a: {  	[tilespmem:s9+$0x0] =	vst.add.f32.msk $0xffff, v0  }
0x41b: {  	s15 =	sor.u32 $0x10000, s1;
	v0 =	vld [tilespmem:s1+$0x1C050]  }
0x41c: {  	s16 =	sor.u32 $0x10010, s1;
	[tilespmem:s15+$0x0] =	vst.add.f32.msk $0xffff, v4  }
0x41d: {  	s18 =	sor.u32 $0x10020, s1;
	s13 =	sor.u32 $0x10030, s1;
	s12 =	sor.u32 $0x10040, s1;
	[tilespmem:s16+$0x0] =	vst.add.f32.msk $0xffff, v5  }
0x41e: {  	s10 =	sor.u32 $0x10050, s1;
	s11 =	sor.u32 $0x10060, s1;
	[tilespmem:s18+$0x0] =	vst.add.f32.msk $0xffff, v6;
	s9 =	simm.s32 $0x0  }
.LBB2_46:
0x41f: {  	s8 =	sadd.s32 $0x80, s8;
	[tilespmem:s13+$0x0] =	vst.add.f32.msk $0xffff, v2;
	s7 =	sadd.s32 $0x400, s7  }
0x420: {  	s9 =	sadd.s32 $0x10, s9;
	s1 =	sand.u32 $0x2000, s8;
	s13 =	sand.u32 $0x1C00, s7;
	[tilespmem:s12+$0x0] =	vst.add.f32.msk $0xffff, v3  }
0x421: {  	s12 =	sand.u32 $0x380, s9;
	p0 =	slt.u32 s8, $0x3F80;
	s1 =	sor.u32 s1, s13;
	[tilespmem:s10+$0x0] =	vst.add.f32.msk $0xffff, v0  }
0x422: {  	s1 =	sor.u32 s12, s1;
	[tilespmem:s11+$0x0] =	vst.add.f32.msk $0xffff, v1  }
0x423: {  	s14 =	sor.u32 $0x10000, s1;
	s15 =	sor.u32 $0x10010, s1;
	s16 =	sor.u32 $0x10020, s1;
	v0 =	vld [tilespmem:s1+$0x1C070]  }
0x424: {  	s13 =	sor.u32 $0x10030, s1;
	s12 =	sor.u32 $0x10040, s1;
	s10 =	sor.u32 $0x10050, s1;
	v4 =	vld [tilespmem:s1+$0x1C000]  }
0x425: {  	s11 =	sor.u32 $0x10060, s1;
	v5 =	vld [tilespmem:s1+$0x1C010]  }
0x426: {  	v6 =	vld [tilespmem:s1+$0x1C020]  }
0x427: {  	s18 =	sor.u32 $0x10070, s1;
	v2 =	vld [tilespmem:s1+$0x1C030]  }
0x428: {  	[tilespmem:s18+$0x0] =	vst.add.f32.msk $0xffff, v0  }
0x429: {  	v3 =	vld [tilespmem:s1+$0x1C040]  }
.Ltmp22:
0x42a: {  	v0 =	vld [tilespmem:s1+$0x1C050];
	(pc) =	sbr.rel @p0 .LBB2_46-.Ltmp22, $4  }
0x42b: {  	v1 =	vld [tilespmem:s1+$0x1C060]  }
0x42c: {  	[tilespmem:s14+$0x0] =	vst.add.f32.msk $0xffff, v4  }
0x42d: {  	[tilespmem:s15+$0x0] =	vst.add.f32.msk $0xffff, v5  }
0x42e: {  	[tilespmem:s16+$0x0] =	vst.add.f32.msk $0xffff, v6  }
0x42f: {  	[tilespmem:s13+$0x0] =	vst.add.f32.msk $0xffff, v2  }
0x430: {  	[tilespmem:s12+$0x0] =	vst.add.f32.msk $0xffff, v3  }
0x431: {  	[tilespmem:s10+$0x0] =	vst.add.f32.msk $0xffff, v0  }
0x432: {  	[tilespmem:s11+$0x0] =	vst.add.f32.msk $0xffff, v1  }
0x433: {  	s1 =	sld [smem:$0x7E5];
	_ =	sdelay $0x1  }
0x434: {  	s7 =	simm.s32 $0x0  }
0x435: {  	[hbm4b:s1+s7] =	stream.linear.scatter [tilespmem:s23], [sflag:$0xB], $0x4000, $0x38;
	v63 =	vld [tilespmem:$0x0]  }
0x436: {  	_ =	swait.ge [sflag:s31], $0x4000  }
0x437: {  	s12 =	sld [smem:$0x7EB]  }
0x438: {  	[sflag:s31] =	ssyncset.done $0x0  }
0x439: {  	s8 =	simm.s32 $0x0;
	[sflag:s31] =	ssyncadd.s32 $0xFFFFC000  }
0x43a: {  	[tilespmem:s17], [sflag:$0x2] =	stream.linear.gather [hbm4b:s12+s7], $0x4000, $0x38;
	v63 =	vld [tilespmem:$0x0]  }
0x43b: {  	s13 =	sand.u32 $0x2000, s8;
	s9 =	sand.u32 $0x1C00, s7;
	_ =	swait.ge [sflag:s0], $0x4000  }
0x43c: {  	s14 =	sand.u32 $0x380, s7;
	s1 =	sor.u32 s13, s9;
	[sflag:s0] =	ssyncset.done $0x0  }
0x43d: {  	s1 =	sor.u32 s14, s1;
	[sflag:s0] =	ssyncadd.s32 $0xFFFFC000  }
0x43e: {  	v0 =	vld [tilespmem:s1+$0x1C070]  }
0x43f: {  	v4 =	vld [tilespmem:s1+$0x1C000]  }
0x440: {  	v5 =	vld [tilespmem:s1+$0x1C010]  }
0x441: {  	v6 =	vld [tilespmem:s1+$0x1C020]  }
0x442: {  	v2 =	vld [tilespmem:s1+$0x1C030]  }
0x443: {  	v3 =	vld [tilespmem:s1+$0x1C040]  }
0x444: {  	s9 =	sor.u32 $0x14070, s1;
	v1 =	vld [tilespmem:s1+$0x1C060]  }
0x445: {  	[tilespmem:s9+$0x0] =	vst.add.f32.msk $0xffff, v0  }
0x446: {  	s15 =	sor.u32 $0x14000, s1;
	v0 =	vld [tilespmem:s1+$0x1C050]  }
0x447: {  	s16 =	sor.u32 $0x14010, s1;
	[tilespmem:s15+$0x0] =	vst.add.f32.msk $0xffff, v4  }
0x448: {  	s18 =	sor.u32 $0x14020, s1;
	s13 =	sor.u32 $0x14030, s1;
	s10 =	sor.u32 $0x14050, s1;
	[tilespmem:s16+$0x0] =	vst.add.f32.msk $0xffff, v5  }
0x449: {  	s11 =	sor.u32 $0x14060, s1;
	s12 =	sor.u32 $0x14040, s1;
	[tilespmem:s18+$0x0] =	vst.add.f32.msk $0xffff, v6;
	s9 =	simm.s32 $0x0  }
.LBB2_48:
0x44a: {  	s8 =	sadd.s32 $0x80, s8;
	[tilespmem:s13+$0x0] =	vst.add.f32.msk $0xffff, v2;
	s7 =	sadd.s32 $0x400, s7  }
0x44b: {  	s9 =	sadd.s32 $0x10, s9;
	s1 =	sand.u32 $0x2000, s8;
	s13 =	sand.u32 $0x1C00, s7;
	[tilespmem:s12+$0x0] =	vst.add.f32.msk $0xffff, v3  }
0x44c: {  	s12 =	sand.u32 $0x380, s9;
	p0 =	slt.u32 s8, $0x3F80;
	s1 =	sor.u32 s1, s13;
	[tilespmem:s10+$0x0] =	vst.add.f32.msk $0xffff, v0  }
0x44d: {  	s1 =	sor.u32 s12, s1;
	[tilespmem:s11+$0x0] =	vst.add.f32.msk $0xffff, v1  }
0x44e: {  	s14 =	sor.u32 $0x14000, s1;
	s15 =	sor.u32 $0x14010, s1;
	s16 =	sor.u32 $0x14020, s1;
	v0 =	vld [tilespmem:s1+$0x1C070]  }
0x44f: {  	s13 =	sor.u32 $0x14030, s1;
	s12 =	sor.u32 $0x14040, s1;
	s10 =	sor.u32 $0x14050, s1;
	v4 =	vld [tilespmem:s1+$0x1C000]  }
0x450: {  	s11 =	sor.u32 $0x14060, s1;
	v5 =	vld [tilespmem:s1+$0x1C010]  }
0x451: {  	v6 =	vld [tilespmem:s1+$0x1C020]  }
0x452: {  	s18 =	sor.u32 $0x14070, s1;
	v2 =	vld [tilespmem:s1+$0x1C030]  }
0x453: {  	[tilespmem:s18+$0x0] =	vst.add.f32.msk $0xffff, v0  }
0x454: {  	v3 =	vld [tilespmem:s1+$0x1C040]  }
.Ltmp23:
0x455: {  	v0 =	vld [tilespmem:s1+$0x1C050];
	(pc) =	sbr.rel @p0 .LBB2_48-.Ltmp23, $4  }
0x456: {  	v1 =	vld [tilespmem:s1+$0x1C060]  }
0x457: {  	[tilespmem:s14+$0x0] =	vst.add.f32.msk $0xffff, v4  }
0x458: {  	[tilespmem:s15+$0x0] =	vst.add.f32.msk $0xffff, v5  }
0x459: {  	[tilespmem:s16+$0x0] =	vst.add.f32.msk $0xffff, v6  }
0x45a: {  	[tilespmem:s13+$0x0] =	vst.add.f32.msk $0xffff, v2  }
0x45b: {  	[tilespmem:s12+$0x0] =	vst.add.f32.msk $0xffff, v3  }
0x45c: {  	[tilespmem:s10+$0x0] =	vst.add.f32.msk $0xffff, v0  }
0x45d: {  	[tilespmem:s11+$0x0] =	vst.add.f32.msk $0xffff, v1  }
0x45e: {  	s1 =	sld [smem:$0x7E7];
	_ =	sdelay $0x1  }
0x45f: {  	s7 =	simm.s32 $0x0  }
0x460: {  	[hbm4b:s1+s7] =	stream.linear.scatter [tilespmem:s25], [sflag:$0xC], $0x4000, $0x38;
	v63 =	vld [tilespmem:$0x0]  }
0x461: {  	_ =	swait.ge [sflag:s2], $0x4000  }
0x462: {  	s14 =	sld [smem:$0x7EF]  }
0x463: {  	[sflag:s2] =	ssyncset.done $0x0  }
0x464: {  	s8 =	simm.s32 $0x8000;
	[sflag:s2] =	ssyncadd.s32 $0xFFFFC000  }
0x465: {  	[tilespmem:s8], [sflag:$0x3] =	stream.linear.gather [hbm4b:s14+s7], $0x4000, $0x38;
	v63 =	vld [tilespmem:$0x0]  }
0x466: {  	_ =	swait.ge [sflag:s19], $0x4000  }
0x467: {  	[sflag:s19] =	ssyncset.done $0x0  }
0x468: {  	s8 =	simm.s32 $0x0;
	[sflag:s19] =	ssyncadd.s32 $0xFFFFC000  }
0x469: {  	s9 =	sand.u32 $0x1C00, s7;
	s15 =	sand.u32 $0x2000, s8;
	_ =	swait.ge [sflag:s20], $0x4000  }
0x46a: {  	s16 =	sand.u32 $0x380, s7;
	s1 =	sor.u32 s15, s9;
	[sflag:s20] =	ssyncset.done $0x0  }
0x46b: {  	s1 =	sor.u32 s16, s1;
	[sflag:s20] =	ssyncadd.s32 $0xFFFFC000  }
0x46c: {  	v0 =	vld [tilespmem:s1+$0x18070]  }
0x46d: {  	v4 =	vld [tilespmem:s1+$0x18000]  }
0x46e: {  	v5 =	vld [tilespmem:s1+$0x18010]  }
0x46f: {  	v6 =	vld [tilespmem:s1+$0x18020]  }
0x470: {  	v2 =	vld [tilespmem:s1+$0x18030]  }
0x471: {  	v3 =	vld [tilespmem:s1+$0x18040]  }
0x472: {  	s9 =	sor.u32 $0x70, s1;
	v1 =	vld [tilespmem:s1+$0x18050]  }
0x473: {  	[tilespmem:s9+$0x0] =	vst.add.f32.msk $0xffff, v0  }
0x474: {  	v0 =	vld [tilespmem:s1+$0x18060]  }
0x475: {  	s18 =	sor.u32 $0x10, s1;
	[tilespmem:s1+$0x0] =	vst.add.f32.msk $0xffff, v4  }
0x476: {  	s14 =	sor.u32 $0x20, s1;
	s13 =	sor.u32 $0x30, s1;
	s12 =	sor.u32 $0x40, s1;
	[tilespmem:s18+$0x0] =	vst.add.f32.msk $0xffff, v5  }
0x477: {  	s11 =	sor.u32 $0x50, s1;
	s10 =	sor.u32 $0x60, s1;
	[tilespmem:s14+$0x0] =	vst.add.f32.msk $0xffff, v6;
	s9 =	simm.s32 $0x0  }
.LBB2_50:
0x478: {  	s8 =	sadd.s32 $0x80, s8;
	[tilespmem:s13+$0x0] =	vst.add.f32.msk $0xffff, v2;
	s7 =	sadd.s32 $0x400, s7  }
0x479: {  	s9 =	sadd.s32 $0x10, s9;
	s1 =	sand.u32 $0x2000, s8;
	s13 =	sand.u32 $0x1C00, s7;
	[tilespmem:s12+$0x0] =	vst.add.f32.msk $0xffff, v3  }
0x47a: {  	s12 =	sand.u32 $0x380, s9;
	p0 =	slt.u32 s8, $0x3F80;
	s1 =	sor.u32 s1, s13;
	[tilespmem:s11+$0x0] =	vst.add.f32.msk $0xffff, v1  }
0x47b: {  	s1 =	sor.u32 s12, s1;
	[tilespmem:s10+$0x0] =	vst.add.f32.msk $0xffff, v0  }
0x47c: {  	s14 =	sor.u32 $0x10, s1;
	s15 =	sor.u32 $0x20, s1;
	s13 =	sor.u32 $0x30, s1;
	v0 =	vld [tilespmem:s1+$0x18070]  }
0x47d: {  	s12 =	sor.u32 $0x40, s1;
	s11 =	sor.u32 $0x50, s1;
	s10 =	sor.u32 $0x60, s1;
	v4 =	vld [tilespmem:s1+$0x18000]  }
0x47e: {  	v5 =	vld [tilespmem:s1+$0x18010]  }
0x47f: {  	v6 =	vld [tilespmem:s1+$0x18020]  }
0x480: {  	s16 =	sor.u32 $0x70, s1;
	v2 =	vld [tilespmem:s1+$0x18030]  }
0x481: {  	[tilespmem:s16+$0x0] =	vst.add.f32.msk $0xffff, v0  }
0x482: {  	v3 =	vld [tilespmem:s1+$0x18040]  }
.Ltmp24:
0x483: {  	v1 =	vld [tilespmem:s1+$0x18050];
	(pc) =	sbr.rel @p0 .LBB2_50-.Ltmp24, $4  }
0x484: {  	v0 =	vld [tilespmem:s1+$0x18060]  }
0x485: {  	[tilespmem:s1+$0x0] =	vst.add.f32.msk $0xffff, v4  }
0x486: {  	[tilespmem:s14+$0x0] =	vst.add.f32.msk $0xffff, v5  }
0x487: {  	[tilespmem:s15+$0x0] =	vst.add.f32.msk $0xffff, v6  }
0x488: {  	[tilespmem:s13+$0x0] =	vst.add.f32.msk $0xffff, v2  }
0x489: {  	[tilespmem:s12+$0x0] =	vst.add.f32.msk $0xffff, v3  }
0x48a: {  	[tilespmem:s11+$0x0] =	vst.add.f32.msk $0xffff, v1  }
0x48b: {  	[tilespmem:s10+$0x0] =	vst.add.f32.msk $0xffff, v0  }
0x48c: {  	s1 =	sld [smem:$0x7EA];
	_ =	sdelay $0x1  }
0x48d: {  	s7 =	simm.s32 $0x0  }
0x48e: {  	[hbm4b:s1+s7] =	stream.linear.scatter [tilespmem:s7], [sflag:$0x7], $0x4000, $0x38;
	v63 =	vld [tilespmem:$0x0]  }
0x48f: {  	_ =	swait.ge [sflag:s3], $0x4000  }
0x490: {  	s12 =	sld [smem:$0x7F1]  }
0x491: {  	[sflag:s3] =	ssyncset.done $0x0  }
0x492: {  	s8 =	simm.s32 $0x0;
	[sflag:s3] =	ssyncadd.s32 $0xFFFFC000  }
0x493: {  	[tilespmem:s21], [sflag:$0x4] =	stream.linear.gather [hbm4b:s12+s7], $0x4000, $0x38;
	v63 =	vld [tilespmem:$0x0]  }
0x494: {  	s13 =	sand.u32 $0x2000, s8;
	s9 =	sand.u32 $0x1C00, s7;
	_ =	swait.ge [sflag:s22], $0x4000  }
0x495: {  	s14 =	sand.u32 $0x380, s7;
	s1 =	sor.u32 s13, s9;
	[sflag:s22] =	ssyncset.done $0x0  }
0x496: {  	s1 =	sor.u32 s14, s1;
	[sflag:s22] =	ssyncadd.s32 $0xFFFFC000  }
0x497: {  	v0 =	vld [tilespmem:s1+$0x18070]  }
0x498: {  	v4 =	vld [tilespmem:s1+$0x18000]  }
0x499: {  	v5 =	vld [tilespmem:s1+$0x18010]  }
0x49a: {  	v6 =	vld [tilespmem:s1+$0x18020]  }
0x49b: {  	v2 =	vld [tilespmem:s1+$0x18030]  }
0x49c: {  	v3 =	vld [tilespmem:s1+$0x18040]  }
0x49d: {  	s9 =	sor.u32 $0x4070, s1;
	v1 =	vld [tilespmem:s1+$0x18060]  }
0x49e: {  	[tilespmem:s9+$0x0] =	vst.add.f32.msk $0xffff, v0  }
0x49f: {  	s15 =	sor.u32 $0x4000, s1;
	v0 =	vld [tilespmem:s1+$0x18050]  }
0x4a0: {  	s16 =	sor.u32 $0x4010, s1;
	[tilespmem:s15+$0x0] =	vst.add.f32.msk $0xffff, v4  }
0x4a1: {  	s18 =	sor.u32 $0x4020, s1;
	s13 =	sor.u32 $0x4030, s1;
	s10 =	sor.u32 $0x4050, s1;
	[tilespmem:s16+$0x0] =	vst.add.f32.msk $0xffff, v5  }
0x4a2: {  	s11 =	sor.u32 $0x4060, s1;
	s12 =	sor.u32 $0x4040, s1;
	[tilespmem:s18+$0x0] =	vst.add.f32.msk $0xffff, v6;
	s9 =	simm.s32 $0x0  }
.LBB2_52:
0x4a3: {  	s8 =	sadd.s32 $0x80, s8;
	[tilespmem:s13+$0x0] =	vst.add.f32.msk $0xffff, v2;
	s7 =	sadd.s32 $0x400, s7  }
0x4a4: {  	s9 =	sadd.s32 $0x10, s9;
	s1 =	sand.u32 $0x2000, s8;
	s13 =	sand.u32 $0x1C00, s7;
	[tilespmem:s12+$0x0] =	vst.add.f32.msk $0xffff, v3  }
0x4a5: {  	s12 =	sand.u32 $0x380, s9;
	p0 =	slt.u32 s8, $0x3F80;
	s1 =	sor.u32 s1, s13;
	[tilespmem:s10+$0x0] =	vst.add.f32.msk $0xffff, v0  }
0x4a6: {  	s1 =	sor.u32 s12, s1;
	[tilespmem:s11+$0x0] =	vst.add.f32.msk $0xffff, v1  }
0x4a7: {  	s14 =	sor.u32 $0x4000, s1;
	s15 =	sor.u32 $0x4010, s1;
	s16 =	sor.u32 $0x4020, s1;
	v0 =	vld [tilespmem:s1+$0x18070]  }
0x4a8: {  	s13 =	sor.u32 $0x4030, s1;
	s12 =	sor.u32 $0x4040, s1;
	s10 =	sor.u32 $0x4050, s1;
	v4 =	vld [tilespmem:s1+$0x18000]  }
0x4a9: {  	s11 =	sor.u32 $0x4060, s1;
	v5 =	vld [tilespmem:s1+$0x18010]  }
0x4aa: {  	v6 =	vld [tilespmem:s1+$0x18020]  }
0x4ab: {  	s18 =	sor.u32 $0x4070, s1;
	v2 =	vld [tilespmem:s1+$0x18030]  }
0x4ac: {  	[tilespmem:s18+$0x0] =	vst.add.f32.msk $0xffff, v0  }
0x4ad: {  	v3 =	vld [tilespmem:s1+$0x18040]  }
.Ltmp25:
0x4ae: {  	v0 =	vld [tilespmem:s1+$0x18050];
	(pc) =	sbr.rel @p0 .LBB2_52-.Ltmp25, $4  }
0x4af: {  	v1 =	vld [tilespmem:s1+$0x18060]  }
0x4b0: {  	[tilespmem:s14+$0x0] =	vst.add.f32.msk $0xffff, v4  }
0x4b1: {  	[tilespmem:s15+$0x0] =	vst.add.f32.msk $0xffff, v5  }
0x4b2: {  	[tilespmem:s16+$0x0] =	vst.add.f32.msk $0xffff, v6  }
0x4b3: {  	[tilespmem:s13+$0x0] =	vst.add.f32.msk $0xffff, v2  }
0x4b4: {  	[tilespmem:s12+$0x0] =	vst.add.f32.msk $0xffff, v3  }
0x4b5: {  	[tilespmem:s10+$0x0] =	vst.add.f32.msk $0xffff, v0  }
0x4b6: {  	[tilespmem:s11+$0x0] =	vst.add.f32.msk $0xffff, v1  }
0x4b7: {  	s1 =	sld [smem:$0x7EC];
	_ =	sdelay $0x1  }
0x4b8: {  	s7 =	simm.s32 $0x0  }
0x4b9: {  	[hbm4b:s1+s7] =	stream.linear.scatter [tilespmem:s17], [sflag:$0x8], $0x4000, $0x38;
	v63 =	vld [tilespmem:$0x0]  }
0x4ba: {  	_ =	swait.ge [sflag:s4], $0x4000  }
0x4bb: {  	s11 =	sld [smem:$0x7F3]  }
0x4bc: {  	[sflag:s4] =	ssyncset.done $0x0  }
0x4bd: {  	s12 =	sld [smem:$0x7EE];
	[sflag:s4] =	ssyncadd.s32 $0xFFFFC000  }
0x4be: {  	[tilespmem:s23], [sflag:$0x5] =	stream.linear.gather [hbm4b:s11+s7], $0x4000, $0x38;
	v63 =	vld [tilespmem:$0x0]  }
0x4bf: {  	s8 =	simm.s32 $0x1C000  }
0x4c0: {  	[tilespmem:s8], [sflag:$0xE] =	stream.linear.gather [hbm4b:s12+s7], $0x4000, $0x38;
	v63 =	vld [tilespmem:$0x0]  }
0x4c1: {  	s8 =	simm.s32 $0x0  }
0x4c2: {  	s9 =	sand.u32 $0x1C00, s7;
	_ =	swait.ge [sflag:s24], $0x4000;
	s13 =	sand.u32 $0x2000, s8  }
0x4c3: {  	s14 =	sand.u32 $0x380, s7;
	[sflag:s24] =	ssyncset.done $0x0;
	s1 =	sor.u32 s13, s9  }
0x4c4: {  	[sflag:s24] =	ssyncadd.s32 $0xFFFFC000;
	s1 =	sor.u32 s14, s1  }
0x4c5: {  	v0 =	vld [tilespmem:s1+$0x18070]  }
0x4c6: {  	v4 =	vld [tilespmem:s1+$0x18000]  }
0x4c7: {  	v5 =	vld [tilespmem:s1+$0x18010]  }
0x4c8: {  	v6 =	vld [tilespmem:s1+$0x18020]  }
0x4c9: {  	v2 =	vld [tilespmem:s1+$0x18030]  }
0x4ca: {  	v3 =	vld [tilespmem:s1+$0x18040]  }
0x4cb: {  	s9 =	sor.u32 $0x8070, s1;
	v1 =	vld [tilespmem:s1+$0x18060]  }
0x4cc: {  	[tilespmem:s9+$0x0] =	vst.add.f32.msk $0xffff, v0  }
0x4cd: {  	s15 =	sor.u32 $0x8000, s1;
	v0 =	vld [tilespmem:s1+$0x18050]  }
0x4ce: {  	s16 =	sor.u32 $0x8010, s1;
	[tilespmem:s15+$0x0] =	vst.add.f32.msk $0xffff, v4  }
0x4cf: {  	s18 =	sor.u32 $0x8020, s1;
	s13 =	sor.u32 $0x8030, s1;
	s12 =	sor.u32 $0x8040, s1;
	[tilespmem:s16+$0x0] =	vst.add.f32.msk $0xffff, v5  }
0x4d0: {  	s10 =	sor.u32 $0x8050, s1;
	s11 =	sor.u32 $0x8060, s1;
	[tilespmem:s18+$0x0] =	vst.add.f32.msk $0xffff, v6;
	s9 =	simm.s32 $0x0  }
.LBB2_54:
0x4d1: {  	s8 =	sadd.s32 $0x80, s8;
	[tilespmem:s13+$0x0] =	vst.add.f32.msk $0xffff, v2;
	s7 =	sadd.s32 $0x400, s7  }
0x4d2: {  	s9 =	sadd.s32 $0x10, s9;
	s1 =	sand.u32 $0x2000, s8;
	s13 =	sand.u32 $0x1C00, s7;
	[tilespmem:s12+$0x0] =	vst.add.f32.msk $0xffff, v3  }
0x4d3: {  	s12 =	sand.u32 $0x380, s9;
	p0 =	slt.u32 s8, $0x3F80;
	s1 =	sor.u32 s1, s13;
	[tilespmem:s10+$0x0] =	vst.add.f32.msk $0xffff, v0  }
0x4d4: {  	s1 =	sor.u32 s12, s1;
	[tilespmem:s11+$0x0] =	vst.add.f32.msk $0xffff, v1  }
0x4d5: {  	s14 =	sor.u32 $0x8000, s1;
	s15 =	sor.u32 $0x8010, s1;
	s16 =	sor.u32 $0x8020, s1;
	v0 =	vld [tilespmem:s1+$0x18070]  }
0x4d6: {  	s13 =	sor.u32 $0x8030, s1;
	s12 =	sor.u32 $0x8040, s1;
	s10 =	sor.u32 $0x8050, s1;
	v4 =	vld [tilespmem:s1+$0x18000]  }
0x4d7: {  	s11 =	sor.u32 $0x8060, s1;
	v5 =	vld [tilespmem:s1+$0x18010]  }
0x4d8: {  	v6 =	vld [tilespmem:s1+$0x18020]  }
0x4d9: {  	s18 =	sor.u32 $0x8070, s1;
	v2 =	vld [tilespmem:s1+$0x18030]  }
0x4da: {  	[tilespmem:s18+$0x0] =	vst.add.f32.msk $0xffff, v0  }
0x4db: {  	v3 =	vld [tilespmem:s1+$0x18040]  }
.Ltmp26:
0x4dc: {  	v0 =	vld [tilespmem:s1+$0x18050];
	(pc) =	sbr.rel @p0 .LBB2_54-.Ltmp26, $4  }
0x4dd: {  	v1 =	vld [tilespmem:s1+$0x18060]  }
0x4de: {  	[tilespmem:s14+$0x0] =	vst.add.f32.msk $0xffff, v4  }
0x4df: {  	[tilespmem:s15+$0x0] =	vst.add.f32.msk $0xffff, v5  }
0x4e0: {  	[tilespmem:s16+$0x0] =	vst.add.f32.msk $0xffff, v6  }
0x4e1: {  	[tilespmem:s13+$0x0] =	vst.add.f32.msk $0xffff, v2  }
0x4e2: {  	[tilespmem:s12+$0x0] =	vst.add.f32.msk $0xffff, v3  }
0x4e3: {  	[tilespmem:s10+$0x0] =	vst.add.f32.msk $0xffff, v0  }
0x4e4: {  	[tilespmem:s11+$0x0] =	vst.add.f32.msk $0xffff, v1  }
0x4e5: {  	s1 =	sld [smem:$0x7F0];
	_ =	sdelay $0x1  }
0x4e6: {  	s7 =	simm.s32 $0x0;
	s8 =	simm.s32 $0x8000  }
0x4e7: {  	[hbm4b:s1+s7] =	stream.linear.scatter [tilespmem:s8], [sflag:$0x9], $0x4000, $0x38;
	v63 =	vld [tilespmem:$0x0]  }
0x4e8: {  	_ =	swait.ge [sflag:s5], $0x4000  }
0x4e9: {  	s12 =	sld [smem:$0x7F7]  }
0x4ea: {  	[sflag:s5] =	ssyncset.done $0x0  }
0x4eb: {  	s8 =	simm.s32 $0x0;
	[sflag:s5] =	ssyncadd.s32 $0xFFFFC000  }
0x4ec: {  	[tilespmem:s25], [sflag:$0x6] =	stream.linear.gather [hbm4b:s12+s7], $0x4000, $0x38;
	v63 =	vld [tilespmem:$0x0]  }
0x4ed: {  	s9 =	sand.u32 $0x1C00, s7;
	s13 =	sand.u32 $0x2000, s8;
	_ =	swait.ge [sflag:s26], $0x4000  }
0x4ee: {  	s14 =	sand.u32 $0x380, s7;
	s1 =	sor.u32 s13, s9;
	[sflag:s26] =	ssyncset.done $0x0  }
0x4ef: {  	s1 =	sor.u32 s14, s1;
	[sflag:s26] =	ssyncadd.s32 $0xFFFFC000  }
0x4f0: {  	v0 =	vld [tilespmem:s1+$0x18070]  }
0x4f1: {  	v4 =	vld [tilespmem:s1+$0x18000]  }
0x4f2: {  	v5 =	vld [tilespmem:s1+$0x18010]  }
0x4f3: {  	v6 =	vld [tilespmem:s1+$0x18020]  }
0x4f4: {  	v2 =	vld [tilespmem:s1+$0x18030]  }
0x4f5: {  	v3 =	vld [tilespmem:s1+$0x18040]  }
0x4f6: {  	s9 =	sor.u32 $0xC070, s1;
	v1 =	vld [tilespmem:s1+$0x18060]  }
0x4f7: {  	[tilespmem:s9+$0x0] =	vst.add.f32.msk $0xffff, v0  }
0x4f8: {  	s15 =	sor.u32 $0xC000, s1;
	v0 =	vld [tilespmem:s1+$0x18050]  }
0x4f9: {  	s16 =	sor.u32 $0xC010, s1;
	[tilespmem:s15+$0x0] =	vst.add.f32.msk $0xffff, v4  }
0x4fa: {  	s18 =	sor.u32 $0xC020, s1;
	s13 =	sor.u32 $0xC030, s1;
	s10 =	sor.u32 $0xC050, s1;
	[tilespmem:s16+$0x0] =	vst.add.f32.msk $0xffff, v5  }
0x4fb: {  	s11 =	sor.u32 $0xC060, s1;
	s12 =	sor.u32 $0xC040, s1;
	[tilespmem:s18+$0x0] =	vst.add.f32.msk $0xffff, v6;
	s9 =	simm.s32 $0x0  }
.LBB2_56:
0x4fc: {  	s8 =	sadd.s32 $0x80, s8;
	[tilespmem:s13+$0x0] =	vst.add.f32.msk $0xffff, v2;
	s7 =	sadd.s32 $0x400, s7  }
0x4fd: {  	s9 =	sadd.s32 $0x10, s9;
	s1 =	sand.u32 $0x2000, s8;
	s13 =	sand.u32 $0x1C00, s7;
	[tilespmem:s12+$0x0] =	vst.add.f32.msk $0xffff, v3  }
0x4fe: {  	s12 =	sand.u32 $0x380, s9;
	p0 =	slt.u32 s8, $0x3F80;
	s1 =	sor.u32 s1, s13;
	[tilespmem:s10+$0x0] =	vst.add.f32.msk $0xffff, v0  }
0x4ff: {  	s1 =	sor.u32 s12, s1;
	[tilespmem:s11+$0x0] =	vst.add.f32.msk $0xffff, v1  }
0x500: {  	s14 =	sor.u32 $0xC000, s1;
	s15 =	sor.u32 $0xC010, s1;
	s16 =	sor.u32 $0xC020, s1;
	v0 =	vld [tilespmem:s1+$0x18070]  }
0x501: {  	s13 =	sor.u32 $0xC030, s1;
	s12 =	sor.u32 $0xC040, s1;
	s10 =	sor.u32 $0xC050, s1;
	v4 =	vld [tilespmem:s1+$0x18000]  }
0x502: {  	s11 =	sor.u32 $0xC060, s1;
	v5 =	vld [tilespmem:s1+$0x18010]  }
0x503: {  	v6 =	vld [tilespmem:s1+$0x18020]  }
0x504: {  	s18 =	sor.u32 $0xC070, s1;
	v2 =	vld [tilespmem:s1+$0x18030]  }
0x505: {  	[tilespmem:s18+$0x0] =	vst.add.f32.msk $0xffff, v0  }
0x506: {  	v3 =	vld [tilespmem:s1+$0x18040]  }
.Ltmp27:
0x507: {  	v0 =	vld [tilespmem:s1+$0x18050];
	(pc) =	sbr.rel @p0 .LBB2_56-.Ltmp27, $4  }
0x508: {  	v1 =	vld [tilespmem:s1+$0x18060]  }
0x509: {  	[tilespmem:s14+$0x0] =	vst.add.f32.msk $0xffff, v4  }
0x50a: {  	[tilespmem:s15+$0x0] =	vst.add.f32.msk $0xffff, v5  }
0x50b: {  	[tilespmem:s16+$0x0] =	vst.add.f32.msk $0xffff, v6  }
0x50c: {  	[tilespmem:s13+$0x0] =	vst.add.f32.msk $0xffff, v2  }
0x50d: {  	[tilespmem:s12+$0x0] =	vst.add.f32.msk $0xffff, v3  }
0x50e: {  	[tilespmem:s10+$0x0] =	vst.add.f32.msk $0xffff, v0  }
0x50f: {  	[tilespmem:s11+$0x0] =	vst.add.f32.msk $0xffff, v1  }
0x510: {  	s1 =	sld [smem:$0x7F2];
	_ =	sdelay $0x1  }
0x511: {  	s7 =	simm.s32 $0x0  }
0x512: {  	[hbm4b:s1+s7] =	stream.linear.scatter [tilespmem:s21], [sflag:$0xA], $0x4000, $0x38;
	v63 =	vld [tilespmem:$0x0]  }
0x513: {  	_ =	swait.ge [sflag:s28], $0x4000  }
0x514: {  	s12 =	sld [smem:$0x7F8]  }
0x515: {  	[sflag:s28] =	ssyncset.done $0x0  }
0x516: {  	[sflag:s28] =	ssyncadd.s32 $0xFFFFC000  }
0x517: {  	[tilespmem:s7], [sflag:$0x1] =	stream.linear.gather [hbm4b:s12+s7], $0x4000, $0x38;
	v63 =	vld [tilespmem:$0x0]  }
0x518: {  	_ =	swait.ge [sflag:s29], $0x4000  }
0x519: {  	[sflag:s29] =	ssyncset.done $0x0  }
0x51a: {  	s8 =	simm.s32 $0x0;
	[sflag:s29] =	ssyncadd.s32 $0xFFFFC000  }
0x51b: {  	s13 =	sand.u32 $0x2000, s8;
	s9 =	sand.u32 $0x1C00, s7;
	_ =	swait.ge [sflag:s30], $0x4000  }
0x51c: {  	s14 =	sand.u32 $0x380, s7;
	s1 =	sor.u32 s13, s9;
	[sflag:s30] =	ssyncset.done $0x0  }
0x51d: {  	s1 =	sor.u32 s14, s1;
	[sflag:s30] =	ssyncadd.s32 $0xFFFFC000  }
0x51e: {  	v0 =	vld [tilespmem:s1+$0x1C070]  }
0x51f: {  	v4 =	vld [tilespmem:s1+$0x1C000]  }
0x520: {  	v5 =	vld [tilespmem:s1+$0x1C010]  }
0x521: {  	v6 =	vld [tilespmem:s1+$0x1C020]  }
0x522: {  	v2 =	vld [tilespmem:s1+$0x1C030]  }
0x523: {  	v3 =	vld [tilespmem:s1+$0x1C040]  }
0x524: {  	s9 =	sor.u32 $0x10070, s1;
	v1 =	vld [tilespmem:s1+$0x1C060]  }
0x525: {  	[tilespmem:s9+$0x0] =	vst.add.f32.msk $0xffff, v0  }
0x526: {  	s15 =	sor.u32 $0x10000, s1;
	v0 =	vld [tilespmem:s1+$0x1C050]  }
0x527: {  	s16 =	sor.u32 $0x10010, s1;
	[tilespmem:s15+$0x0] =	vst.add.f32.msk $0xffff, v4  }
0x528: {  	s18 =	sor.u32 $0x10020, s1;
	s13 =	sor.u32 $0x10030, s1;
	s10 =	sor.u32 $0x10050, s1;
	[tilespmem:s16+$0x0] =	vst.add.f32.msk $0xffff, v5  }
0x529: {  	s11 =	sor.u32 $0x10060, s1;
	s12 =	sor.u32 $0x10040, s1;
	[tilespmem:s18+$0x0] =	vst.add.f32.msk $0xffff, v6;
	s9 =	simm.s32 $0x0  }
.LBB2_58:
0x52a: {  	s8 =	sadd.s32 $0x80, s8;
	[tilespmem:s13+$0x0] =	vst.add.f32.msk $0xffff, v2;
	s7 =	sadd.s32 $0x400, s7  }
0x52b: {  	s9 =	sadd.s32 $0x10, s9;
	s1 =	sand.u32 $0x2000, s8;
	s13 =	sand.u32 $0x1C00, s7;
	[tilespmem:s12+$0x0] =	vst.add.f32.msk $0xffff, v3  }
0x52c: {  	s12 =	sand.u32 $0x380, s9;
	p0 =	slt.u32 s8, $0x3F80;
	s1 =	sor.u32 s1, s13;
	[tilespmem:s10+$0x0] =	vst.add.f32.msk $0xffff, v0  }
0x52d: {  	s1 =	sor.u32 s12, s1;
	[tilespmem:s11+$0x0] =	vst.add.f32.msk $0xffff, v1  }
0x52e: {  	s14 =	sor.u32 $0x10000, s1;
	s15 =	sor.u32 $0x10010, s1;
	s16 =	sor.u32 $0x10020, s1;
	v0 =	vld [tilespmem:s1+$0x1C070]  }
0x52f: {  	s13 =	sor.u32 $0x10030, s1;
	s12 =	sor.u32 $0x10040, s1;
	s10 =	sor.u32 $0x10050, s1;
	v4 =	vld [tilespmem:s1+$0x1C000]  }
0x530: {  	s11 =	sor.u32 $0x10060, s1;
	v5 =	vld [tilespmem:s1+$0x1C010]  }
0x531: {  	v6 =	vld [tilespmem:s1+$0x1C020]  }
0x532: {  	s18 =	sor.u32 $0x10070, s1;
	v2 =	vld [tilespmem:s1+$0x1C030]  }
0x533: {  	[tilespmem:s18+$0x0] =	vst.add.f32.msk $0xffff, v0  }
0x534: {  	v3 =	vld [tilespmem:s1+$0x1C040]  }
.Ltmp28:
0x535: {  	v0 =	vld [tilespmem:s1+$0x1C050];
	(pc) =	sbr.rel @p0 .LBB2_58-.Ltmp28, $4  }
0x536: {  	v1 =	vld [tilespmem:s1+$0x1C060]  }
0x537: {  	[tilespmem:s14+$0x0] =	vst.add.f32.msk $0xffff, v4  }
0x538: {  	[tilespmem:s15+$0x0] =	vst.add.f32.msk $0xffff, v5  }
0x539: {  	[tilespmem:s16+$0x0] =	vst.add.f32.msk $0xffff, v6  }
0x53a: {  	[tilespmem:s13+$0x0] =	vst.add.f32.msk $0xffff, v2  }
0x53b: {  	[tilespmem:s12+$0x0] =	vst.add.f32.msk $0xffff, v3  }
0x53c: {  	[tilespmem:s10+$0x0] =	vst.add.f32.msk $0xffff, v0  }
0x53d: {  	[tilespmem:s11+$0x0] =	vst.add.f32.msk $0xffff, v1  }
0x53e: {  	s1 =	sld [smem:$0x7F4];
	_ =	sdelay $0x1  }
0x53f: {  	s7 =	simm.s32 $0x0  }
0x540: {  	[hbm4b:s1+s7] =	stream.linear.scatter [tilespmem:s23], [sflag:$0xB], $0x4000, $0x38;
	v63 =	vld [tilespmem:$0x0]  }
0x541: {  	_ =	swait.ge [sflag:s31], $0x4000  }
0x542: {  	s12 =	sld [smem:$0x7F9]  }
0x543: {  	[sflag:s31] =	ssyncset.done $0x0  }
0x544: {  	s8 =	simm.s32 $0x0;
	[sflag:s31] =	ssyncadd.s32 $0xFFFFC000  }
0x545: {  	[tilespmem:s17], [sflag:$0x2] =	stream.linear.gather [hbm4b:s12+s7], $0x4000, $0x38;
	v63 =	vld [tilespmem:$0x0]  }
0x546: {  	s13 =	sand.u32 $0x2000, s8;
	s9 =	sand.u32 $0x1C00, s7;
	_ =	swait.ge [sflag:s0], $0x4000  }
0x547: {  	s14 =	sand.u32 $0x380, s7;
	s1 =	sor.u32 s13, s9;
	[sflag:s0] =	ssyncset.done $0x0  }
0x548: {  	s1 =	sor.u32 s14, s1;
	[sflag:s0] =	ssyncadd.s32 $0xFFFFC000  }
0x549: {  	v0 =	vld [tilespmem:s1+$0x1C070]  }
0x54a: {  	v4 =	vld [tilespmem:s1+$0x1C000]  }
0x54b: {  	v5 =	vld [tilespmem:s1+$0x1C010]  }
0x54c: {  	v6 =	vld [tilespmem:s1+$0x1C020]  }
0x54d: {  	v2 =	vld [tilespmem:s1+$0x1C030]  }
0x54e: {  	v3 =	vld [tilespmem:s1+$0x1C040]  }
0x54f: {  	s9 =	sor.u32 $0x14070, s1;
	v1 =	vld [tilespmem:s1+$0x1C060]  }
0x550: {  	[tilespmem:s9+$0x0] =	vst.add.f32.msk $0xffff, v0  }
0x551: {  	s15 =	sor.u32 $0x14000, s1;
	v0 =	vld [tilespmem:s1+$0x1C050]  }
0x552: {  	s16 =	sor.u32 $0x14010, s1;
	[tilespmem:s15+$0x0] =	vst.add.f32.msk $0xffff, v4  }
0x553: {  	s18 =	sor.u32 $0x14020, s1;
	s13 =	sor.u32 $0x14030, s1;
	s10 =	sor.u32 $0x14050, s1;
	[tilespmem:s16+$0x0] =	vst.add.f32.msk $0xffff, v5  }
0x554: {  	s11 =	sor.u32 $0x14060, s1;
	s12 =	sor.u32 $0x14040, s1;
	[tilespmem:s18+$0x0] =	vst.add.f32.msk $0xffff, v6;
	s9 =	simm.s32 $0x0  }
.LBB2_60:
0x555: {  	s8 =	sadd.s32 $0x80, s8;
	[tilespmem:s13+$0x0] =	vst.add.f32.msk $0xffff, v2;
	s7 =	sadd.s32 $0x400, s7  }
0x556: {  	s9 =	sadd.s32 $0x10, s9;
	s1 =	sand.u32 $0x2000, s8;
	s13 =	sand.u32 $0x1C00, s7;
	[tilespmem:s12+$0x0] =	vst.add.f32.msk $0xffff, v3  }
0x557: {  	s12 =	sand.u32 $0x380, s9;
	p0 =	slt.u32 s8, $0x3F80;
	s1 =	sor.u32 s1, s13;
	[tilespmem:s10+$0x0] =	vst.add.f32.msk $0xffff, v0  }
0x558: {  	s1 =	sor.u32 s12, s1;
	[tilespmem:s11+$0x0] =	vst.add.f32.msk $0xffff, v1  }
0x559: {  	s14 =	sor.u32 $0x14000, s1;
	s15 =	sor.u32 $0x14010, s1;
	s16 =	sor.u32 $0x14020, s1;
	v0 =	vld [tilespmem:s1+$0x1C070]  }
0x55a: {  	s13 =	sor.u32 $0x14030, s1;
	s12 =	sor.u32 $0x14040, s1;
	s10 =	sor.u32 $0x14050, s1;
	v4 =	vld [tilespmem:s1+$0x1C000]  }
0x55b: {  	s11 =	sor.u32 $0x14060, s1;
	v5 =	vld [tilespmem:s1+$0x1C010]  }
0x55c: {  	v6 =	vld [tilespmem:s1+$0x1C020]  }
0x55d: {  	s18 =	sor.u32 $0x14070, s1;
	v2 =	vld [tilespmem:s1+$0x1C030]  }
0x55e: {  	[tilespmem:s18+$0x0] =	vst.add.f32.msk $0xffff, v0  }
0x55f: {  	v3 =	vld [tilespmem:s1+$0x1C040]  }
.Ltmp29:
0x560: {  	v0 =	vld [tilespmem:s1+$0x1C050];
	(pc) =	sbr.rel @p0 .LBB2_60-.Ltmp29, $4  }
0x561: {  	v1 =	vld [tilespmem:s1+$0x1C060]  }
0x562: {  	[tilespmem:s14+$0x0] =	vst.add.f32.msk $0xffff, v4  }
0x563: {  	[tilespmem:s15+$0x0] =	vst.add.f32.msk $0xffff, v5  }
0x564: {  	[tilespmem:s16+$0x0] =	vst.add.f32.msk $0xffff, v6  }
0x565: {  	[tilespmem:s13+$0x0] =	vst.add.f32.msk $0xffff, v2  }
0x566: {  	[tilespmem:s12+$0x0] =	vst.add.f32.msk $0xffff, v3  }
0x567: {  	[tilespmem:s10+$0x0] =	vst.add.f32.msk $0xffff, v0  }
0x568: {  	[tilespmem:s11+$0x0] =	vst.add.f32.msk $0xffff, v1  }
0x569: {  	s1 =	sld [smem:$0x7FA];
	_ =	sdelay $0x1  }
0x56a: {  	s7 =	simm.s32 $0x0;
	s8 =	simm.s32 $0x0  }
0x56b: {  	[hbm4b:s1+s7] =	stream.linear.scatter [tilespmem:s25], [sflag:$0xC], $0x4000, $0x38;
	v63 =	vld [tilespmem:$0x0]  }
0x56c: {  	s15 =	sand.u32 $0x2000, s8;
	s9 =	sand.u32 $0x1C00, s7;
	_ =	swait.ge [sflag:s19], $0x4000  }
0x56d: {  	s16 =	sand.u32 $0x380, s7;
	s1 =	sor.u32 s15, s9;
	[sflag:s19] =	ssyncset.done $0x0  }
0x56e: {  	s1 =	sor.u32 s16, s1;
	[sflag:s19] =	ssyncadd.s32 $0xFFFFC000  }
0x56f: {  	v0 =	vld [tilespmem:s1+$0x1C070]  }
0x570: {  	v4 =	vld [tilespmem:s1+$0x1C000]  }
0x571: {  	v5 =	vld [tilespmem:s1+$0x1C010]  }
0x572: {  	v6 =	vld [tilespmem:s1+$0x1C020]  }
0x573: {  	v2 =	vld [tilespmem:s1+$0x1C030]  }
0x574: {  	v3 =	vld [tilespmem:s1+$0x1C040]  }
0x575: {  	s9 =	sor.u32 $0x70, s1;
	v1 =	vld [tilespmem:s1+$0x1C050]  }
0x576: {  	[tilespmem:s9+$0x0] =	vst.add.f32.msk $0xffff, v0  }
0x577: {  	v0 =	vld [tilespmem:s1+$0x1C060]  }
0x578: {  	s18 =	sor.u32 $0x10, s1;
	[tilespmem:s1+$0x0] =	vst.add.f32.msk $0xffff, v4  }
0x579: {  	s14 =	sor.u32 $0x20, s1;
	s13 =	sor.u32 $0x30, s1;
	s12 =	sor.u32 $0x40, s1;
	[tilespmem:s18+$0x0] =	vst.add.f32.msk $0xffff, v5  }
0x57a: {  	s11 =	sor.u32 $0x50, s1;
	s10 =	sor.u32 $0x60, s1;
	[tilespmem:s14+$0x0] =	vst.add.f32.msk $0xffff, v6;
	s9 =	simm.s32 $0x0  }
.LBB2_62:
0x57b: {  	s8 =	sadd.s32 $0x80, s8;
	[tilespmem:s13+$0x0] =	vst.add.f32.msk $0xffff, v2;
	s7 =	sadd.s32 $0x400, s7  }
0x57c: {  	s9 =	sadd.s32 $0x10, s9;
	s1 =	sand.u32 $0x2000, s8;
	s13 =	sand.u32 $0x1C00, s7;
	[tilespmem:s12+$0x0] =	vst.add.f32.msk $0xffff, v3  }
0x57d: {  	s12 =	sand.u32 $0x380, s9;
	p0 =	slt.u32 s8, $0x3F80;
	s1 =	sor.u32 s1, s13;
	[tilespmem:s11+$0x0] =	vst.add.f32.msk $0xffff, v1  }
0x57e: {  	s1 =	sor.u32 s12, s1;
	[tilespmem:s10+$0x0] =	vst.add.f32.msk $0xffff, v0  }
0x57f: {  	s14 =	sor.u32 $0x10, s1;
	s15 =	sor.u32 $0x20, s1;
	s13 =	sor.u32 $0x30, s1;
	v0 =	vld [tilespmem:s1+$0x1C070]  }
0x580: {  	s12 =	sor.u32 $0x40, s1;
	s11 =	sor.u32 $0x50, s1;
	s10 =	sor.u32 $0x60, s1;
	v4 =	vld [tilespmem:s1+$0x1C000]  }
0x581: {  	v5 =	vld [tilespmem:s1+$0x1C010]  }
0x582: {  	v6 =	vld [tilespmem:s1+$0x1C020]  }
0x583: {  	s16 =	sor.u32 $0x70, s1;
	v2 =	vld [tilespmem:s1+$0x1C030]  }
0x584: {  	[tilespmem:s16+$0x0] =	vst.add.f32.msk $0xffff, v0  }
0x585: {  	v3 =	vld [tilespmem:s1+$0x1C040]  }
.Ltmp30:
0x586: {  	v1 =	vld [tilespmem:s1+$0x1C050];
	(pc) =	sbr.rel @p0 .LBB2_62-.Ltmp30, $4  }
0x587: {  	v0 =	vld [tilespmem:s1+$0x1C060]  }
0x588: {  	[tilespmem:s1+$0x0] =	vst.add.f32.msk $0xffff, v4  }
0x589: {  	[tilespmem:s14+$0x0] =	vst.add.f32.msk $0xffff, v5  }
0x58a: {  	[tilespmem:s15+$0x0] =	vst.add.f32.msk $0xffff, v6  }
0x58b: {  	[tilespmem:s13+$0x0] =	vst.add.f32.msk $0xffff, v2  }
0x58c: {  	[tilespmem:s12+$0x0] =	vst.add.f32.msk $0xffff, v3  }
0x58d: {  	[tilespmem:s11+$0x0] =	vst.add.f32.msk $0xffff, v1  }
0x58e: {  	[tilespmem:s10+$0x0] =	vst.add.f32.msk $0xffff, v0  }
0x58f: {  	s1 =	sld [smem:$0x7FB];
	_ =	sdelay $0x1  }
0x590: {  	s7 =	simm.s32 $0x0;
	s8 =	simm.s32 $0x0  }
0x591: {  	[hbm4b:s1+s7] =	stream.linear.scatter [tilespmem:s7], [sflag:$0x7], $0x4000, $0x38;
	v63 =	vld [tilespmem:$0x0]  }
0x592: {  	s13 =	sand.u32 $0x2000, s8;
	s9 =	sand.u32 $0x1C00, s7;
	_ =	swait.ge [sflag:s22], $0x4000  }
0x593: {  	s14 =	sand.u32 $0x380, s7;
	s1 =	sor.u32 s13, s9;
	[sflag:s22] =	ssyncset.done $0x0  }
0x594: {  	s1 =	sor.u32 s14, s1;
	[sflag:s22] =	ssyncadd.s32 $0xFFFFC000  }
0x595: {  	v0 =	vld [tilespmem:s1+$0x1C070]  }
0x596: {  	v4 =	vld [tilespmem:s1+$0x1C000]  }
0x597: {  	v5 =	vld [tilespmem:s1+$0x1C010]  }
0x598: {  	v6 =	vld [tilespmem:s1+$0x1C020]  }
0x599: {  	v2 =	vld [tilespmem:s1+$0x1C030]  }
0x59a: {  	v3 =	vld [tilespmem:s1+$0x1C040]  }
0x59b: {  	s9 =	sor.u32 $0x4070, s1;
	v1 =	vld [tilespmem:s1+$0x1C060]  }
0x59c: {  	[tilespmem:s9+$0x0] =	vst.add.f32.msk $0xffff, v0  }
0x59d: {  	s15 =	sor.u32 $0x4000, s1;
	v0 =	vld [tilespmem:s1+$0x1C050]  }
0x59e: {  	s16 =	sor.u32 $0x4010, s1;
	[tilespmem:s15+$0x0] =	vst.add.f32.msk $0xffff, v4  }
0x59f: {  	s18 =	sor.u32 $0x4020, s1;
	s13 =	sor.u32 $0x4030, s1;
	s12 =	sor.u32 $0x4040, s1;
	[tilespmem:s16+$0x0] =	vst.add.f32.msk $0xffff, v5  }
0x5a0: {  	s10 =	sor.u32 $0x4050, s1;
	s11 =	sor.u32 $0x4060, s1;
	[tilespmem:s18+$0x0] =	vst.add.f32.msk $0xffff, v6;
	s9 =	simm.s32 $0x0  }
.LBB2_64:
0x5a1: {  	s8 =	sadd.s32 $0x80, s8;
	[tilespmem:s13+$0x0] =	vst.add.f32.msk $0xffff, v2;
	s7 =	sadd.s32 $0x400, s7  }
0x5a2: {  	s9 =	sadd.s32 $0x10, s9;
	s1 =	sand.u32 $0x2000, s8;
	s13 =	sand.u32 $0x1C00, s7;
	[tilespmem:s12+$0x0] =	vst.add.f32.msk $0xffff, v3  }
0x5a3: {  	s12 =	sand.u32 $0x380, s9;
	p0 =	slt.u32 s8, $0x3F80;
	s1 =	sor.u32 s1, s13;
	[tilespmem:s10+$0x0] =	vst.add.f32.msk $0xffff, v0  }
0x5a4: {  	s1 =	sor.u32 s12, s1;
	[tilespmem:s11+$0x0] =	vst.add.f32.msk $0xffff, v1  }
0x5a5: {  	s14 =	sor.u32 $0x4000, s1;
	s15 =	sor.u32 $0x4010, s1;
	s16 =	sor.u32 $0x4020, s1;
	v0 =	vld [tilespmem:s1+$0x1C070]  }
0x5a6: {  	s13 =	sor.u32 $0x4030, s1;
	s12 =	sor.u32 $0x4040, s1;
	s10 =	sor.u32 $0x4050, s1;
	v4 =	vld [tilespmem:s1+$0x1C000]  }
0x5a7: {  	s11 =	sor.u32 $0x4060, s1;
	v5 =	vld [tilespmem:s1+$0x1C010]  }
0x5a8: {  	v6 =	vld [tilespmem:s1+$0x1C020]  }
0x5a9: {  	s18 =	sor.u32 $0x4070, s1;
	v2 =	vld [tilespmem:s1+$0x1C030]  }
0x5aa: {  	[tilespmem:s18+$0x0] =	vst.add.f32.msk $0xffff, v0  }
0x5ab: {  	v3 =	vld [tilespmem:s1+$0x1C040]  }
.Ltmp31:
0x5ac: {  	v0 =	vld [tilespmem:s1+$0x1C050];
	(pc) =	sbr.rel @p0 .LBB2_64-.Ltmp31, $4  }
0x5ad: {  	v1 =	vld [tilespmem:s1+$0x1C060]  }
0x5ae: {  	[tilespmem:s14+$0x0] =	vst.add.f32.msk $0xffff, v4  }
0x5af: {  	[tilespmem:s15+$0x0] =	vst.add.f32.msk $0xffff, v5  }
0x5b0: {  	[tilespmem:s16+$0x0] =	vst.add.f32.msk $0xffff, v6  }
0x5b1: {  	[tilespmem:s13+$0x0] =	vst.add.f32.msk $0xffff, v2  }
0x5b2: {  	[tilespmem:s12+$0x0] =	vst.add.f32.msk $0xffff, v3  }
0x5b3: {  	[tilespmem:s10+$0x0] =	vst.add.f32.msk $0xffff, v0  }
0x5b4: {  	[tilespmem:s11+$0x0] =	vst.add.f32.msk $0xffff, v1  }
0x5b5: {  	s7 =	sld [smem:$0x7FC];
	_ =	sdelay $0x1  }
0x5b6: {  	s1 =	simm.s32 $0x0  }
0x5b7: {  	[hbm4b:s7+s1] =	stream.linear.scatter [tilespmem:s17], [sflag:$0x8], $0x4000, $0x38;
	v63 =	vld [tilespmem:$0x0]  }
0x5b8: {  	_ =	swait.ge [sflag:s2], $0x4000  }
0x5b9: {  	[sflag:s2] =	ssyncset.done $0x0  }
0x5ba: {  	[sflag:s2] =	ssyncadd.s32 $0xFFFFC000  }
0x5bb: {  	_ =	swait.ge [sflag:s3], $0x4000  }
0x5bc: {  	[sflag:s3] =	ssyncset.done $0x0  }
0x5bd: {  	[sflag:s3] =	ssyncadd.s32 $0xFFFFC000  }
0x5be: {  	_ =	swait.ge [sflag:s4], $0x4000  }
0x5bf: {  	[sflag:s4] =	ssyncset.done $0x0  }
0x5c0: {  	[sflag:s4] =	ssyncadd.s32 $0xFFFFC000  }
0x5c1: {  	_ =	swait.ge [sflag:s5], $0x4000  }
0x5c2: {  	[sflag:s5] =	ssyncset.done $0x0  }
0x5c3: {  	[sflag:s5] =	ssyncadd.s32 $0xFFFFC000  }
0x5c4: {  	_ =	swait.ge [sflag:s28], $0x4000  }
0x5c5: {  	[sflag:s28] =	ssyncset.done $0x0  }
0x5c6: {  	[sflag:s28] =	ssyncadd.s32 $0xFFFFC000  }
0x5c7: {  	_ =	swait.ge [sflag:s31], $0x4000  }
0x5c8: {  	s18 =	sld [smem:$0x7FD];
	_ =	sdelay $0x1  }
0x5c9: {  	s6 =	sadd.s32 $0x1, s6  }
0x5ca: {  	p0 =	sne.s32 s6, s18  }
.Ltmp32:
0x5cb: {  	_ = 	snop;
	(pc) =	sbr.rel @p0 .LBB2_1-.Ltmp32, $3  }
0x5cc: {  	_ =	sdelay $0x1  }
0x5cd: {  	[sflag:s31] =	ssyncset.done $0x0  }
0x5ce: {  	[sflag:s31] =	ssyncadd.s32 $0xFFFFC000  }
0x5cf: {  	_ =	sfence.sel $0x180000  }
0x5d0: {  	[bflag:$0x0] =	sbarrier.arrive $0xFFFF  }
0x5d1: {  	_ =	strace $0x90000047  }
0x5d2: {  	s0 =	stileid.u32;
	[bflag:$0x2] =	sbarrier.arrive $0xFFFF  }
0x5d3: {  	p0 =	sne.s32 s0, $0x0;
	s0 =	rddreg [dreg:$0x3]  }
0x5d4: {  	s0 =	sadd.s32 @!p0 $0x100000, s0  }
0x5d5: {  	[sflag:s0] =	ssyncadd.tile.s32 @!p0 $0x1;
	_ =	shalt  }
.Lfunc_end2:
_tile_overlayer_lowered:
.L_overlay_start_2:
0x5d6: {  	(tag) =	ssettag $0x2  }
0x5d7: {  	s0 =	rddreg [dreg:$0x0];
	s2 =	stileid.u32  }
0x5d8: {  	s1 =	rddreg [dreg:$0x1];
	p0 =	sne.s32 s2, $0x0  }
0x5d9: {  	s3 =	rddreg [dreg:$0x2];
	[bflag:$0x3] =	sbarrier.arrive $0xFFFF;
	s2 =	simm.s32 @!p0 $0x1C0F  }
0x5da: {  	[timem:s3], [sflag:s2] =	dma.local @!p0 [hbm:s0], s1  }
0x5db: {  	s0 =	simm.s32 @!p0 $0xF  }
0x5dc: {  	_ =	swait.ge @!p0 [sflag:s0], s1  }
0x5dd: {  	s1 =	ssub.s32 @!p0 $0x0, s1;
	[sflag:s0] =	ssyncset.done @!p0 $0x0  }
0x5de: {  	[sflag:s0] =	ssyncadd.s32 @!p0 s1  }
0x5df: {  	[bflag:$0x3] =	sbarrier.arrive $0xFFFF  }
0x5e0: {  	_ =	shalt  }

</sc_bundles>
